<compile_context>
chip_gen: v7x
topology: tpu7x:2x2x1
jax: 0.10.2.dev20260603
libtpu: 0.0.44.dev20260713+nightly
codegen_flags: <defaults>
</compile_context>

<pallas_src>
import functools

import jax
import jax.numpy as jnp
from jax import lax
from jax.experimental import pallas as pl
from jax.experimental.pallas import tpu as pltpu
from jax.experimental.pallas import tpu_sc as plsc

B, N, K, D = 4, 50000, 32, 3
NC, NT, L = 2, 16, 16
NPAD = 50048
CHN = 8192
SPP = NPAD // CHN
NTAIL = NPAD - SPP * CHN
NSET = K * SPP
SETT = NSET // NT
NPR = 3128
NACC = NPR * NT
GALL = NPAD // 128
GBASE = 24
NBRD = (GBASE + 1) * 128
NACC2 = NACC + 128
OROW = 4 * 128


def _sc_body(gp_hbm, w_hbm, idx_hbm, out_hbm,
             gxA, gyA, gzA, wA, iA, gxB, gyB, gzB, wB, iB, idxt_v,
             nbx, nby, nbz, nbw,
             ax0, ay0, az0, aw0, ax1, ay1, az1, aw1,
             isemA, isemB, ssemA, ssemB, tsem, osem):
    c = lax.axis_index("c")
    s = lax.axis_index("s")

    lane = lax.iota(jnp.int32, 16)
    one16 = jnp.ones((16,), jnp.float32)
    zero16 = jnp.zeros((16,), jnp.float32)

    accs0 = (ax0, ay0, az0, aw0)
    accs1 = (ax1, ay1, az1, aw1)

    def zq(q, _):
        nbx[pl.ds(16 * q, 16)] = zero16
        return _
    lax.fori_loop(0, NBRD // 16, zq, None)
    for accs in (accs0, accs1):
        for a in accs:
            pltpu.sync_copy(nbx.at[pl.ds(0, NPR)], a.at[pl.ds(s * NPR, NPR)])
    plsc.subcore_barrier()

    bufsA = (gxA, gyA, gzA, wA, iA)
    bufsB = (gxB, gyB, gzB, wB, iB)

    def set_offsets(b, t):
        g = s + NT * t
        k = g // SPP
        n0 = (g - k * SPP) * CHN
        return k * NPAD + n0, (b * K + k) * NPAD + n0

    def fire_in(b, t, bufs, isem):
        kn0, wbase = set_offsets(b, t)
        gx, gy, gz, wb, ib = bufs
        for cc, buf in ((0, gx), (1, gy), (2, gz)):
            pltpu.async_copy(gp_hbm.at[pl.ds((b * 3 + cc) * K * NPAD + kn0,
                                             CHN)], buf, isem)
        pltpu.async_copy(w_hbm.at[pl.ds(wbase, CHN)], wb, isem)
        pltpu.async_copy(idx_hbm.at[pl.ds(wbase, CHN)], ib, isem)

    def wait_in(bufs, isem):
        gx, gy, gz, wb, ib = bufs
        for buf in (gx, gy, gz, wb):
            pltpu.make_async_copy(gp_hbm.at[pl.ds(0, CHN)], buf, isem).wait()
        pltpu.make_async_copy(idx_hbm.at[pl.ds(0, CHN)], ib, isem).wait()

    def compute(bufs):
        gx, gy, gz, wb, ib = bufs

        @plsc.parallel_loop(0, CHN // L, unroll=4)
        def _(m):
            wv = wb[pl.ds(16 * m, 16)]
            gx[pl.ds(16 * m, 16)] = gx[pl.ds(16 * m, 16)] * wv
            gy[pl.ds(16 * m, 16)] = gy[pl.ds(16 * m, 16)] * wv
            gz[pl.ds(16 * m, 16)] = gz[pl.ds(16 * m, 16)] * wv

    def fire_scat(accs, bufs, ssem):
        ax, ay, az, aw = accs
        gx, gy, gz, wb, ib = bufs
        for src, a in ((gx, ax), (gy, ay), (gz, az), (wb, aw)):
            pltpu.async_copy(src, a.at[ib], ssem, add=True)

    def wait_scat(accs, bufs, ssem):
        ax, ay, az, aw = accs
        gx, gy, gz, wb, ib = bufs
        for src, a in ((gx, ax), (gy, ay), (gz, az), (wb, aw)):
            pltpu.make_async_copy(src, a.at[ib], ssem).wait()

    for lb, accs in ((0, accs0), (1, accs1)):
        b = 2 * c + lb
        fire_in(b, 0, bufsA, isemA)

        def pair(jj, _):
            wait_in(bufsA, isemA)

            @pl.when(jj > 0)
            def _wB():
                wait_scat(accs, bufsB, ssemB)
            fire_in(b, 2 * jj + 1, bufsB, isemB)
            compute(bufsA)
            fire_scat(accs, bufsA, ssemA)

            wait_in(bufsB, isemB)

            @pl.when(jj < SETT // 2 - 1)
            def _fA():
                wait_scat(accs, bufsA, ssemA)
                fire_in(b, 2 * jj + 2, bufsA, isemA)
            compute(bufsB)
            fire_scat(accs, bufsB, ssemB)
            return _
        lax.fori_loop(0, SETT // 2, pair, None)
        wait_scat(accs, bufsA, ssemA)
        wait_scat(accs, bufsB, ssemB)

        ax, ay, az, aw = accs
        for tk in range(2):
            k = s + NT * tk
            wbase = (b * K + k) * NPAD + SPP * CHN
            cps = []
            for cc, buf in ((0, gxA), (1, gyA), (2, gzA)):
                off = ((b * 3 + cc) * K + k) * NPAD + SPP * CHN
                cps.append(pltpu.async_copy(gp_hbm.at[pl.ds(off, NTAIL)],
                                            buf.at[pl.ds(0, NTAIL)], tsem))
            cps.append(pltpu.async_copy(w_hbm.at[pl.ds(wbase, NTAIL)],
                                        wA.at[pl.ds(0, NTAIL)], tsem))
            cps.append(pltpu.async_copy(idx_hbm.at[pl.ds(wbase, NTAIL)],
                                        idxt_v, tsem))
            for cp in cps:
                cp.wait()

            @plsc.parallel_loop(0, NTAIL // L, unroll=4)
            def _(m):
                wv = wA[pl.ds(16 * m, 16)]
                gxA[pl.ds(16 * m, 16)] = gxA[pl.ds(16 * m, 16)] * wv
                gyA[pl.ds(16 * m, 16)] = gyA[pl.ds(16 * m, 16)] * wv
                gzA[pl.ds(16 * m, 16)] = gzA[pl.ds(16 * m, 16)] * wv

            cps = []
            for src, a in ((gxA, ax), (gyA, ay), (gzA, az), (wA, aw)):
                cps.append(pltpu.async_copy(src.at[pl.ds(0, NTAIL)],
                                            a.at[idxt_v], tsem, add=True))
            for cp in cps:
                cp.wait()
    plsc.subcore_barrier()

    g0 = GBASE * s + jnp.minimum(s, 7)
    ng = GBASE + jnp.where(s < 7, 1, 0)
    for lb, accs in ((0, accs0), (1, accs1)):
        b = 2 * c + lb
        ax, ay, az, aw = accs
        for a, nb in ((ax, nbx), (ay, nby), (az, nbz), (aw, nbw)):
            pltpu.sync_copy(a.at[pl.ds(g0 * 128, NBRD)], nb.at[pl.ds(0, NBRD)])

        @plsc.parallel_loop(0, NBRD // L, unroll=4)
        def _(m):
            den = nbw[pl.ds(16 * m, 16)]
            rec = one16 / jnp.where(den < 1e-10, one16, den)
            nbx[pl.ds(16 * m, 16)] = nbx[pl.ds(16 * m, 16)] * rec
            nby[pl.ds(16 * m, 16)] = nby[pl.ds(16 * m, 16)] * rec
            nbz[pl.ds(16 * m, 16)] = nbz[pl.ds(16 * m, 16)] * rec

        def wrow(t, _):
            obase = (g0 + t) * OROW + b * 128
            cps = [
                pltpu.async_copy(nb.at[pl.ds(128 * t, 128)],
                                 out_hbm.at[pl.ds(cc * (GALL * OROW) + obase,
                                                  128)], osem)
                for cc, nb in ((0, nbx), (1, nby), (2, nbz))
            ]
            for cp in cps:
                cp.wait()
            return _
        lax.fori_loop(0, ng, wrow, None)


@functools.partial(jax.jit, static_argnames=())
def _run(gp, w, idx):
    mesh = plsc.VectorSubcoreMesh(core_axis_name="c", subcore_axis_name="s",
                                  num_cores=NC, num_subcores=NT)
    f = pl.kernel(
        _sc_body,
        out_type=jax.ShapeDtypeStruct((D * GALL * OROW,), jnp.float32),
        name="diffusion_sb2_scatter",
        mesh=mesh,
        compiler_params=pltpu.CompilerParams(needs_layout_passes=False),
        scratch_types=[
            pltpu.VMEM((CHN,), jnp.float32),
            pltpu.VMEM((CHN,), jnp.float32),
            pltpu.VMEM((CHN,), jnp.float32),
            pltpu.VMEM((CHN,), jnp.float32),
            pltpu.VMEM((CHN,), jnp.int32),
            pltpu.VMEM((CHN,), jnp.float32),
            pltpu.VMEM((CHN,), jnp.float32),
            pltpu.VMEM((CHN,), jnp.float32),
            pltpu.VMEM((CHN,), jnp.float32),
            pltpu.VMEM((CHN,), jnp.int32),
            pltpu.VMEM((NTAIL,), jnp.int32),
            pltpu.VMEM((NBRD,), jnp.float32),
            pltpu.VMEM((NBRD,), jnp.float32),
            pltpu.VMEM((NBRD,), jnp.float32),
            pltpu.VMEM((NBRD,), jnp.float32),
            pltpu.VMEM_SHARED((NACC2,), jnp.float32),
            pltpu.VMEM_SHARED((NACC2,), jnp.float32),
            pltpu.VMEM_SHARED((NACC2,), jnp.float32),
            pltpu.VMEM_SHARED((NACC2,), jnp.float32),
            pltpu.VMEM_SHARED((NACC2,), jnp.float32),
            pltpu.VMEM_SHARED((NACC2,), jnp.float32),
            pltpu.VMEM_SHARED((NACC2,), jnp.float32),
            pltpu.VMEM_SHARED((NACC2,), jnp.float32),
            pltpu.SemaphoreType.DMA,
            pltpu.SemaphoreType.DMA,
            pltpu.SemaphoreType.DMA,
            pltpu.SemaphoreType.DMA,
            pltpu.SemaphoreType.DMA,
            pltpu.SemaphoreType.DMA,
        ],
    )
    return f(gp, w, idx)


def kernel(grad_pred, x_t, grad_weight, Patchs_idx):
    del x_t
    pn = NPAD - N
    gp = jnp.pad(grad_pred, ((0, 0), (0, pn), (0, 0), (0, 0)))
    w = jnp.pad(grad_weight, ((0, 0), (0, pn), (0, 0), (0, 0)))
    idx = jnp.pad(Patchs_idx, ((0, 0), (0, pn), (0, 0)))
    gp = jnp.transpose(gp, (0, 3, 2, 1)).reshape(-1)
    w = jnp.transpose(w, (0, 2, 3, 1)).reshape(-1)
    idx = jnp.transpose(idx, (0, 2, 1)).reshape(-1)
    out = _run(gp, w, idx)
    out = out.reshape(D, GALL, B, 128).transpose(2, 1, 3, 0)
    return out.reshape(B, NPAD, D)[:, :N]

# --- scband reference (transcript-rebuilt; emitter-appended) ---
"""Pipeline reference for scband-diffusion-sb2-ff-63909113364801 (READ-ONLY COPY).

The authoritative reference and input builder live on the scoring server;
editing this copy changes nothing except your own understanding.
"""

import jax, jax.numpy as jnp
import numpy as np


def setup_inputs(seed: int = 0) -> dict:
    key = jax.random.key(seed)
    k1, k2, k3, k4 = jax.random.split(key, 4)
    B, N, K = 4, 50000, 32
    grad_pred = jax.random.normal(k1, (B, N, K, 3), dtype=jnp.float32)
    x_t = jax.random.normal(k2, (B, N, 3), dtype=jnp.float32)
    grad_weight = jax.random.uniform(k3, (B, N, K, 1), dtype=jnp.float32)
    Patchs_idx = jax.random.randint(k4, (B, N, K), 0, N, dtype=jnp.int32)
    return {"grad_pred": grad_pred, "x_t": x_t, "grad_weight": grad_weight, "Patchs_idx": Patchs_idx}


def reference(grad_pred, x_t, grad_weight, Patchs_idx):
    # Faithful JAX port of grad_compute_neural (the core message-passing/
    # scatter-add aggregation of DiffusionSB2FF's gradient field fusion).
    B, N, D = x_t.shape
    pdf = grad_weight  # (B, N, K, 1)
    g_w = (grad_pred * pdf).reshape(B, -1, D)  # (B, N*K, 3)
    nn_idx = Patchs_idx.reshape(B, -1)          # (B, N*K)

    def scatter_add(src, idx):
        return jnp.zeros((N, D), dtype=src.dtype).at[idx].add(src)

    acc_g = jax.vmap(scatter_add)(g_w, nn_idx)  # (B, N, 3)
    pdf_full = jnp.broadcast_to(pdf, grad_pred.shape).reshape(B, -1, D)
    acc_pdf = jax.vmap(scatter_add)(pdf_full, nn_idx)  # (B, N, 3)
    acc_pdf_safe = jnp.where(acc_pdf < 1e-10, jnp.ones_like(acc_pdf), acc_pdf)
    acc_grad = acc_g / acc_pdf_safe
    return acc_grad

if __name__ == "__main__":
    import jax
    _d = setup_inputs()
    print(jax.jit(kernel)(*tuple(_d.values())))

</pallas_src>

<mosaic_0001>
#map = affine_map<(d0, d1) -> (0)>
module attributes {stable_mosaic.version = 14 : i64} {
  func.func @diffusion_sb2_scatter(%arg0: i32, %arg1: i32, %arg2: memref<19218432xf32, #tpu.memory_space<hbm>>, %arg3: memref<6406144xf32, #tpu.memory_space<hbm>>, %arg4: memref<6406144xi32, #tpu.memory_space<hbm>>, %arg5: memref<600576xf32, #tpu.memory_space<hbm>>, %arg6: memref<8192xf32, #tpu.memory_space<vmem>>, %arg7: memref<8192xf32, #tpu.memory_space<vmem>>, %arg8: memref<8192xf32, #tpu.memory_space<vmem>>, %arg9: memref<8192xf32, #tpu.memory_space<vmem>>, %arg10: memref<8192xi32, #tpu.memory_space<vmem>>, %arg11: memref<8192xf32, #tpu.memory_space<vmem>>, %arg12: memref<8192xf32, #tpu.memory_space<vmem>>, %arg13: memref<8192xf32, #tpu.memory_space<vmem>>, %arg14: memref<8192xf32, #tpu.memory_space<vmem>>, %arg15: memref<8192xi32, #tpu.memory_space<vmem>>, %arg16: memref<896xi32, #tpu.memory_space<vmem>>, %arg17: memref<3200xf32, #tpu.memory_space<vmem>>, %arg18: memref<3200xf32, #tpu.memory_space<vmem>>, %arg19: memref<3200xf32, #tpu.memory_space<vmem>>, %arg20: memref<3200xf32, #tpu.memory_space<vmem>>, %arg21: memref<50176xf32, #tpu.memory_space<vmem_shared>>, %arg22: memref<50176xf32, #tpu.memory_space<vmem_shared>>, %arg23: memref<50176xf32, #tpu.memory_space<vmem_shared>>, %arg24: memref<50176xf32, #tpu.memory_space<vmem_shared>>, %arg25: memref<50176xf32, #tpu.memory_space<vmem_shared>>, %arg26: memref<50176xf32, #tpu.memory_space<vmem_shared>>, %arg27: memref<50176xf32, #tpu.memory_space<vmem_shared>>, %arg28: memref<50176xf32, #tpu.memory_space<vmem_shared>>, %arg29: memref<!tpu.dma_semaphore, #tpu.memory_space<semaphore_mem>>, %arg30: memref<!tpu.dma_semaphore, #tpu.memory_space<semaphore_mem>>, %arg31: memref<!tpu.dma_semaphore, #tpu.memory_space<semaphore_mem>>, %arg32: memref<!tpu.dma_semaphore, #tpu.memory_space<semaphore_mem>>, %arg33: memref<!tpu.dma_semaphore, #tpu.memory_space<semaphore_mem>>, %arg34: memref<!tpu.dma_semaphore, #tpu.memory_space<semaphore_mem>>) attributes {dimension_semantics = [#tpu.dimension_semantics<core_parallel>, #tpu.dimension_semantics<subcore_parallel>], iteration_bounds = array<i64: 2, 16>, scalar_prefetch = 0 : i64, scratch_operands = 29 : i64, tpu.core_type = #tpu.core_type<sc_vector_subcore>, window_params = [{transform_indices = #map}, {transform_indices = #map}, {transform_indices = #map}, {transform_indices = #map}]} {
    %iota3A = tpu.iota {dimensions = array<i32: 0>} : vector<16xi32>
    %broadcast_in_dim3A = arith.constant 1.000000e+00 : f32
    %broadcast_in_dim3A_0 = vector.broadcast %broadcast_in_dim3A : f32 to vector<16xf32>
    %broadcast_in_dim3A_1 = arith.constant 0.000000e+00 : f32
    %broadcast_in_dim3A_2 = vector.broadcast %broadcast_in_dim3A_1 : f32 to vector<16xf32>
    %scan3A = arith.constant 0 : i32
    %scan3A_3 = arith.constant 200 : i32
    %scan3A_4 = arith.addi %scan3A, %scan3A_3 : i32
    %scan3A_5 = arith.constant 1 : i32
    scf.for %scan3A_788 = %scan3A to %scan3A_4 step %scan3A_5  : i32 {
      %mul3A_789 = arith.constant 16 : i32
      %mul3A_790 = arith.muli %mul3A_789, %scan3A_788 : i32
      %swap3A = arith.index_cast %mul3A_790 : i32 to index
      %swap3A_791 = tpu.vector_load %arg17[%swap3A] {strides = array<i32>} : memref<3200xf32, #tpu.memory_space<vmem>>, vector<16xf32>,
      tpu.vector_store %arg17[%swap3A], %broadcast_in_dim3A_2 {strides = array<i32>} : memref<3200xf32, #tpu.memory_space<vmem>>, vector<16xf32>,
    }
    %scan3A_6 = arith.constant 200 : i32
    %mul3A = arith.constant 3128 : i32
    %mul3A_7 = arith.muli %arg1, %mul3A : i32
    "tpu.region"() ({
      %run_scoped3A = tpu.sem_alloc : memref<!tpu.dma_semaphore, #tpu.memory_space<semaphore_mem>>
      %dma_start3A_788 = arith.constant 0 : i32
      %dma_start3A_789 = tpu.memref_slice %arg17[%dma_start3A_788] : memref<3200xf32, #tpu.memory_space<vmem>> -> memref<3128xf32, #tpu.memory_space<vmem>>
      %dma_start3A_790 = tpu.memref_slice %arg21[%mul3A_7] : memref<50176xf32, #tpu.memory_space<vmem_shared>> -> memref<3128xf32, #tpu.memory_space<vmem_shared>>
      %dma_start3A_791 = tpu.memref_slice %arg21[%mul3A_7] : memref<50176xf32, #tpu.memory_space<vmem_shared>> -> memref<3128xf32, #tpu.memory_space<vmem_shared>>
      %dma_start3A_792 = arith.constant 0 : i32
      %dma_start3A_793 = tpu.memref_slice %arg17[%dma_start3A_792] : memref<3200xf32, #tpu.memory_space<vmem>> -> memref<3128xf32, #tpu.memory_space<vmem>>
      tpu.enqueue_dma source(%dma_start3A_793 : memref<3128xf32, #tpu.memory_space<vmem>>) target(%dma_start3A_791 : memref<3128xf32, #tpu.memory_space<vmem_shared>>) target_semaphore(%run_scoped3A : memref<!tpu.dma_semaphore, #tpu.memory_space<semaphore_mem>>)
      %dma_wait3A_794 = arith.constant 0 : i32
      %dma_wait3A_795 = tpu.memref_slice %arg17[%dma_wait3A_794] : memref<3200xf32, #tpu.memory_space<vmem>> -> memref<3128xf32, #tpu.memory_space<vmem>>
      %dma_wait3A_796 = tpu.memref_slice %arg21[%mul3A_7] : memref<50176xf32, #tpu.memory_space<vmem_shared>> -> memref<3128xf32, #tpu.memory_space<vmem_shared>>
      %dma_wait3A_797 = tpu.memref_slice %arg21[%mul3A_7] : memref<50176xf32, #tpu.memory_space<vmem_shared>> -> memref<3128xf32, #tpu.memory_space<vmem_shared>>
      %dma_wait3A_798 = arith.constant 0 : i32
      %dma_wait3A_799 = tpu.memref_slice %arg17[%dma_wait3A_798] : memref<3200xf32, #tpu.memory_space<vmem>> -> memref<3128xf32, #tpu.memory_space<vmem>>
      tpu.wait_dma2 semaphore(%run_scoped3A : memref<!tpu.dma_semaphore, #tpu.memory_space<semaphore_mem>>) src(%dma_wait3A_799 : memref<3128xf32, #tpu.memory_space<vmem>>) dst(%dma_wait3A_797 : memref<3128xf32, #tpu.memory_space<vmem_shared>>)
      tpu.yield
    }) : () -> ()
    %mul3A_8 = arith.constant 3128 : i32
    %mul3A_9 = arith.muli %arg1, %mul3A_8 : i32
    "tpu.region"() ({
      %run_scoped3A = tpu.sem_alloc : memref<!tpu.dma_semaphore, #tpu.memory_space<semaphore_mem>>
      %dma_start3A_788 = arith.constant 0 : i32
      %dma_start3A_789 = tpu.memref_slice %arg17[%dma_start3A_788] : memref<3200xf32, #tpu.memory_space<vmem>> -> memref<3128xf32, #tpu.memory_space<vmem>>
      %dma_start3A_790 = tpu.memref_slice %arg22[%mul3A_9] : memref<50176xf32, #tpu.memory_space<vmem_shared>> -> memref<3128xf32, #tpu.memory_space<vmem_shared>>
      %dma_start3A_791 = tpu.memref_slice %arg22[%mul3A_9] : memref<50176xf32, #tpu.memory_space<vmem_shared>> -> memref<3128xf32, #tpu.memory_space<vmem_shared>>
      %dma_start3A_792 = arith.constant 0 : i32
      %dma_start3A_793 = tpu.memref_slice %arg17[%dma_start3A_792] : memref<3200xf32, #tpu.memory_space<vmem>> -> memref<3128xf32, #tpu.memory_space<vmem>>
      tpu.enqueue_dma source(%dma_start3A_793 : memref<3128xf32, #tpu.memory_space<vmem>>) target(%dma_start3A_791 : memref<3128xf32, #tpu.memory_space<vmem_shared>>) target_semaphore(%run_scoped3A : memref<!tpu.dma_semaphore, #tpu.memory_space<semaphore_mem>>)
      %dma_wait3A_794 = arith.constant 0 : i32
      %dma_wait3A_795 = tpu.memref_slice %arg17[%dma_wait3A_794] : memref<3200xf32, #tpu.memory_space<vmem>> -> memref<3128xf32, #tpu.memory_space<vmem>>
      %dma_wait3A_796 = tpu.memref_slice %arg22[%mul3A_9] : memref<50176xf32, #tpu.memory_space<vmem_shared>> -> memref<3128xf32, #tpu.memory_space<vmem_shared>>
      %dma_wait3A_797 = tpu.memref_slice %arg22[%mul3A_9] : memref<50176xf32, #tpu.memory_space<vmem_shared>> -> memref<3128xf32, #tpu.memory_space<vmem_shared>>
      %dma_wait3A_798 = arith.constant 0 : i32
      %dma_wait3A_799 = tpu.memref_slice %arg17[%dma_wait3A_798] : memref<3200xf32, #tpu.memory_space<vmem>> -> memref<3128xf32, #tpu.memory_space<vmem>>
      tpu.wait_dma2 semaphore(%run_scoped3A : memref<!tpu.dma_semaphore, #tpu.memory_space<semaphore_mem>>) src(%dma_wait3A_799 : memref<3128xf32, #tpu.memory_space<vmem>>) dst(%dma_wait3A_797 : memref<3128xf32, #tpu.memory_space<vmem_shared>>)
      tpu.yield
    }) : () -> ()
    %mul3A_10 = arith.constant 3128 : i32
    %mul3A_11 = arith.muli %arg1, %mul3A_10 : i32
    "tpu.region"() ({
      %run_scoped3A = tpu.sem_alloc : memref<!tpu.dma_semaphore, #tpu.memory_space<semaphore_mem>>
      %dma_start3A_788 = arith.constant 0 : i32
      %dma_start3A_789 = tpu.memref_slice %arg17[%dma_start3A_788] : memref<3200xf32, #tpu.memory_space<vmem>> -> memref<3128xf32, #tpu.memory_space<vmem>>
      %dma_start3A_790 = tpu.memref_slice %arg23[%mul3A_11] : memref<50176xf32, #tpu.memory_space<vmem_shared>> -> memref<3128xf32, #tpu.memory_space<vmem_shared>>
      %dma_start3A_791 = tpu.memref_slice %arg23[%mul3A_11] : memref<50176xf32, #tpu.memory_space<vmem_shared>> -> memref<3128xf32, #tpu.memory_space<vmem_shared>>
      %dma_start3A_792 = arith.constant 0 : i32
      %dma_start3A_793 = tpu.memref_slice %arg17[%dma_start3A_792] : memref<3200xf32, #tpu.memory_space<vmem>> -> memref<3128xf32, #tpu.memory_space<vmem>>
      tpu.enqueue_dma source(%dma_start3A_793 : memref<3128xf32, #tpu.memory_space<vmem>>) target(%dma_start3A_791 : memref<3128xf32, #tpu.memory_space<vmem_shared>>) target_semaphore(%run_scoped3A : memref<!tpu.dma_semaphore, #tpu.memory_space<semaphore_mem>>)
      %dma_wait3A_794 = arith.constant 0 : i32
      %dma_wait3A_795 = tpu.memref_slice %arg17[%dma_wait3A_794] : memref<3200xf32, #tpu.memory_space<vmem>> -> memref<3128xf32, #tpu.memory_space<vmem>>
      %dma_wait3A_796 = tpu.memref_slice %arg23[%mul3A_11] : memref<50176xf32, #tpu.memory_space<vmem_shared>> -> memref<3128xf32, #tpu.memory_space<vmem_shared>>
      %dma_wait3A_797 = tpu.memref_slice %arg23[%mul3A_11] : memref<50176xf32, #tpu.memory_space<vmem_shared>> -> memref<3128xf32, #tpu.memory_space<vmem_shared>>
      %dma_wait3A_798 = arith.constant 0 : i32
      %dma_wait3A_799 = tpu.memref_slice %arg17[%dma_wait3A_798] : memref<3200xf32, #tpu.memory_space<vmem>> -> memref<3128xf32, #tpu.memory_space<vmem>>
      tpu.wait_dma2 semaphore(%run_scoped3A : memref<!tpu.dma_semaphore, #tpu.memory_space<semaphore_mem>>) src(%dma_wait3A_799 : memref<3128xf32, #tpu.memory_space<vmem>>) dst(%dma_wait3A_797 : memref<3128xf32, #tpu.memory_space<vmem_shared>>)
      tpu.yield
    }) : () -> ()
    %mul3A_12 = arith.constant 3128 : i32
    %mul3A_13 = arith.muli %arg1, %mul3A_12 : i32
    "tpu.region"() ({
      %run_scoped3A = tpu.sem_alloc : memref<!tpu.dma_semaphore, #tpu.memory_space<semaphore_mem>>
      %dma_start3A_788 = arith.constant 0 : i32
      %dma_start3A_789 = tpu.memref_slice %arg17[%dma_start3A_788] : memref<3200xf32, #tpu.memory_space<vmem>> -> memref<3128xf32, #tpu.memory_space<vmem>>
      %dma_start3A_790 = tpu.memref_slice %arg24[%mul3A_13] : memref<50176xf32, #tpu.memory_space<vmem_shared>> -> memref<3128xf32, #tpu.memory_space<vmem_shared>>
      %dma_start3A_791 = tpu.memref_slice %arg24[%mul3A_13] : memref<50176xf32, #tpu.memory_space<vmem_shared>> -> memref<3128xf32, #tpu.memory_space<vmem_shared>>
      %dma_start3A_792 = arith.constant 0 : i32
      %dma_start3A_793 = tpu.memref_slice %arg17[%dma_start3A_792] : memref<3200xf32, #tpu.memory_space<vmem>> -> memref<3128xf32, #tpu.memory_space<vmem>>
      tpu.enqueue_dma source(%dma_start3A_793 : memref<3128xf32, #tpu.memory_space<vmem>>) target(%dma_start3A_791 : memref<3128xf32, #tpu.memory_space<vmem_shared>>) target_semaphore(%run_scoped3A : memref<!tpu.dma_semaphore, #tpu.memory_space<semaphore_mem>>)
      %dma_wait3A_794 = arith.constant 0 : i32
      %dma_wait3A_795 = tpu.memref_slice %arg17[%dma_wait3A_794] : memref<3200xf32, #tpu.memory_space<vmem>> -> memref<3128xf32, #tpu.memory_space<vmem>>
      %dma_wait3A_796 = tpu.memref_slice %arg24[%mul3A_13] : memref<50176xf32, #tpu.memory_space<vmem_shared>> -> memref<3128xf32, #tpu.memory_space<vmem_shared>>
      %dma_wait3A_797 = tpu.memref_slice %arg24[%mul3A_13] : memref<50176xf32, #tpu.memory_space<vmem_shared>> -> memref<3128xf32, #tpu.memory_space<vmem_shared>>
      %dma_wait3A_798 = arith.constant 0 : i32
      %dma_wait3A_799 = tpu.memref_slice %arg17[%dma_wait3A_798] : memref<3200xf32, #tpu.memory_space<vmem>> -> memref<3128xf32, #tpu.memory_space<vmem>>
      tpu.wait_dma2 semaphore(%run_scoped3A : memref<!tpu.dma_semaphore, #tpu.memory_space<semaphore_mem>>) src(%dma_wait3A_799 : memref<3128xf32, #tpu.memory_space<vmem>>) dst(%dma_wait3A_797 : memref<3128xf32, #tpu.memory_space<vmem_shared>>)
      tpu.yield
    }) : () -> ()
    %mul3A_14 = arith.constant 3128 : i32
    %mul3A_15 = arith.muli %arg1, %mul3A_14 : i32
    "tpu.region"() ({
      %run_scoped3A = tpu.sem_alloc : memref<!tpu.dma_semaphore, #tpu.memory_space<semaphore_mem>>
      %dma_start3A_788 = arith.constant 0 : i32
      %dma_start3A_789 = tpu.memref_slice %arg17[%dma_start3A_788] : memref<3200xf32, #tpu.memory_space<vmem>> -> memref<3128xf32, #tpu.memory_space<vmem>>
      %dma_start3A_790 = tpu.memref_slice %arg25[%mul3A_15] : memref<50176xf32, #tpu.memory_space<vmem_shared>> -> memref<3128xf32, #tpu.memory_space<vmem_shared>>
      %dma_start3A_791 = tpu.memref_slice %arg25[%mul3A_15] : memref<50176xf32, #tpu.memory_space<vmem_shared>> -> memref<3128xf32, #tpu.memory_space<vmem_shared>>
      %dma_start3A_792 = arith.constant 0 : i32
      %dma_start3A_793 = tpu.memref_slice %arg17[%dma_start3A_792] : memref<3200xf32, #tpu.memory_space<vmem>> -> memref<3128xf32, #tpu.memory_space<vmem>>
      tpu.enqueue_dma source(%dma_start3A_793 : memref<3128xf32, #tpu.memory_space<vmem>>) target(%dma_start3A_791 : memref<3128xf32, #tpu.memory_space<vmem_shared>>) target_semaphore(%run_scoped3A : memref<!tpu.dma_semaphore, #tpu.memory_space<semaphore_mem>>)
      %dma_wait3A_794 = arith.constant 0 : i32
      %dma_wait3A_795 = tpu.memref_slice %arg17[%dma_wait3A_794] : memref<3200xf32, #tpu.memory_space<vmem>> -> memref<3128xf32, #tpu.memory_space<vmem>>
      %dma_wait3A_796 = tpu.memref_slice %arg25[%mul3A_15] : memref<50176xf32, #tpu.memory_space<vmem_shared>> -> memref<3128xf32, #tpu.memory_space<vmem_shared>>
      %dma_wait3A_797 = tpu.memref_slice %arg25[%mul3A_15] : memref<50176xf32, #tpu.memory_space<vmem_shared>> -> memref<3128xf32, #tpu.memory_space<vmem_shared>>
      %dma_wait3A_798 = arith.constant 0 : i32
      %dma_wait3A_799 = tpu.memref_slice %arg17[%dma_wait3A_798] : memref<3200xf32, #tpu.memory_space<vmem>> -> memref<3128xf32, #tpu.memory_space<vmem>>
      tpu.wait_dma2 semaphore(%run_scoped3A : memref<!tpu.dma_semaphore, #tpu.memory_space<semaphore_mem>>) src(%dma_wait3A_799 : memref<3128xf32, #tpu.memory_space<vmem>>) dst(%dma_wait3A_797 : memref<3128xf32, #tpu.memory_space<vmem_shared>>)
      tpu.yield
    }) : () -> ()
    %mul3A_16 = arith.constant 3128 : i32
    %mul3A_17 = arith.muli %arg1, %mul3A_16 : i32
    "tpu.region"() ({
      %run_scoped3A = tpu.sem_alloc : memref<!tpu.dma_semaphore, #tpu.memory_space<semaphore_mem>>
      %dma_start3A_788 = arith.constant 0 : i32
      %dma_start3A_789 = tpu.memref_slice %arg17[%dma_start3A_788] : memref<3200xf32, #tpu.memory_space<vmem>> -> memref<3128xf32, #tpu.memory_space<vmem>>
      %dma_start3A_790 = tpu.memref_slice %arg26[%mul3A_17] : memref<50176xf32, #tpu.memory_space<vmem_shared>> -> memref<3128xf32, #tpu.memory_space<vmem_shared>>
      %dma_start3A_791 = tpu.memref_slice %arg26[%mul3A_17] : memref<50176xf32, #tpu.memory_space<vmem_shared>> -> memref<3128xf32, #tpu.memory_space<vmem_shared>>
      %dma_start3A_792 = arith.constant 0 : i32
      %dma_start3A_793 = tpu.memref_slice %arg17[%dma_start3A_792] : memref<3200xf32, #tpu.memory_space<vmem>> -> memref<3128xf32, #tpu.memory_space<vmem>>
      tpu.enqueue_dma source(%dma_start3A_793 : memref<3128xf32, #tpu.memory_space<vmem>>) target(%dma_start3A_791 : memref<3128xf32, #tpu.memory_space<vmem_shared>>) target_semaphore(%run_scoped3A : memref<!tpu.dma_semaphore, #tpu.memory_space<semaphore_mem>>)
      %dma_wait3A_794 = arith.constant 0 : i32
      %dma_wait3A_795 = tpu.memref_slice %arg17[%dma_wait3A_794] : memref<3200xf32, #tpu.memory_space<vmem>> -> memref<3128xf32, #tpu.memory_space<vmem>>
      %dma_wait3A_796 = tpu.memref_slice %arg26[%mul3A_17] : memref<50176xf32, #tpu.memory_space<vmem_shared>> -> memref<3128xf32, #tpu.memory_space<vmem_shared>>
      %dma_wait3A_797 = tpu.memref_slice %arg26[%mul3A_17] : memref<50176xf32, #tpu.memory_space<vmem_shared>> -> memref<3128xf32, #tpu.memory_space<vmem_shared>>
      %dma_wait3A_798 = arith.constant 0 : i32
      %dma_wait3A_799 = tpu.memref_slice %arg17[%dma_wait3A_798] : memref<3200xf32, #tpu.memory_space<vmem>> -> memref<3128xf32, #tpu.memory_space<vmem>>
      tpu.wait_dma2 semaphore(%run_scoped3A : memref<!tpu.dma_semaphore, #tpu.memory_space<semaphore_mem>>) src(%dma_wait3A_799 : memref<3128xf32, #tpu.memory_space<vmem>>) dst(%dma_wait3A_797 : memref<3128xf32, #tpu.memory_space<vmem_shared>>)
      tpu.yield
    }) : () -> ()
    %mul3A_18 = arith.constant 3128 : i32
    %mul3A_19 = arith.muli %arg1, %mul3A_18 : i32
    "tpu.region"() ({
      %run_scoped3A = tpu.sem_alloc : memref<!tpu.dma_semaphore, #tpu.memory_space<semaphore_mem>>
      %dma_start3A_788 = arith.constant 0 : i32
      %dma_start3A_789 = tpu.memref_slice %arg17[%dma_start3A_788] : memref<3200xf32, #tpu.memory_space<vmem>> -> memref<3128xf32, #tpu.memory_space<vmem>>
      %dma_start3A_790 = tpu.memref_slice %arg27[%mul3A_19] : memref<50176xf32, #tpu.memory_space<vmem_shared>> -> memref<3128xf32, #tpu.memory_space<vmem_shared>>
      %dma_start3A_791 = tpu.memref_slice %arg27[%mul3A_19] : memref<50176xf32, #tpu.memory_space<vmem_shared>> -> memref<3128xf32, #tpu.memory_space<vmem_shared>>
      %dma_start3A_792 = arith.constant 0 : i32
      %dma_start3A_793 = tpu.memref_slice %arg17[%dma_start3A_792] : memref<3200xf32, #tpu.memory_space<vmem>> -> memref<3128xf32, #tpu.memory_space<vmem>>
      tpu.enqueue_dma source(%dma_start3A_793 : memref<3128xf32, #tpu.memory_space<vmem>>) target(%dma_start3A_791 : memref<3128xf32, #tpu.memory_space<vmem_shared>>) target_semaphore(%run_scoped3A : memref<!tpu.dma_semaphore, #tpu.memory_space<semaphore_mem>>)
      %dma_wait3A_794 = arith.constant 0 : i32
      %dma_wait3A_795 = tpu.memref_slice %arg17[%dma_wait3A_794] : memref<3200xf32, #tpu.memory_space<vmem>> -> memref<3128xf32, #tpu.memory_space<vmem>>
      %dma_wait3A_796 = tpu.memref_slice %arg27[%mul3A_19] : memref<50176xf32, #tpu.memory_space<vmem_shared>> -> memref<3128xf32, #tpu.memory_space<vmem_shared>>
      %dma_wait3A_797 = tpu.memref_slice %arg27[%mul3A_19] : memref<50176xf32, #tpu.memory_space<vmem_shared>> -> memref<3128xf32, #tpu.memory_space<vmem_shared>>
      %dma_wait3A_798 = arith.constant 0 : i32
      %dma_wait3A_799 = tpu.memref_slice %arg17[%dma_wait3A_798] : memref<3200xf32, #tpu.memory_space<vmem>> -> memref<3128xf32, #tpu.memory_space<vmem>>
      tpu.wait_dma2 semaphore(%run_scoped3A : memref<!tpu.dma_semaphore, #tpu.memory_space<semaphore_mem>>) src(%dma_wait3A_799 : memref<3128xf32, #tpu.memory_space<vmem>>) dst(%dma_wait3A_797 : memref<3128xf32, #tpu.memory_space<vmem_shared>>)
      tpu.yield
    }) : () -> ()
    %mul3A_20 = arith.constant 3128 : i32
    %mul3A_21 = arith.muli %arg1, %mul3A_20 : i32
    "tpu.region"() ({
      %run_scoped3A = tpu.sem_alloc : memref<!tpu.dma_semaphore, #tpu.memory_space<semaphore_mem>>
      %dma_start3A_788 = arith.constant 0 : i32
      %dma_start3A_789 = tpu.memref_slice %arg17[%dma_start3A_788] : memref<3200xf32, #tpu.memory_space<vmem>> -> memref<3128xf32, #tpu.memory_space<vmem>>
      %dma_start3A_790 = tpu.memref_slice %arg28[%mul3A_21] : memref<50176xf32, #tpu.memory_space<vmem_shared>> -> memref<3128xf32, #tpu.memory_space<vmem_shared>>
      %dma_start3A_791 = tpu.memref_slice %arg28[%mul3A_21] : memref<50176xf32, #tpu.memory_space<vmem_shared>> -> memref<3128xf32, #tpu.memory_space<vmem_shared>>
      %dma_start3A_792 = arith.constant 0 : i32
      %dma_start3A_793 = tpu.memref_slice %arg17[%dma_start3A_792] : memref<3200xf32, #tpu.memory_space<vmem>> -> memref<3128xf32, #tpu.memory_space<vmem>>
      tpu.enqueue_dma source(%dma_start3A_793 : memref<3128xf32, #tpu.memory_space<vmem>>) target(%dma_start3A_791 : memref<3128xf32, #tpu.memory_space<vmem_shared>>) target_semaphore(%run_scoped3A : memref<!tpu.dma_semaphore, #tpu.memory_space<semaphore_mem>>)
      %dma_wait3A_794 = arith.constant 0 : i32
      %dma_wait3A_795 = tpu.memref_slice %arg17[%dma_wait3A_794] : memref<3200xf32, #tpu.memory_space<vmem>> -> memref<3128xf32, #tpu.memory_space<vmem>>
      %dma_wait3A_796 = tpu.memref_slice %arg28[%mul3A_21] : memref<50176xf32, #tpu.memory_space<vmem_shared>> -> memref<3128xf32, #tpu.memory_space<vmem_shared>>
      %dma_wait3A_797 = tpu.memref_slice %arg28[%mul3A_21] : memref<50176xf32, #tpu.memory_space<vmem_shared>> -> memref<3128xf32, #tpu.memory_space<vmem_shared>>
      %dma_wait3A_798 = arith.constant 0 : i32
      %dma_wait3A_799 = tpu.memref_slice %arg17[%dma_wait3A_798] : memref<3200xf32, #tpu.memory_space<vmem>> -> memref<3128xf32, #tpu.memory_space<vmem>>
      tpu.wait_dma2 semaphore(%run_scoped3A : memref<!tpu.dma_semaphore, #tpu.memory_space<semaphore_mem>>) src(%dma_wait3A_799 : memref<3128xf32, #tpu.memory_space<vmem>>) dst(%dma_wait3A_797 : memref<3128xf32, #tpu.memory_space<vmem_shared>>)
      tpu.yield
    }) : () -> ()
    %barrier3A = arith.constant 0 : index
    tpu.barrier barrier_id(%barrier3A)
    %mul3A_22 = arith.constant 2 : i32
    %mul3A_23 = arith.muli %mul3A_22, %arg0 : i32
    %add3A = arith.constant 0 : i32
    %add3A_24 = arith.addi %mul3A_23, %add3A : i32
    %add3A_25 = arith.constant 0 : i32
    %add3A_26 = arith.addi %arg1, %add3A_25 : i32
    %jit3A = arith.constant 6 : i32
    %div3A = arith.divsi %add3A_26, %jit3A : i32
    %sign3A = arith.constant 0 : i32
    %sign3A_27 = arith.cmpi sgt, %add3A_26, %sign3A : i32
    %sign3A_28 = arith.extui %sign3A_27 : i1 to i32
    %sign3A_29 = arith.constant 0 : i32
    %sign3A_30 = arith.cmpi slt, %add3A_26, %sign3A_29 : i32
    %sign3A_31 = arith.extui %sign3A_30 : i1 to i32
    %sign3A_32 = arith.subi %sign3A_28, %sign3A_31 : i32
    %sign3A_33 = arith.constant 0 : i32
    %sign3A_34 = arith.cmpi sgt, %jit3A, %sign3A_33 : i32
    %sign3A_35 = arith.extui %sign3A_34 : i1 to i32
    %sign3A_36 = arith.constant 0 : i32
    %sign3A_37 = arith.cmpi slt, %jit3A, %sign3A_36 : i32
    %sign3A_38 = arith.extui %sign3A_37 : i1 to i32
    %sign3A_39 = arith.subi %sign3A_35, %sign3A_38 : i32
    %ne3A = arith.cmpi ne, %sign3A_32, %sign3A_39 : i32
    %rem3A = arith.remsi %add3A_26, %jit3A : i32
    %ne3A_40 = arith.constant 0 : i32
    %ne3A_41 = arith.cmpi ne, %rem3A, %ne3A_40 : i32
    %and3A = arith.andi %ne3A, %ne3A_41 : i1
    %sub3A = arith.constant 1 : i32
    %sub3A_42 = arith.subi %div3A, %sub3A : i32
    %select_n3A = arith.select %and3A, %sub3A_42, %div3A : i32
    %mul3A_43 = arith.constant 6 : i32
    %mul3A_44 = arith.muli %select_n3A, %mul3A_43 : i32
    %sub3A_45 = arith.subi %add3A_26, %mul3A_44 : i32
    %mul3A_46 = arith.constant 8192 : i32
    %mul3A_47 = arith.muli %sub3A_45, %mul3A_46 : i32
    %mul3A_48 = arith.constant 50048 : i32
    %mul3A_49 = arith.muli %select_n3A, %mul3A_48 : i32
    %add3A_50 = arith.addi %mul3A_49, %mul3A_47 : i32
    %mul3A_51 = arith.constant 32 : i32
    %mul3A_52 = arith.muli %add3A_24, %mul3A_51 : i32
    %add3A_53 = arith.addi %mul3A_52, %select_n3A : i32
    %mul3A_54 = arith.constant 50048 : i32
    %mul3A_55 = arith.muli %add3A_53, %mul3A_54 : i32
    %add3A_56 = arith.addi %mul3A_55, %mul3A_47 : i32
    %mul3A_57 = arith.constant 3 : i32
    %mul3A_58 = arith.muli %add3A_24, %mul3A_57 : i32
    %add3A_59 = arith.constant 0 : i32
    %add3A_60 = arith.addi %mul3A_58, %add3A_59 : i32
    %mul3A_61 = arith.constant 32 : i32
    %mul3A_62 = arith.muli %add3A_60, %mul3A_61 : i32
    %mul3A_63 = arith.constant 50048 : i32
    %mul3A_64 = arith.muli %mul3A_62, %mul3A_63 : i32
    %add3A_65 = arith.addi %mul3A_64, %add3A_50 : i32
    %dma_start3A = tpu.memref_slice %arg2[%add3A_65] : memref<19218432xf32, #tpu.memory_space<hbm>> -> memref<8192xf32, #tpu.memory_space<hbm>>
    %dma_start3A_66 = tpu.memref_slice %arg2[%add3A_65] : memref<19218432xf32, #tpu.memory_space<hbm>> -> memref<8192xf32, #tpu.memory_space<hbm>>
    tpu.enqueue_dma source(%dma_start3A_66 : memref<8192xf32, #tpu.memory_space<hbm>>) target(%arg6 : memref<8192xf32, #tpu.memory_space<vmem>>) target_semaphore(%arg29 : memref<!tpu.dma_semaphore, #tpu.memory_space<semaphore_mem>>)
    %mul3A_67 = arith.constant 3 : i32
    %mul3A_68 = arith.muli %add3A_24, %mul3A_67 : i32
    %add3A_69 = arith.constant 1 : i32
    %add3A_70 = arith.addi %mul3A_68, %add3A_69 : i32
    %mul3A_71 = arith.constant 32 : i32
    %mul3A_72 = arith.muli %add3A_70, %mul3A_71 : i32
    %mul3A_73 = arith.constant 50048 : i32
    %mul3A_74 = arith.muli %mul3A_72, %mul3A_73 : i32
    %add3A_75 = arith.addi %mul3A_74, %add3A_50 : i32
    %dma_start3A_76 = tpu.memref_slice %arg2[%add3A_75] : memref<19218432xf32, #tpu.memory_space<hbm>> -> memref<8192xf32, #tpu.memory_space<hbm>>
    %dma_start3A_77 = tpu.memref_slice %arg2[%add3A_75] : memref<19218432xf32, #tpu.memory_space<hbm>> -> memref<8192xf32, #tpu.memory_space<hbm>>
    tpu.enqueue_dma source(%dma_start3A_77 : memref<8192xf32, #tpu.memory_space<hbm>>) target(%arg7 : memref<8192xf32, #tpu.memory_space<vmem>>) target_semaphore(%arg29 : memref<!tpu.dma_semaphore, #tpu.memory_space<semaphore_mem>>)
    %mul3A_78 = arith.constant 3 : i32
    %mul3A_79 = arith.muli %add3A_24, %mul3A_78 : i32
    %add3A_80 = arith.constant 2 : i32
    %add3A_81 = arith.addi %mul3A_79, %add3A_80 : i32
    %mul3A_82 = arith.constant 32 : i32
    %mul3A_83 = arith.muli %add3A_81, %mul3A_82 : i32
    %mul3A_84 = arith.constant 50048 : i32
    %mul3A_85 = arith.muli %mul3A_83, %mul3A_84 : i32
    %add3A_86 = arith.addi %mul3A_85, %add3A_50 : i32
    %dma_start3A_87 = tpu.memref_slice %arg2[%add3A_86] : memref<19218432xf32, #tpu.memory_space<hbm>> -> memref<8192xf32, #tpu.memory_space<hbm>>
    %dma_start3A_88 = tpu.memref_slice %arg2[%add3A_86] : memref<19218432xf32, #tpu.memory_space<hbm>> -> memref<8192xf32, #tpu.memory_space<hbm>>
    tpu.enqueue_dma source(%dma_start3A_88 : memref<8192xf32, #tpu.memory_space<hbm>>) target(%arg8 : memref<8192xf32, #tpu.memory_space<vmem>>) target_semaphore(%arg29 : memref<!tpu.dma_semaphore, #tpu.memory_space<semaphore_mem>>)
    %dma_start3A_89 = tpu.memref_slice %arg3[%add3A_56] : memref<6406144xf32, #tpu.memory_space<hbm>> -> memref<8192xf32, #tpu.memory_space<hbm>>
    %dma_start3A_90 = tpu.memref_slice %arg3[%add3A_56] : memref<6406144xf32, #tpu.memory_space<hbm>> -> memref<8192xf32, #tpu.memory_space<hbm>>
    tpu.enqueue_dma source(%dma_start3A_90 : memref<8192xf32, #tpu.memory_space<hbm>>) target(%arg9 : memref<8192xf32, #tpu.memory_space<vmem>>) target_semaphore(%arg29 : memref<!tpu.dma_semaphore, #tpu.memory_space<semaphore_mem>>)
    %dma_start3A_91 = tpu.memref_slice %arg4[%add3A_56] : memref<6406144xi32, #tpu.memory_space<hbm>> -> memref<8192xi32, #tpu.memory_space<hbm>>
    %dma_start3A_92 = tpu.memref_slice %arg4[%add3A_56] : memref<6406144xi32, #tpu.memory_space<hbm>> -> memref<8192xi32, #tpu.memory_space<hbm>>
    tpu.enqueue_dma source(%dma_start3A_92 : memref<8192xi32, #tpu.memory_space<hbm>>) target(%arg10 : memref<8192xi32, #tpu.memory_space<vmem>>) target_semaphore(%arg29 : memref<!tpu.dma_semaphore, #tpu.memory_space<semaphore_mem>>)
    %scan3A_93 = arith.constant 0 : i32
    %scan3A_94 = arith.constant 6 : i32
    %scan3A_95 = arith.addi %scan3A_93, %scan3A_94 : i32
    %scan3A_96 = arith.constant 1 : i32
    scf.for %scan3A_788 = %scan3A_93 to %scan3A_95 step %scan3A_96  : i32 {
      %dma_wait3A_789 = arith.constant 0 : i32
      %dma_wait3A_790 = tpu.memref_slice %arg2[%dma_wait3A_789] : memref<19218432xf32, #tpu.memory_space<hbm>> -> memref<8192xf32, #tpu.memory_space<hbm>>
      %dma_wait3A_791 = arith.constant 0 : i32
      %dma_wait3A_792 = tpu.memref_slice %arg2[%dma_wait3A_791] : memref<19218432xf32, #tpu.memory_space<hbm>> -> memref<8192xf32, #tpu.memory_space<hbm>>
      tpu.wait_dma2 semaphore(%arg29 : memref<!tpu.dma_semaphore, #tpu.memory_space<semaphore_mem>>) src(%dma_wait3A_792 : memref<8192xf32, #tpu.memory_space<hbm>>) dst(%arg6 : memref<8192xf32, #tpu.memory_space<vmem>>)
      %dma_wait3A_793 = arith.constant 0 : i32
      %dma_wait3A_794 = tpu.memref_slice %arg2[%dma_wait3A_793] : memref<19218432xf32, #tpu.memory_space<hbm>> -> memref<8192xf32, #tpu.memory_space<hbm>>
      %dma_wait3A_795 = arith.constant 0 : i32
      %dma_wait3A_796 = tpu.memref_slice %arg2[%dma_wait3A_795] : memref<19218432xf32, #tpu.memory_space<hbm>> -> memref<8192xf32, #tpu.memory_space<hbm>>
      tpu.wait_dma2 semaphore(%arg29 : memref<!tpu.dma_semaphore, #tpu.memory_space<semaphore_mem>>) src(%dma_wait3A_796 : memref<8192xf32, #tpu.memory_space<hbm>>) dst(%arg7 : memref<8192xf32, #tpu.memory_space<vmem>>)
      %dma_wait3A_797 = arith.constant 0 : i32
      %dma_wait3A_798 = tpu.memref_slice %arg2[%dma_wait3A_797] : memref<19218432xf32, #tpu.memory_space<hbm>> -> memref<8192xf32, #tpu.memory_space<hbm>>
      %dma_wait3A_799 = arith.constant 0 : i32
      %dma_wait3A_800 = tpu.memref_slice %arg2[%dma_wait3A_799] : memref<19218432xf32, #tpu.memory_space<hbm>> -> memref<8192xf32, #tpu.memory_space<hbm>>
      tpu.wait_dma2 semaphore(%arg29 : memref<!tpu.dma_semaphore, #tpu.memory_space<semaphore_mem>>) src(%dma_wait3A_800 : memref<8192xf32, #tpu.memory_space<hbm>>) dst(%arg8 : memref<8192xf32, #tpu.memory_space<vmem>>)
      %dma_wait3A_801 = arith.constant 0 : i32
      %dma_wait3A_802 = tpu.memref_slice %arg2[%dma_wait3A_801] : memref<19218432xf32, #tpu.memory_space<hbm>> -> memref<8192xf32, #tpu.memory_space<hbm>>
      %dma_wait3A_803 = arith.constant 0 : i32
      %dma_wait3A_804 = tpu.memref_slice %arg2[%dma_wait3A_803] : memref<19218432xf32, #tpu.memory_space<hbm>> -> memref<8192xf32, #tpu.memory_space<hbm>>
      tpu.wait_dma2 semaphore(%arg29 : memref<!tpu.dma_semaphore, #tpu.memory_space<semaphore_mem>>) src(%dma_wait3A_804 : memref<8192xf32, #tpu.memory_space<hbm>>) dst(%arg9 : memref<8192xf32, #tpu.memory_space<vmem>>)
      %dma_wait3A_805 = arith.constant 0 : i32
      %dma_wait3A_806 = tpu.memref_slice %arg4[%dma_wait3A_805] : memref<6406144xi32, #tpu.memory_space<hbm>> -> memref<8192xi32, #tpu.memory_space<hbm>>
      %dma_wait3A_807 = arith.constant 0 : i32
      %dma_wait3A_808 = tpu.memref_slice %arg4[%dma_wait3A_807] : memref<6406144xi32, #tpu.memory_space<hbm>> -> memref<8192xi32, #tpu.memory_space<hbm>>
      tpu.wait_dma2 semaphore(%arg29 : memref<!tpu.dma_semaphore, #tpu.memory_space<semaphore_mem>>) src(%dma_wait3A_808 : memref<8192xi32, #tpu.memory_space<hbm>>) dst(%arg10 : memref<8192xi32, #tpu.memory_space<vmem>>)
      %gt3A = arith.constant 0 : i32
      %gt3A_809 = arith.cmpi sgt, %scan3A_788, %gt3A : i32
      %convert_element_type3A = arith.extui %gt3A_809 : i1 to i32
      %cond3A = arith.constant 0 : i32
      %cond3A_810 = arith.cmpi ne, %convert_element_type3A, %cond3A : i32
      scf.if %cond3A_810 {
        %dma_wait3A_940 = arith.constant 0 : i32
        %dma_wait3A_941 = tpu.memref_slice %arg21[%dma_wait3A_940] : memref<50176xf32, #tpu.memory_space<vmem_shared>> -> memref<50176xf32, #tpu.memory_space<vmem_shared>>
        tpu.wait_indirect_dma semaphore(%arg32 : memref<!tpu.dma_semaphore, #tpu.memory_space<semaphore_mem>>) src(%arg11 : memref<8192xf32, #tpu.memory_space<vmem>>) dst(%dma_wait3A_941 : memref<50176xf32, #tpu.memory_space<vmem_shared>>)
        %dma_wait3A_942 = arith.constant 0 : i32
        %dma_wait3A_943 = tpu.memref_slice %arg22[%dma_wait3A_942] : memref<50176xf32, #tpu.memory_space<vmem_shared>> -> memref<50176xf32, #tpu.memory_space<vmem_shared>>
        tpu.wait_indirect_dma semaphore(%arg32 : memref<!tpu.dma_semaphore, #tpu.memory_space<semaphore_mem>>) src(%arg12 : memref<8192xf32, #tpu.memory_space<vmem>>) dst(%dma_wait3A_943 : memref<50176xf32, #tpu.memory_space<vmem_shared>>)
        %dma_wait3A_944 = arith.constant 0 : i32
        %dma_wait3A_945 = tpu.memref_slice %arg23[%dma_wait3A_944] : memref<50176xf32, #tpu.memory_space<vmem_shared>> -> memref<50176xf32, #tpu.memory_space<vmem_shared>>
        tpu.wait_indirect_dma semaphore(%arg32 : memref<!tpu.dma_semaphore, #tpu.memory_space<semaphore_mem>>) src(%arg13 : memref<8192xf32, #tpu.memory_space<vmem>>) dst(%dma_wait3A_945 : memref<50176xf32, #tpu.memory_space<vmem_shared>>)
        %dma_wait3A_946 = arith.constant 0 : i32
        %dma_wait3A_947 = tpu.memref_slice %arg24[%dma_wait3A_946] : memref<50176xf32, #tpu.memory_space<vmem_shared>> -> memref<50176xf32, #tpu.memory_space<vmem_shared>>
        tpu.wait_indirect_dma semaphore(%arg32 : memref<!tpu.dma_semaphore, #tpu.memory_space<semaphore_mem>>) src(%arg14 : memref<8192xf32, #tpu.memory_space<vmem>>) dst(%dma_wait3A_947 : memref<50176xf32, #tpu.memory_space<vmem_shared>>)
      } else {
      }
      %mul3A_811 = arith.constant 2 : i32
      %mul3A_812 = arith.muli %mul3A_811, %scan3A_788 : i32
      %add3A_813 = arith.constant 1 : i32
      %add3A_814 = arith.addi %mul3A_812, %add3A_813 : i32
      %mul3A_815 = arith.constant 16 : i32
      %mul3A_816 = arith.muli %mul3A_815, %add3A_814 : i32
      %add3A_817 = arith.addi %arg1, %mul3A_816 : i32
      %jit3A_818 = arith.constant 6 : i32
      %div3A_819 = arith.divsi %add3A_817, %jit3A_818 : i32
      %sign3A_820 = arith.constant 0 : i32
      %sign3A_821 = arith.cmpi sgt, %add3A_817, %sign3A_820 : i32
      %sign3A_822 = arith.extui %sign3A_821 : i1 to i32
      %sign3A_823 = arith.constant 0 : i32
      %sign3A_824 = arith.cmpi slt, %add3A_817, %sign3A_823 : i32
      %sign3A_825 = arith.extui %sign3A_824 : i1 to i32
      %sign3A_826 = arith.subi %sign3A_822, %sign3A_825 : i32
      %sign3A_827 = arith.constant 0 : i32
      %sign3A_828 = arith.cmpi sgt, %jit3A_818, %sign3A_827 : i32
      %sign3A_829 = arith.extui %sign3A_828 : i1 to i32
      %sign3A_830 = arith.constant 0 : i32
      %sign3A_831 = arith.cmpi slt, %jit3A_818, %sign3A_830 : i32
      %sign3A_832 = arith.extui %sign3A_831 : i1 to i32
      %sign3A_833 = arith.subi %sign3A_829, %sign3A_832 : i32
      %ne3A_834 = arith.cmpi ne, %sign3A_826, %sign3A_833 : i32
      %rem3A_835 = arith.remsi %add3A_817, %jit3A_818 : i32
      %ne3A_836 = arith.constant 0 : i32
      %ne3A_837 = arith.cmpi ne, %rem3A_835, %ne3A_836 : i32
      %and3A_838 = arith.andi %ne3A_834, %ne3A_837 : i1
      %sub3A_839 = arith.constant 1 : i32
      %sub3A_840 = arith.subi %div3A_819, %sub3A_839 : i32
      %select_n3A_841 = arith.select %and3A_838, %sub3A_840, %div3A_819 : i32
      %mul3A_842 = arith.constant 6 : i32
      %mul3A_843 = arith.muli %select_n3A_841, %mul3A_842 : i32
      %sub3A_844 = arith.subi %add3A_817, %mul3A_843 : i32
      %mul3A_845 = arith.constant 8192 : i32
      %mul3A_846 = arith.muli %sub3A_844, %mul3A_845 : i32
      %mul3A_847 = arith.constant 50048 : i32
      %mul3A_848 = arith.muli %select_n3A_841, %mul3A_847 : i32
      %add3A_849 = arith.addi %mul3A_848, %mul3A_846 : i32
      %mul3A_850 = arith.constant 32 : i32
      %mul3A_851 = arith.muli %add3A_24, %mul3A_850 : i32
      %add3A_852 = arith.addi %mul3A_851, %select_n3A_841 : i32
      %mul3A_853 = arith.constant 50048 : i32
      %mul3A_854 = arith.muli %add3A_852, %mul3A_853 : i32
      %add3A_855 = arith.addi %mul3A_854, %mul3A_846 : i32
      %mul3A_856 = arith.constant 3 : i32
      %mul3A_857 = arith.muli %add3A_24, %mul3A_856 : i32
      %add3A_858 = arith.constant 0 : i32
      %add3A_859 = arith.addi %mul3A_857, %add3A_858 : i32
      %mul3A_860 = arith.constant 32 : i32
      %mul3A_861 = arith.muli %add3A_859, %mul3A_860 : i32
      %mul3A_862 = arith.constant 50048 : i32
      %mul3A_863 = arith.muli %mul3A_861, %mul3A_862 : i32
      %add3A_864 = arith.addi %mul3A_863, %add3A_849 : i32
      %dma_start3A_865 = tpu.memref_slice %arg2[%add3A_864] : memref<19218432xf32, #tpu.memory_space<hbm>> -> memref<8192xf32, #tpu.memory_space<hbm>>
      %dma_start3A_866 = tpu.memref_slice %arg2[%add3A_864] : memref<19218432xf32, #tpu.memory_space<hbm>> -> memref<8192xf32, #tpu.memory_space<hbm>>
      tpu.enqueue_dma source(%dma_start3A_866 : memref<8192xf32, #tpu.memory_space<hbm>>) target(%arg11 : memref<8192xf32, #tpu.memory_space<vmem>>) target_semaphore(%arg30 : memref<!tpu.dma_semaphore, #tpu.memory_space<semaphore_mem>>)
      %mul3A_867 = arith.constant 3 : i32
      %mul3A_868 = arith.muli %add3A_24, %mul3A_867 : i32
      %add3A_869 = arith.constant 1 : i32
      %add3A_870 = arith.addi %mul3A_868, %add3A_869 : i32
      %mul3A_871 = arith.constant 32 : i32
      %mul3A_872 = arith.muli %add3A_870, %mul3A_871 : i32
      %mul3A_873 = arith.constant 50048 : i32
      %mul3A_874 = arith.muli %mul3A_872, %mul3A_873 : i32
      %add3A_875 = arith.addi %mul3A_874, %add3A_849 : i32
      %dma_start3A_876 = tpu.memref_slice %arg2[%add3A_875] : memref<19218432xf32, #tpu.memory_space<hbm>> -> memref<8192xf32, #tpu.memory_space<hbm>>
      %dma_start3A_877 = tpu.memref_slice %arg2[%add3A_875] : memref<19218432xf32, #tpu.memory_space<hbm>> -> memref<8192xf32, #tpu.memory_space<hbm>>
      tpu.enqueue_dma source(%dma_start3A_877 : memref<8192xf32, #tpu.memory_space<hbm>>) target(%arg12 : memref<8192xf32, #tpu.memory_space<vmem>>) target_semaphore(%arg30 : memref<!tpu.dma_semaphore, #tpu.memory_space<semaphore_mem>>)
      %mul3A_878 = arith.constant 3 : i32
      %mul3A_879 = arith.muli %add3A_24, %mul3A_878 : i32
      %add3A_880 = arith.constant 2 : i32
      %add3A_881 = arith.addi %mul3A_879, %add3A_880 : i32
      %mul3A_882 = arith.constant 32 : i32
      %mul3A_883 = arith.muli %add3A_881, %mul3A_882 : i32
      %mul3A_884 = arith.constant 50048 : i32
      %mul3A_885 = arith.muli %mul3A_883, %mul3A_884 : i32
      %add3A_886 = arith.addi %mul3A_885, %add3A_849 : i32
      %dma_start3A_887 = tpu.memref_slice %arg2[%add3A_886] : memref<19218432xf32, #tpu.memory_space<hbm>> -> memref<8192xf32, #tpu.memory_space<hbm>>
      %dma_start3A_888 = tpu.memref_slice %arg2[%add3A_886] : memref<19218432xf32, #tpu.memory_space<hbm>> -> memref<8192xf32, #tpu.memory_space<hbm>>
      tpu.enqueue_dma source(%dma_start3A_888 : memref<8192xf32, #tpu.memory_space<hbm>>) target(%arg13 : memref<8192xf32, #tpu.memory_space<vmem>>) target_semaphore(%arg30 : memref<!tpu.dma_semaphore, #tpu.memory_space<semaphore_mem>>)
      %dma_start3A_889 = tpu.memref_slice %arg3[%add3A_855] : memref<6406144xf32, #tpu.memory_space<hbm>> -> memref<8192xf32, #tpu.memory_space<hbm>>
      %dma_start3A_890 = tpu.memref_slice %arg3[%add3A_855] : memref<6406144xf32, #tpu.memory_space<hbm>> -> memref<8192xf32, #tpu.memory_space<hbm>>
      tpu.enqueue_dma source(%dma_start3A_890 : memref<8192xf32, #tpu.memory_space<hbm>>) target(%arg14 : memref<8192xf32, #tpu.memory_space<vmem>>) target_semaphore(%arg30 : memref<!tpu.dma_semaphore, #tpu.memory_space<semaphore_mem>>)
      %dma_start3A_891 = tpu.memref_slice %arg4[%add3A_855] : memref<6406144xi32, #tpu.memory_space<hbm>> -> memref<8192xi32, #tpu.memory_space<hbm>>
      %dma_start3A_892 = tpu.memref_slice %arg4[%add3A_855] : memref<6406144xi32, #tpu.memory_space<hbm>> -> memref<8192xi32, #tpu.memory_space<hbm>>
      tpu.enqueue_dma source(%dma_start3A_892 : memref<8192xi32, #tpu.memory_space<hbm>>) target(%arg15 : memref<8192xi32, #tpu.memory_space<vmem>>) target_semaphore(%arg30 : memref<!tpu.dma_semaphore, #tpu.memory_space<semaphore_mem>>)
      %parallel_loop3A_893 = arith.constant 0 : i32
      %parallel_loop3A_894 = arith.constant 512 : i32
      %parallel_loop3A_895 = arith.constant 1 : i32
      scf.for %parallel_loop3A_940 = %parallel_loop3A_893 to %parallel_loop3A_894 step %parallel_loop3A_895  : i32 {
        %parallel_loop3A_941 = arith.constant 16 : i32
        %parallel_loop3A_942 = arith.muli %parallel_loop3A_941, %parallel_loop3A_940 : i32
        %parallel_loop3A_943 = arith.index_cast %parallel_loop3A_942 : i32 to index
        %parallel_loop3A_944 = tpu.vector_load %arg9[%parallel_loop3A_943] {strides = array<i32>} : memref<8192xf32, #tpu.memory_space<vmem>>, vector<16xf32>,
        %parallel_loop3A_945 = arith.constant 16 : i32
        %parallel_loop3A_946 = arith.muli %parallel_loop3A_945, %parallel_loop3A_940 : i32
        %parallel_loop3A_947 = arith.index_cast %parallel_loop3A_946 : i32 to index
        %parallel_loop3A_948 = tpu.vector_load %arg6[%parallel_loop3A_947] {strides = array<i32>} : memref<8192xf32, #tpu.memory_space<vmem>>, vector<16xf32>,
        %parallel_loop3A_949 = arith.mulf %parallel_loop3A_948, %parallel_loop3A_944 : vector<16xf32>
        %parallel_loop3A_950 = arith.constant 16 : i32
        %parallel_loop3A_951 = arith.muli %parallel_loop3A_950, %parallel_loop3A_940 : i32
        %parallel_loop3A_952 = arith.index_cast %parallel_loop3A_951 : i32 to index
        %parallel_loop3A_953 = tpu.vector_load %arg6[%parallel_loop3A_952] {strides = array<i32>} : memref<8192xf32, #tpu.memory_space<vmem>>, vector<16xf32>,
        tpu.vector_store %arg6[%parallel_loop3A_952], %parallel_loop3A_949 {strides = array<i32>} : memref<8192xf32, #tpu.memory_space<vmem>>, vector<16xf32>,
        %parallel_loop3A_954 = arith.constant 16 : i32
        %parallel_loop3A_955 = arith.muli %parallel_loop3A_954, %parallel_loop3A_940 : i32
        %parallel_loop3A_956 = arith.index_cast %parallel_loop3A_955 : i32 to index
        %parallel_loop3A_957 = tpu.vector_load %arg7[%parallel_loop3A_956] {strides = array<i32>} : memref<8192xf32, #tpu.memory_space<vmem>>, vector<16xf32>,
        %parallel_loop3A_958 = arith.mulf %parallel_loop3A_957, %parallel_loop3A_944 : vector<16xf32>
        %parallel_loop3A_959 = arith.constant 16 : i32
        %parallel_loop3A_960 = arith.muli %parallel_loop3A_959, %parallel_loop3A_940 : i32
        %parallel_loop3A_961 = arith.index_cast %parallel_loop3A_960 : i32 to index
        %parallel_loop3A_962 = tpu.vector_load %arg7[%parallel_loop3A_961] {strides = array<i32>} : memref<8192xf32, #tpu.memory_space<vmem>>, vector<16xf32>,
        tpu.vector_store %arg7[%parallel_loop3A_961], %parallel_loop3A_958 {strides = array<i32>} : memref<8192xf32, #tpu.memory_space<vmem>>, vector<16xf32>,
        %parallel_loop3A_963 = arith.constant 16 : i32
        %parallel_loop3A_964 = arith.muli %parallel_loop3A_963, %parallel_loop3A_940 : i32
        %parallel_loop3A_965 = arith.index_cast %parallel_loop3A_964 : i32 to index
        %parallel_loop3A_966 = tpu.vector_load %arg8[%parallel_loop3A_965] {strides = array<i32>} : memref<8192xf32, #tpu.memory_space<vmem>>, vector<16xf32>,
        %parallel_loop3A_967 = arith.mulf %parallel_loop3A_966, %parallel_loop3A_944 : vector<16xf32>
        %parallel_loop3A_968 = arith.constant 16 : i32
        %parallel_loop3A_969 = arith.muli %parallel_loop3A_968, %parallel_loop3A_940 : i32
        %parallel_loop3A_970 = arith.index_cast %parallel_loop3A_969 : i32 to index
        %parallel_loop3A_971 = tpu.vector_load %arg8[%parallel_loop3A_970] {strides = array<i32>} : memref<8192xf32, #tpu.memory_space<vmem>>, vector<16xf32>,
        tpu.vector_store %arg8[%parallel_loop3A_970], %parallel_loop3A_967 {strides = array<i32>} : memref<8192xf32, #tpu.memory_space<vmem>>, vector<16xf32>,
      } {sc.loop_unroll_factor = 4 : i64, sc.parallel_access}
      %dma_start3A_896 = arith.constant 0 : i32
      %dma_start3A_897 = tpu.memref_slice %arg21[%dma_start3A_896] : memref<50176xf32, #tpu.memory_space<vmem_shared>> -> memref<50176xf32, #tpu.memory_space<vmem_shared>>
      tpu.enqueue_indirect_dma source(%arg6 : memref<8192xf32, #tpu.memory_space<vmem>>) target(%dma_start3A_897 : memref<50176xf32, #tpu.memory_space<vmem_shared>>) offsets(%arg10 : memref<8192xi32, #tpu.memory_space<vmem>>) semaphore(%arg31 : memref<!tpu.dma_semaphore, #tpu.memory_space<semaphore_mem>>) {add = true}
      %dma_start3A_898 = arith.constant 0 : i32
      %dma_start3A_899 = tpu.memref_slice %arg22[%dma_start3A_898] : memref<50176xf32, #tpu.memory_space<vmem_shared>> -> memref<50176xf32, #tpu.memory_space<vmem_shared>>
      tpu.enqueue_indirect_dma source(%arg7 : memref<8192xf32, #tpu.memory_space<vmem>>) target(%dma_start3A_899 : memref<50176xf32, #tpu.memory_space<vmem_shared>>) offsets(%arg10 : memref<8192xi32, #tpu.memory_space<vmem>>) semaphore(%arg31 : memref<!tpu.dma_semaphore, #tpu.memory_space<semaphore_mem>>) {add = true}
      %dma_start3A_900 = arith.constant 0 : i32
      %dma_start3A_901 = tpu.memref_slice %arg23[%dma_start3A_900] : memref<50176xf32, #tpu.memory_space<vmem_shared>> -> memref<50176xf32, #tpu.memory_space<vmem_shared>>
      tpu.enqueue_indirect_dma source(%arg8 : memref<8192xf32, #tpu.memory_space<vmem>>) target(%dma_start3A_901 : memref<50176xf32, #tpu.memory_space<vmem_shared>>) offsets(%arg10 : memref<8192xi32, #tpu.memory_space<vmem>>) semaphore(%arg31 : memref<!tpu.dma_semaphore, #tpu.memory_space<semaphore_mem>>) {add = true}
      %dma_start3A_902 = arith.constant 0 : i32
      %dma_start3A_903 = tpu.memref_slice %arg24[%dma_start3A_902] : memref<50176xf32, #tpu.memory_space<vmem_shared>> -> memref<50176xf32, #tpu.memory_space<vmem_shared>>
      tpu.enqueue_indirect_dma source(%arg9 : memref<8192xf32, #tpu.memory_space<vmem>>) target(%dma_start3A_903 : memref<50176xf32, #tpu.memory_space<vmem_shared>>) offsets(%arg10 : memref<8192xi32, #tpu.memory_space<vmem>>) semaphore(%arg31 : memref<!tpu.dma_semaphore, #tpu.memory_space<semaphore_mem>>) {add = true}
      %dma_wait3A_904 = arith.constant 0 : i32
      %dma_wait3A_905 = tpu.memref_slice %arg2[%dma_wait3A_904] : memref<19218432xf32, #tpu.memory_space<hbm>> -> memref<8192xf32, #tpu.memory_space<hbm>>
      %dma_wait3A_906 = arith.constant 0 : i32
      %dma_wait3A_907 = tpu.memref_slice %arg2[%dma_wait3A_906] : memref<19218432xf32, #tpu.memory_space<hbm>> -> memref<8192xf32, #tpu.memory_space<hbm>>
      tpu.wait_dma2 semaphore(%arg30 : memref<!tpu.dma_semaphore, #tpu.memory_space<semaphore_mem>>) src(%dma_wait3A_907 : memref<8192xf32, #tpu.memory_space<hbm>>) dst(%arg11 : memref<8192xf32, #tpu.memory_space<vmem>>)
      %dma_wait3A_908 = arith.constant 0 : i32
      %dma_wait3A_909 = tpu.memref_slice %arg2[%dma_wait3A_908] : memref<19218432xf32, #tpu.memory_space<hbm>> -> memref<8192xf32, #tpu.memory_space<hbm>>
      %dma_wait3A_910 = arith.constant 0 : i32
      %dma_wait3A_911 = tpu.memref_slice %arg2[%dma_wait3A_910] : memref<19218432xf32, #tpu.memory_space<hbm>> -> memref<8192xf32, #tpu.memory_space<hbm>>
      tpu.wait_dma2 semaphore(%arg30 : memref<!tpu.dma_semaphore, #tpu.memory_space<semaphore_mem>>) src(%dma_wait3A_911 : memref<8192xf32, #tpu.memory_space<hbm>>) dst(%arg12 : memref<8192xf32, #tpu.memory_space<vmem>>)
      %dma_wait3A_912 = arith.constant 0 : i32
      %dma_wait3A_913 = tpu.memref_slice %arg2[%dma_wait3A_912] : memref<19218432xf32, #tpu.memory_space<hbm>> -> memref<8192xf32, #tpu.memory_space<hbm>>
      %dma_wait3A_914 = arith.constant 0 : i32
      %dma_wait3A_915 = tpu.memref_slice %arg2[%dma_wait3A_914] : memref<19218432xf32, #tpu.memory_space<hbm>> -> memref<8192xf32, #tpu.memory_space<hbm>>
      tpu.wait_dma2 semaphore(%arg30 : memref<!tpu.dma_semaphore, #tpu.memory_space<semaphore_mem>>) src(%dma_wait3A_915 : memref<8192xf32, #tpu.memory_space<hbm>>) dst(%arg13 : memref<8192xf32, #tpu.memory_space<vmem>>)
      %dma_wait3A_916 = arith.constant 0 : i32
      %dma_wait3A_917 = tpu.memref_slice %arg2[%dma_wait3A_916] : memref<19218432xf32, #tpu.memory_space<hbm>> -> memref<8192xf32, #tpu.memory_space<hbm>>
      %dma_wait3A_918 = arith.constant 0 : i32
      %dma_wait3A_919 = tpu.memref_slice %arg2[%dma_wait3A_918] : memref<19218432xf32, #tpu.memory_space<hbm>> -> memref<8192xf32, #tpu.memory_space<hbm>>
      tpu.wait_dma2 semaphore(%arg30 : memref<!tpu.dma_semaphore, #tpu.memory_space<semaphore_mem>>) src(%dma_wait3A_919 : memref<8192xf32, #tpu.memory_space<hbm>>) dst(%arg14 : memref<8192xf32, #tpu.memory_space<vmem>>)
      %dma_wait3A_920 = arith.constant 0 : i32
      %dma_wait3A_921 = tpu.memref_slice %arg4[%dma_wait3A_920] : memref<6406144xi32, #tpu.memory_space<hbm>> -> memref<8192xi32, #tpu.memory_space<hbm>>
      %dma_wait3A_922 = arith.constant 0 : i32
      %dma_wait3A_923 = tpu.memref_slice %arg4[%dma_wait3A_922] : memref<6406144xi32, #tpu.memory_space<hbm>> -> memref<8192xi32, #tpu.memory_space<hbm>>
      tpu.wait_dma2 semaphore(%arg30 : memref<!tpu.dma_semaphore, #tpu.memory_space<semaphore_mem>>) src(%dma_wait3A_923 : memref<8192xi32, #tpu.memory_space<hbm>>) dst(%arg15 : memref<8192xi32, #tpu.memory_space<vmem>>)
      %lt3A_924 = arith.constant 5 : i32
      %lt3A_925 = arith.cmpi slt, %scan3A_788, %lt3A_924 : i32
      %convert_element_type3A_926 = arith.extui %lt3A_925 : i1 to i32
      %cond3A_927 = arith.constant 0 : i32
      %cond3A_928 = arith.cmpi ne, %convert_element_type3A_926, %cond3A_927 : i32
      scf.if %cond3A_928 {
        %dma_wait3A_940 = arith.constant 0 : i32
        %dma_wait3A_941 = tpu.memref_slice %arg21[%dma_wait3A_940] : memref<50176xf32, #tpu.memory_space<vmem_shared>> -> memref<50176xf32, #tpu.memory_space<vmem_shared>>
        tpu.wait_indirect_dma semaphore(%arg31 : memref<!tpu.dma_semaphore, #tpu.memory_space<semaphore_mem>>) src(%arg6 : memref<8192xf32, #tpu.memory_space<vmem>>) dst(%dma_wait3A_941 : memref<50176xf32, #tpu.memory_space<vmem_shared>>)
        %dma_wait3A_942 = arith.constant 0 : i32
        %dma_wait3A_943 = tpu.memref_slice %arg22[%dma_wait3A_942] : memref<50176xf32, #tpu.memory_space<vmem_shared>> -> memref<50176xf32, #tpu.memory_space<vmem_shared>>
        tpu.wait_indirect_dma semaphore(%arg31 : memref<!tpu.dma_semaphore, #tpu.memory_space<semaphore_mem>>) src(%arg7 : memref<8192xf32, #tpu.memory_space<vmem>>) dst(%dma_wait3A_943 : memref<50176xf32, #tpu.memory_space<vmem_shared>>)
        %dma_wait3A_944 = arith.constant 0 : i32
        %dma_wait3A_945 = tpu.memref_slice %arg23[%dma_wait3A_944] : memref<50176xf32, #tpu.memory_space<vmem_shared>> -> memref<50176xf32, #tpu.memory_space<vmem_shared>>
        tpu.wait_indirect_dma semaphore(%arg31 : memref<!tpu.dma_semaphore, #tpu.memory_space<semaphore_mem>>) src(%arg8 : memref<8192xf32, #tpu.memory_space<vmem>>) dst(%dma_wait3A_945 : memref<50176xf32, #tpu.memory_space<vmem_shared>>)
        %dma_wait3A_946 = arith.constant 0 : i32
        %dma_wait3A_947 = tpu.memref_slice %arg24[%dma_wait3A_946] : memref<50176xf32, #tpu.memory_space<vmem_shared>> -> memref<50176xf32, #tpu.memory_space<vmem_shared>>
        tpu.wait_indirect_dma semaphore(%arg31 : memref<!tpu.dma_semaphore, #tpu.memory_space<semaphore_mem>>) src(%arg9 : memref<8192xf32, #tpu.memory_space<vmem>>) dst(%dma_wait3A_947 : memref<50176xf32, #tpu.memory_space<vmem_shared>>)
        %mul3A_948 = arith.constant 2 : i32
        %mul3A_949 = arith.muli %mul3A_948, %scan3A_788 : i32
        %add3A_950 = arith.constant 2 : i32
        %add3A_951 = arith.addi %mul3A_949, %add3A_950 : i32
        %mul3A_952 = arith.constant 16 : i32
        %mul3A_953 = arith.muli %mul3A_952, %add3A_951 : i32
        %add3A_954 = arith.addi %arg1, %mul3A_953 : i32
        %jit3A_955 = arith.constant 6 : i32
        %div3A_956 = arith.divsi %add3A_954, %jit3A_955 : i32
        %sign3A_957 = arith.constant 0 : i32
        %sign3A_958 = arith.cmpi sgt, %add3A_954, %sign3A_957 : i32
        %sign3A_959 = arith.extui %sign3A_958 : i1 to i32
        %sign3A_960 = arith.constant 0 : i32
        %sign3A_961 = arith.cmpi slt, %add3A_954, %sign3A_960 : i32
        %sign3A_962 = arith.extui %sign3A_961 : i1 to i32
        %sign3A_963 = arith.subi %sign3A_959, %sign3A_962 : i32
        %sign3A_964 = arith.constant 0 : i32
        %sign3A_965 = arith.cmpi sgt, %jit3A_955, %sign3A_964 : i32
        %sign3A_966 = arith.extui %sign3A_965 : i1 to i32
        %sign3A_967 = arith.constant 0 : i32
        %sign3A_968 = arith.cmpi slt, %jit3A_955, %sign3A_967 : i32
        %sign3A_969 = arith.extui %sign3A_968 : i1 to i32
        %sign3A_970 = arith.subi %sign3A_966, %sign3A_969 : i32
        %ne3A_971 = arith.cmpi ne, %sign3A_963, %sign3A_970 : i32
        %rem3A_972 = arith.remsi %add3A_954, %jit3A_955 : i32
        %ne3A_973 = arith.constant 0 : i32
        %ne3A_974 = arith.cmpi ne, %rem3A_972, %ne3A_973 : i32
        %and3A_975 = arith.andi %ne3A_971, %ne3A_974 : i1
        %sub3A_976 = arith.constant 1 : i32
        %sub3A_977 = arith.subi %div3A_956, %sub3A_976 : i32
        %select_n3A_978 = arith.select %and3A_975, %sub3A_977, %div3A_956 : i32
        %mul3A_979 = arith.constant 6 : i32
        %mul3A_980 = arith.muli %select_n3A_978, %mul3A_979 : i32
        %sub3A_981 = arith.subi %add3A_954, %mul3A_980 : i32
        %mul3A_982 = arith.constant 8192 : i32
        %mul3A_983 = arith.muli %sub3A_981, %mul3A_982 : i32
        %mul3A_984 = arith.constant 50048 : i32
        %mul3A_985 = arith.muli %select_n3A_978, %mul3A_984 : i32
        %add3A_986 = arith.addi %mul3A_985, %mul3A_983 : i32
        %mul3A_987 = arith.constant 32 : i32
        %mul3A_988 = arith.muli %add3A_24, %mul3A_987 : i32
        %add3A_989 = arith.addi %mul3A_988, %select_n3A_978 : i32
        %mul3A_990 = arith.constant 50048 : i32
        %mul3A_991 = arith.muli %add3A_989, %mul3A_990 : i32
        %add3A_992 = arith.addi %mul3A_991, %mul3A_983 : i32
        %mul3A_993 = arith.constant 3 : i32
        %mul3A_994 = arith.muli %add3A_24, %mul3A_993 : i32
        %add3A_995 = arith.constant 0 : i32
        %add3A_996 = arith.addi %mul3A_994, %add3A_995 : i32
        %mul3A_997 = arith.constant 32 : i32
        %mul3A_998 = arith.muli %add3A_996, %mul3A_997 : i32
        %mul3A_999 = arith.constant 50048 : i32
        %mul3A_1000 = arith.muli %mul3A_998, %mul3A_999 : i32
        %add3A_1001 = arith.addi %mul3A_1000, %add3A_986 : i32
        %dma_start3A_1002 = tpu.memref_slice %arg2[%add3A_1001] : memref<19218432xf32, #tpu.memory_space<hbm>> -> memref<8192xf32, #tpu.memory_space<hbm>>
        %dma_start3A_1003 = tpu.memref_slice %arg2[%add3A_1001] : memref<19218432xf32, #tpu.memory_space<hbm>> -> memref<8192xf32, #tpu.memory_space<hbm>>
        tpu.enqueue_dma source(%dma_start3A_1003 : memref<8192xf32, #tpu.memory_space<hbm>>) target(%arg6 : memref<8192xf32, #tpu.memory_space<vmem>>) target_semaphore(%arg29 : memref<!tpu.dma_semaphore, #tpu.memory_space<semaphore_mem>>)
        %mul3A_1004 = arith.constant 3 : i32
        %mul3A_1005 = arith.muli %add3A_24, %mul3A_1004 : i32
        %add3A_1006 = arith.constant 1 : i32
        %add3A_1007 = arith.addi %mul3A_1005, %add3A_1006 : i32
        %mul3A_1008 = arith.constant 32 : i32
        %mul3A_1009 = arith.muli %add3A_1007, %mul3A_1008 : i32
        %mul3A_1010 = arith.constant 50048 : i32
        %mul3A_1011 = arith.muli %mul3A_1009, %mul3A_1010 : i32
        %add3A_1012 = arith.addi %mul3A_1011, %add3A_986 : i32
        %dma_start3A_1013 = tpu.memref_slice %arg2[%add3A_1012] : memref<19218432xf32, #tpu.memory_space<hbm>> -> memref<8192xf32, #tpu.memory_space<hbm>>
        %dma_start3A_1014 = tpu.memref_slice %arg2[%add3A_1012] : memref<19218432xf32, #tpu.memory_space<hbm>> -> memref<8192xf32, #tpu.memory_space<hbm>>
        tpu.enqueue_dma source(%dma_start3A_1014 : memref<8192xf32, #tpu.memory_space<hbm>>) target(%arg7 : memref<8192xf32, #tpu.memory_space<vmem>>) target_semaphore(%arg29 : memref<!tpu.dma_semaphore, #tpu.memory_space<semaphore_mem>>)
        %mul3A_1015 = arith.constant 3 : i32
        %mul3A_1016 = arith.muli %add3A_24, %mul3A_1015 : i32
        %add3A_1017 = arith.constant 2 : i32
        %add3A_1018 = arith.addi %mul3A_1016, %add3A_1017 : i32
        %mul3A_1019 = arith.constant 32 : i32
        %mul3A_1020 = arith.muli %add3A_1018, %mul3A_1019 : i32
        %mul3A_1021 = arith.constant 50048 : i32
        %mul3A_1022 = arith.muli %mul3A_1020, %mul3A_1021 : i32
        %add3A_1023 = arith.addi %mul3A_1022, %add3A_986 : i32
        %dma_start3A_1024 = tpu.memref_slice %arg2[%add3A_1023] : memref<19218432xf32, #tpu.memory_space<hbm>> -> memref<8192xf32, #tpu.memory_space<hbm>>
        %dma_start3A_1025 = tpu.memref_slice %arg2[%add3A_1023] : memref<19218432xf32, #tpu.memory_space<hbm>> -> memref<8192xf32, #tpu.memory_space<hbm>>
        tpu.enqueue_dma source(%dma_start3A_1025 : memref<8192xf32, #tpu.memory_space<hbm>>) target(%arg8 : memref<8192xf32, #tpu.memory_space<vmem>>) target_semaphore(%arg29 : memref<!tpu.dma_semaphore, #tpu.memory_space<semaphore_mem>>)
        %dma_start3A_1026 = tpu.memref_slice %arg3[%add3A_992] : memref<6406144xf32, #tpu.memory_space<hbm>> -> memref<8192xf32, #tpu.memory_space<hbm>>
        %dma_start3A_1027 = tpu.memref_slice %arg3[%add3A_992] : memref<6406144xf32, #tpu.memory_space<hbm>> -> memref<8192xf32, #tpu.memory_space<hbm>>
        tpu.enqueue_dma source(%dma_start3A_1027 : memref<8192xf32, #tpu.memory_space<hbm>>) target(%arg9 : memref<8192xf32, #tpu.memory_space<vmem>>) target_semaphore(%arg29 : memref<!tpu.dma_semaphore, #tpu.memory_space<semaphore_mem>>)
        %dma_start3A_1028 = tpu.memref_slice %arg4[%add3A_992] : memref<6406144xi32, #tpu.memory_space<hbm>> -> memref<8192xi32, #tpu.memory_space<hbm>>
        %dma_start3A_1029 = tpu.memref_slice %arg4[%add3A_992] : memref<6406144xi32, #tpu.memory_space<hbm>> -> memref<8192xi32, #tpu.memory_space<hbm>>
        tpu.enqueue_dma source(%dma_start3A_1029 : memref<8192xi32, #tpu.memory_space<hbm>>) target(%arg10 : memref<8192xi32, #tpu.memory_space<vmem>>) target_semaphore(%arg29 : memref<!tpu.dma_semaphore, #tpu.memory_space<semaphore_mem>>)
      } else {
      }
      %parallel_loop3A_929 = arith.constant 0 : i32
      %parallel_loop3A_930 = arith.constant 512 : i32
      %parallel_loop3A_931 = arith.constant 1 : i32
      scf.for %parallel_loop3A_940 = %parallel_loop3A_929 to %parallel_loop3A_930 step %parallel_loop3A_931  : i32 {
        %parallel_loop3A_941 = arith.constant 16 : i32
        %parallel_loop3A_942 = arith.muli %parallel_loop3A_941, %parallel_loop3A_940 : i32
        %parallel_loop3A_943 = arith.index_cast %parallel_loop3A_942 : i32 to index
        %parallel_loop3A_944 = tpu.vector_load %arg14[%parallel_loop3A_943] {strides = array<i32>} : memref<8192xf32, #tpu.memory_space<vmem>>, vector<16xf32>,
        %parallel_loop3A_945 = arith.constant 16 : i32
        %parallel_loop3A_946 = arith.muli %parallel_loop3A_945, %parallel_loop3A_940 : i32
        %parallel_loop3A_947 = arith.index_cast %parallel_loop3A_946 : i32 to index
        %parallel_loop3A_948 = tpu.vector_load %arg11[%parallel_loop3A_947] {strides = array<i32>} : memref<8192xf32, #tpu.memory_space<vmem>>, vector<16xf32>,
        %parallel_loop3A_949 = arith.mulf %parallel_loop3A_948, %parallel_loop3A_944 : vector<16xf32>
        %parallel_loop3A_950 = arith.constant 16 : i32
        %parallel_loop3A_951 = arith.muli %parallel_loop3A_950, %parallel_loop3A_940 : i32
        %parallel_loop3A_952 = arith.index_cast %parallel_loop3A_951 : i32 to index
        %parallel_loop3A_953 = tpu.vector_load %arg11[%parallel_loop3A_952] {strides = array<i32>} : memref<8192xf32, #tpu.memory_space<vmem>>, vector<16xf32>,
        tpu.vector_store %arg11[%parallel_loop3A_952], %parallel_loop3A_949 {strides = array<i32>} : memref<8192xf32, #tpu.memory_space<vmem>>, vector<16xf32>,
        %parallel_loop3A_954 = arith.constant 16 : i32
        %parallel_loop3A_955 = arith.muli %parallel_loop3A_954, %parallel_loop3A_940 : i32
        %parallel_loop3A_956 = arith.index_cast %parallel_loop3A_955 : i32 to index
        %parallel_loop3A_957 = tpu.vector_load %arg12[%parallel_loop3A_956] {strides = array<i32>} : memref<8192xf32, #tpu.memory_space<vmem>>, vector<16xf32>,
        %parallel_loop3A_958 = arith.mulf %parallel_loop3A_957, %parallel_loop3A_944 : vector<16xf32>
        %parallel_loop3A_959 = arith.constant 16 : i32
        %parallel_loop3A_960 = arith.muli %parallel_loop3A_959, %parallel_loop3A_940 : i32
        %parallel_loop3A_961 = arith.index_cast %parallel_loop3A_960 : i32 to index
        %parallel_loop3A_962 = tpu.vector_load %arg12[%parallel_loop3A_961] {strides = array<i32>} : memref<8192xf32, #tpu.memory_space<vmem>>, vector<16xf32>,
        tpu.vector_store %arg12[%parallel_loop3A_961], %parallel_loop3A_958 {strides = array<i32>} : memref<8192xf32, #tpu.memory_space<vmem>>, vector<16xf32>,
        %parallel_loop3A_963 = arith.constant 16 : i32
        %parallel_loop3A_964 = arith.muli %parallel_loop3A_963, %parallel_loop3A_940 : i32
        %parallel_loop3A_965 = arith.index_cast %parallel_loop3A_964 : i32 to index
        %parallel_loop3A_966 = tpu.vector_load %arg13[%parallel_loop3A_965] {strides = array<i32>} : memref<8192xf32, #tpu.memory_space<vmem>>, vector<16xf32>,
        %parallel_loop3A_967 = arith.mulf %parallel_loop3A_966, %parallel_loop3A_944 : vector<16xf32>
        %parallel_loop3A_968 = arith.constant 16 : i32
        %parallel_loop3A_969 = arith.muli %parallel_loop3A_968, %parallel_loop3A_940 : i32
        %parallel_loop3A_970 = arith.index_cast %parallel_loop3A_969 : i32 to index
        %parallel_loop3A_971 = tpu.vector_load %arg13[%parallel_loop3A_970] {strides = array<i32>} : memref<8192xf32, #tpu.memory_space<vmem>>, vector<16xf32>,
        tpu.vector_store %arg13[%parallel_loop3A_970], %parallel_loop3A_967 {strides = array<i32>} : memref<8192xf32, #tpu.memory_space<vmem>>, vector<16xf32>,
      } {sc.loop_unroll_factor = 4 : i64, sc.parallel_access}
      %dma_start3A_932 = arith.constant 0 : i32
      %dma_start3A_933 = tpu.memref_slice %arg21[%dma_start3A_932] : memref<50176xf32, #tpu.memory_space<vmem_shared>> -> memref<50176xf32, #tpu.memory_space<vmem_shared>>
      tpu.enqueue_indirect_dma source(%arg11 : memref<8192xf32, #tpu.memory_space<vmem>>) target(%dma_start3A_933 : memref<50176xf32, #tpu.memory_space<vmem_shared>>) offsets(%arg15 : memref<8192xi32, #tpu.memory_space<vmem>>) semaphore(%arg32 : memref<!tpu.dma_semaphore, #tpu.memory_space<semaphore_mem>>) {add = true}
      %dma_start3A_934 = arith.constant 0 : i32
      %dma_start3A_935 = tpu.memref_slice %arg22[%dma_start3A_934] : memref<50176xf32, #tpu.memory_space<vmem_shared>> -> memref<50176xf32, #tpu.memory_space<vmem_shared>>
      tpu.enqueue_indirect_dma source(%arg12 : memref<8192xf32, #tpu.memory_space<vmem>>) target(%dma_start3A_935 : memref<50176xf32, #tpu.memory_space<vmem_shared>>) offsets(%arg15 : memref<8192xi32, #tpu.memory_space<vmem>>) semaphore(%arg32 : memref<!tpu.dma_semaphore, #tpu.memory_space<semaphore_mem>>) {add = true}
      %dma_start3A_936 = arith.constant 0 : i32
      %dma_start3A_937 = tpu.memref_slice %arg23[%dma_start3A_936] : memref<50176xf32, #tpu.memory_space<vmem_shared>> -> memref<50176xf32, #tpu.memory_space<vmem_shared>>
      tpu.enqueue_indirect_dma source(%arg13 : memref<8192xf32, #tpu.memory_space<vmem>>) target(%dma_start3A_937 : memref<50176xf32, #tpu.memory_space<vmem_shared>>) offsets(%arg15 : memref<8192xi32, #tpu.memory_space<vmem>>) semaphore(%arg32 : memref<!tpu.dma_semaphore, #tpu.memory_space<semaphore_mem>>) {add = true}
      %dma_start3A_938 = arith.constant 0 : i32
      %dma_start3A_939 = tpu.memref_slice %arg24[%dma_start3A_938] : memref<50176xf32, #tpu.memory_space<vmem_shared>> -> memref<50176xf32, #tpu.memory_space<vmem_shared>>
      tpu.enqueue_indirect_dma source(%arg14 : memref<8192xf32, #tpu.memory_space<vmem>>) target(%dma_start3A_939 : memref<50176xf32, #tpu.memory_space<vmem_shared>>) offsets(%arg15 : memref<8192xi32, #tpu.memory_space<vmem>>) semaphore(%arg32 : memref<!tpu.dma_semaphore, #tpu.memory_space<semaphore_mem>>) {add = true}
    }
    %scan3A_97 = arith.constant 6 : i32
    %dma_wait3A = arith.constant 0 : i32
    %dma_wait3A_98 = tpu.memref_slice %arg21[%dma_wait3A] : memref<50176xf32, #tpu.memory_space<vmem_shared>> -> memref<50176xf32, #tpu.memory_space<vmem_shared>>
    tpu.wait_indirect_dma semaphore(%arg31 : memref<!tpu.dma_semaphore, #tpu.memory_space<semaphore_mem>>) src(%arg6 : memref<8192xf32, #tpu.memory_space<vmem>>) dst(%dma_wait3A_98 : memref<50176xf32, #tpu.memory_space<vmem_shared>>)
    %dma_wait3A_99 = arith.constant 0 : i32
    %dma_wait3A_100 = tpu.memref_slice %arg22[%dma_wait3A_99] : memref<50176xf32, #tpu.memory_space<vmem_shared>> -> memref<50176xf32, #tpu.memory_space<vmem_shared>>
    tpu.wait_indirect_dma semaphore(%arg31 : memref<!tpu.dma_semaphore, #tpu.memory_space<semaphore_mem>>) src(%arg7 : memref<8192xf32, #tpu.memory_space<vmem>>) dst(%dma_wait3A_100 : memref<50176xf32, #tpu.memory_space<vmem_shared>>)
    %dma_wait3A_101 = arith.constant 0 : i32
    %dma_wait3A_102 = tpu.memref_slice %arg23[%dma_wait3A_101] : memref<50176xf32, #tpu.memory_space<vmem_shared>> -> memref<50176xf32, #tpu.memory_space<vmem_shared>>
    tpu.wait_indirect_dma semaphore(%arg31 : memref<!tpu.dma_semaphore, #tpu.memory_space<semaphore_mem>>) src(%arg8 : memref<8192xf32, #tpu.memory_space<vmem>>) dst(%dma_wait3A_102 : memref<50176xf32, #tpu.memory_space<vmem_shared>>)
    %dma_wait3A_103 = arith.constant 0 : i32
    %dma_wait3A_104 = tpu.memref_slice %arg24[%dma_wait3A_103] : memref<50176xf32, #tpu.memory_space<vmem_shared>> -> memref<50176xf32, #tpu.memory_space<vmem_shared>>
    tpu.wait_indirect_dma semaphore(%arg31 : memref<!tpu.dma_semaphore, #tpu.memory_space<semaphore_mem>>) src(%arg9 : memref<8192xf32, #tpu.memory_space<vmem>>) dst(%dma_wait3A_104 : memref<50176xf32, #tpu.memory_space<vmem_shared>>)
    %dma_wait3A_105 = arith.constant 0 : i32
    %dma_wait3A_106 = tpu.memref_slice %arg21[%dma_wait3A_105] : memref<50176xf32, #tpu.memory_space<vmem_shared>> -> memref<50176xf32, #tpu.memory_space<vmem_shared>>
    tpu.wait_indirect_dma semaphore(%arg32 : memref<!tpu.dma_semaphore, #tpu.memory_space<semaphore_mem>>) src(%arg11 : memref<8192xf32, #tpu.memory_space<vmem>>) dst(%dma_wait3A_106 : memref<50176xf32, #tpu.memory_space<vmem_shared>>)
    %dma_wait3A_107 = arith.constant 0 : i32
    %dma_wait3A_108 = tpu.memref_slice %arg22[%dma_wait3A_107] : memref<50176xf32, #tpu.memory_space<vmem_shared>> -> memref<50176xf32, #tpu.memory_space<vmem_shared>>
    tpu.wait_indirect_dma semaphore(%arg32 : memref<!tpu.dma_semaphore, #tpu.memory_space<semaphore_mem>>) src(%arg12 : memref<8192xf32, #tpu.memory_space<vmem>>) dst(%dma_wait3A_108 : memref<50176xf32, #tpu.memory_space<vmem_shared>>)
    %dma_wait3A_109 = arith.constant 0 : i32
    %dma_wait3A_110 = tpu.memref_slice %arg23[%dma_wait3A_109] : memref<50176xf32, #tpu.memory_space<vmem_shared>> -> memref<50176xf32, #tpu.memory_space<vmem_shared>>
    tpu.wait_indirect_dma semaphore(%arg32 : memref<!tpu.dma_semaphore, #tpu.memory_space<semaphore_mem>>) src(%arg13 : memref<8192xf32, #tpu.memory_space<vmem>>) dst(%dma_wait3A_110 : memref<50176xf32, #tpu.memory_space<vmem_shared>>)
    %dma_wait3A_111 = arith.constant 0 : i32
    %dma_wait3A_112 = tpu.memref_slice %arg24[%dma_wait3A_111] : memref<50176xf32, #tpu.memory_space<vmem_shared>> -> memref<50176xf32, #tpu.memory_space<vmem_shared>>
    tpu.wait_indirect_dma semaphore(%arg32 : memref<!tpu.dma_semaphore, #tpu.memory_space<semaphore_mem>>) src(%arg14 : memref<8192xf32, #tpu.memory_space<vmem>>) dst(%dma_wait3A_112 : memref<50176xf32, #tpu.memory_space<vmem_shared>>)
    %add3A_113 = arith.constant 0 : i32
    %add3A_114 = arith.addi %arg1, %add3A_113 : i32
    %mul3A_115 = arith.constant 32 : i32
    %mul3A_116 = arith.muli %add3A_24, %mul3A_115 : i32
    %add3A_117 = arith.addi %mul3A_116, %add3A_114 : i32
    %mul3A_118 = arith.constant 50048 : i32
    %mul3A_119 = arith.muli %add3A_117, %mul3A_118 : i32
    %add3A_120 = arith.constant 49152 : i32
    %add3A_121 = arith.addi %mul3A_119, %add3A_120 : i32
    %mul3A_122 = arith.constant 3 : i32
    %mul3A_123 = arith.muli %add3A_24, %mul3A_122 : i32
    %add3A_124 = arith.constant 0 : i32
    %add3A_125 = arith.addi %mul3A_123, %add3A_124 : i32
    %mul3A_126 = arith.constant 32 : i32
    %mul3A_127 = arith.muli %add3A_125, %mul3A_126 : i32
    %add3A_128 = arith.addi %mul3A_127, %add3A_114 : i32
    %mul3A_129 = arith.constant 50048 : i32
    %mul3A_130 = arith.muli %add3A_128, %mul3A_129 : i32
    %add3A_131 = arith.constant 49152 : i32
    %add3A_132 = arith.addi %mul3A_130, %add3A_131 : i32
    %dma_start3A_133 = arith.constant 0 : i32
    %dma_start3A_134 = tpu.memref_slice %arg6[%dma_start3A_133] : memref<8192xf32, #tpu.memory_space<vmem>> -> memref<896xf32, #tpu.memory_space<vmem>>
    %dma_start3A_135 = tpu.memref_slice %arg2[%add3A_132] : memref<19218432xf32, #tpu.memory_space<hbm>> -> memref<896xf32, #tpu.memory_space<hbm>>
    %dma_start3A_136 = arith.constant 0 : i32
    %dma_start3A_137 = tpu.memref_slice %arg6[%dma_start3A_136] : memref<8192xf32, #tpu.memory_space<vmem>> -> memref<896xf32, #tpu.memory_space<vmem>>
    %dma_start3A_138 = tpu.memref_slice %arg2[%add3A_132] : memref<19218432xf32, #tpu.memory_space<hbm>> -> memref<896xf32, #tpu.memory_space<hbm>>
    tpu.enqueue_dma source(%dma_start3A_138 : memref<896xf32, #tpu.memory_space<hbm>>) target(%dma_start3A_137 : memref<896xf32, #tpu.memory_space<vmem>>) target_semaphore(%arg33 : memref<!tpu.dma_semaphore, #tpu.memory_space<semaphore_mem>>)
    %mul3A_139 = arith.constant 3 : i32
    %mul3A_140 = arith.muli %add3A_24, %mul3A_139 : i32
    %add3A_141 = arith.constant 1 : i32
    %add3A_142 = arith.addi %mul3A_140, %add3A_141 : i32
    %mul3A_143 = arith.constant 32 : i32
    %mul3A_144 = arith.muli %add3A_142, %mul3A_143 : i32
    %add3A_145 = arith.addi %mul3A_144, %add3A_114 : i32
    %mul3A_146 = arith.constant 50048 : i32
    %mul3A_147 = arith.muli %add3A_145, %mul3A_146 : i32
    %add3A_148 = arith.constant 49152 : i32
    %add3A_149 = arith.addi %mul3A_147, %add3A_148 : i32
    %dma_start3A_150 = arith.constant 0 : i32
    %dma_start3A_151 = tpu.memref_slice %arg7[%dma_start3A_150] : memref<8192xf32, #tpu.memory_space<vmem>> -> memref<896xf32, #tpu.memory_space<vmem>>
    %dma_start3A_152 = tpu.memref_slice %arg2[%add3A_149] : memref<19218432xf32, #tpu.memory_space<hbm>> -> memref<896xf32, #tpu.memory_space<hbm>>
    %dma_start3A_153 = arith.constant 0 : i32
    %dma_start3A_154 = tpu.memref_slice %arg7[%dma_start3A_153] : memref<8192xf32, #tpu.memory_space<vmem>> -> memref<896xf32, #tpu.memory_space<vmem>>
    %dma_start3A_155 = tpu.memref_slice %arg2[%add3A_149] : memref<19218432xf32, #tpu.memory_space<hbm>> -> memref<896xf32, #tpu.memory_space<hbm>>
    tpu.enqueue_dma source(%dma_start3A_155 : memref<896xf32, #tpu.memory_space<hbm>>) target(%dma_start3A_154 : memref<896xf32, #tpu.memory_space<vmem>>) target_semaphore(%arg33 : memref<!tpu.dma_semaphore, #tpu.memory_space<semaphore_mem>>)
    %mul3A_156 = arith.constant 3 : i32
    %mul3A_157 = arith.muli %add3A_24, %mul3A_156 : i32
    %add3A_158 = arith.constant 2 : i32
    %add3A_159 = arith.addi %mul3A_157, %add3A_158 : i32
    %mul3A_160 = arith.constant 32 : i32
    %mul3A_161 = arith.muli %add3A_159, %mul3A_160 : i32
    %add3A_162 = arith.addi %mul3A_161, %add3A_114 : i32
    %mul3A_163 = arith.constant 50048 : i32
    %mul3A_164 = arith.muli %add3A_162, %mul3A_163 : i32
    %add3A_165 = arith.constant 49152 : i32
    %add3A_166 = arith.addi %mul3A_164, %add3A_165 : i32
    %dma_start3A_167 = arith.constant 0 : i32
    %dma_start3A_168 = tpu.memref_slice %arg8[%dma_start3A_167] : memref<8192xf32, #tpu.memory_space<vmem>> -> memref<896xf32, #tpu.memory_space<vmem>>
    %dma_start3A_169 = tpu.memref_slice %arg2[%add3A_166] : memref<19218432xf32, #tpu.memory_space<hbm>> -> memref<896xf32, #tpu.memory_space<hbm>>
    %dma_start3A_170 = arith.constant 0 : i32
    %dma_start3A_171 = tpu.memref_slice %arg8[%dma_start3A_170] : memref<8192xf32, #tpu.memory_space<vmem>> -> memref<896xf32, #tpu.memory_space<vmem>>
    %dma_start3A_172 = tpu.memref_slice %arg2[%add3A_166] : memref<19218432xf32, #tpu.memory_space<hbm>> -> memref<896xf32, #tpu.memory_space<hbm>>
    tpu.enqueue_dma source(%dma_start3A_172 : memref<896xf32, #tpu.memory_space<hbm>>) target(%dma_start3A_171 : memref<896xf32, #tpu.memory_space<vmem>>) target_semaphore(%arg33 : memref<!tpu.dma_semaphore, #tpu.memory_space<semaphore_mem>>)
    %dma_start3A_173 = arith.constant 0 : i32
    %dma_start3A_174 = tpu.memref_slice %arg9[%dma_start3A_173] : memref<8192xf32, #tpu.memory_space<vmem>> -> memref<896xf32, #tpu.memory_space<vmem>>
    %dma_start3A_175 = tpu.memref_slice %arg3[%add3A_121] : memref<6406144xf32, #tpu.memory_space<hbm>> -> memref<896xf32, #tpu.memory_space<hbm>>
    %dma_start3A_176 = arith.constant 0 : i32
    %dma_start3A_177 = tpu.memref_slice %arg9[%dma_start3A_176] : memref<8192xf32, #tpu.memory_space<vmem>> -> memref<896xf32, #tpu.memory_space<vmem>>
    %dma_start3A_178 = tpu.memref_slice %arg3[%add3A_121] : memref<6406144xf32, #tpu.memory_space<hbm>> -> memref<896xf32, #tpu.memory_space<hbm>>
    tpu.enqueue_dma source(%dma_start3A_178 : memref<896xf32, #tpu.memory_space<hbm>>) target(%dma_start3A_177 : memref<896xf32, #tpu.memory_space<vmem>>) target_semaphore(%arg33 : memref<!tpu.dma_semaphore, #tpu.memory_space<semaphore_mem>>)
    %dma_start3A_179 = tpu.memref_slice %arg4[%add3A_121] : memref<6406144xi32, #tpu.memory_space<hbm>> -> memref<896xi32, #tpu.memory_space<hbm>>
    %dma_start3A_180 = tpu.memref_slice %arg4[%add3A_121] : memref<6406144xi32, #tpu.memory_space<hbm>> -> memref<896xi32, #tpu.memory_space<hbm>>
    tpu.enqueue_dma source(%dma_start3A_180 : memref<896xi32, #tpu.memory_space<hbm>>) target(%arg16 : memref<896xi32, #tpu.memory_space<vmem>>) target_semaphore(%arg33 : memref<!tpu.dma_semaphore, #tpu.memory_space<semaphore_mem>>)
    %dma_wait3A_181 = arith.constant 0 : i32
    %dma_wait3A_182 = tpu.memref_slice %arg6[%dma_wait3A_181] : memref<8192xf32, #tpu.memory_space<vmem>> -> memref<896xf32, #tpu.memory_space<vmem>>
    %dma_wait3A_183 = tpu.memref_slice %arg2[%add3A_132] : memref<19218432xf32, #tpu.memory_space<hbm>> -> memref<896xf32, #tpu.memory_space<hbm>>
    %dma_wait3A_184 = arith.constant 0 : i32
    %dma_wait3A_185 = tpu.memref_slice %arg6[%dma_wait3A_184] : memref<8192xf32, #tpu.memory_space<vmem>> -> memref<896xf32, #tpu.memory_space<vmem>>
    %dma_wait3A_186 = tpu.memref_slice %arg2[%add3A_132] : memref<19218432xf32, #tpu.memory_space<hbm>> -> memref<896xf32, #tpu.memory_space<hbm>>
    tpu.wait_dma2 semaphore(%arg33 : memref<!tpu.dma_semaphore, #tpu.memory_space<semaphore_mem>>) src(%dma_wait3A_186 : memref<896xf32, #tpu.memory_space<hbm>>) dst(%dma_wait3A_185 : memref<896xf32, #tpu.memory_space<vmem>>)
    %dma_wait3A_187 = arith.constant 0 : i32
    %dma_wait3A_188 = tpu.memref_slice %arg7[%dma_wait3A_187] : memref<8192xf32, #tpu.memory_space<vmem>> -> memref<896xf32, #tpu.memory_space<vmem>>
    %dma_wait3A_189 = tpu.memref_slice %arg2[%add3A_149] : memref<19218432xf32, #tpu.memory_space<hbm>> -> memref<896xf32, #tpu.memory_space<hbm>>
    %dma_wait3A_190 = arith.constant 0 : i32
    %dma_wait3A_191 = tpu.memref_slice %arg7[%dma_wait3A_190] : memref<8192xf32, #tpu.memory_space<vmem>> -> memref<896xf32, #tpu.memory_space<vmem>>
    %dma_wait3A_192 = tpu.memref_slice %arg2[%add3A_149] : memref<19218432xf32, #tpu.memory_space<hbm>> -> memref<896xf32, #tpu.memory_space<hbm>>
    tpu.wait_dma2 semaphore(%arg33 : memref<!tpu.dma_semaphore, #tpu.memory_space<semaphore_mem>>) src(%dma_wait3A_192 : memref<896xf32, #tpu.memory_space<hbm>>) dst(%dma_wait3A_191 : memref<896xf32, #tpu.memory_space<vmem>>)
    %dma_wait3A_193 = arith.constant 0 : i32
    %dma_wait3A_194 = tpu.memref_slice %arg8[%dma_wait3A_193] : memref<8192xf32, #tpu.memory_space<vmem>> -> memref<896xf32, #tpu.memory_space<vmem>>
    %dma_wait3A_195 = tpu.memref_slice %arg2[%add3A_166] : memref<19218432xf32, #tpu.memory_space<hbm>> -> memref<896xf32, #tpu.memory_space<hbm>>
    %dma_wait3A_196 = arith.constant 0 : i32
    %dma_wait3A_197 = tpu.memref_slice %arg8[%dma_wait3A_196] : memref<8192xf32, #tpu.memory_space<vmem>> -> memref<896xf32, #tpu.memory_space<vmem>>
    %dma_wait3A_198 = tpu.memref_slice %arg2[%add3A_166] : memref<19218432xf32, #tpu.memory_space<hbm>> -> memref<896xf32, #tpu.memory_space<hbm>>
    tpu.wait_dma2 semaphore(%arg33 : memref<!tpu.dma_semaphore, #tpu.memory_space<semaphore_mem>>) src(%dma_wait3A_198 : memref<896xf32, #tpu.memory_space<hbm>>) dst(%dma_wait3A_197 : memref<896xf32, #tpu.memory_space<vmem>>)
    %dma_wait3A_199 = arith.constant 0 : i32
    %dma_wait3A_200 = tpu.memref_slice %arg9[%dma_wait3A_199] : memref<8192xf32, #tpu.memory_space<vmem>> -> memref<896xf32, #tpu.memory_space<vmem>>
    %dma_wait3A_201 = tpu.memref_slice %arg3[%add3A_121] : memref<6406144xf32, #tpu.memory_space<hbm>> -> memref<896xf32, #tpu.memory_space<hbm>>
    %dma_wait3A_202 = arith.constant 0 : i32
    %dma_wait3A_203 = tpu.memref_slice %arg9[%dma_wait3A_202] : memref<8192xf32, #tpu.memory_space<vmem>> -> memref<896xf32, #tpu.memory_space<vmem>>
    %dma_wait3A_204 = tpu.memref_slice %arg3[%add3A_121] : memref<6406144xf32, #tpu.memory_space<hbm>> -> memref<896xf32, #tpu.memory_space<hbm>>
    tpu.wait_dma2 semaphore(%arg33 : memref<!tpu.dma_semaphore, #tpu.memory_space<semaphore_mem>>) src(%dma_wait3A_204 : memref<896xf32, #tpu.memory_space<hbm>>) dst(%dma_wait3A_203 : memref<896xf32, #tpu.memory_space<vmem>>)
    %dma_wait3A_205 = tpu.memref_slice %arg4[%add3A_121] : memref<6406144xi32, #tpu.memory_space<hbm>> -> memref<896xi32, #tpu.memory_space<hbm>>
    %dma_wait3A_206 = tpu.memref_slice %arg4[%add3A_121] : memref<6406144xi32, #tpu.memory_space<hbm>> -> memref<896xi32, #tpu.memory_space<hbm>>
    tpu.wait_dma2 semaphore(%arg33 : memref<!tpu.dma_semaphore, #tpu.memory_space<semaphore_mem>>) src(%dma_wait3A_206 : memref<896xi32, #tpu.memory_space<hbm>>) dst(%arg16 : memref<896xi32, #tpu.memory_space<vmem>>)
    %parallel_loop3A = arith.constant 0 : i32
    %parallel_loop3A_207 = arith.constant 56 : i32
    %parallel_loop3A_208 = arith.constant 1 : i32
    scf.for %parallel_loop3A_788 = %parallel_loop3A to %parallel_loop3A_207 step %parallel_loop3A_208  : i32 {
      %parallel_loop3A_789 = arith.constant 16 : i32
      %parallel_loop3A_790 = arith.muli %parallel_loop3A_789, %parallel_loop3A_788 : i32
      %parallel_loop3A_791 = arith.index_cast %parallel_loop3A_790 : i32 to index
      %parallel_loop3A_792 = tpu.vector_load %arg9[%parallel_loop3A_791] {strides = array<i32>} : memref<8192xf32, #tpu.memory_space<vmem>>, vector<16xf32>,
      %parallel_loop3A_793 = arith.constant 16 : i32
      %parallel_loop3A_794 = arith.muli %parallel_loop3A_793, %parallel_loop3A_788 : i32
      %parallel_loop3A_795 = arith.index_cast %parallel_loop3A_794 : i32 to index
      %parallel_loop3A_796 = tpu.vector_load %arg6[%parallel_loop3A_795] {strides = array<i32>} : memref<8192xf32, #tpu.memory_space<vmem>>, vector<16xf32>,
      %parallel_loop3A_797 = arith.mulf %parallel_loop3A_796, %parallel_loop3A_792 : vector<16xf32>
      %parallel_loop3A_798 = arith.constant 16 : i32
      %parallel_loop3A_799 = arith.muli %parallel_loop3A_798, %parallel_loop3A_788 : i32
      %parallel_loop3A_800 = arith.index_cast %parallel_loop3A_799 : i32 to index
      %parallel_loop3A_801 = tpu.vector_load %arg6[%parallel_loop3A_800] {strides = array<i32>} : memref<8192xf32, #tpu.memory_space<vmem>>, vector<16xf32>,
      tpu.vector_store %arg6[%parallel_loop3A_800], %parallel_loop3A_797 {strides = array<i32>} : memref<8192xf32, #tpu.memory_space<vmem>>, vector<16xf32>,
      %parallel_loop3A_802 = arith.constant 16 : i32
      %parallel_loop3A_803 = arith.muli %parallel_loop3A_802, %parallel_loop3A_788 : i32
      %parallel_loop3A_804 = arith.index_cast %parallel_loop3A_803 : i32 to index
      %parallel_loop3A_805 = tpu.vector_load %arg7[%parallel_loop3A_804] {strides = array<i32>} : memref<8192xf32, #tpu.memory_space<vmem>>, vector<16xf32>,
      %parallel_loop3A_806 = arith.mulf %parallel_loop3A_805, %parallel_loop3A_792 : vector<16xf32>
      %parallel_loop3A_807 = arith.constant 16 : i32
      %parallel_loop3A_808 = arith.muli %parallel_loop3A_807, %parallel_loop3A_788 : i32
      %parallel_loop3A_809 = arith.index_cast %parallel_loop3A_808 : i32 to index
      %parallel_loop3A_810 = tpu.vector_load %arg7[%parallel_loop3A_809] {strides = array<i32>} : memref<8192xf32, #tpu.memory_space<vmem>>, vector<16xf32>,
      tpu.vector_store %arg7[%parallel_loop3A_809], %parallel_loop3A_806 {strides = array<i32>} : memref<8192xf32, #tpu.memory_space<vmem>>, vector<16xf32>,
      %parallel_loop3A_811 = arith.constant 16 : i32
      %parallel_loop3A_812 = arith.muli %parallel_loop3A_811, %parallel_loop3A_788 : i32
      %parallel_loop3A_813 = arith.index_cast %parallel_loop3A_812 : i32 to index
      %parallel_loop3A_814 = tpu.vector_load %arg8[%parallel_loop3A_813] {strides = array<i32>} : memref<8192xf32, #tpu.memory_space<vmem>>, vector<16xf32>,
      %parallel_loop3A_815 = arith.mulf %parallel_loop3A_814, %parallel_loop3A_792 : vector<16xf32>
      %parallel_loop3A_816 = arith.constant 16 : i32
      %parallel_loop3A_817 = arith.muli %parallel_loop3A_816, %parallel_loop3A_788 : i32
      %parallel_loop3A_818 = arith.index_cast %parallel_loop3A_817 : i32 to index
      %parallel_loop3A_819 = tpu.vector_load %arg8[%parallel_loop3A_818] {strides = array<i32>} : memref<8192xf32, #tpu.memory_space<vmem>>, vector<16xf32>,
      tpu.vector_store %arg8[%parallel_loop3A_818], %parallel_loop3A_815 {strides = array<i32>} : memref<8192xf32, #tpu.memory_space<vmem>>, vector<16xf32>,
    } {sc.loop_unroll_factor = 4 : i64, sc.parallel_access}
    %dma_start3A_209 = arith.constant 0 : i32
    %dma_start3A_210 = tpu.memref_slice %arg6[%dma_start3A_209] : memref<8192xf32, #tpu.memory_space<vmem>> -> memref<896xf32, #tpu.memory_space<vmem>>
    %dma_start3A_211 = arith.constant 0 : i32
    %dma_start3A_212 = tpu.memref_slice %arg21[%dma_start3A_211] : memref<50176xf32, #tpu.memory_space<vmem_shared>> -> memref<50176xf32, #tpu.memory_space<vmem_shared>>
    tpu.enqueue_indirect_dma source(%dma_start3A_210 : memref<896xf32, #tpu.memory_space<vmem>>) target(%dma_start3A_212 : memref<50176xf32, #tpu.memory_space<vmem_shared>>) offsets(%arg16 : memref<896xi32, #tpu.memory_space<vmem>>) semaphore(%arg33 : memref<!tpu.dma_semaphore, #tpu.memory_space<semaphore_mem>>) {add = true}
    %dma_start3A_213 = arith.constant 0 : i32
    %dma_start3A_214 = tpu.memref_slice %arg7[%dma_start3A_213] : memref<8192xf32, #tpu.memory_space<vmem>> -> memref<896xf32, #tpu.memory_space<vmem>>
    %dma_start3A_215 = arith.constant 0 : i32
    %dma_start3A_216 = tpu.memref_slice %arg22[%dma_start3A_215] : memref<50176xf32, #tpu.memory_space<vmem_shared>> -> memref<50176xf32, #tpu.memory_space<vmem_shared>>
    tpu.enqueue_indirect_dma source(%dma_start3A_214 : memref<896xf32, #tpu.memory_space<vmem>>) target(%dma_start3A_216 : memref<50176xf32, #tpu.memory_space<vmem_shared>>) offsets(%arg16 : memref<896xi32, #tpu.memory_space<vmem>>) semaphore(%arg33 : memref<!tpu.dma_semaphore, #tpu.memory_space<semaphore_mem>>) {add = true}
    %dma_start3A_217 = arith.constant 0 : i32
    %dma_start3A_218 = tpu.memref_slice %arg8[%dma_start3A_217] : memref<8192xf32, #tpu.memory_space<vmem>> -> memref<896xf32, #tpu.memory_space<vmem>>
    %dma_start3A_219 = arith.constant 0 : i32
    %dma_start3A_220 = tpu.memref_slice %arg23[%dma_start3A_219] : memref<50176xf32, #tpu.memory_space<vmem_shared>> -> memref<50176xf32, #tpu.memory_space<vmem_shared>>
    tpu.enqueue_indirect_dma source(%dma_start3A_218 : memref<896xf32, #tpu.memory_space<vmem>>) target(%dma_start3A_220 : memref<50176xf32, #tpu.memory_space<vmem_shared>>) offsets(%arg16 : memref<896xi32, #tpu.memory_space<vmem>>) semaphore(%arg33 : memref<!tpu.dma_semaphore, #tpu.memory_space<semaphore_mem>>) {add = true}
    %dma_start3A_221 = arith.constant 0 : i32
    %dma_start3A_222 = tpu.memref_slice %arg9[%dma_start3A_221] : memref<8192xf32, #tpu.memory_space<vmem>> -> memref<896xf32, #tpu.memory_space<vmem>>
    %dma_start3A_223 = arith.constant 0 : i32
    %dma_start3A_224 = tpu.memref_slice %arg24[%dma_start3A_223] : memref<50176xf32, #tpu.memory_space<vmem_shared>> -> memref<50176xf32, #tpu.memory_space<vmem_shared>>
    tpu.enqueue_indirect_dma source(%dma_start3A_222 : memref<896xf32, #tpu.memory_space<vmem>>) target(%dma_start3A_224 : memref<50176xf32, #tpu.memory_space<vmem_shared>>) offsets(%arg16 : memref<896xi32, #tpu.memory_space<vmem>>) semaphore(%arg33 : memref<!tpu.dma_semaphore, #tpu.memory_space<semaphore_mem>>) {add = true}
    %dma_wait3A_225 = arith.constant 0 : i32
    %dma_wait3A_226 = tpu.memref_slice %arg6[%dma_wait3A_225] : memref<8192xf32, #tpu.memory_space<vmem>> -> memref<896xf32, #tpu.memory_space<vmem>>
    %dma_wait3A_227 = arith.constant 0 : i32
    %dma_wait3A_228 = tpu.memref_slice %arg21[%dma_wait3A_227] : memref<50176xf32, #tpu.memory_space<vmem_shared>> -> memref<50176xf32, #tpu.memory_space<vmem_shared>>
    tpu.wait_indirect_dma semaphore(%arg33 : memref<!tpu.dma_semaphore, #tpu.memory_space<semaphore_mem>>) src(%dma_wait3A_226 : memref<896xf32, #tpu.memory_space<vmem>>) dst(%dma_wait3A_228 : memref<50176xf32, #tpu.memory_space<vmem_shared>>)
    %dma_wait3A_229 = arith.constant 0 : i32
    %dma_wait3A_230 = tpu.memref_slice %arg7[%dma_wait3A_229] : memref<8192xf32, #tpu.memory_space<vmem>> -> memref<896xf32, #tpu.memory_space<vmem>>
    %dma_wait3A_231 = arith.constant 0 : i32
    %dma_wait3A_232 = tpu.memref_slice %arg22[%dma_wait3A_231] : memref<50176xf32, #tpu.memory_space<vmem_shared>> -> memref<50176xf32, #tpu.memory_space<vmem_shared>>
    tpu.wait_indirect_dma semaphore(%arg33 : memref<!tpu.dma_semaphore, #tpu.memory_space<semaphore_mem>>) src(%dma_wait3A_230 : memref<896xf32, #tpu.memory_space<vmem>>) dst(%dma_wait3A_232 : memref<50176xf32, #tpu.memory_space<vmem_shared>>)
    %dma_wait3A_233 = arith.constant 0 : i32
    %dma_wait3A_234 = tpu.memref_slice %arg8[%dma_wait3A_233] : memref<8192xf32, #tpu.memory_space<vmem>> -> memref<896xf32, #tpu.memory_space<vmem>>
    %dma_wait3A_235 = arith.constant 0 : i32
    %dma_wait3A_236 = tpu.memref_slice %arg23[%dma_wait3A_235] : memref<50176xf32, #tpu.memory_space<vmem_shared>> -> memref<50176xf32, #tpu.memory_space<vmem_shared>>
    tpu.wait_indirect_dma semaphore(%arg33 : memref<!tpu.dma_semaphore, #tpu.memory_space<semaphore_mem>>) src(%dma_wait3A_234 : memref<896xf32, #tpu.memory_space<vmem>>) dst(%dma_wait3A_236 : memref<50176xf32, #tpu.memory_space<vmem_shared>>)
    %dma_wait3A_237 = arith.constant 0 : i32
    %dma_wait3A_238 = tpu.memref_slice %arg9[%dma_wait3A_237] : memref<8192xf32, #tpu.memory_space<vmem>> -> memref<896xf32, #tpu.memory_space<vmem>>
    %dma_wait3A_239 = arith.constant 0 : i32
    %dma_wait3A_240 = tpu.memref_slice %arg24[%dma_wait3A_239] : memref<50176xf32, #tpu.memory_space<vmem_shared>> -> memref<50176xf32, #tpu.memory_space<vmem_shared>>
    tpu.wait_indirect_dma semaphore(%arg33 : memref<!tpu.dma_semaphore, #tpu.memory_space<semaphore_mem>>) src(%dma_wait3A_238 : memref<896xf32, #tpu.memory_space<vmem>>) dst(%dma_wait3A_240 : memref<50176xf32, #tpu.memory_space<vmem_shared>>)
    %add3A_241 = arith.constant 16 : i32
    %add3A_242 = arith.addi %arg1, %add3A_241 : i32
    %mul3A_243 = arith.constant 32 : i32
    %mul3A_244 = arith.muli %add3A_24, %mul3A_243 : i32
    %add3A_245 = arith.addi %mul3A_244, %add3A_242 : i32
    %mul3A_246 = arith.constant 50048 : i32
    %mul3A_247 = arith.muli %add3A_245, %mul3A_246 : i32
    %add3A_248 = arith.constant 49152 : i32
    %add3A_249 = arith.addi %mul3A_247, %add3A_248 : i32
    %mul3A_250 = arith.constant 3 : i32
    %mul3A_251 = arith.muli %add3A_24, %mul3A_250 : i32
    %add3A_252 = arith.constant 0 : i32
    %add3A_253 = arith.addi %mul3A_251, %add3A_252 : i32
    %mul3A_254 = arith.constant 32 : i32
    %mul3A_255 = arith.muli %add3A_253, %mul3A_254 : i32
    %add3A_256 = arith.addi %mul3A_255, %add3A_242 : i32
    %mul3A_257 = arith.constant 50048 : i32
    %mul3A_258 = arith.muli %add3A_256, %mul3A_257 : i32
    %add3A_259 = arith.constant 49152 : i32
    %add3A_260 = arith.addi %mul3A_258, %add3A_259 : i32
    %dma_start3A_261 = arith.constant 0 : i32
    %dma_start3A_262 = tpu.memref_slice %arg6[%dma_start3A_261] : memref<8192xf32, #tpu.memory_space<vmem>> -> memref<896xf32, #tpu.memory_space<vmem>>
    %dma_start3A_263 = tpu.memref_slice %arg2[%add3A_260] : memref<19218432xf32, #tpu.memory_space<hbm>> -> memref<896xf32, #tpu.memory_space<hbm>>
    %dma_start3A_264 = arith.constant 0 : i32
    %dma_start3A_265 = tpu.memref_slice %arg6[%dma_start3A_264] : memref<8192xf32, #tpu.memory_space<vmem>> -> memref<896xf32, #tpu.memory_space<vmem>>
    %dma_start3A_266 = tpu.memref_slice %arg2[%add3A_260] : memref<19218432xf32, #tpu.memory_space<hbm>> -> memref<896xf32, #tpu.memory_space<hbm>>
    tpu.enqueue_dma source(%dma_start3A_266 : memref<896xf32, #tpu.memory_space<hbm>>) target(%dma_start3A_265 : memref<896xf32, #tpu.memory_space<vmem>>) target_semaphore(%arg33 : memref<!tpu.dma_semaphore, #tpu.memory_space<semaphore_mem>>)
    %mul3A_267 = arith.constant 3 : i32
    %mul3A_268 = arith.muli %add3A_24, %mul3A_267 : i32
    %add3A_269 = arith.constant 1 : i32
    %add3A_270 = arith.addi %mul3A_268, %add3A_269 : i32
    %mul3A_271 = arith.constant 32 : i32
    %mul3A_272 = arith.muli %add3A_270, %mul3A_271 : i32
    %add3A_273 = arith.addi %mul3A_272, %add3A_242 : i32
    %mul3A_274 = arith.constant 50048 : i32
    %mul3A_275 = arith.muli %add3A_273, %mul3A_274 : i32
    %add3A_276 = arith.constant 49152 : i32
    %add3A_277 = arith.addi %mul3A_275, %add3A_276 : i32
    %dma_start3A_278 = arith.constant 0 : i32
    %dma_start3A_279 = tpu.memref_slice %arg7[%dma_start3A_278] : memref<8192xf32, #tpu.memory_space<vmem>> -> memref<896xf32, #tpu.memory_space<vmem>>
    %dma_start3A_280 = tpu.memref_slice %arg2[%add3A_277] : memref<19218432xf32, #tpu.memory_space<hbm>> -> memref<896xf32, #tpu.memory_space<hbm>>
    %dma_start3A_281 = arith.constant 0 : i32
    %dma_start3A_282 = tpu.memref_slice %arg7[%dma_start3A_281] : memref<8192xf32, #tpu.memory_space<vmem>> -> memref<896xf32, #tpu.memory_space<vmem>>
    %dma_start3A_283 = tpu.memref_slice %arg2[%add3A_277] : memref<19218432xf32, #tpu.memory_space<hbm>> -> memref<896xf32, #tpu.memory_space<hbm>>
    tpu.enqueue_dma source(%dma_start3A_283 : memref<896xf32, #tpu.memory_space<hbm>>) target(%dma_start3A_282 : memref<896xf32, #tpu.memory_space<vmem>>) target_semaphore(%arg33 : memref<!tpu.dma_semaphore, #tpu.memory_space<semaphore_mem>>)
    %mul3A_284 = arith.constant 3 : i32
    %mul3A_285 = arith.muli %add3A_24, %mul3A_284 : i32
    %add3A_286 = arith.constant 2 : i32
    %add3A_287 = arith.addi %mul3A_285, %add3A_286 : i32
    %mul3A_288 = arith.constant 32 : i32
    %mul3A_289 = arith.muli %add3A_287, %mul3A_288 : i32
    %add3A_290 = arith.addi %mul3A_289, %add3A_242 : i32
    %mul3A_291 = arith.constant 50048 : i32
    %mul3A_292 = arith.muli %add3A_290, %mul3A_291 : i32
    %add3A_293 = arith.constant 49152 : i32
    %add3A_294 = arith.addi %mul3A_292, %add3A_293 : i32
    %dma_start3A_295 = arith.constant 0 : i32
    %dma_start3A_296 = tpu.memref_slice %arg8[%dma_start3A_295] : memref<8192xf32, #tpu.memory_space<vmem>> -> memref<896xf32, #tpu.memory_space<vmem>>
    %dma_start3A_297 = tpu.memref_slice %arg2[%add3A_294] : memref<19218432xf32, #tpu.memory_space<hbm>> -> memref<896xf32, #tpu.memory_space<hbm>>
    %dma_start3A_298 = arith.constant 0 : i32
    %dma_start3A_299 = tpu.memref_slice %arg8[%dma_start3A_298] : memref<8192xf32, #tpu.memory_space<vmem>> -> memref<896xf32, #tpu.memory_space<vmem>>
    %dma_start3A_300 = tpu.memref_slice %arg2[%add3A_294] : memref<19218432xf32, #tpu.memory_space<hbm>> -> memref<896xf32, #tpu.memory_space<hbm>>
    tpu.enqueue_dma source(%dma_start3A_300 : memref<896xf32, #tpu.memory_space<hbm>>) target(%dma_start3A_299 : memref<896xf32, #tpu.memory_space<vmem>>) target_semaphore(%arg33 : memref<!tpu.dma_semaphore, #tpu.memory_space<semaphore_mem>>)
    %dma_start3A_301 = arith.constant 0 : i32
    %dma_start3A_302 = tpu.memref_slice %arg9[%dma_start3A_301] : memref<8192xf32, #tpu.memory_space<vmem>> -> memref<896xf32, #tpu.memory_space<vmem>>
    %dma_start3A_303 = tpu.memref_slice %arg3[%add3A_249] : memref<6406144xf32, #tpu.memory_space<hbm>> -> memref<896xf32, #tpu.memory_space<hbm>>
    %dma_start3A_304 = arith.constant 0 : i32
    %dma_start3A_305 = tpu.memref_slice %arg9[%dma_start3A_304] : memref<8192xf32, #tpu.memory_space<vmem>> -> memref<896xf32, #tpu.memory_space<vmem>>
    %dma_start3A_306 = tpu.memref_slice %arg3[%add3A_249] : memref<6406144xf32, #tpu.memory_space<hbm>> -> memref<896xf32, #tpu.memory_space<hbm>>
    tpu.enqueue_dma source(%dma_start3A_306 : memref<896xf32, #tpu.memory_space<hbm>>) target(%dma_start3A_305 : memref<896xf32, #tpu.memory_space<vmem>>) target_semaphore(%arg33 : memref<!tpu.dma_semaphore, #tpu.memory_space<semaphore_mem>>)
    %dma_start3A_307 = tpu.memref_slice %arg4[%add3A_249] : memref<6406144xi32, #tpu.memory_space<hbm>> -> memref<896xi32, #tpu.memory_space<hbm>>
    %dma_start3A_308 = tpu.memref_slice %arg4[%add3A_249] : memref<6406144xi32, #tpu.memory_space<hbm>> -> memref<896xi32, #tpu.memory_space<hbm>>
    tpu.enqueue_dma source(%dma_start3A_308 : memref<896xi32, #tpu.memory_space<hbm>>) target(%arg16 : memref<896xi32, #tpu.memory_space<vmem>>) target_semaphore(%arg33 : memref<!tpu.dma_semaphore, #tpu.memory_space<semaphore_mem>>)
    %dma_wait3A_309 = arith.constant 0 : i32
    %dma_wait3A_310 = tpu.memref_slice %arg6[%dma_wait3A_309] : memref<8192xf32, #tpu.memory_space<vmem>> -> memref<896xf32, #tpu.memory_space<vmem>>
    %dma_wait3A_311 = tpu.memref_slice %arg2[%add3A_260] : memref<19218432xf32, #tpu.memory_space<hbm>> -> memref<896xf32, #tpu.memory_space<hbm>>
    %dma_wait3A_312 = arith.constant 0 : i32
    %dma_wait3A_313 = tpu.memref_slice %arg6[%dma_wait3A_312] : memref<8192xf32, #tpu.memory_space<vmem>> -> memref<896xf32, #tpu.memory_space<vmem>>
    %dma_wait3A_314 = tpu.memref_slice %arg2[%add3A_260] : memref<19218432xf32, #tpu.memory_space<hbm>> -> memref<896xf32, #tpu.memory_space<hbm>>
    tpu.wait_dma2 semaphore(%arg33 : memref<!tpu.dma_semaphore, #tpu.memory_space<semaphore_mem>>) src(%dma_wait3A_314 : memref<896xf32, #tpu.memory_space<hbm>>) dst(%dma_wait3A_313 : memref<896xf32, #tpu.memory_space<vmem>>)
    %dma_wait3A_315 = arith.constant 0 : i32
    %dma_wait3A_316 = tpu.memref_slice %arg7[%dma_wait3A_315] : memref<8192xf32, #tpu.memory_space<vmem>> -> memref<896xf32, #tpu.memory_space<vmem>>
    %dma_wait3A_317 = tpu.memref_slice %arg2[%add3A_277] : memref<19218432xf32, #tpu.memory_space<hbm>> -> memref<896xf32, #tpu.memory_space<hbm>>
    %dma_wait3A_318 = arith.constant 0 : i32
    %dma_wait3A_319 = tpu.memref_slice %arg7[%dma_wait3A_318] : memref<8192xf32, #tpu.memory_space<vmem>> -> memref<896xf32, #tpu.memory_space<vmem>>
    %dma_wait3A_320 = tpu.memref_slice %arg2[%add3A_277] : memref<19218432xf32, #tpu.memory_space<hbm>> -> memref<896xf32, #tpu.memory_space<hbm>>
    tpu.wait_dma2 semaphore(%arg33 : memref<!tpu.dma_semaphore, #tpu.memory_space<semaphore_mem>>) src(%dma_wait3A_320 : memref<896xf32, #tpu.memory_space<hbm>>) dst(%dma_wait3A_319 : memref<896xf32, #tpu.memory_space<vmem>>)
    %dma_wait3A_321 = arith.constant 0 : i32
    %dma_wait3A_322 = tpu.memref_slice %arg8[%dma_wait3A_321] : memref<8192xf32, #tpu.memory_space<vmem>> -> memref<896xf32, #tpu.memory_space<vmem>>
    %dma_wait3A_323 = tpu.memref_slice %arg2[%add3A_294] : memref<19218432xf32, #tpu.memory_space<hbm>> -> memref<896xf32, #tpu.memory_space<hbm>>
    %dma_wait3A_324 = arith.constant 0 : i32
    %dma_wait3A_325 = tpu.memref_slice %arg8[%dma_wait3A_324] : memref<8192xf32, #tpu.memory_space<vmem>> -> memref<896xf32, #tpu.memory_space<vmem>>
    %dma_wait3A_326 = tpu.memref_slice %arg2[%add3A_294] : memref<19218432xf32, #tpu.memory_space<hbm>> -> memref<896xf32, #tpu.memory_space<hbm>>
    tpu.wait_dma2 semaphore(%arg33 : memref<!tpu.dma_semaphore, #tpu.memory_space<semaphore_mem>>) src(%dma_wait3A_326 : memref<896xf32, #tpu.memory_space<hbm>>) dst(%dma_wait3A_325 : memref<896xf32, #tpu.memory_space<vmem>>)
    %dma_wait3A_327 = arith.constant 0 : i32
    %dma_wait3A_328 = tpu.memref_slice %arg9[%dma_wait3A_327] : memref<8192xf32, #tpu.memory_space<vmem>> -> memref<896xf32, #tpu.memory_space<vmem>>
    %dma_wait3A_329 = tpu.memref_slice %arg3[%add3A_249] : memref<6406144xf32, #tpu.memory_space<hbm>> -> memref<896xf32, #tpu.memory_space<hbm>>
    %dma_wait3A_330 = arith.constant 0 : i32
    %dma_wait3A_331 = tpu.memref_slice %arg9[%dma_wait3A_330] : memref<8192xf32, #tpu.memory_space<vmem>> -> memref<896xf32, #tpu.memory_space<vmem>>
    %dma_wait3A_332 = tpu.memref_slice %arg3[%add3A_249] : memref<6406144xf32, #tpu.memory_space<hbm>> -> memref<896xf32, #tpu.memory_space<hbm>>
    tpu.wait_dma2 semaphore(%arg33 : memref<!tpu.dma_semaphore, #tpu.memory_space<semaphore_mem>>) src(%dma_wait3A_332 : memref<896xf32, #tpu.memory_space<hbm>>) dst(%dma_wait3A_331 : memref<896xf32, #tpu.memory_space<vmem>>)
    %dma_wait3A_333 = tpu.memref_slice %arg4[%add3A_249] : memref<6406144xi32, #tpu.memory_space<hbm>> -> memref<896xi32, #tpu.memory_space<hbm>>
    %dma_wait3A_334 = tpu.memref_slice %arg4[%add3A_249] : memref<6406144xi32, #tpu.memory_space<hbm>> -> memref<896xi32, #tpu.memory_space<hbm>>
    tpu.wait_dma2 semaphore(%arg33 : memref<!tpu.dma_semaphore, #tpu.memory_space<semaphore_mem>>) src(%dma_wait3A_334 : memref<896xi32, #tpu.memory_space<hbm>>) dst(%arg16 : memref<896xi32, #tpu.memory_space<vmem>>)
    %parallel_loop3A_335 = arith.constant 0 : i32
    %parallel_loop3A_336 = arith.constant 56 : i32
    %parallel_loop3A_337 = arith.constant 1 : i32
    scf.for %parallel_loop3A_788 = %parallel_loop3A_335 to %parallel_loop3A_336 step %parallel_loop3A_337  : i32 {
      %parallel_loop3A_789 = arith.constant 16 : i32
      %parallel_loop3A_790 = arith.muli %parallel_loop3A_789, %parallel_loop3A_788 : i32
      %parallel_loop3A_791 = arith.index_cast %parallel_loop3A_790 : i32 to index
      %parallel_loop3A_792 = tpu.vector_load %arg9[%parallel_loop3A_791] {strides = array<i32>} : memref<8192xf32, #tpu.memory_space<vmem>>, vector<16xf32>,
      %parallel_loop3A_793 = arith.constant 16 : i32
      %parallel_loop3A_794 = arith.muli %parallel_loop3A_793, %parallel_loop3A_788 : i32
      %parallel_loop3A_795 = arith.index_cast %parallel_loop3A_794 : i32 to index
      %parallel_loop3A_796 = tpu.vector_load %arg6[%parallel_loop3A_795] {strides = array<i32>} : memref<8192xf32, #tpu.memory_space<vmem>>, vector<16xf32>,
      %parallel_loop3A_797 = arith.mulf %parallel_loop3A_796, %parallel_loop3A_792 : vector<16xf32>
      %parallel_loop3A_798 = arith.constant 16 : i32
      %parallel_loop3A_799 = arith.muli %parallel_loop3A_798, %parallel_loop3A_788 : i32
      %parallel_loop3A_800 = arith.index_cast %parallel_loop3A_799 : i32 to index
      %parallel_loop3A_801 = tpu.vector_load %arg6[%parallel_loop3A_800] {strides = array<i32>} : memref<8192xf32, #tpu.memory_space<vmem>>, vector<16xf32>,
      tpu.vector_store %arg6[%parallel_loop3A_800], %parallel_loop3A_797 {strides = array<i32>} : memref<8192xf32, #tpu.memory_space<vmem>>, vector<16xf32>,
      %parallel_loop3A_802 = arith.constant 16 : i32
      %parallel_loop3A_803 = arith.muli %parallel_loop3A_802, %parallel_loop3A_788 : i32
      %parallel_loop3A_804 = arith.index_cast %parallel_loop3A_803 : i32 to index
      %parallel_loop3A_805 = tpu.vector_load %arg7[%parallel_loop3A_804] {strides = array<i32>} : memref<8192xf32, #tpu.memory_space<vmem>>, vector<16xf32>,
      %parallel_loop3A_806 = arith.mulf %parallel_loop3A_805, %parallel_loop3A_792 : vector<16xf32>
      %parallel_loop3A_807 = arith.constant 16 : i32
      %parallel_loop3A_808 = arith.muli %parallel_loop3A_807, %parallel_loop3A_788 : i32
      %parallel_loop3A_809 = arith.index_cast %parallel_loop3A_808 : i32 to index
      %parallel_loop3A_810 = tpu.vector_load %arg7[%parallel_loop3A_809] {strides = array<i32>} : memref<8192xf32, #tpu.memory_space<vmem>>, vector<16xf32>,
      tpu.vector_store %arg7[%parallel_loop3A_809], %parallel_loop3A_806 {strides = array<i32>} : memref<8192xf32, #tpu.memory_space<vmem>>, vector<16xf32>,
      %parallel_loop3A_811 = arith.constant 16 : i32
      %parallel_loop3A_812 = arith.muli %parallel_loop3A_811, %parallel_loop3A_788 : i32
      %parallel_loop3A_813 = arith.index_cast %parallel_loop3A_812 : i32 to index
      %parallel_loop3A_814 = tpu.vector_load %arg8[%parallel_loop3A_813] {strides = array<i32>} : memref<8192xf32, #tpu.memory_space<vmem>>, vector<16xf32>,
      %parallel_loop3A_815 = arith.mulf %parallel_loop3A_814, %parallel_loop3A_792 : vector<16xf32>
      %parallel_loop3A_816 = arith.constant 16 : i32
      %parallel_loop3A_817 = arith.muli %parallel_loop3A_816, %parallel_loop3A_788 : i32
      %parallel_loop3A_818 = arith.index_cast %parallel_loop3A_817 : i32 to index
      %parallel_loop3A_819 = tpu.vector_load %arg8[%parallel_loop3A_818] {strides = array<i32>} : memref<8192xf32, #tpu.memory_space<vmem>>, vector<16xf32>,
      tpu.vector_store %arg8[%parallel_loop3A_818], %parallel_loop3A_815 {strides = array<i32>} : memref<8192xf32, #tpu.memory_space<vmem>>, vector<16xf32>,
    } {sc.loop_unroll_factor = 4 : i64, sc.parallel_access}
    %dma_start3A_338 = arith.constant 0 : i32
    %dma_start3A_339 = tpu.memref_slice %arg6[%dma_start3A_338] : memref<8192xf32, #tpu.memory_space<vmem>> -> memref<896xf32, #tpu.memory_space<vmem>>
    %dma_start3A_340 = arith.constant 0 : i32
    %dma_start3A_341 = tpu.memref_slice %arg21[%dma_start3A_340] : memref<50176xf32, #tpu.memory_space<vmem_shared>> -> memref<50176xf32, #tpu.memory_space<vmem_shared>>
    tpu.enqueue_indirect_dma source(%dma_start3A_339 : memref<896xf32, #tpu.memory_space<vmem>>) target(%dma_start3A_341 : memref<50176xf32, #tpu.memory_space<vmem_shared>>) offsets(%arg16 : memref<896xi32, #tpu.memory_space<vmem>>) semaphore(%arg33 : memref<!tpu.dma_semaphore, #tpu.memory_space<semaphore_mem>>) {add = true}
    %dma_start3A_342 = arith.constant 0 : i32
    %dma_start3A_343 = tpu.memref_slice %arg7[%dma_start3A_342] : memref<8192xf32, #tpu.memory_space<vmem>> -> memref<896xf32, #tpu.memory_space<vmem>>
    %dma_start3A_344 = arith.constant 0 : i32
    %dma_start3A_345 = tpu.memref_slice %arg22[%dma_start3A_344] : memref<50176xf32, #tpu.memory_space<vmem_shared>> -> memref<50176xf32, #tpu.memory_space<vmem_shared>>
    tpu.enqueue_indirect_dma source(%dma_start3A_343 : memref<896xf32, #tpu.memory_space<vmem>>) target(%dma_start3A_345 : memref<50176xf32, #tpu.memory_space<vmem_shared>>) offsets(%arg16 : memref<896xi32, #tpu.memory_space<vmem>>) semaphore(%arg33 : memref<!tpu.dma_semaphore, #tpu.memory_space<semaphore_mem>>) {add = true}
    %dma_start3A_346 = arith.constant 0 : i32
    %dma_start3A_347 = tpu.memref_slice %arg8[%dma_start3A_346] : memref<8192xf32, #tpu.memory_space<vmem>> -> memref<896xf32, #tpu.memory_space<vmem>>
    %dma_start3A_348 = arith.constant 0 : i32
    %dma_start3A_349 = tpu.memref_slice %arg23[%dma_start3A_348] : memref<50176xf32, #tpu.memory_space<vmem_shared>> -> memref<50176xf32, #tpu.memory_space<vmem_shared>>
    tpu.enqueue_indirect_dma source(%dma_start3A_347 : memref<896xf32, #tpu.memory_space<vmem>>) target(%dma_start3A_349 : memref<50176xf32, #tpu.memory_space<vmem_shared>>) offsets(%arg16 : memref<896xi32, #tpu.memory_space<vmem>>) semaphore(%arg33 : memref<!tpu.dma_semaphore, #tpu.memory_space<semaphore_mem>>) {add = true}
    %dma_start3A_350 = arith.constant 0 : i32
    %dma_start3A_351 = tpu.memref_slice %arg9[%dma_start3A_350] : memref<8192xf32, #tpu.memory_space<vmem>> -> memref<896xf32, #tpu.memory_space<vmem>>
    %dma_start3A_352 = arith.constant 0 : i32
    %dma_start3A_353 = tpu.memref_slice %arg24[%dma_start3A_352] : memref<50176xf32, #tpu.memory_space<vmem_shared>> -> memref<50176xf32, #tpu.memory_space<vmem_shared>>
    tpu.enqueue_indirect_dma source(%dma_start3A_351 : memref<896xf32, #tpu.memory_space<vmem>>) target(%dma_start3A_353 : memref<50176xf32, #tpu.memory_space<vmem_shared>>) offsets(%arg16 : memref<896xi32, #tpu.memory_space<vmem>>) semaphore(%arg33 : memref<!tpu.dma_semaphore, #tpu.memory_space<semaphore_mem>>) {add = true}
    %dma_wait3A_354 = arith.constant 0 : i32
    %dma_wait3A_355 = tpu.memref_slice %arg6[%dma_wait3A_354] : memref<8192xf32, #tpu.memory_space<vmem>> -> memref<896xf32, #tpu.memory_space<vmem>>
    %dma_wait3A_356 = arith.constant 0 : i32
    %dma_wait3A_357 = tpu.memref_slice %arg21[%dma_wait3A_356] : memref<50176xf32, #tpu.memory_space<vmem_shared>> -> memref<50176xf32, #tpu.memory_space<vmem_shared>>
    tpu.wait_indirect_dma semaphore(%arg33 : memref<!tpu.dma_semaphore, #tpu.memory_space<semaphore_mem>>) src(%dma_wait3A_355 : memref<896xf32, #tpu.memory_space<vmem>>) dst(%dma_wait3A_357 : memref<50176xf32, #tpu.memory_space<vmem_shared>>)
    %dma_wait3A_358 = arith.constant 0 : i32
    %dma_wait3A_359 = tpu.memref_slice %arg7[%dma_wait3A_358] : memref<8192xf32, #tpu.memory_space<vmem>> -> memref<896xf32, #tpu.memory_space<vmem>>
    %dma_wait3A_360 = arith.constant 0 : i32
    %dma_wait3A_361 = tpu.memref_slice %arg22[%dma_wait3A_360] : memref<50176xf32, #tpu.memory_space<vmem_shared>> -> memref<50176xf32, #tpu.memory_space<vmem_shared>>
    tpu.wait_indirect_dma semaphore(%arg33 : memref<!tpu.dma_semaphore, #tpu.memory_space<semaphore_mem>>) src(%dma_wait3A_359 : memref<896xf32, #tpu.memory_space<vmem>>) dst(%dma_wait3A_361 : memref<50176xf32, #tpu.memory_space<vmem_shared>>)
    %dma_wait3A_362 = arith.constant 0 : i32
    %dma_wait3A_363 = tpu.memref_slice %arg8[%dma_wait3A_362] : memref<8192xf32, #tpu.memory_space<vmem>> -> memref<896xf32, #tpu.memory_space<vmem>>
    %dma_wait3A_364 = arith.constant 0 : i32
    %dma_wait3A_365 = tpu.memref_slice %arg23[%dma_wait3A_364] : memref<50176xf32, #tpu.memory_space<vmem_shared>> -> memref<50176xf32, #tpu.memory_space<vmem_shared>>
    tpu.wait_indirect_dma semaphore(%arg33 : memref<!tpu.dma_semaphore, #tpu.memory_space<semaphore_mem>>) src(%dma_wait3A_363 : memref<896xf32, #tpu.memory_space<vmem>>) dst(%dma_wait3A_365 : memref<50176xf32, #tpu.memory_space<vmem_shared>>)
    %dma_wait3A_366 = arith.constant 0 : i32
    %dma_wait3A_367 = tpu.memref_slice %arg9[%dma_wait3A_366] : memref<8192xf32, #tpu.memory_space<vmem>> -> memref<896xf32, #tpu.memory_space<vmem>>
    %dma_wait3A_368 = arith.constant 0 : i32
    %dma_wait3A_369 = tpu.memref_slice %arg24[%dma_wait3A_368] : memref<50176xf32, #tpu.memory_space<vmem_shared>> -> memref<50176xf32, #tpu.memory_space<vmem_shared>>
    tpu.wait_indirect_dma semaphore(%arg33 : memref<!tpu.dma_semaphore, #tpu.memory_space<semaphore_mem>>) src(%dma_wait3A_367 : memref<896xf32, #tpu.memory_space<vmem>>) dst(%dma_wait3A_369 : memref<50176xf32, #tpu.memory_space<vmem_shared>>)
    %mul3A_370 = arith.constant 2 : i32
    %mul3A_371 = arith.muli %mul3A_370, %arg0 : i32
    %add3A_372 = arith.constant 1 : i32
    %add3A_373 = arith.addi %mul3A_371, %add3A_372 : i32
    %add3A_374 = arith.constant 0 : i32
    %add3A_375 = arith.addi %arg1, %add3A_374 : i32
    %jit3A_376 = arith.constant 6 : i32
    %div3A_377 = arith.divsi %add3A_375, %jit3A_376 : i32
    %sign3A_378 = arith.constant 0 : i32
    %sign3A_379 = arith.cmpi sgt, %add3A_375, %sign3A_378 : i32
    %sign3A_380 = arith.extui %sign3A_379 : i1 to i32
    %sign3A_381 = arith.constant 0 : i32
    %sign3A_382 = arith.cmpi slt, %add3A_375, %sign3A_381 : i32
    %sign3A_383 = arith.extui %sign3A_382 : i1 to i32
    %sign3A_384 = arith.subi %sign3A_380, %sign3A_383 : i32
    %sign3A_385 = arith.constant 0 : i32
    %sign3A_386 = arith.cmpi sgt, %jit3A_376, %sign3A_385 : i32
    %sign3A_387 = arith.extui %sign3A_386 : i1 to i32
    %sign3A_388 = arith.constant 0 : i32
    %sign3A_389 = arith.cmpi slt, %jit3A_376, %sign3A_388 : i32
    %sign3A_390 = arith.extui %sign3A_389 : i1 to i32
    %sign3A_391 = arith.subi %sign3A_387, %sign3A_390 : i32
    %ne3A_392 = arith.cmpi ne, %sign3A_384, %sign3A_391 : i32
    %rem3A_393 = arith.remsi %add3A_375, %jit3A_376 : i32
    %ne3A_394 = arith.constant 0 : i32
    %ne3A_395 = arith.cmpi ne, %rem3A_393, %ne3A_394 : i32
    %and3A_396 = arith.andi %ne3A_392, %ne3A_395 : i1
    %sub3A_397 = arith.constant 1 : i32
    %sub3A_398 = arith.subi %div3A_377, %sub3A_397 : i32
    %select_n3A_399 = arith.select %and3A_396, %sub3A_398, %div3A_377 : i32
    %mul3A_400 = arith.constant 6 : i32
    %mul3A_401 = arith.muli %select_n3A_399, %mul3A_400 : i32
    %sub3A_402 = arith.subi %add3A_375, %mul3A_401 : i32
    %mul3A_403 = arith.constant 8192 : i32
    %mul3A_404 = arith.muli %sub3A_402, %mul3A_403 : i32
    %mul3A_405 = arith.constant 50048 : i32
    %mul3A_406 = arith.muli %select_n3A_399, %mul3A_405 : i32
    %add3A_407 = arith.addi %mul3A_406, %mul3A_404 : i32
    %mul3A_408 = arith.constant 32 : i32
    %mul3A_409 = arith.muli %add3A_373, %mul3A_408 : i32
    %add3A_410 = arith.addi %mul3A_409, %select_n3A_399 : i32
    %mul3A_411 = arith.constant 50048 : i32
    %mul3A_412 = arith.muli %add3A_410, %mul3A_411 : i32
    %add3A_413 = arith.addi %mul3A_412, %mul3A_404 : i32
    %mul3A_414 = arith.constant 3 : i32
    %mul3A_415 = arith.muli %add3A_373, %mul3A_414 : i32
    %add3A_416 = arith.constant 0 : i32
    %add3A_417 = arith.addi %mul3A_415, %add3A_416 : i32
    %mul3A_418 = arith.constant 32 : i32
    %mul3A_419 = arith.muli %add3A_417, %mul3A_418 : i32
    %mul3A_420 = arith.constant 50048 : i32
    %mul3A_421 = arith.muli %mul3A_419, %mul3A_420 : i32
    %add3A_422 = arith.addi %mul3A_421, %add3A_407 : i32
    %dma_start3A_423 = tpu.memref_slice %arg2[%add3A_422] : memref<19218432xf32, #tpu.memory_space<hbm>> -> memref<8192xf32, #tpu.memory_space<hbm>>
    %dma_start3A_424 = tpu.memref_slice %arg2[%add3A_422] : memref<19218432xf32, #tpu.memory_space<hbm>> -> memref<8192xf32, #tpu.memory_space<hbm>>
    tpu.enqueue_dma source(%dma_start3A_424 : memref<8192xf32, #tpu.memory_space<hbm>>) target(%arg6 : memref<8192xf32, #tpu.memory_space<vmem>>) target_semaphore(%arg29 : memref<!tpu.dma_semaphore, #tpu.memory_space<semaphore_mem>>)
    %mul3A_425 = arith.constant 3 : i32
    %mul3A_426 = arith.muli %add3A_373, %mul3A_425 : i32
    %add3A_427 = arith.constant 1 : i32
    %add3A_428 = arith.addi %mul3A_426, %add3A_427 : i32
    %mul3A_429 = arith.constant 32 : i32
    %mul3A_430 = arith.muli %add3A_428, %mul3A_429 : i32
    %mul3A_431 = arith.constant 50048 : i32
    %mul3A_432 = arith.muli %mul3A_430, %mul3A_431 : i32
    %add3A_433 = arith.addi %mul3A_432, %add3A_407 : i32
    %dma_start3A_434 = tpu.memref_slice %arg2[%add3A_433] : memref<19218432xf32, #tpu.memory_space<hbm>> -> memref<8192xf32, #tpu.memory_space<hbm>>
    %dma_start3A_435 = tpu.memref_slice %arg2[%add3A_433] : memref<19218432xf32, #tpu.memory_space<hbm>> -> memref<8192xf32, #tpu.memory_space<hbm>>
    tpu.enqueue_dma source(%dma_start3A_435 : memref<8192xf32, #tpu.memory_space<hbm>>) target(%arg7 : memref<8192xf32, #tpu.memory_space<vmem>>) target_semaphore(%arg29 : memref<!tpu.dma_semaphore, #tpu.memory_space<semaphore_mem>>)
    %mul3A_436 = arith.constant 3 : i32
    %mul3A_437 = arith.muli %add3A_373, %mul3A_436 : i32
    %add3A_438 = arith.constant 2 : i32
    %add3A_439 = arith.addi %mul3A_437, %add3A_438 : i32
    %mul3A_440 = arith.constant 32 : i32
    %mul3A_441 = arith.muli %add3A_439, %mul3A_440 : i32
    %mul3A_442 = arith.constant 50048 : i32
    %mul3A_443 = arith.muli %mul3A_441, %mul3A_442 : i32
    %add3A_444 = arith.addi %mul3A_443, %add3A_407 : i32
    %dma_start3A_445 = tpu.memref_slice %arg2[%add3A_444] : memref<19218432xf32, #tpu.memory_space<hbm>> -> memref<8192xf32, #tpu.memory_space<hbm>>
    %dma_start3A_446 = tpu.memref_slice %arg2[%add3A_444] : memref<19218432xf32, #tpu.memory_space<hbm>> -> memref<8192xf32, #tpu.memory_space<hbm>>
    tpu.enqueue_dma source(%dma_start3A_446 : memref<8192xf32, #tpu.memory_space<hbm>>) target(%arg8 : memref<8192xf32, #tpu.memory_space<vmem>>) target_semaphore(%arg29 : memref<!tpu.dma_semaphore, #tpu.memory_space<semaphore_mem>>)
    %dma_start3A_447 = tpu.memref_slice %arg3[%add3A_413] : memref<6406144xf32, #tpu.memory_space<hbm>> -> memref<8192xf32, #tpu.memory_space<hbm>>
    %dma_start3A_448 = tpu.memref_slice %arg3[%add3A_413] : memref<6406144xf32, #tpu.memory_space<hbm>> -> memref<8192xf32, #tpu.memory_space<hbm>>
    tpu.enqueue_dma source(%dma_start3A_448 : memref<8192xf32, #tpu.memory_space<hbm>>) target(%arg9 : memref<8192xf32, #tpu.memory_space<vmem>>) target_semaphore(%arg29 : memref<!tpu.dma_semaphore, #tpu.memory_space<semaphore_mem>>)
    %dma_start3A_449 = tpu.memref_slice %arg4[%add3A_413] : memref<6406144xi32, #tpu.memory_space<hbm>> -> memref<8192xi32, #tpu.memory_space<hbm>>
    %dma_start3A_450 = tpu.memref_slice %arg4[%add3A_413] : memref<6406144xi32, #tpu.memory_space<hbm>> -> memref<8192xi32, #tpu.memory_space<hbm>>
    tpu.enqueue_dma source(%dma_start3A_450 : memref<8192xi32, #tpu.memory_space<hbm>>) target(%arg10 : memref<8192xi32, #tpu.memory_space<vmem>>) target_semaphore(%arg29 : memref<!tpu.dma_semaphore, #tpu.memory_space<semaphore_mem>>)
    %scan3A_451 = arith.constant 0 : i32
    %scan3A_452 = arith.constant 6 : i32
    %scan3A_453 = arith.addi %scan3A_451, %scan3A_452 : i32
    %scan3A_454 = arith.constant 1 : i32
    scf.for %scan3A_788 = %scan3A_451 to %scan3A_453 step %scan3A_454  : i32 {
      %dma_wait3A_789 = arith.constant 0 : i32
      %dma_wait3A_790 = tpu.memref_slice %arg2[%dma_wait3A_789] : memref<19218432xf32, #tpu.memory_space<hbm>> -> memref<8192xf32, #tpu.memory_space<hbm>>
      %dma_wait3A_791 = arith.constant 0 : i32
      %dma_wait3A_792 = tpu.memref_slice %arg2[%dma_wait3A_791] : memref<19218432xf32, #tpu.memory_space<hbm>> -> memref<8192xf32, #tpu.memory_space<hbm>>
      tpu.wait_dma2 semaphore(%arg29 : memref<!tpu.dma_semaphore, #tpu.memory_space<semaphore_mem>>) src(%dma_wait3A_792 : memref<8192xf32, #tpu.memory_space<hbm>>) dst(%arg6 : memref<8192xf32, #tpu.memory_space<vmem>>)
      %dma_wait3A_793 = arith.constant 0 : i32
      %dma_wait3A_794 = tpu.memref_slice %arg2[%dma_wait3A_793] : memref<19218432xf32, #tpu.memory_space<hbm>> -> memref<8192xf32, #tpu.memory_space<hbm>>
      %dma_wait3A_795 = arith.constant 0 : i32
      %dma_wait3A_796 = tpu.memref_slice %arg2[%dma_wait3A_795] : memref<19218432xf32, #tpu.memory_space<hbm>> -> memref<8192xf32, #tpu.memory_space<hbm>>
      tpu.wait_dma2 semaphore(%arg29 : memref<!tpu.dma_semaphore, #tpu.memory_space<semaphore_mem>>) src(%dma_wait3A_796 : memref<8192xf32, #tpu.memory_space<hbm>>) dst(%arg7 : memref<8192xf32, #tpu.memory_space<vmem>>)
      %dma_wait3A_797 = arith.constant 0 : i32
      %dma_wait3A_798 = tpu.memref_slice %arg2[%dma_wait3A_797] : memref<19218432xf32, #tpu.memory_space<hbm>> -> memref<8192xf32, #tpu.memory_space<hbm>>
      %dma_wait3A_799 = arith.constant 0 : i32
      %dma_wait3A_800 = tpu.memref_slice %arg2[%dma_wait3A_799] : memref<19218432xf32, #tpu.memory_space<hbm>> -> memref<8192xf32, #tpu.memory_space<hbm>>
      tpu.wait_dma2 semaphore(%arg29 : memref<!tpu.dma_semaphore, #tpu.memory_space<semaphore_mem>>) src(%dma_wait3A_800 : memref<8192xf32, #tpu.memory_space<hbm>>) dst(%arg8 : memref<8192xf32, #tpu.memory_space<vmem>>)
      %dma_wait3A_801 = arith.constant 0 : i32
      %dma_wait3A_802 = tpu.memref_slice %arg2[%dma_wait3A_801] : memref<19218432xf32, #tpu.memory_space<hbm>> -> memref<8192xf32, #tpu.memory_space<hbm>>
      %dma_wait3A_803 = arith.constant 0 : i32
      %dma_wait3A_804 = tpu.memref_slice %arg2[%dma_wait3A_803] : memref<19218432xf32, #tpu.memory_space<hbm>> -> memref<8192xf32, #tpu.memory_space<hbm>>
      tpu.wait_dma2 semaphore(%arg29 : memref<!tpu.dma_semaphore, #tpu.memory_space<semaphore_mem>>) src(%dma_wait3A_804 : memref<8192xf32, #tpu.memory_space<hbm>>) dst(%arg9 : memref<8192xf32, #tpu.memory_space<vmem>>)
      %dma_wait3A_805 = arith.constant 0 : i32
      %dma_wait3A_806 = tpu.memref_slice %arg4[%dma_wait3A_805] : memref<6406144xi32, #tpu.memory_space<hbm>> -> memref<8192xi32, #tpu.memory_space<hbm>>
      %dma_wait3A_807 = arith.constant 0 : i32
      %dma_wait3A_808 = tpu.memref_slice %arg4[%dma_wait3A_807] : memref<6406144xi32, #tpu.memory_space<hbm>> -> memref<8192xi32, #tpu.memory_space<hbm>>
      tpu.wait_dma2 semaphore(%arg29 : memref<!tpu.dma_semaphore, #tpu.memory_space<semaphore_mem>>) src(%dma_wait3A_808 : memref<8192xi32, #tpu.memory_space<hbm>>) dst(%arg10 : memref<8192xi32, #tpu.memory_space<vmem>>)
      %gt3A = arith.constant 0 : i32
      %gt3A_809 = arith.cmpi sgt, %scan3A_788, %gt3A : i32
      %convert_element_type3A = arith.extui %gt3A_809 : i1 to i32
      %cond3A = arith.constant 0 : i32
      %cond3A_810 = arith.cmpi ne, %convert_element_type3A, %cond3A : i32
      scf.if %cond3A_810 {
        %dma_wait3A_940 = arith.constant 0 : i32
        %dma_wait3A_941 = tpu.memref_slice %arg25[%dma_wait3A_940] : memref<50176xf32, #tpu.memory_space<vmem_shared>> -> memref<50176xf32, #tpu.memory_space<vmem_shared>>
        tpu.wait_indirect_dma semaphore(%arg32 : memref<!tpu.dma_semaphore, #tpu.memory_space<semaphore_mem>>) src(%arg11 : memref<8192xf32, #tpu.memory_space<vmem>>) dst(%dma_wait3A_941 : memref<50176xf32, #tpu.memory_space<vmem_shared>>)
        %dma_wait3A_942 = arith.constant 0 : i32
        %dma_wait3A_943 = tpu.memref_slice %arg26[%dma_wait3A_942] : memref<50176xf32, #tpu.memory_space<vmem_shared>> -> memref<50176xf32, #tpu.memory_space<vmem_shared>>
        tpu.wait_indirect_dma semaphore(%arg32 : memref<!tpu.dma_semaphore, #tpu.memory_space<semaphore_mem>>) src(%arg12 : memref<8192xf32, #tpu.memory_space<vmem>>) dst(%dma_wait3A_943 : memref<50176xf32, #tpu.memory_space<vmem_shared>>)
        %dma_wait3A_944 = arith.constant 0 : i32
        %dma_wait3A_945 = tpu.memref_slice %arg27[%dma_wait3A_944] : memref<50176xf32, #tpu.memory_space<vmem_shared>> -> memref<50176xf32, #tpu.memory_space<vmem_shared>>
        tpu.wait_indirect_dma semaphore(%arg32 : memref<!tpu.dma_semaphore, #tpu.memory_space<semaphore_mem>>) src(%arg13 : memref<8192xf32, #tpu.memory_space<vmem>>) dst(%dma_wait3A_945 : memref<50176xf32, #tpu.memory_space<vmem_shared>>)
        %dma_wait3A_946 = arith.constant 0 : i32
        %dma_wait3A_947 = tpu.memref_slice %arg28[%dma_wait3A_946] : memref<50176xf32, #tpu.memory_space<vmem_shared>> -> memref<50176xf32, #tpu.memory_space<vmem_shared>>
        tpu.wait_indirect_dma semaphore(%arg32 : memref<!tpu.dma_semaphore, #tpu.memory_space<semaphore_mem>>) src(%arg14 : memref<8192xf32, #tpu.memory_space<vmem>>) dst(%dma_wait3A_947 : memref<50176xf32, #tpu.memory_space<vmem_shared>>)
      } else {
      }
      %mul3A_811 = arith.constant 2 : i32
      %mul3A_812 = arith.muli %mul3A_811, %scan3A_788 : i32
      %add3A_813 = arith.constant 1 : i32
      %add3A_814 = arith.addi %mul3A_812, %add3A_813 : i32
      %mul3A_815 = arith.constant 16 : i32
      %mul3A_816 = arith.muli %mul3A_815, %add3A_814 : i32
      %add3A_817 = arith.addi %arg1, %mul3A_816 : i32
      %jit3A_818 = arith.constant 6 : i32
      %div3A_819 = arith.divsi %add3A_817, %jit3A_818 : i32
      %sign3A_820 = arith.constant 0 : i32
      %sign3A_821 = arith.cmpi sgt, %add3A_817, %sign3A_820 : i32
      %sign3A_822 = arith.extui %sign3A_821 : i1 to i32
      %sign3A_823 = arith.constant 0 : i32
      %sign3A_824 = arith.cmpi slt, %add3A_817, %sign3A_823 : i32
      %sign3A_825 = arith.extui %sign3A_824 : i1 to i32
      %sign3A_826 = arith.subi %sign3A_822, %sign3A_825 : i32
      %sign3A_827 = arith.constant 0 : i32
      %sign3A_828 = arith.cmpi sgt, %jit3A_818, %sign3A_827 : i32
      %sign3A_829 = arith.extui %sign3A_828 : i1 to i32
      %sign3A_830 = arith.constant 0 : i32
      %sign3A_831 = arith.cmpi slt, %jit3A_818, %sign3A_830 : i32
      %sign3A_832 = arith.extui %sign3A_831 : i1 to i32
      %sign3A_833 = arith.subi %sign3A_829, %sign3A_832 : i32
      %ne3A_834 = arith.cmpi ne, %sign3A_826, %sign3A_833 : i32
      %rem3A_835 = arith.remsi %add3A_817, %jit3A_818 : i32
      %ne3A_836 = arith.constant 0 : i32
      %ne3A_837 = arith.cmpi ne, %rem3A_835, %ne3A_836 : i32
      %and3A_838 = arith.andi %ne3A_834, %ne3A_837 : i1
      %sub3A_839 = arith.constant 1 : i32
      %sub3A_840 = arith.subi %div3A_819, %sub3A_839 : i32
      %select_n3A_841 = arith.select %and3A_838, %sub3A_840, %div3A_819 : i32
      %mul3A_842 = arith.constant 6 : i32
      %mul3A_843 = arith.muli %select_n3A_841, %mul3A_842 : i32
      %sub3A_844 = arith.subi %add3A_817, %mul3A_843 : i32
      %mul3A_845 = arith.constant 8192 : i32
      %mul3A_846 = arith.muli %sub3A_844, %mul3A_845 : i32
      %mul3A_847 = arith.constant 50048 : i32
      %mul3A_848 = arith.muli %select_n3A_841, %mul3A_847 : i32
      %add3A_849 = arith.addi %mul3A_848, %mul3A_846 : i32
      %mul3A_850 = arith.constant 32 : i32
      %mul3A_851 = arith.muli %add3A_373, %mul3A_850 : i32
      %add3A_852 = arith.addi %mul3A_851, %select_n3A_841 : i32
      %mul3A_853 = arith.constant 50048 : i32
      %mul3A_854 = arith.muli %add3A_852, %mul3A_853 : i32
      %add3A_855 = arith.addi %mul3A_854, %mul3A_846 : i32
      %mul3A_856 = arith.constant 3 : i32
      %mul3A_857 = arith.muli %add3A_373, %mul3A_856 : i32
      %add3A_858 = arith.constant 0 : i32
      %add3A_859 = arith.addi %mul3A_857, %add3A_858 : i32
      %mul3A_860 = arith.constant 32 : i32
      %mul3A_861 = arith.muli %add3A_859, %mul3A_860 : i32
      %mul3A_862 = arith.constant 50048 : i32
      %mul3A_863 = arith.muli %mul3A_861, %mul3A_862 : i32
      %add3A_864 = arith.addi %mul3A_863, %add3A_849 : i32
      %dma_start3A_865 = tpu.memref_slice %arg2[%add3A_864] : memref<19218432xf32, #tpu.memory_space<hbm>> -> memref<8192xf32, #tpu.memory_space<hbm>>
      %dma_start3A_866 = tpu.memref_slice %arg2[%add3A_864] : memref<19218432xf32, #tpu.memory_space<hbm>> -> memref<8192xf32, #tpu.memory_space<hbm>>
      tpu.enqueue_dma source(%dma_start3A_866 : memref<8192xf32, #tpu.memory_space<hbm>>) target(%arg11 : memref<8192xf32, #tpu.memory_space<vmem>>) target_semaphore(%arg30 : memref<!tpu.dma_semaphore, #tpu.memory_space<semaphore_mem>>)
      %mul3A_867 = arith.constant 3 : i32
      %mul3A_868 = arith.muli %add3A_373, %mul3A_867 : i32
      %add3A_869 = arith.constant 1 : i32
      %add3A_870 = arith.addi %mul3A_868, %add3A_869 : i32
      %mul3A_871 = arith.constant 32 : i32
      %mul3A_872 = arith.muli %add3A_870, %mul3A_871 : i32
      %mul3A_873 = arith.constant 50048 : i32
      %mul3A_874 = arith.muli %mul3A_872, %mul3A_873 : i32
      %add3A_875 = arith.addi %mul3A_874, %add3A_849 : i32
      %dma_start3A_876 = tpu.memref_slice %arg2[%add3A_875] : memref<19218432xf32, #tpu.memory_space<hbm>> -> memref<8192xf32, #tpu.memory_space<hbm>>
      %dma_start3A_877 = tpu.memref_slice %arg2[%add3A_875] : memref<19218432xf32, #tpu.memory_space<hbm>> -> memref<8192xf32, #tpu.memory_space<hbm>>
      tpu.enqueue_dma source(%dma_start3A_877 : memref<8192xf32, #tpu.memory_space<hbm>>) target(%arg12 : memref<8192xf32, #tpu.memory_space<vmem>>) target_semaphore(%arg30 : memref<!tpu.dma_semaphore, #tpu.memory_space<semaphore_mem>>)
      %mul3A_878 = arith.constant 3 : i32
      %mul3A_879 = arith.muli %add3A_373, %mul3A_878 : i32
      %add3A_880 = arith.constant 2 : i32
      %add3A_881 = arith.addi %mul3A_879, %add3A_880 : i32
      %mul3A_882 = arith.constant 32 : i32
      %mul3A_883 = arith.muli %add3A_881, %mul3A_882 : i32
      %mul3A_884 = arith.constant 50048 : i32
      %mul3A_885 = arith.muli %mul3A_883, %mul3A_884 : i32
      %add3A_886 = arith.addi %mul3A_885, %add3A_849 : i32
      %dma_start3A_887 = tpu.memref_slice %arg2[%add3A_886] : memref<19218432xf32, #tpu.memory_space<hbm>> -> memref<8192xf32, #tpu.memory_space<hbm>>
      %dma_start3A_888 = tpu.memref_slice %arg2[%add3A_886] : memref<19218432xf32, #tpu.memory_space<hbm>> -> memref<8192xf32, #tpu.memory_space<hbm>>
      tpu.enqueue_dma source(%dma_start3A_888 : memref<8192xf32, #tpu.memory_space<hbm>>) target(%arg13 : memref<8192xf32, #tpu.memory_space<vmem>>) target_semaphore(%arg30 : memref<!tpu.dma_semaphore, #tpu.memory_space<semaphore_mem>>)
      %dma_start3A_889 = tpu.memref_slice %arg3[%add3A_855] : memref<6406144xf32, #tpu.memory_space<hbm>> -> memref<8192xf32, #tpu.memory_space<hbm>>
      %dma_start3A_890 = tpu.memref_slice %arg3[%add3A_855] : memref<6406144xf32, #tpu.memory_space<hbm>> -> memref<8192xf32, #tpu.memory_space<hbm>>
      tpu.enqueue_dma source(%dma_start3A_890 : memref<8192xf32, #tpu.memory_space<hbm>>) target(%arg14 : memref<8192xf32, #tpu.memory_space<vmem>>) target_semaphore(%arg30 : memref<!tpu.dma_semaphore, #tpu.memory_space<semaphore_mem>>)
      %dma_start3A_891 = tpu.memref_slice %arg4[%add3A_855] : memref<6406144xi32, #tpu.memory_space<hbm>> -> memref<8192xi32, #tpu.memory_space<hbm>>
      %dma_start3A_892 = tpu.memref_slice %arg4[%add3A_855] : memref<6406144xi32, #tpu.memory_space<hbm>> -> memref<8192xi32, #tpu.memory_space<hbm>>
      tpu.enqueue_dma source(%dma_start3A_892 : memref<8192xi32, #tpu.memory_space<hbm>>) target(%arg15 : memref<8192xi32, #tpu.memory_space<vmem>>) target_semaphore(%arg30 : memref<!tpu.dma_semaphore, #tpu.memory_space<semaphore_mem>>)
      %parallel_loop3A_893 = arith.constant 0 : i32
      %parallel_loop3A_894 = arith.constant 512 : i32
      %parallel_loop3A_895 = arith.constant 1 : i32
      scf.for %parallel_loop3A_940 = %parallel_loop3A_893 to %parallel_loop3A_894 step %parallel_loop3A_895  : i32 {
        %parallel_loop3A_941 = arith.constant 16 : i32
        %parallel_loop3A_942 = arith.muli %parallel_loop3A_941, %parallel_loop3A_940 : i32
        %parallel_loop3A_943 = arith.index_cast %parallel_loop3A_942 : i32 to index
        %parallel_loop3A_944 = tpu.vector_load %arg9[%parallel_loop3A_943] {strides = array<i32>} : memref<8192xf32, #tpu.memory_space<vmem>>, vector<16xf32>,
        %parallel_loop3A_945 = arith.constant 16 : i32
        %parallel_loop3A_946 = arith.muli %parallel_loop3A_945, %parallel_loop3A_940 : i32
        %parallel_loop3A_947 = arith.index_cast %parallel_loop3A_946 : i32 to index
        %parallel_loop3A_948 = tpu.vector_load %arg6[%parallel_loop3A_947] {strides = array<i32>} : memref<8192xf32, #tpu.memory_space<vmem>>, vector<16xf32>,
        %parallel_loop3A_949 = arith.mulf %parallel_loop3A_948, %parallel_loop3A_944 : vector<16xf32>
        %parallel_loop3A_950 = arith.constant 16 : i32
        %parallel_loop3A_951 = arith.muli %parallel_loop3A_950, %parallel_loop3A_940 : i32
        %parallel_loop3A_952 = arith.index_cast %parallel_loop3A_951 : i32 to index
        %parallel_loop3A_953 = tpu.vector_load %arg6[%parallel_loop3A_952] {strides = array<i32>} : memref<8192xf32, #tpu.memory_space<vmem>>, vector<16xf32>,
        tpu.vector_store %arg6[%parallel_loop3A_952], %parallel_loop3A_949 {strides = array<i32>} : memref<8192xf32, #tpu.memory_space<vmem>>, vector<16xf32>,
        %parallel_loop3A_954 = arith.constant 16 : i32
        %parallel_loop3A_955 = arith.muli %parallel_loop3A_954, %parallel_loop3A_940 : i32
        %parallel_loop3A_956 = arith.index_cast %parallel_loop3A_955 : i32 to index
        %parallel_loop3A_957 = tpu.vector_load %arg7[%parallel_loop3A_956] {strides = array<i32>} : memref<8192xf32, #tpu.memory_space<vmem>>, vector<16xf32>,
        %parallel_loop3A_958 = arith.mulf %parallel_loop3A_957, %parallel_loop3A_944 : vector<16xf32>
        %parallel_loop3A_959 = arith.constant 16 : i32
        %parallel_loop3A_960 = arith.muli %parallel_loop3A_959, %parallel_loop3A_940 : i32
        %parallel_loop3A_961 = arith.index_cast %parallel_loop3A_960 : i32 to index
        %parallel_loop3A_962 = tpu.vector_load %arg7[%parallel_loop3A_961] {strides = array<i32>} : memref<8192xf32, #tpu.memory_space<vmem>>, vector<16xf32>,
        tpu.vector_store %arg7[%parallel_loop3A_961], %parallel_loop3A_958 {strides = array<i32>} : memref<8192xf32, #tpu.memory_space<vmem>>, vector<16xf32>,
        %parallel_loop3A_963 = arith.constant 16 : i32
        %parallel_loop3A_964 = arith.muli %parallel_loop3A_963, %parallel_loop3A_940 : i32
        %parallel_loop3A_965 = arith.index_cast %parallel_loop3A_964 : i32 to index
        %parallel_loop3A_966 = tpu.vector_load %arg8[%parallel_loop3A_965] {strides = array<i32>} : memref<8192xf32, #tpu.memory_space<vmem>>, vector<16xf32>,
        %parallel_loop3A_967 = arith.mulf %parallel_loop3A_966, %parallel_loop3A_944 : vector<16xf32>
        %parallel_loop3A_968 = arith.constant 16 : i32
        %parallel_loop3A_969 = arith.muli %parallel_loop3A_968, %parallel_loop3A_940 : i32
        %parallel_loop3A_970 = arith.index_cast %parallel_loop3A_969 : i32 to index
        %parallel_loop3A_971 = tpu.vector_load %arg8[%parallel_loop3A_970] {strides = array<i32>} : memref<8192xf32, #tpu.memory_space<vmem>>, vector<16xf32>,
        tpu.vector_store %arg8[%parallel_loop3A_970], %parallel_loop3A_967 {strides = array<i32>} : memref<8192xf32, #tpu.memory_space<vmem>>, vector<16xf32>,
      } {sc.loop_unroll_factor = 4 : i64, sc.parallel_access}
      %dma_start3A_896 = arith.constant 0 : i32
      %dma_start3A_897 = tpu.memref_slice %arg25[%dma_start3A_896] : memref<50176xf32, #tpu.memory_space<vmem_shared>> -> memref<50176xf32, #tpu.memory_space<vmem_shared>>
      tpu.enqueue_indirect_dma source(%arg6 : memref<8192xf32, #tpu.memory_space<vmem>>) target(%dma_start3A_897 : memref<50176xf32, #tpu.memory_space<vmem_shared>>) offsets(%arg10 : memref<8192xi32, #tpu.memory_space<vmem>>) semaphore(%arg31 : memref<!tpu.dma_semaphore, #tpu.memory_space<semaphore_mem>>) {add = true}
      %dma_start3A_898 = arith.constant 0 : i32
      %dma_start3A_899 = tpu.memref_slice %arg26[%dma_start3A_898] : memref<50176xf32, #tpu.memory_space<vmem_shared>> -> memref<50176xf32, #tpu.memory_space<vmem_shared>>
      tpu.enqueue_indirect_dma source(%arg7 : memref<8192xf32, #tpu.memory_space<vmem>>) target(%dma_start3A_899 : memref<50176xf32, #tpu.memory_space<vmem_shared>>) offsets(%arg10 : memref<8192xi32, #tpu.memory_space<vmem>>) semaphore(%arg31 : memref<!tpu.dma_semaphore, #tpu.memory_space<semaphore_mem>>) {add = true}
      %dma_start3A_900 = arith.constant 0 : i32
      %dma_start3A_901 = tpu.memref_slice %arg27[%dma_start3A_900] : memref<50176xf32, #tpu.memory_space<vmem_shared>> -> memref<50176xf32, #tpu.memory_space<vmem_shared>>
      tpu.enqueue_indirect_dma source(%arg8 : memref<8192xf32, #tpu.memory_space<vmem>>) target(%dma_start3A_901 : memref<50176xf32, #tpu.memory_space<vmem_shared>>) offsets(%arg10 : memref<8192xi32, #tpu.memory_space<vmem>>) semaphore(%arg31 : memref<!tpu.dma_semaphore, #tpu.memory_space<semaphore_mem>>) {add = true}
      %dma_start3A_902 = arith.constant 0 : i32
      %dma_start3A_903 = tpu.memref_slice %arg28[%dma_start3A_902] : memref<50176xf32, #tpu.memory_space<vmem_shared>> -> memref<50176xf32, #tpu.memory_space<vmem_shared>>
      tpu.enqueue_indirect_dma source(%arg9 : memref<8192xf32, #tpu.memory_space<vmem>>) target(%dma_start3A_903 : memref<50176xf32, #tpu.memory_space<vmem_shared>>) offsets(%arg10 : memref<8192xi32, #tpu.memory_space<vmem>>) semaphore(%arg31 : memref<!tpu.dma_semaphore, #tpu.memory_space<semaphore_mem>>) {add = true}
      %dma_wait3A_904 = arith.constant 0 : i32
      %dma_wait3A_905 = tpu.memref_slice %arg2[%dma_wait3A_904] : memref<19218432xf32, #tpu.memory_space<hbm>> -> memref<8192xf32, #tpu.memory_space<hbm>>
      %dma_wait3A_906 = arith.constant 0 : i32
      %dma_wait3A_907 = tpu.memref_slice %arg2[%dma_wait3A_906] : memref<19218432xf32, #tpu.memory_space<hbm>> -> memref<8192xf32, #tpu.memory_space<hbm>>
      tpu.wait_dma2 semaphore(%arg30 : memref<!tpu.dma_semaphore, #tpu.memory_space<semaphore_mem>>) src(%dma_wait3A_907 : memref<8192xf32, #tpu.memory_space<hbm>>) dst(%arg11 : memref<8192xf32, #tpu.memory_space<vmem>>)
      %dma_wait3A_908 = arith.constant 0 : i32
      %dma_wait3A_909 = tpu.memref_slice %arg2[%dma_wait3A_908] : memref<19218432xf32, #tpu.memory_space<hbm>> -> memref<8192xf32, #tpu.memory_space<hbm>>
      %dma_wait3A_910 = arith.constant 0 : i32
      %dma_wait3A_911 = tpu.memref_slice %arg2[%dma_wait3A_910] : memref<19218432xf32, #tpu.memory_space<hbm>> -> memref<8192xf32, #tpu.memory_space<hbm>>
      tpu.wait_dma2 semaphore(%arg30 : memref<!tpu.dma_semaphore, #tpu.memory_space<semaphore_mem>>) src(%dma_wait3A_911 : memref<8192xf32, #tpu.memory_space<hbm>>) dst(%arg12 : memref<8192xf32, #tpu.memory_space<vmem>>)
      %dma_wait3A_912 = arith.constant 0 : i32
      %dma_wait3A_913 = tpu.memref_slice %arg2[%dma_wait3A_912] : memref<19218432xf32, #tpu.memory_space<hbm>> -> memref<8192xf32, #tpu.memory_space<hbm>>
      %dma_wait3A_914 = arith.constant 0 : i32
      %dma_wait3A_915 = tpu.memref_slice %arg2[%dma_wait3A_914] : memref<19218432xf32, #tpu.memory_space<hbm>> -> memref<8192xf32, #tpu.memory_space<hbm>>
      tpu.wait_dma2 semaphore(%arg30 : memref<!tpu.dma_semaphore, #tpu.memory_space<semaphore_mem>>) src(%dma_wait3A_915 : memref<8192xf32, #tpu.memory_space<hbm>>) dst(%arg13 : memref<8192xf32, #tpu.memory_space<vmem>>)
      %dma_wait3A_916 = arith.constant 0 : i32
      %dma_wait3A_917 = tpu.memref_slice %arg2[%dma_wait3A_916] : memref<19218432xf32, #tpu.memory_space<hbm>> -> memref<8192xf32, #tpu.memory_space<hbm>>
      %dma_wait3A_918 = arith.constant 0 : i32
      %dma_wait3A_919 = tpu.memref_slice %arg2[%dma_wait3A_918] : memref<19218432xf32, #tpu.memory_space<hbm>> -> memref<8192xf32, #tpu.memory_space<hbm>>
      tpu.wait_dma2 semaphore(%arg30 : memref<!tpu.dma_semaphore, #tpu.memory_space<semaphore_mem>>) src(%dma_wait3A_919 : memref<8192xf32, #tpu.memory_space<hbm>>) dst(%arg14 : memref<8192xf32, #tpu.memory_space<vmem>>)
      %dma_wait3A_920 = arith.constant 0 : i32
      %dma_wait3A_921 = tpu.memref_slice %arg4[%dma_wait3A_920] : memref<6406144xi32, #tpu.memory_space<hbm>> -> memref<8192xi32, #tpu.memory_space<hbm>>
      %dma_wait3A_922 = arith.constant 0 : i32
      %dma_wait3A_923 = tpu.memref_slice %arg4[%dma_wait3A_922] : memref<6406144xi32, #tpu.memory_space<hbm>> -> memref<8192xi32, #tpu.memory_space<hbm>>
      tpu.wait_dma2 semaphore(%arg30 : memref<!tpu.dma_semaphore, #tpu.memory_space<semaphore_mem>>) src(%dma_wait3A_923 : memref<8192xi32, #tpu.memory_space<hbm>>) dst(%arg15 : memref<8192xi32, #tpu.memory_space<vmem>>)
      %lt3A_924 = arith.constant 5 : i32
      %lt3A_925 = arith.cmpi slt, %scan3A_788, %lt3A_924 : i32
      %convert_element_type3A_926 = arith.extui %lt3A_925 : i1 to i32
      %cond3A_927 = arith.constant 0 : i32
      %cond3A_928 = arith.cmpi ne, %convert_element_type3A_926, %cond3A_927 : i32
      scf.if %cond3A_928 {
        %dma_wait3A_940 = arith.constant 0 : i32
        %dma_wait3A_941 = tpu.memref_slice %arg25[%dma_wait3A_940] : memref<50176xf32, #tpu.memory_space<vmem_shared>> -> memref<50176xf32, #tpu.memory_space<vmem_shared>>
        tpu.wait_indirect_dma semaphore(%arg31 : memref<!tpu.dma_semaphore, #tpu.memory_space<semaphore_mem>>) src(%arg6 : memref<8192xf32, #tpu.memory_space<vmem>>) dst(%dma_wait3A_941 : memref<50176xf32, #tpu.memory_space<vmem_shared>>)
        %dma_wait3A_942 = arith.constant 0 : i32
        %dma_wait3A_943 = tpu.memref_slice %arg26[%dma_wait3A_942] : memref<50176xf32, #tpu.memory_space<vmem_shared>> -> memref<50176xf32, #tpu.memory_space<vmem_shared>>
        tpu.wait_indirect_dma semaphore(%arg31 : memref<!tpu.dma_semaphore, #tpu.memory_space<semaphore_mem>>) src(%arg7 : memref<8192xf32, #tpu.memory_space<vmem>>) dst(%dma_wait3A_943 : memref<50176xf32, #tpu.memory_space<vmem_shared>>)
        %dma_wait3A_944 = arith.constant 0 : i32
        %dma_wait3A_945 = tpu.memref_slice %arg27[%dma_wait3A_944] : memref<50176xf32, #tpu.memory_space<vmem_shared>> -> memref<50176xf32, #tpu.memory_space<vmem_shared>>
        tpu.wait_indirect_dma semaphore(%arg31 : memref<!tpu.dma_semaphore, #tpu.memory_space<semaphore_mem>>) src(%arg8 : memref<8192xf32, #tpu.memory_space<vmem>>) dst(%dma_wait3A_945 : memref<50176xf32, #tpu.memory_space<vmem_shared>>)
        %dma_wait3A_946 = arith.constant 0 : i32
        %dma_wait3A_947 = tpu.memref_slice %arg28[%dma_wait3A_946] : memref<50176xf32, #tpu.memory_space<vmem_shared>> -> memref<50176xf32, #tpu.memory_space<vmem_shared>>
        tpu.wait_indirect_dma semaphore(%arg31 : memref<!tpu.dma_semaphore, #tpu.memory_space<semaphore_mem>>) src(%arg9 : memref<8192xf32, #tpu.memory_space<vmem>>) dst(%dma_wait3A_947 : memref<50176xf32, #tpu.memory_space<vmem_shared>>)
        %mul3A_948 = arith.constant 2 : i32
        %mul3A_949 = arith.muli %mul3A_948, %scan3A_788 : i32
        %add3A_950 = arith.constant 2 : i32
        %add3A_951 = arith.addi %mul3A_949, %add3A_950 : i32
        %mul3A_952 = arith.constant 16 : i32
        %mul3A_953 = arith.muli %mul3A_952, %add3A_951 : i32
        %add3A_954 = arith.addi %arg1, %mul3A_953 : i32
        %jit3A_955 = arith.constant 6 : i32
        %div3A_956 = arith.divsi %add3A_954, %jit3A_955 : i32
        %sign3A_957 = arith.constant 0 : i32
        %sign3A_958 = arith.cmpi sgt, %add3A_954, %sign3A_957 : i32
        %sign3A_959 = arith.extui %sign3A_958 : i1 to i32
        %sign3A_960 = arith.constant 0 : i32
        %sign3A_961 = arith.cmpi slt, %add3A_954, %sign3A_960 : i32
        %sign3A_962 = arith.extui %sign3A_961 : i1 to i32
        %sign3A_963 = arith.subi %sign3A_959, %sign3A_962 : i32
        %sign3A_964 = arith.constant 0 : i32
        %sign3A_965 = arith.cmpi sgt, %jit3A_955, %sign3A_964 : i32
        %sign3A_966 = arith.extui %sign3A_965 : i1 to i32
        %sign3A_967 = arith.constant 0 : i32
        %sign3A_968 = arith.cmpi slt, %jit3A_955, %sign3A_967 : i32
        %sign3A_969 = arith.extui %sign3A_968 : i1 to i32
        %sign3A_970 = arith.subi %sign3A_966, %sign3A_969 : i32
        %ne3A_971 = arith.cmpi ne, %sign3A_963, %sign3A_970 : i32
        %rem3A_972 = arith.remsi %add3A_954, %jit3A_955 : i32
        %ne3A_973 = arith.constant 0 : i32
        %ne3A_974 = arith.cmpi ne, %rem3A_972, %ne3A_973 : i32
        %and3A_975 = arith.andi %ne3A_971, %ne3A_974 : i1
        %sub3A_976 = arith.constant 1 : i32
        %sub3A_977 = arith.subi %div3A_956, %sub3A_976 : i32
        %select_n3A_978 = arith.select %and3A_975, %sub3A_977, %div3A_956 : i32
        %mul3A_979 = arith.constant 6 : i32
        %mul3A_980 = arith.muli %select_n3A_978, %mul3A_979 : i32
        %sub3A_981 = arith.subi %add3A_954, %mul3A_980 : i32
        %mul3A_982 = arith.constant 8192 : i32
        %mul3A_983 = arith.muli %sub3A_981, %mul3A_982 : i32
        %mul3A_984 = arith.constant 50048 : i32
        %mul3A_985 = arith.muli %select_n3A_978, %mul3A_984 : i32
        %add3A_986 = arith.addi %mul3A_985, %mul3A_983 : i32
        %mul3A_987 = arith.constant 32 : i32
        %mul3A_988 = arith.muli %add3A_373, %mul3A_987 : i32
        %add3A_989 = arith.addi %mul3A_988, %select_n3A_978 : i32
        %mul3A_990 = arith.constant 50048 : i32
        %mul3A_991 = arith.muli %add3A_989, %mul3A_990 : i32
        %add3A_992 = arith.addi %mul3A_991, %mul3A_983 : i32
        %mul3A_993 = arith.constant 3 : i32
        %mul3A_994 = arith.muli %add3A_373, %mul3A_993 : i32
        %add3A_995 = arith.constant 0 : i32
        %add3A_996 = arith.addi %mul3A_994, %add3A_995 : i32
        %mul3A_997 = arith.constant 32 : i32
        %mul3A_998 = arith.muli %add3A_996, %mul3A_997 : i32
        %mul3A_999 = arith.constant 50048 : i32
        %mul3A_1000 = arith.muli %mul3A_998, %mul3A_999 : i32
        %add3A_1001 = arith.addi %mul3A_1000, %add3A_986 : i32
        %dma_start3A_1002 = tpu.memref_slice %arg2[%add3A_1001] : memref<19218432xf32, #tpu.memory_space<hbm>> -> memref<8192xf32, #tpu.memory_space<hbm>>
        %dma_start3A_1003 = tpu.memref_slice %arg2[%add3A_1001] : memref<19218432xf32, #tpu.memory_space<hbm>> -> memref<8192xf32, #tpu.memory_space<hbm>>
        tpu.enqueue_dma source(%dma_start3A_1003 : memref<8192xf32, #tpu.memory_space<hbm>>) target(%arg6 : memref<8192xf32, #tpu.memory_space<vmem>>) target_semaphore(%arg29 : memref<!tpu.dma_semaphore, #tpu.memory_space<semaphore_mem>>)
        %mul3A_1004 = arith.constant 3 : i32
        %mul3A_1005 = arith.muli %add3A_373, %mul3A_1004 : i32
        %add3A_1006 = arith.constant 1 : i32
        %add3A_1007 = arith.addi %mul3A_1005, %add3A_1006 : i32
        %mul3A_1008 = arith.constant 32 : i32
        %mul3A_1009 = arith.muli %add3A_1007, %mul3A_1008 : i32
        %mul3A_1010 = arith.constant 50048 : i32
        %mul3A_1011 = arith.muli %mul3A_1009, %mul3A_1010 : i32
        %add3A_1012 = arith.addi %mul3A_1011, %add3A_986 : i32
        %dma_start3A_1013 = tpu.memref_slice %arg2[%add3A_1012] : memref<19218432xf32, #tpu.memory_space<hbm>> -> memref<8192xf32, #tpu.memory_space<hbm>>
        %dma_start3A_1014 = tpu.memref_slice %arg2[%add3A_1012] : memref<19218432xf32, #tpu.memory_space<hbm>> -> memref<8192xf32, #tpu.memory_space<hbm>>
        tpu.enqueue_dma source(%dma_start3A_1014 : memref<8192xf32, #tpu.memory_space<hbm>>) target(%arg7 : memref<8192xf32, #tpu.memory_space<vmem>>) target_semaphore(%arg29 : memref<!tpu.dma_semaphore, #tpu.memory_space<semaphore_mem>>)
        %mul3A_1015 = arith.constant 3 : i32
        %mul3A_1016 = arith.muli %add3A_373, %mul3A_1015 : i32
        %add3A_1017 = arith.constant 2 : i32
        %add3A_1018 = arith.addi %mul3A_1016, %add3A_1017 : i32
        %mul3A_1019 = arith.constant 32 : i32
        %mul3A_1020 = arith.muli %add3A_1018, %mul3A_1019 : i32
        %mul3A_1021 = arith.constant 50048 : i32
        %mul3A_1022 = arith.muli %mul3A_1020, %mul3A_1021 : i32
        %add3A_1023 = arith.addi %mul3A_1022, %add3A_986 : i32
        %dma_start3A_1024 = tpu.memref_slice %arg2[%add3A_1023] : memref<19218432xf32, #tpu.memory_space<hbm>> -> memref<8192xf32, #tpu.memory_space<hbm>>
        %dma_start3A_1025 = tpu.memref_slice %arg2[%add3A_1023] : memref<19218432xf32, #tpu.memory_space<hbm>> -> memref<8192xf32, #tpu.memory_space<hbm>>
        tpu.enqueue_dma source(%dma_start3A_1025 : memref<8192xf32, #tpu.memory_space<hbm>>) target(%arg8 : memref<8192xf32, #tpu.memory_space<vmem>>) target_semaphore(%arg29 : memref<!tpu.dma_semaphore, #tpu.memory_space<semaphore_mem>>)
        %dma_start3A_1026 = tpu.memref_slice %arg3[%add3A_992] : memref<6406144xf32, #tpu.memory_space<hbm>> -> memref<8192xf32, #tpu.memory_space<hbm>>
        %dma_start3A_1027 = tpu.memref_slice %arg3[%add3A_992] : memref<6406144xf32, #tpu.memory_space<hbm>> -> memref<8192xf32, #tpu.memory_space<hbm>>
        tpu.enqueue_dma source(%dma_start3A_1027 : memref<8192xf32, #tpu.memory_space<hbm>>) target(%arg9 : memref<8192xf32, #tpu.memory_space<vmem>>) target_semaphore(%arg29 : memref<!tpu.dma_semaphore, #tpu.memory_space<semaphore_mem>>)
        %dma_start3A_1028 = tpu.memref_slice %arg4[%add3A_992] : memref<6406144xi32, #tpu.memory_space<hbm>> -> memref<8192xi32, #tpu.memory_space<hbm>>
        %dma_start3A_1029 = tpu.memref_slice %arg4[%add3A_992] : memref<6406144xi32, #tpu.memory_space<hbm>> -> memref<8192xi32, #tpu.memory_space<hbm>>
        tpu.enqueue_dma source(%dma_start3A_1029 : memref<8192xi32, #tpu.memory_space<hbm>>) target(%arg10 : memref<8192xi32, #tpu.memory_space<vmem>>) target_semaphore(%arg29 : memref<!tpu.dma_semaphore, #tpu.memory_space<semaphore_mem>>)
      } else {
      }
      %parallel_loop3A_929 = arith.constant 0 : i32
      %parallel_loop3A_930 = arith.constant 512 : i32
      %parallel_loop3A_931 = arith.constant 1 : i32
      scf.for %parallel_loop3A_940 = %parallel_loop3A_929 to %parallel_loop3A_930 step %parallel_loop3A_931  : i32 {
        %parallel_loop3A_941 = arith.constant 16 : i32
        %parallel_loop3A_942 = arith.muli %parallel_loop3A_941, %parallel_loop3A_940 : i32
        %parallel_loop3A_943 = arith.index_cast %parallel_loop3A_942 : i32 to index
        %parallel_loop3A_944 = tpu.vector_load %arg14[%parallel_loop3A_943] {strides = array<i32>} : memref<8192xf32, #tpu.memory_space<vmem>>, vector<16xf32>,
        %parallel_loop3A_945 = arith.constant 16 : i32
        %parallel_loop3A_946 = arith.muli %parallel_loop3A_945, %parallel_loop3A_940 : i32
        %parallel_loop3A_947 = arith.index_cast %parallel_loop3A_946 : i32 to index
        %parallel_loop3A_948 = tpu.vector_load %arg11[%parallel_loop3A_947] {strides = array<i32>} : memref<8192xf32, #tpu.memory_space<vmem>>, vector<16xf32>,
        %parallel_loop3A_949 = arith.mulf %parallel_loop3A_948, %parallel_loop3A_944 : vector<16xf32>
        %parallel_loop3A_950 = arith.constant 16 : i32
        %parallel_loop3A_951 = arith.muli %parallel_loop3A_950, %parallel_loop3A_940 : i32
        %parallel_loop3A_952 = arith.index_cast %parallel_loop3A_951 : i32 to index
        %parallel_loop3A_953 = tpu.vector_load %arg11[%parallel_loop3A_952] {strides = array<i32>} : memref<8192xf32, #tpu.memory_space<vmem>>, vector<16xf32>,
        tpu.vector_store %arg11[%parallel_loop3A_952], %parallel_loop3A_949 {strides = array<i32>} : memref<8192xf32, #tpu.memory_space<vmem>>, vector<16xf32>,
        %parallel_loop3A_954 = arith.constant 16 : i32
        %parallel_loop3A_955 = arith.muli %parallel_loop3A_954, %parallel_loop3A_940 : i32
        %parallel_loop3A_956 = arith.index_cast %parallel_loop3A_955 : i32 to index
        %parallel_loop3A_957 = tpu.vector_load %arg12[%parallel_loop3A_956] {strides = array<i32>} : memref<8192xf32, #tpu.memory_space<vmem>>, vector<16xf32>,
        %parallel_loop3A_958 = arith.mulf %parallel_loop3A_957, %parallel_loop3A_944 : vector<16xf32>
        %parallel_loop3A_959 = arith.constant 16 : i32
        %parallel_loop3A_960 = arith.muli %parallel_loop3A_959, %parallel_loop3A_940 : i32
        %parallel_loop3A_961 = arith.index_cast %parallel_loop3A_960 : i32 to index
        %parallel_loop3A_962 = tpu.vector_load %arg12[%parallel_loop3A_961] {strides = array<i32>} : memref<8192xf32, #tpu.memory_space<vmem>>, vector<16xf32>,
        tpu.vector_store %arg12[%parallel_loop3A_961], %parallel_loop3A_958 {strides = array<i32>} : memref<8192xf32, #tpu.memory_space<vmem>>, vector<16xf32>,
        %parallel_loop3A_963 = arith.constant 16 : i32
        %parallel_loop3A_964 = arith.muli %parallel_loop3A_963, %parallel_loop3A_940 : i32
        %parallel_loop3A_965 = arith.index_cast %parallel_loop3A_964 : i32 to index
        %parallel_loop3A_966 = tpu.vector_load %arg13[%parallel_loop3A_965] {strides = array<i32>} : memref<8192xf32, #tpu.memory_space<vmem>>, vector<16xf32>,
        %parallel_loop3A_967 = arith.mulf %parallel_loop3A_966, %parallel_loop3A_944 : vector<16xf32>
        %parallel_loop3A_968 = arith.constant 16 : i32
        %parallel_loop3A_969 = arith.muli %parallel_loop3A_968, %parallel_loop3A_940 : i32
        %parallel_loop3A_970 = arith.index_cast %parallel_loop3A_969 : i32 to index
        %parallel_loop3A_971 = tpu.vector_load %arg13[%parallel_loop3A_970] {strides = array<i32>} : memref<8192xf32, #tpu.memory_space<vmem>>, vector<16xf32>,
        tpu.vector_store %arg13[%parallel_loop3A_970], %parallel_loop3A_967 {strides = array<i32>} : memref<8192xf32, #tpu.memory_space<vmem>>, vector<16xf32>,
      } {sc.loop_unroll_factor = 4 : i64, sc.parallel_access}
      %dma_start3A_932 = arith.constant 0 : i32
      %dma_start3A_933 = tpu.memref_slice %arg25[%dma_start3A_932] : memref<50176xf32, #tpu.memory_space<vmem_shared>> -> memref<50176xf32, #tpu.memory_space<vmem_shared>>
      tpu.enqueue_indirect_dma source(%arg11 : memref<8192xf32, #tpu.memory_space<vmem>>) target(%dma_start3A_933 : memref<50176xf32, #tpu.memory_space<vmem_shared>>) offsets(%arg15 : memref<8192xi32, #tpu.memory_space<vmem>>) semaphore(%arg32 : memref<!tpu.dma_semaphore, #tpu.memory_space<semaphore_mem>>) {add = true}
      %dma_start3A_934 = arith.constant 0 : i32
      %dma_start3A_935 = tpu.memref_slice %arg26[%dma_start3A_934] : memref<50176xf32, #tpu.memory_space<vmem_shared>> -> memref<50176xf32, #tpu.memory_space<vmem_shared>>
      tpu.enqueue_indirect_dma source(%arg12 : memref<8192xf32, #tpu.memory_space<vmem>>) target(%dma_start3A_935 : memref<50176xf32, #tpu.memory_space<vmem_shared>>) offsets(%arg15 : memref<8192xi32, #tpu.memory_space<vmem>>) semaphore(%arg32 : memref<!tpu.dma_semaphore, #tpu.memory_space<semaphore_mem>>) {add = true}
      %dma_start3A_936 = arith.constant 0 : i32
      %dma_start3A_937 = tpu.memref_slice %arg27[%dma_start3A_936] : memref<50176xf32, #tpu.memory_space<vmem_shared>> -> memref<50176xf32, #tpu.memory_space<vmem_shared>>
      tpu.enqueue_indirect_dma source(%arg13 : memref<8192xf32, #tpu.memory_space<vmem>>) target(%dma_start3A_937 : memref<50176xf32, #tpu.memory_space<vmem_shared>>) offsets(%arg15 : memref<8192xi32, #tpu.memory_space<vmem>>) semaphore(%arg32 : memref<!tpu.dma_semaphore, #tpu.memory_space<semaphore_mem>>) {add = true}
      %dma_start3A_938 = arith.constant 0 : i32
      %dma_start3A_939 = tpu.memref_slice %arg28[%dma_start3A_938] : memref<50176xf32, #tpu.memory_space<vmem_shared>> -> memref<50176xf32, #tpu.memory_space<vmem_shared>>
      tpu.enqueue_indirect_dma source(%arg14 : memref<8192xf32, #tpu.memory_space<vmem>>) target(%dma_start3A_939 : memref<50176xf32, #tpu.memory_space<vmem_shared>>) offsets(%arg15 : memref<8192xi32, #tpu.memory_space<vmem>>) semaphore(%arg32 : memref<!tpu.dma_semaphore, #tpu.memory_space<semaphore_mem>>) {add = true}
    }
    %scan3A_455 = arith.constant 6 : i32
    %dma_wait3A_456 = arith.constant 0 : i32
    %dma_wait3A_457 = tpu.memref_slice %arg25[%dma_wait3A_456] : memref<50176xf32, #tpu.memory_space<vmem_shared>> -> memref<50176xf32, #tpu.memory_space<vmem_shared>>
    tpu.wait_indirect_dma semaphore(%arg31 : memref<!tpu.dma_semaphore, #tpu.memory_space<semaphore_mem>>) src(%arg6 : memref<8192xf32, #tpu.memory_space<vmem>>) dst(%dma_wait3A_457 : memref<50176xf32, #tpu.memory_space<vmem_shared>>)
    %dma_wait3A_458 = arith.constant 0 : i32
    %dma_wait3A_459 = tpu.memref_slice %arg26[%dma_wait3A_458] : memref<50176xf32, #tpu.memory_space<vmem_shared>> -> memref<50176xf32, #tpu.memory_space<vmem_shared>>
    tpu.wait_indirect_dma semaphore(%arg31 : memref<!tpu.dma_semaphore, #tpu.memory_space<semaphore_mem>>) src(%arg7 : memref<8192xf32, #tpu.memory_space<vmem>>) dst(%dma_wait3A_459 : memref<50176xf32, #tpu.memory_space<vmem_shared>>)
    %dma_wait3A_460 = arith.constant 0 : i32
    %dma_wait3A_461 = tpu.memref_slice %arg27[%dma_wait3A_460] : memref<50176xf32, #tpu.memory_space<vmem_shared>> -> memref<50176xf32, #tpu.memory_space<vmem_shared>>
    tpu.wait_indirect_dma semaphore(%arg31 : memref<!tpu.dma_semaphore, #tpu.memory_space<semaphore_mem>>) src(%arg8 : memref<8192xf32, #tpu.memory_space<vmem>>) dst(%dma_wait3A_461 : memref<50176xf32, #tpu.memory_space<vmem_shared>>)
    %dma_wait3A_462 = arith.constant 0 : i32
    %dma_wait3A_463 = tpu.memref_slice %arg28[%dma_wait3A_462] : memref<50176xf32, #tpu.memory_space<vmem_shared>> -> memref<50176xf32, #tpu.memory_space<vmem_shared>>
    tpu.wait_indirect_dma semaphore(%arg31 : memref<!tpu.dma_semaphore, #tpu.memory_space<semaphore_mem>>) src(%arg9 : memref<8192xf32, #tpu.memory_space<vmem>>) dst(%dma_wait3A_463 : memref<50176xf32, #tpu.memory_space<vmem_shared>>)
    %dma_wait3A_464 = arith.constant 0 : i32
    %dma_wait3A_465 = tpu.memref_slice %arg25[%dma_wait3A_464] : memref<50176xf32, #tpu.memory_space<vmem_shared>> -> memref<50176xf32, #tpu.memory_space<vmem_shared>>
    tpu.wait_indirect_dma semaphore(%arg32 : memref<!tpu.dma_semaphore, #tpu.memory_space<semaphore_mem>>) src(%arg11 : memref<8192xf32, #tpu.memory_space<vmem>>) dst(%dma_wait3A_465 : memref<50176xf32, #tpu.memory_space<vmem_shared>>)
    %dma_wait3A_466 = arith.constant 0 : i32
    %dma_wait3A_467 = tpu.memref_slice %arg26[%dma_wait3A_466] : memref<50176xf32, #tpu.memory_space<vmem_shared>> -> memref<50176xf32, #tpu.memory_space<vmem_shared>>
    tpu.wait_indirect_dma semaphore(%arg32 : memref<!tpu.dma_semaphore, #tpu.memory_space<semaphore_mem>>) src(%arg12 : memref<8192xf32, #tpu.memory_space<vmem>>) dst(%dma_wait3A_467 : memref<50176xf32, #tpu.memory_space<vmem_shared>>)
    %dma_wait3A_468 = arith.constant 0 : i32
    %dma_wait3A_469 = tpu.memref_slice %arg27[%dma_wait3A_468] : memref<50176xf32, #tpu.memory_space<vmem_shared>> -> memref<50176xf32, #tpu.memory_space<vmem_shared>>
    tpu.wait_indirect_dma semaphore(%arg32 : memref<!tpu.dma_semaphore, #tpu.memory_space<semaphore_mem>>) src(%arg13 : memref<8192xf32, #tpu.memory_space<vmem>>) dst(%dma_wait3A_469 : memref<50176xf32, #tpu.memory_space<vmem_shared>>)
    %dma_wait3A_470 = arith.constant 0 : i32
    %dma_wait3A_471 = tpu.memref_slice %arg28[%dma_wait3A_470] : memref<50176xf32, #tpu.memory_space<vmem_shared>> -> memref<50176xf32, #tpu.memory_space<vmem_shared>>
    tpu.wait_indirect_dma semaphore(%arg32 : memref<!tpu.dma_semaphore, #tpu.memory_space<semaphore_mem>>) src(%arg14 : memref<8192xf32, #tpu.memory_space<vmem>>) dst(%dma_wait3A_471 : memref<50176xf32, #tpu.memory_space<vmem_shared>>)
    %add3A_472 = arith.constant 0 : i32
    %add3A_473 = arith.addi %arg1, %add3A_472 : i32
    %mul3A_474 = arith.constant 32 : i32
    %mul3A_475 = arith.muli %add3A_373, %mul3A_474 : i32
    %add3A_476 = arith.addi %mul3A_475, %add3A_473 : i32
    %mul3A_477 = arith.constant 50048 : i32
    %mul3A_478 = arith.muli %add3A_476, %mul3A_477 : i32
    %add3A_479 = arith.constant 49152 : i32
    %add3A_480 = arith.addi %mul3A_478, %add3A_479 : i32
    %mul3A_481 = arith.constant 3 : i32
    %mul3A_482 = arith.muli %add3A_373, %mul3A_481 : i32
    %add3A_483 = arith.constant 0 : i32
    %add3A_484 = arith.addi %mul3A_482, %add3A_483 : i32
    %mul3A_485 = arith.constant 32 : i32
    %mul3A_486 = arith.muli %add3A_484, %mul3A_485 : i32
    %add3A_487 = arith.addi %mul3A_486, %add3A_473 : i32
    %mul3A_488 = arith.constant 50048 : i32
    %mul3A_489 = arith.muli %add3A_487, %mul3A_488 : i32
    %add3A_490 = arith.constant 49152 : i32
    %add3A_491 = arith.addi %mul3A_489, %add3A_490 : i32
    %dma_start3A_492 = arith.constant 0 : i32
    %dma_start3A_493 = tpu.memref_slice %arg6[%dma_start3A_492] : memref<8192xf32, #tpu.memory_space<vmem>> -> memref<896xf32, #tpu.memory_space<vmem>>
    %dma_start3A_494 = tpu.memref_slice %arg2[%add3A_491] : memref<19218432xf32, #tpu.memory_space<hbm>> -> memref<896xf32, #tpu.memory_space<hbm>>
    %dma_start3A_495 = arith.constant 0 : i32
    %dma_start3A_496 = tpu.memref_slice %arg6[%dma_start3A_495] : memref<8192xf32, #tpu.memory_space<vmem>> -> memref<896xf32, #tpu.memory_space<vmem>>
    %dma_start3A_497 = tpu.memref_slice %arg2[%add3A_491] : memref<19218432xf32, #tpu.memory_space<hbm>> -> memref<896xf32, #tpu.memory_space<hbm>>
    tpu.enqueue_dma source(%dma_start3A_497 : memref<896xf32, #tpu.memory_space<hbm>>) target(%dma_start3A_496 : memref<896xf32, #tpu.memory_space<vmem>>) target_semaphore(%arg33 : memref<!tpu.dma_semaphore, #tpu.memory_space<semaphore_mem>>)
    %mul3A_498 = arith.constant 3 : i32
    %mul3A_499 = arith.muli %add3A_373, %mul3A_498 : i32
    %add3A_500 = arith.constant 1 : i32
    %add3A_501 = arith.addi %mul3A_499, %add3A_500 : i32
    %mul3A_502 = arith.constant 32 : i32
    %mul3A_503 = arith.muli %add3A_501, %mul3A_502 : i32
    %add3A_504 = arith.addi %mul3A_503, %add3A_473 : i32
    %mul3A_505 = arith.constant 50048 : i32
    %mul3A_506 = arith.muli %add3A_504, %mul3A_505 : i32
    %add3A_507 = arith.constant 49152 : i32
    %add3A_508 = arith.addi %mul3A_506, %add3A_507 : i32
    %dma_start3A_509 = arith.constant 0 : i32
    %dma_start3A_510 = tpu.memref_slice %arg7[%dma_start3A_509] : memref<8192xf32, #tpu.memory_space<vmem>> -> memref<896xf32, #tpu.memory_space<vmem>>
    %dma_start3A_511 = tpu.memref_slice %arg2[%add3A_508] : memref<19218432xf32, #tpu.memory_space<hbm>> -> memref<896xf32, #tpu.memory_space<hbm>>
    %dma_start3A_512 = arith.constant 0 : i32
    %dma_start3A_513 = tpu.memref_slice %arg7[%dma_start3A_512] : memref<8192xf32, #tpu.memory_space<vmem>> -> memref<896xf32, #tpu.memory_space<vmem>>
    %dma_start3A_514 = tpu.memref_slice %arg2[%add3A_508] : memref<19218432xf32, #tpu.memory_space<hbm>> -> memref<896xf32, #tpu.memory_space<hbm>>
    tpu.enqueue_dma source(%dma_start3A_514 : memref<896xf32, #tpu.memory_space<hbm>>) target(%dma_start3A_513 : memref<896xf32, #tpu.memory_space<vmem>>) target_semaphore(%arg33 : memref<!tpu.dma_semaphore, #tpu.memory_space<semaphore_mem>>)
    %mul3A_515 = arith.constant 3 : i32
    %mul3A_516 = arith.muli %add3A_373, %mul3A_515 : i32
    %add3A_517 = arith.constant 2 : i32
    %add3A_518 = arith.addi %mul3A_516, %add3A_517 : i32
    %mul3A_519 = arith.constant 32 : i32
    %mul3A_520 = arith.muli %add3A_518, %mul3A_519 : i32
    %add3A_521 = arith.addi %mul3A_520, %add3A_473 : i32
    %mul3A_522 = arith.constant 50048 : i32
    %mul3A_523 = arith.muli %add3A_521, %mul3A_522 : i32
    %add3A_524 = arith.constant 49152 : i32
    %add3A_525 = arith.addi %mul3A_523, %add3A_524 : i32
    %dma_start3A_526 = arith.constant 0 : i32
    %dma_start3A_527 = tpu.memref_slice %arg8[%dma_start3A_526] : memref<8192xf32, #tpu.memory_space<vmem>> -> memref<896xf32, #tpu.memory_space<vmem>>
    %dma_start3A_528 = tpu.memref_slice %arg2[%add3A_525] : memref<19218432xf32, #tpu.memory_space<hbm>> -> memref<896xf32, #tpu.memory_space<hbm>>
    %dma_start3A_529 = arith.constant 0 : i32
    %dma_start3A_530 = tpu.memref_slice %arg8[%dma_start3A_529] : memref<8192xf32, #tpu.memory_space<vmem>> -> memref<896xf32, #tpu.memory_space<vmem>>
    %dma_start3A_531 = tpu.memref_slice %arg2[%add3A_525] : memref<19218432xf32, #tpu.memory_space<hbm>> -> memref<896xf32, #tpu.memory_space<hbm>>
    tpu.enqueue_dma source(%dma_start3A_531 : memref<896xf32, #tpu.memory_space<hbm>>) target(%dma_start3A_530 : memref<896xf32, #tpu.memory_space<vmem>>) target_semaphore(%arg33 : memref<!tpu.dma_semaphore, #tpu.memory_space<semaphore_mem>>)
    %dma_start3A_532 = arith.constant 0 : i32
    %dma_start3A_533 = tpu.memref_slice %arg9[%dma_start3A_532] : memref<8192xf32, #tpu.memory_space<vmem>> -> memref<896xf32, #tpu.memory_space<vmem>>
    %dma_start3A_534 = tpu.memref_slice %arg3[%add3A_480] : memref<6406144xf32, #tpu.memory_space<hbm>> -> memref<896xf32, #tpu.memory_space<hbm>>
    %dma_start3A_535 = arith.constant 0 : i32
    %dma_start3A_536 = tpu.memref_slice %arg9[%dma_start3A_535] : memref<8192xf32, #tpu.memory_space<vmem>> -> memref<896xf32, #tpu.memory_space<vmem>>
    %dma_start3A_537 = tpu.memref_slice %arg3[%add3A_480] : memref<6406144xf32, #tpu.memory_space<hbm>> -> memref<896xf32, #tpu.memory_space<hbm>>
    tpu.enqueue_dma source(%dma_start3A_537 : memref<896xf32, #tpu.memory_space<hbm>>) target(%dma_start3A_536 : memref<896xf32, #tpu.memory_space<vmem>>) target_semaphore(%arg33 : memref<!tpu.dma_semaphore, #tpu.memory_space<semaphore_mem>>)
    %dma_start3A_538 = tpu.memref_slice %arg4[%add3A_480] : memref<6406144xi32, #tpu.memory_space<hbm>> -> memref<896xi32, #tpu.memory_space<hbm>>
    %dma_start3A_539 = tpu.memref_slice %arg4[%add3A_480] : memref<6406144xi32, #tpu.memory_space<hbm>> -> memref<896xi32, #tpu.memory_space<hbm>>
    tpu.enqueue_dma source(%dma_start3A_539 : memref<896xi32, #tpu.memory_space<hbm>>) target(%arg16 : memref<896xi32, #tpu.memory_space<vmem>>) target_semaphore(%arg33 : memref<!tpu.dma_semaphore, #tpu.memory_space<semaphore_mem>>)
    %dma_wait3A_540 = arith.constant 0 : i32
    %dma_wait3A_541 = tpu.memref_slice %arg6[%dma_wait3A_540] : memref<8192xf32, #tpu.memory_space<vmem>> -> memref<896xf32, #tpu.memory_space<vmem>>
    %dma_wait3A_542 = tpu.memref_slice %arg2[%add3A_491] : memref<19218432xf32, #tpu.memory_space<hbm>> -> memref<896xf32, #tpu.memory_space<hbm>>
    %dma_wait3A_543 = arith.constant 0 : i32
    %dma_wait3A_544 = tpu.memref_slice %arg6[%dma_wait3A_543] : memref<8192xf32, #tpu.memory_space<vmem>> -> memref<896xf32, #tpu.memory_space<vmem>>
    %dma_wait3A_545 = tpu.memref_slice %arg2[%add3A_491] : memref<19218432xf32, #tpu.memory_space<hbm>> -> memref<896xf32, #tpu.memory_space<hbm>>
    tpu.wait_dma2 semaphore(%arg33 : memref<!tpu.dma_semaphore, #tpu.memory_space<semaphore_mem>>) src(%dma_wait3A_545 : memref<896xf32, #tpu.memory_space<hbm>>) dst(%dma_wait3A_544 : memref<896xf32, #tpu.memory_space<vmem>>)
    %dma_wait3A_546 = arith.constant 0 : i32
    %dma_wait3A_547 = tpu.memref_slice %arg7[%dma_wait3A_546] : memref<8192xf32, #tpu.memory_space<vmem>> -> memref<896xf32, #tpu.memory_space<vmem>>
    %dma_wait3A_548 = tpu.memref_slice %arg2[%add3A_508] : memref<19218432xf32, #tpu.memory_space<hbm>> -> memref<896xf32, #tpu.memory_space<hbm>>
    %dma_wait3A_549 = arith.constant 0 : i32
    %dma_wait3A_550 = tpu.memref_slice %arg7[%dma_wait3A_549] : memref<8192xf32, #tpu.memory_space<vmem>> -> memref<896xf32, #tpu.memory_space<vmem>>
    %dma_wait3A_551 = tpu.memref_slice %arg2[%add3A_508] : memref<19218432xf32, #tpu.memory_space<hbm>> -> memref<896xf32, #tpu.memory_space<hbm>>
    tpu.wait_dma2 semaphore(%arg33 : memref<!tpu.dma_semaphore, #tpu.memory_space<semaphore_mem>>) src(%dma_wait3A_551 : memref<896xf32, #tpu.memory_space<hbm>>) dst(%dma_wait3A_550 : memref<896xf32, #tpu.memory_space<vmem>>)
    %dma_wait3A_552 = arith.constant 0 : i32
    %dma_wait3A_553 = tpu.memref_slice %arg8[%dma_wait3A_552] : memref<8192xf32, #tpu.memory_space<vmem>> -> memref<896xf32, #tpu.memory_space<vmem>>
    %dma_wait3A_554 = tpu.memref_slice %arg2[%add3A_525] : memref<19218432xf32, #tpu.memory_space<hbm>> -> memref<896xf32, #tpu.memory_space<hbm>>
    %dma_wait3A_555 = arith.constant 0 : i32
    %dma_wait3A_556 = tpu.memref_slice %arg8[%dma_wait3A_555] : memref<8192xf32, #tpu.memory_space<vmem>> -> memref<896xf32, #tpu.memory_space<vmem>>
    %dma_wait3A_557 = tpu.memref_slice %arg2[%add3A_525] : memref<19218432xf32, #tpu.memory_space<hbm>> -> memref<896xf32, #tpu.memory_space<hbm>>
    tpu.wait_dma2 semaphore(%arg33 : memref<!tpu.dma_semaphore, #tpu.memory_space<semaphore_mem>>) src(%dma_wait3A_557 : memref<896xf32, #tpu.memory_space<hbm>>) dst(%dma_wait3A_556 : memref<896xf32, #tpu.memory_space<vmem>>)
    %dma_wait3A_558 = arith.constant 0 : i32
    %dma_wait3A_559 = tpu.memref_slice %arg9[%dma_wait3A_558] : memref<8192xf32, #tpu.memory_space<vmem>> -> memref<896xf32, #tpu.memory_space<vmem>>
    %dma_wait3A_560 = tpu.memref_slice %arg3[%add3A_480] : memref<6406144xf32, #tpu.memory_space<hbm>> -> memref<896xf32, #tpu.memory_space<hbm>>
    %dma_wait3A_561 = arith.constant 0 : i32
    %dma_wait3A_562 = tpu.memref_slice %arg9[%dma_wait3A_561] : memref<8192xf32, #tpu.memory_space<vmem>> -> memref<896xf32, #tpu.memory_space<vmem>>
    %dma_wait3A_563 = tpu.memref_slice %arg3[%add3A_480] : memref<6406144xf32, #tpu.memory_space<hbm>> -> memref<896xf32, #tpu.memory_space<hbm>>
    tpu.wait_dma2 semaphore(%arg33 : memref<!tpu.dma_semaphore, #tpu.memory_space<semaphore_mem>>) src(%dma_wait3A_563 : memref<896xf32, #tpu.memory_space<hbm>>) dst(%dma_wait3A_562 : memref<896xf32, #tpu.memory_space<vmem>>)
    %dma_wait3A_564 = tpu.memref_slice %arg4[%add3A_480] : memref<6406144xi32, #tpu.memory_space<hbm>> -> memref<896xi32, #tpu.memory_space<hbm>>
    %dma_wait3A_565 = tpu.memref_slice %arg4[%add3A_480] : memref<6406144xi32, #tpu.memory_space<hbm>> -> memref<896xi32, #tpu.memory_space<hbm>>
    tpu.wait_dma2 semaphore(%arg33 : memref<!tpu.dma_semaphore, #tpu.memory_space<semaphore_mem>>) src(%dma_wait3A_565 : memref<896xi32, #tpu.memory_space<hbm>>) dst(%arg16 : memref<896xi32, #tpu.memory_space<vmem>>)
    %parallel_loop3A_566 = arith.constant 0 : i32
    %parallel_loop3A_567 = arith.constant 56 : i32
    %parallel_loop3A_568 = arith.constant 1 : i32
    scf.for %parallel_loop3A_788 = %parallel_loop3A_566 to %parallel_loop3A_567 step %parallel_loop3A_568  : i32 {
      %parallel_loop3A_789 = arith.constant 16 : i32
      %parallel_loop3A_790 = arith.muli %parallel_loop3A_789, %parallel_loop3A_788 : i32
      %parallel_loop3A_791 = arith.index_cast %parallel_loop3A_790 : i32 to index
      %parallel_loop3A_792 = tpu.vector_load %arg9[%parallel_loop3A_791] {strides = array<i32>} : memref<8192xf32, #tpu.memory_space<vmem>>, vector<16xf32>,
      %parallel_loop3A_793 = arith.constant 16 : i32
      %parallel_loop3A_794 = arith.muli %parallel_loop3A_793, %parallel_loop3A_788 : i32
      %parallel_loop3A_795 = arith.index_cast %parallel_loop3A_794 : i32 to index
      %parallel_loop3A_796 = tpu.vector_load %arg6[%parallel_loop3A_795] {strides = array<i32>} : memref<8192xf32, #tpu.memory_space<vmem>>, vector<16xf32>,
      %parallel_loop3A_797 = arith.mulf %parallel_loop3A_796, %parallel_loop3A_792 : vector<16xf32>
      %parallel_loop3A_798 = arith.constant 16 : i32
      %parallel_loop3A_799 = arith.muli %parallel_loop3A_798, %parallel_loop3A_788 : i32
      %parallel_loop3A_800 = arith.index_cast %parallel_loop3A_799 : i32 to index
      %parallel_loop3A_801 = tpu.vector_load %arg6[%parallel_loop3A_800] {strides = array<i32>} : memref<8192xf32, #tpu.memory_space<vmem>>, vector<16xf32>,
      tpu.vector_store %arg6[%parallel_loop3A_800], %parallel_loop3A_797 {strides = array<i32>} : memref<8192xf32, #tpu.memory_space<vmem>>, vector<16xf32>,
      %parallel_loop3A_802 = arith.constant 16 : i32
      %parallel_loop3A_803 = arith.muli %parallel_loop3A_802, %parallel_loop3A_788 : i32
      %parallel_loop3A_804 = arith.index_cast %parallel_loop3A_803 : i32 to index
      %parallel_loop3A_805 = tpu.vector_load %arg7[%parallel_loop3A_804] {strides = array<i32>} : memref<8192xf32, #tpu.memory_space<vmem>>, vector<16xf32>,
      %parallel_loop3A_806 = arith.mulf %parallel_loop3A_805, %parallel_loop3A_792 : vector<16xf32>
      %parallel_loop3A_807 = arith.constant 16 : i32
      %parallel_loop3A_808 = arith.muli %parallel_loop3A_807, %parallel_loop3A_788 : i32
      %parallel_loop3A_809 = arith.index_cast %parallel_loop3A_808 : i32 to index
      %parallel_loop3A_810 = tpu.vector_load %arg7[%parallel_loop3A_809] {strides = array<i32>} : memref<8192xf32, #tpu.memory_space<vmem>>, vector<16xf32>,
      tpu.vector_store %arg7[%parallel_loop3A_809], %parallel_loop3A_806 {strides = array<i32>} : memref<8192xf32, #tpu.memory_space<vmem>>, vector<16xf32>,
      %parallel_loop3A_811 = arith.constant 16 : i32
      %parallel_loop3A_812 = arith.muli %parallel_loop3A_811, %parallel_loop3A_788 : i32
      %parallel_loop3A_813 = arith.index_cast %parallel_loop3A_812 : i32 to index
      %parallel_loop3A_814 = tpu.vector_load %arg8[%parallel_loop3A_813] {strides = array<i32>} : memref<8192xf32, #tpu.memory_space<vmem>>, vector<16xf32>,
      %parallel_loop3A_815 = arith.mulf %parallel_loop3A_814, %parallel_loop3A_792 : vector<16xf32>
      %parallel_loop3A_816 = arith.constant 16 : i32
      %parallel_loop3A_817 = arith.muli %parallel_loop3A_816, %parallel_loop3A_788 : i32
      %parallel_loop3A_818 = arith.index_cast %parallel_loop3A_817 : i32 to index
      %parallel_loop3A_819 = tpu.vector_load %arg8[%parallel_loop3A_818] {strides = array<i32>} : memref<8192xf32, #tpu.memory_space<vmem>>, vector<16xf32>,
      tpu.vector_store %arg8[%parallel_loop3A_818], %parallel_loop3A_815 {strides = array<i32>} : memref<8192xf32, #tpu.memory_space<vmem>>, vector<16xf32>,
    } {sc.loop_unroll_factor = 4 : i64, sc.parallel_access}
    %dma_start3A_569 = arith.constant 0 : i32
    %dma_start3A_570 = tpu.memref_slice %arg6[%dma_start3A_569] : memref<8192xf32, #tpu.memory_space<vmem>> -> memref<896xf32, #tpu.memory_space<vmem>>
    %dma_start3A_571 = arith.constant 0 : i32
    %dma_start3A_572 = tpu.memref_slice %arg25[%dma_start3A_571] : memref<50176xf32, #tpu.memory_space<vmem_shared>> -> memref<50176xf32, #tpu.memory_space<vmem_shared>>
    tpu.enqueue_indirect_dma source(%dma_start3A_570 : memref<896xf32, #tpu.memory_space<vmem>>) target(%dma_start3A_572 : memref<50176xf32, #tpu.memory_space<vmem_shared>>) offsets(%arg16 : memref<896xi32, #tpu.memory_space<vmem>>) semaphore(%arg33 : memref<!tpu.dma_semaphore, #tpu.memory_space<semaphore_mem>>) {add = true}
    %dma_start3A_573 = arith.constant 0 : i32
    %dma_start3A_574 = tpu.memref_slice %arg7[%dma_start3A_573] : memref<8192xf32, #tpu.memory_space<vmem>> -> memref<896xf32, #tpu.memory_space<vmem>>
    %dma_start3A_575 = arith.constant 0 : i32
    %dma_start3A_576 = tpu.memref_slice %arg26[%dma_start3A_575] : memref<50176xf32, #tpu.memory_space<vmem_shared>> -> memref<50176xf32, #tpu.memory_space<vmem_shared>>
    tpu.enqueue_indirect_dma source(%dma_start3A_574 : memref<896xf32, #tpu.memory_space<vmem>>) target(%dma_start3A_576 : memref<50176xf32, #tpu.memory_space<vmem_shared>>) offsets(%arg16 : memref<896xi32, #tpu.memory_space<vmem>>) semaphore(%arg33 : memref<!tpu.dma_semaphore, #tpu.memory_space<semaphore_mem>>) {add = true}
    %dma_start3A_577 = arith.constant 0 : i32
    %dma_start3A_578 = tpu.memref_slice %arg8[%dma_start3A_577] : memref<8192xf32, #tpu.memory_space<vmem>> -> memref<896xf32, #tpu.memory_space<vmem>>
    %dma_start3A_579 = arith.constant 0 : i32
    %dma_start3A_580 = tpu.memref_slice %arg27[%dma_start3A_579] : memref<50176xf32, #tpu.memory_space<vmem_shared>> -> memref<50176xf32, #tpu.memory_space<vmem_shared>>
    tpu.enqueue_indirect_dma source(%dma_start3A_578 : memref<896xf32, #tpu.memory_space<vmem>>) target(%dma_start3A_580 : memref<50176xf32, #tpu.memory_space<vmem_shared>>) offsets(%arg16 : memref<896xi32, #tpu.memory_space<vmem>>) semaphore(%arg33 : memref<!tpu.dma_semaphore, #tpu.memory_space<semaphore_mem>>) {add = true}
    %dma_start3A_581 = arith.constant 0 : i32
    %dma_start3A_582 = tpu.memref_slice %arg9[%dma_start3A_581] : memref<8192xf32, #tpu.memory_space<vmem>> -> memref<896xf32, #tpu.memory_space<vmem>>
    %dma_start3A_583 = arith.constant 0 : i32
    %dma_start3A_584 = tpu.memref_slice %arg28[%dma_start3A_583] : memref<50176xf32, #tpu.memory_space<vmem_shared>> -> memref<50176xf32, #tpu.memory_space<vmem_shared>>
    tpu.enqueue_indirect_dma source(%dma_start3A_582 : memref<896xf32, #tpu.memory_space<vmem>>) target(%dma_start3A_584 : memref<50176xf32, #tpu.memory_space<vmem_shared>>) offsets(%arg16 : memref<896xi32, #tpu.memory_space<vmem>>) semaphore(%arg33 : memref<!tpu.dma_semaphore, #tpu.memory_space<semaphore_mem>>) {add = true}
    %dma_wait3A_585 = arith.constant 0 : i32
    %dma_wait3A_586 = tpu.memref_slice %arg6[%dma_wait3A_585] : memref<8192xf32, #tpu.memory_space<vmem>> -> memref<896xf32, #tpu.memory_space<vmem>>
    %dma_wait3A_587 = arith.constant 0 : i32
    %dma_wait3A_588 = tpu.memref_slice %arg25[%dma_wait3A_587] : memref<50176xf32, #tpu.memory_space<vmem_shared>> -> memref<50176xf32, #tpu.memory_space<vmem_shared>>
    tpu.wait_indirect_dma semaphore(%arg33 : memref<!tpu.dma_semaphore, #tpu.memory_space<semaphore_mem>>) src(%dma_wait3A_586 : memref<896xf32, #tpu.memory_space<vmem>>) dst(%dma_wait3A_588 : memref<50176xf32, #tpu.memory_space<vmem_shared>>)
    %dma_wait3A_589 = arith.constant 0 : i32
    %dma_wait3A_590 = tpu.memref_slice %arg7[%dma_wait3A_589] : memref<8192xf32, #tpu.memory_space<vmem>> -> memref<896xf32, #tpu.memory_space<vmem>>
    %dma_wait3A_591 = arith.constant 0 : i32
    %dma_wait3A_592 = tpu.memref_slice %arg26[%dma_wait3A_591] : memref<50176xf32, #tpu.memory_space<vmem_shared>> -> memref<50176xf32, #tpu.memory_space<vmem_shared>>
    tpu.wait_indirect_dma semaphore(%arg33 : memref<!tpu.dma_semaphore, #tpu.memory_space<semaphore_mem>>) src(%dma_wait3A_590 : memref<896xf32, #tpu.memory_space<vmem>>) dst(%dma_wait3A_592 : memref<50176xf32, #tpu.memory_space<vmem_shared>>)
    %dma_wait3A_593 = arith.constant 0 : i32
    %dma_wait3A_594 = tpu.memref_slice %arg8[%dma_wait3A_593] : memref<8192xf32, #tpu.memory_space<vmem>> -> memref<896xf32, #tpu.memory_space<vmem>>
    %dma_wait3A_595 = arith.constant 0 : i32
    %dma_wait3A_596 = tpu.memref_slice %arg27[%dma_wait3A_595] : memref<50176xf32, #tpu.memory_space<vmem_shared>> -> memref<50176xf32, #tpu.memory_space<vmem_shared>>
    tpu.wait_indirect_dma semaphore(%arg33 : memref<!tpu.dma_semaphore, #tpu.memory_space<semaphore_mem>>) src(%dma_wait3A_594 : memref<896xf32, #tpu.memory_space<vmem>>) dst(%dma_wait3A_596 : memref<50176xf32, #tpu.memory_space<vmem_shared>>)
    %dma_wait3A_597 = arith.constant 0 : i32
    %dma_wait3A_598 = tpu.memref_slice %arg9[%dma_wait3A_597] : memref<8192xf32, #tpu.memory_space<vmem>> -> memref<896xf32, #tpu.memory_space<vmem>>
    %dma_wait3A_599 = arith.constant 0 : i32
    %dma_wait3A_600 = tpu.memref_slice %arg28[%dma_wait3A_599] : memref<50176xf32, #tpu.memory_space<vmem_shared>> -> memref<50176xf32, #tpu.memory_space<vmem_shared>>
    tpu.wait_indirect_dma semaphore(%arg33 : memref<!tpu.dma_semaphore, #tpu.memory_space<semaphore_mem>>) src(%dma_wait3A_598 : memref<896xf32, #tpu.memory_space<vmem>>) dst(%dma_wait3A_600 : memref<50176xf32, #tpu.memory_space<vmem_shared>>)
    %add3A_601 = arith.constant 16 : i32
    %add3A_602 = arith.addi %arg1, %add3A_601 : i32
    %mul3A_603 = arith.constant 32 : i32
    %mul3A_604 = arith.muli %add3A_373, %mul3A_603 : i32
    %add3A_605 = arith.addi %mul3A_604, %add3A_602 : i32
    %mul3A_606 = arith.constant 50048 : i32
    %mul3A_607 = arith.muli %add3A_605, %mul3A_606 : i32
    %add3A_608 = arith.constant 49152 : i32
    %add3A_609 = arith.addi %mul3A_607, %add3A_608 : i32
    %mul3A_610 = arith.constant 3 : i32
    %mul3A_611 = arith.muli %add3A_373, %mul3A_610 : i32
    %add3A_612 = arith.constant 0 : i32
    %add3A_613 = arith.addi %mul3A_611, %add3A_612 : i32
    %mul3A_614 = arith.constant 32 : i32
    %mul3A_615 = arith.muli %add3A_613, %mul3A_614 : i32
    %add3A_616 = arith.addi %mul3A_615, %add3A_602 : i32
    %mul3A_617 = arith.constant 50048 : i32
    %mul3A_618 = arith.muli %add3A_616, %mul3A_617 : i32
    %add3A_619 = arith.constant 49152 : i32
    %add3A_620 = arith.addi %mul3A_618, %add3A_619 : i32
    %dma_start3A_621 = arith.constant 0 : i32
    %dma_start3A_622 = tpu.memref_slice %arg6[%dma_start3A_621] : memref<8192xf32, #tpu.memory_space<vmem>> -> memref<896xf32, #tpu.memory_space<vmem>>
    %dma_start3A_623 = tpu.memref_slice %arg2[%add3A_620] : memref<19218432xf32, #tpu.memory_space<hbm>> -> memref<896xf32, #tpu.memory_space<hbm>>
    %dma_start3A_624 = arith.constant 0 : i32
    %dma_start3A_625 = tpu.memref_slice %arg6[%dma_start3A_624] : memref<8192xf32, #tpu.memory_space<vmem>> -> memref<896xf32, #tpu.memory_space<vmem>>
    %dma_start3A_626 = tpu.memref_slice %arg2[%add3A_620] : memref<19218432xf32, #tpu.memory_space<hbm>> -> memref<896xf32, #tpu.memory_space<hbm>>
    tpu.enqueue_dma source(%dma_start3A_626 : memref<896xf32, #tpu.memory_space<hbm>>) target(%dma_start3A_625 : memref<896xf32, #tpu.memory_space<vmem>>) target_semaphore(%arg33 : memref<!tpu.dma_semaphore, #tpu.memory_space<semaphore_mem>>)
    %mul3A_627 = arith.constant 3 : i32
    %mul3A_628 = arith.muli %add3A_373, %mul3A_627 : i32
    %add3A_629 = arith.constant 1 : i32
    %add3A_630 = arith.addi %mul3A_628, %add3A_629 : i32
    %mul3A_631 = arith.constant 32 : i32
    %mul3A_632 = arith.muli %add3A_630, %mul3A_631 : i32
    %add3A_633 = arith.addi %mul3A_632, %add3A_602 : i32
    %mul3A_634 = arith.constant 50048 : i32
    %mul3A_635 = arith.muli %add3A_633, %mul3A_634 : i32
    %add3A_636 = arith.constant 49152 : i32
    %add3A_637 = arith.addi %mul3A_635, %add3A_636 : i32
    %dma_start3A_638 = arith.constant 0 : i32
    %dma_start3A_639 = tpu.memref_slice %arg7[%dma_start3A_638] : memref<8192xf32, #tpu.memory_space<vmem>> -> memref<896xf32, #tpu.memory_space<vmem>>
    %dma_start3A_640 = tpu.memref_slice %arg2[%add3A_637] : memref<19218432xf32, #tpu.memory_space<hbm>> -> memref<896xf32, #tpu.memory_space<hbm>>
    %dma_start3A_641 = arith.constant 0 : i32
    %dma_start3A_642 = tpu.memref_slice %arg7[%dma_start3A_641] : memref<8192xf32, #tpu.memory_space<vmem>> -> memref<896xf32, #tpu.memory_space<vmem>>
    %dma_start3A_643 = tpu.memref_slice %arg2[%add3A_637] : memref<19218432xf32, #tpu.memory_space<hbm>> -> memref<896xf32, #tpu.memory_space<hbm>>
    tpu.enqueue_dma source(%dma_start3A_643 : memref<896xf32, #tpu.memory_space<hbm>>) target(%dma_start3A_642 : memref<896xf32, #tpu.memory_space<vmem>>) target_semaphore(%arg33 : memref<!tpu.dma_semaphore, #tpu.memory_space<semaphore_mem>>)
    %mul3A_644 = arith.constant 3 : i32
    %mul3A_645 = arith.muli %add3A_373, %mul3A_644 : i32
    %add3A_646 = arith.constant 2 : i32
    %add3A_647 = arith.addi %mul3A_645, %add3A_646 : i32
    %mul3A_648 = arith.constant 32 : i32
    %mul3A_649 = arith.muli %add3A_647, %mul3A_648 : i32
    %add3A_650 = arith.addi %mul3A_649, %add3A_602 : i32
    %mul3A_651 = arith.constant 50048 : i32
    %mul3A_652 = arith.muli %add3A_650, %mul3A_651 : i32
    %add3A_653 = arith.constant 49152 : i32
    %add3A_654 = arith.addi %mul3A_652, %add3A_653 : i32
    %dma_start3A_655 = arith.constant 0 : i32
    %dma_start3A_656 = tpu.memref_slice %arg8[%dma_start3A_655] : memref<8192xf32, #tpu.memory_space<vmem>> -> memref<896xf32, #tpu.memory_space<vmem>>
    %dma_start3A_657 = tpu.memref_slice %arg2[%add3A_654] : memref<19218432xf32, #tpu.memory_space<hbm>> -> memref<896xf32, #tpu.memory_space<hbm>>
    %dma_start3A_658 = arith.constant 0 : i32
    %dma_start3A_659 = tpu.memref_slice %arg8[%dma_start3A_658] : memref<8192xf32, #tpu.memory_space<vmem>> -> memref<896xf32, #tpu.memory_space<vmem>>
    %dma_start3A_660 = tpu.memref_slice %arg2[%add3A_654] : memref<19218432xf32, #tpu.memory_space<hbm>> -> memref<896xf32, #tpu.memory_space<hbm>>
    tpu.enqueue_dma source(%dma_start3A_660 : memref<896xf32, #tpu.memory_space<hbm>>) target(%dma_start3A_659 : memref<896xf32, #tpu.memory_space<vmem>>) target_semaphore(%arg33 : memref<!tpu.dma_semaphore, #tpu.memory_space<semaphore_mem>>)
    %dma_start3A_661 = arith.constant 0 : i32
    %dma_start3A_662 = tpu.memref_slice %arg9[%dma_start3A_661] : memref<8192xf32, #tpu.memory_space<vmem>> -> memref<896xf32, #tpu.memory_space<vmem>>
    %dma_start3A_663 = tpu.memref_slice %arg3[%add3A_609] : memref<6406144xf32, #tpu.memory_space<hbm>> -> memref<896xf32, #tpu.memory_space<hbm>>
    %dma_start3A_664 = arith.constant 0 : i32
    %dma_start3A_665 = tpu.memref_slice %arg9[%dma_start3A_664] : memref<8192xf32, #tpu.memory_space<vmem>> -> memref<896xf32, #tpu.memory_space<vmem>>
    %dma_start3A_666 = tpu.memref_slice %arg3[%add3A_609] : memref<6406144xf32, #tpu.memory_space<hbm>> -> memref<896xf32, #tpu.memory_space<hbm>>
    tpu.enqueue_dma source(%dma_start3A_666 : memref<896xf32, #tpu.memory_space<hbm>>) target(%dma_start3A_665 : memref<896xf32, #tpu.memory_space<vmem>>) target_semaphore(%arg33 : memref<!tpu.dma_semaphore, #tpu.memory_space<semaphore_mem>>)
    %dma_start3A_667 = tpu.memref_slice %arg4[%add3A_609] : memref<6406144xi32, #tpu.memory_space<hbm>> -> memref<896xi32, #tpu.memory_space<hbm>>
    %dma_start3A_668 = tpu.memref_slice %arg4[%add3A_609] : memref<6406144xi32, #tpu.memory_space<hbm>> -> memref<896xi32, #tpu.memory_space<hbm>>
    tpu.enqueue_dma source(%dma_start3A_668 : memref<896xi32, #tpu.memory_space<hbm>>) target(%arg16 : memref<896xi32, #tpu.memory_space<vmem>>) target_semaphore(%arg33 : memref<!tpu.dma_semaphore, #tpu.memory_space<semaphore_mem>>)
    %dma_wait3A_669 = arith.constant 0 : i32
    %dma_wait3A_670 = tpu.memref_slice %arg6[%dma_wait3A_669] : memref<8192xf32, #tpu.memory_space<vmem>> -> memref<896xf32, #tpu.memory_space<vmem>>
    %dma_wait3A_671 = tpu.memref_slice %arg2[%add3A_620] : memref<19218432xf32, #tpu.memory_space<hbm>> -> memref<896xf32, #tpu.memory_space<hbm>>
    %dma_wait3A_672 = arith.constant 0 : i32
    %dma_wait3A_673 = tpu.memref_slice %arg6[%dma_wait3A_672] : memref<8192xf32, #tpu.memory_space<vmem>> -> memref<896xf32, #tpu.memory_space<vmem>>
    %dma_wait3A_674 = tpu.memref_slice %arg2[%add3A_620] : memref<19218432xf32, #tpu.memory_space<hbm>> -> memref<896xf32, #tpu.memory_space<hbm>>
    tpu.wait_dma2 semaphore(%arg33 : memref<!tpu.dma_semaphore, #tpu.memory_space<semaphore_mem>>) src(%dma_wait3A_674 : memref<896xf32, #tpu.memory_space<hbm>>) dst(%dma_wait3A_673 : memref<896xf32, #tpu.memory_space<vmem>>)
    %dma_wait3A_675 = arith.constant 0 : i32
    %dma_wait3A_676 = tpu.memref_slice %arg7[%dma_wait3A_675] : memref<8192xf32, #tpu.memory_space<vmem>> -> memref<896xf32, #tpu.memory_space<vmem>>
    %dma_wait3A_677 = tpu.memref_slice %arg2[%add3A_637] : memref<19218432xf32, #tpu.memory_space<hbm>> -> memref<896xf32, #tpu.memory_space<hbm>>
    %dma_wait3A_678 = arith.constant 0 : i32
    %dma_wait3A_679 = tpu.memref_slice %arg7[%dma_wait3A_678] : memref<8192xf32, #tpu.memory_space<vmem>> -> memref<896xf32, #tpu.memory_space<vmem>>
    %dma_wait3A_680 = tpu.memref_slice %arg2[%add3A_637] : memref<19218432xf32, #tpu.memory_space<hbm>> -> memref<896xf32, #tpu.memory_space<hbm>>
    tpu.wait_dma2 semaphore(%arg33 : memref<!tpu.dma_semaphore, #tpu.memory_space<semaphore_mem>>) src(%dma_wait3A_680 : memref<896xf32, #tpu.memory_space<hbm>>) dst(%dma_wait3A_679 : memref<896xf32, #tpu.memory_space<vmem>>)
    %dma_wait3A_681 = arith.constant 0 : i32
    %dma_wait3A_682 = tpu.memref_slice %arg8[%dma_wait3A_681] : memref<8192xf32, #tpu.memory_space<vmem>> -> memref<896xf32, #tpu.memory_space<vmem>>
    %dma_wait3A_683 = tpu.memref_slice %arg2[%add3A_654] : memref<19218432xf32, #tpu.memory_space<hbm>> -> memref<896xf32, #tpu.memory_space<hbm>>
    %dma_wait3A_684 = arith.constant 0 : i32
    %dma_wait3A_685 = tpu.memref_slice %arg8[%dma_wait3A_684] : memref<8192xf32, #tpu.memory_space<vmem>> -> memref<896xf32, #tpu.memory_space<vmem>>
    %dma_wait3A_686 = tpu.memref_slice %arg2[%add3A_654] : memref<19218432xf32, #tpu.memory_space<hbm>> -> memref<896xf32, #tpu.memory_space<hbm>>
    tpu.wait_dma2 semaphore(%arg33 : memref<!tpu.dma_semaphore, #tpu.memory_space<semaphore_mem>>) src(%dma_wait3A_686 : memref<896xf32, #tpu.memory_space<hbm>>) dst(%dma_wait3A_685 : memref<896xf32, #tpu.memory_space<vmem>>)
    %dma_wait3A_687 = arith.constant 0 : i32
    %dma_wait3A_688 = tpu.memref_slice %arg9[%dma_wait3A_687] : memref<8192xf32, #tpu.memory_space<vmem>> -> memref<896xf32, #tpu.memory_space<vmem>>
    %dma_wait3A_689 = tpu.memref_slice %arg3[%add3A_609] : memref<6406144xf32, #tpu.memory_space<hbm>> -> memref<896xf32, #tpu.memory_space<hbm>>
    %dma_wait3A_690 = arith.constant 0 : i32
    %dma_wait3A_691 = tpu.memref_slice %arg9[%dma_wait3A_690] : memref<8192xf32, #tpu.memory_space<vmem>> -> memref<896xf32, #tpu.memory_space<vmem>>
    %dma_wait3A_692 = tpu.memref_slice %arg3[%add3A_609] : memref<6406144xf32, #tpu.memory_space<hbm>> -> memref<896xf32, #tpu.memory_space<hbm>>
    tpu.wait_dma2 semaphore(%arg33 : memref<!tpu.dma_semaphore, #tpu.memory_space<semaphore_mem>>) src(%dma_wait3A_692 : memref<896xf32, #tpu.memory_space<hbm>>) dst(%dma_wait3A_691 : memref<896xf32, #tpu.memory_space<vmem>>)
    %dma_wait3A_693 = tpu.memref_slice %arg4[%add3A_609] : memref<6406144xi32, #tpu.memory_space<hbm>> -> memref<896xi32, #tpu.memory_space<hbm>>
    %dma_wait3A_694 = tpu.memref_slice %arg4[%add3A_609] : memref<6406144xi32, #tpu.memory_space<hbm>> -> memref<896xi32, #tpu.memory_space<hbm>>
    tpu.wait_dma2 semaphore(%arg33 : memref<!tpu.dma_semaphore, #tpu.memory_space<semaphore_mem>>) src(%dma_wait3A_694 : memref<896xi32, #tpu.memory_space<hbm>>) dst(%arg16 : memref<896xi32, #tpu.memory_space<vmem>>)
    %parallel_loop3A_695 = arith.constant 0 : i32
    %parallel_loop3A_696 = arith.constant 56 : i32
    %parallel_loop3A_697 = arith.constant 1 : i32
    scf.for %parallel_loop3A_788 = %parallel_loop3A_695 to %parallel_loop3A_696 step %parallel_loop3A_697  : i32 {
      %parallel_loop3A_789 = arith.constant 16 : i32
      %parallel_loop3A_790 = arith.muli %parallel_loop3A_789, %parallel_loop3A_788 : i32
      %parallel_loop3A_791 = arith.index_cast %parallel_loop3A_790 : i32 to index
      %parallel_loop3A_792 = tpu.vector_load %arg9[%parallel_loop3A_791] {strides = array<i32>} : memref<8192xf32, #tpu.memory_space<vmem>>, vector<16xf32>,
      %parallel_loop3A_793 = arith.constant 16 : i32
      %parallel_loop3A_794 = arith.muli %parallel_loop3A_793, %parallel_loop3A_788 : i32
      %parallel_loop3A_795 = arith.index_cast %parallel_loop3A_794 : i32 to index
      %parallel_loop3A_796 = tpu.vector_load %arg6[%parallel_loop3A_795] {strides = array<i32>} : memref<8192xf32, #tpu.memory_space<vmem>>, vector<16xf32>,
      %parallel_loop3A_797 = arith.mulf %parallel_loop3A_796, %parallel_loop3A_792 : vector<16xf32>
      %parallel_loop3A_798 = arith.constant 16 : i32
      %parallel_loop3A_799 = arith.muli %parallel_loop3A_798, %parallel_loop3A_788 : i32
      %parallel_loop3A_800 = arith.index_cast %parallel_loop3A_799 : i32 to index
      %parallel_loop3A_801 = tpu.vector_load %arg6[%parallel_loop3A_800] {strides = array<i32>} : memref<8192xf32, #tpu.memory_space<vmem>>, vector<16xf32>,
      tpu.vector_store %arg6[%parallel_loop3A_800], %parallel_loop3A_797 {strides = array<i32>} : memref<8192xf32, #tpu.memory_space<vmem>>, vector<16xf32>,
      %parallel_loop3A_802 = arith.constant 16 : i32
      %parallel_loop3A_803 = arith.muli %parallel_loop3A_802, %parallel_loop3A_788 : i32
      %parallel_loop3A_804 = arith.index_cast %parallel_loop3A_803 : i32 to index
      %parallel_loop3A_805 = tpu.vector_load %arg7[%parallel_loop3A_804] {strides = array<i32>} : memref<8192xf32, #tpu.memory_space<vmem>>, vector<16xf32>,
      %parallel_loop3A_806 = arith.mulf %parallel_loop3A_805, %parallel_loop3A_792 : vector<16xf32>
      %parallel_loop3A_807 = arith.constant 16 : i32
      %parallel_loop3A_808 = arith.muli %parallel_loop3A_807, %parallel_loop3A_788 : i32
      %parallel_loop3A_809 = arith.index_cast %parallel_loop3A_808 : i32 to index
      %parallel_loop3A_810 = tpu.vector_load %arg7[%parallel_loop3A_809] {strides = array<i32>} : memref<8192xf32, #tpu.memory_space<vmem>>, vector<16xf32>,
      tpu.vector_store %arg7[%parallel_loop3A_809], %parallel_loop3A_806 {strides = array<i32>} : memref<8192xf32, #tpu.memory_space<vmem>>, vector<16xf32>,
      %parallel_loop3A_811 = arith.constant 16 : i32
      %parallel_loop3A_812 = arith.muli %parallel_loop3A_811, %parallel_loop3A_788 : i32
      %parallel_loop3A_813 = arith.index_cast %parallel_loop3A_812 : i32 to index
      %parallel_loop3A_814 = tpu.vector_load %arg8[%parallel_loop3A_813] {strides = array<i32>} : memref<8192xf32, #tpu.memory_space<vmem>>, vector<16xf32>,
      %parallel_loop3A_815 = arith.mulf %parallel_loop3A_814, %parallel_loop3A_792 : vector<16xf32>
      %parallel_loop3A_816 = arith.constant 16 : i32
      %parallel_loop3A_817 = arith.muli %parallel_loop3A_816, %parallel_loop3A_788 : i32
      %parallel_loop3A_818 = arith.index_cast %parallel_loop3A_817 : i32 to index
      %parallel_loop3A_819 = tpu.vector_load %arg8[%parallel_loop3A_818] {strides = array<i32>} : memref<8192xf32, #tpu.memory_space<vmem>>, vector<16xf32>,
      tpu.vector_store %arg8[%parallel_loop3A_818], %parallel_loop3A_815 {strides = array<i32>} : memref<8192xf32, #tpu.memory_space<vmem>>, vector<16xf32>,
    } {sc.loop_unroll_factor = 4 : i64, sc.parallel_access}
    %dma_start3A_698 = arith.constant 0 : i32
    %dma_start3A_699 = tpu.memref_slice %arg6[%dma_start3A_698] : memref<8192xf32, #tpu.memory_space<vmem>> -> memref<896xf32, #tpu.memory_space<vmem>>
    %dma_start3A_700 = arith.constant 0 : i32
    %dma_start3A_701 = tpu.memref_slice %arg25[%dma_start3A_700] : memref<50176xf32, #tpu.memory_space<vmem_shared>> -> memref<50176xf32, #tpu.memory_space<vmem_shared>>
    tpu.enqueue_indirect_dma source(%dma_start3A_699 : memref<896xf32, #tpu.memory_space<vmem>>) target(%dma_start3A_701 : memref<50176xf32, #tpu.memory_space<vmem_shared>>) offsets(%arg16 : memref<896xi32, #tpu.memory_space<vmem>>) semaphore(%arg33 : memref<!tpu.dma_semaphore, #tpu.memory_space<semaphore_mem>>) {add = true}
    %dma_start3A_702 = arith.constant 0 : i32
    %dma_start3A_703 = tpu.memref_slice %arg7[%dma_start3A_702] : memref<8192xf32, #tpu.memory_space<vmem>> -> memref<896xf32, #tpu.memory_space<vmem>>
    %dma_start3A_704 = arith.constant 0 : i32
    %dma_start3A_705 = tpu.memref_slice %arg26[%dma_start3A_704] : memref<50176xf32, #tpu.memory_space<vmem_shared>> -> memref<50176xf32, #tpu.memory_space<vmem_shared>>
    tpu.enqueue_indirect_dma source(%dma_start3A_703 : memref<896xf32, #tpu.memory_space<vmem>>) target(%dma_start3A_705 : memref<50176xf32, #tpu.memory_space<vmem_shared>>) offsets(%arg16 : memref<896xi32, #tpu.memory_space<vmem>>) semaphore(%arg33 : memref<!tpu.dma_semaphore, #tpu.memory_space<semaphore_mem>>) {add = true}
    %dma_start3A_706 = arith.constant 0 : i32
    %dma_start3A_707 = tpu.memref_slice %arg8[%dma_start3A_706] : memref<8192xf32, #tpu.memory_space<vmem>> -> memref<896xf32, #tpu.memory_space<vmem>>
    %dma_start3A_708 = arith.constant 0 : i32
    %dma_start3A_709 = tpu.memref_slice %arg27[%dma_start3A_708] : memref<50176xf32, #tpu.memory_space<vmem_shared>> -> memref<50176xf32, #tpu.memory_space<vmem_shared>>
    tpu.enqueue_indirect_dma source(%dma_start3A_707 : memref<896xf32, #tpu.memory_space<vmem>>) target(%dma_start3A_709 : memref<50176xf32, #tpu.memory_space<vmem_shared>>) offsets(%arg16 : memref<896xi32, #tpu.memory_space<vmem>>) semaphore(%arg33 : memref<!tpu.dma_semaphore, #tpu.memory_space<semaphore_mem>>) {add = true}
    %dma_start3A_710 = arith.constant 0 : i32
    %dma_start3A_711 = tpu.memref_slice %arg9[%dma_start3A_710] : memref<8192xf32, #tpu.memory_space<vmem>> -> memref<896xf32, #tpu.memory_space<vmem>>
    %dma_start3A_712 = arith.constant 0 : i32
    %dma_start3A_713 = tpu.memref_slice %arg28[%dma_start3A_712] : memref<50176xf32, #tpu.memory_space<vmem_shared>> -> memref<50176xf32, #tpu.memory_space<vmem_shared>>
    tpu.enqueue_indirect_dma source(%dma_start3A_711 : memref<896xf32, #tpu.memory_space<vmem>>) target(%dma_start3A_713 : memref<50176xf32, #tpu.memory_space<vmem_shared>>) offsets(%arg16 : memref<896xi32, #tpu.memory_space<vmem>>) semaphore(%arg33 : memref<!tpu.dma_semaphore, #tpu.memory_space<semaphore_mem>>) {add = true}
    %dma_wait3A_714 = arith.constant 0 : i32
    %dma_wait3A_715 = tpu.memref_slice %arg6[%dma_wait3A_714] : memref<8192xf32, #tpu.memory_space<vmem>> -> memref<896xf32, #tpu.memory_space<vmem>>
    %dma_wait3A_716 = arith.constant 0 : i32
    %dma_wait3A_717 = tpu.memref_slice %arg25[%dma_wait3A_716] : memref<50176xf32, #tpu.memory_space<vmem_shared>> -> memref<50176xf32, #tpu.memory_space<vmem_shared>>
    tpu.wait_indirect_dma semaphore(%arg33 : memref<!tpu.dma_semaphore, #tpu.memory_space<semaphore_mem>>) src(%dma_wait3A_715 : memref<896xf32, #tpu.memory_space<vmem>>) dst(%dma_wait3A_717 : memref<50176xf32, #tpu.memory_space<vmem_shared>>)
    %dma_wait3A_718 = arith.constant 0 : i32
    %dma_wait3A_719 = tpu.memref_slice %arg7[%dma_wait3A_718] : memref<8192xf32, #tpu.memory_space<vmem>> -> memref<896xf32, #tpu.memory_space<vmem>>
    %dma_wait3A_720 = arith.constant 0 : i32
    %dma_wait3A_721 = tpu.memref_slice %arg26[%dma_wait3A_720] : memref<50176xf32, #tpu.memory_space<vmem_shared>> -> memref<50176xf32, #tpu.memory_space<vmem_shared>>
    tpu.wait_indirect_dma semaphore(%arg33 : memref<!tpu.dma_semaphore, #tpu.memory_space<semaphore_mem>>) src(%dma_wait3A_719 : memref<896xf32, #tpu.memory_space<vmem>>) dst(%dma_wait3A_721 : memref<50176xf32, #tpu.memory_space<vmem_shared>>)
    %dma_wait3A_722 = arith.constant 0 : i32
    %dma_wait3A_723 = tpu.memref_slice %arg8[%dma_wait3A_722] : memref<8192xf32, #tpu.memory_space<vmem>> -> memref<896xf32, #tpu.memory_space<vmem>>
    %dma_wait3A_724 = arith.constant 0 : i32
    %dma_wait3A_725 = tpu.memref_slice %arg27[%dma_wait3A_724] : memref<50176xf32, #tpu.memory_space<vmem_shared>> -> memref<50176xf32, #tpu.memory_space<vmem_shared>>
    tpu.wait_indirect_dma semaphore(%arg33 : memref<!tpu.dma_semaphore, #tpu.memory_space<semaphore_mem>>) src(%dma_wait3A_723 : memref<896xf32, #tpu.memory_space<vmem>>) dst(%dma_wait3A_725 : memref<50176xf32, #tpu.memory_space<vmem_shared>>)
    %dma_wait3A_726 = arith.constant 0 : i32
    %dma_wait3A_727 = tpu.memref_slice %arg9[%dma_wait3A_726] : memref<8192xf32, #tpu.memory_space<vmem>> -> memref<896xf32, #tpu.memory_space<vmem>>
    %dma_wait3A_728 = arith.constant 0 : i32
    %dma_wait3A_729 = tpu.memref_slice %arg28[%dma_wait3A_728] : memref<50176xf32, #tpu.memory_space<vmem_shared>> -> memref<50176xf32, #tpu.memory_space<vmem_shared>>
    tpu.wait_indirect_dma semaphore(%arg33 : memref<!tpu.dma_semaphore, #tpu.memory_space<semaphore_mem>>) src(%dma_wait3A_727 : memref<896xf32, #tpu.memory_space<vmem>>) dst(%dma_wait3A_729 : memref<50176xf32, #tpu.memory_space<vmem_shared>>)
    %barrier3A_730 = arith.constant 0 : index
    tpu.barrier barrier_id(%barrier3A_730)
    %mul3A_731 = arith.constant 24 : i32
    %mul3A_732 = arith.muli %mul3A_731, %arg1 : i32
    %min3A = arith.constant 7 : i32
    %min3A_733 = arith.minsi %arg1, %min3A : i32
    %add3A_734 = arith.addi %mul3A_732, %min3A_733 : i32
    %lt3A = arith.constant 7 : i32
    %lt3A_735 = arith.cmpi slt, %arg1, %lt3A : i32
    %jit3A_736 = arith.constant 1 : i32
    %jit3A_737 = arith.constant 0 : i32
    %select_n3A_738 = arith.select %lt3A_735, %jit3A_736, %jit3A_737 : i32
    %add3A_739 = arith.constant 24 : i32
    %add3A_740 = arith.addi %add3A_739, %select_n3A_738 : i32
    %mul3A_741 = arith.constant 2 : i32
    %mul3A_742 = arith.muli %mul3A_741, %arg0 : i32
    %add3A_743 = arith.constant 0 : i32
    %add3A_744 = arith.addi %mul3A_742, %add3A_743 : i32
    %mul3A_745 = arith.constant 128 : i32
    %mul3A_746 = arith.muli %add3A_734, %mul3A_745 : i32
    "tpu.region"() ({
      %run_scoped3A = tpu.sem_alloc : memref<!tpu.dma_semaphore, #tpu.memory_space<semaphore_mem>>
      %dma_start3A_788 = arith.constant 0 : i32
      %dma_start3A_789 = tpu.memref_slice %arg17[%dma_start3A_788] : memref<3200xf32, #tpu.memory_space<vmem>> -> memref<3200xf32, #tpu.memory_space<vmem>>
      %dma_start3A_790 = tpu.memref_slice %arg21[%mul3A_746] : memref<50176xf32, #tpu.memory_space<vmem_shared>> -> memref<3200xf32, #tpu.memory_space<vmem_shared>>
      %dma_start3A_791 = arith.constant 0 : i32
      %dma_start3A_792 = tpu.memref_slice %arg17[%dma_start3A_791] : memref<3200xf32, #tpu.memory_space<vmem>> -> memref<3200xf32, #tpu.memory_space<vmem>>
      %dma_start3A_793 = tpu.memref_slice %arg21[%mul3A_746] : memref<50176xf32, #tpu.memory_space<vmem_shared>> -> memref<3200xf32, #tpu.memory_space<vmem_shared>>
      tpu.enqueue_dma source(%dma_start3A_793 : memref<3200xf32, #tpu.memory_space<vmem_shared>>) target(%dma_start3A_792 : memref<3200xf32, #tpu.memory_space<vmem>>) target_semaphore(%run_scoped3A : memref<!tpu.dma_semaphore, #tpu.memory_space<semaphore_mem>>)
      %dma_wait3A_794 = arith.constant 0 : i32
      %dma_wait3A_795 = tpu.memref_slice %arg17[%dma_wait3A_794] : memref<3200xf32, #tpu.memory_space<vmem>> -> memref<3200xf32, #tpu.memory_space<vmem>>
      %dma_wait3A_796 = tpu.memref_slice %arg21[%mul3A_746] : memref<50176xf32, #tpu.memory_space<vmem_shared>> -> memref<3200xf32, #tpu.memory_space<vmem_shared>>
      %dma_wait3A_797 = arith.constant 0 : i32
      %dma_wait3A_798 = tpu.memref_slice %arg17[%dma_wait3A_797] : memref<3200xf32, #tpu.memory_space<vmem>> -> memref<3200xf32, #tpu.memory_space<vmem>>
      %dma_wait3A_799 = tpu.memref_slice %arg21[%mul3A_746] : memref<50176xf32, #tpu.memory_space<vmem_shared>> -> memref<3200xf32, #tpu.memory_space<vmem_shared>>
      tpu.wait_dma2 semaphore(%run_scoped3A : memref<!tpu.dma_semaphore, #tpu.memory_space<semaphore_mem>>) src(%dma_wait3A_799 : memref<3200xf32, #tpu.memory_space<vmem_shared>>) dst(%dma_wait3A_798 : memref<3200xf32, #tpu.memory_space<vmem>>)
      tpu.yield
    }) : () -> ()
    %mul3A_747 = arith.constant 128 : i32
    %mul3A_748 = arith.muli %add3A_734, %mul3A_747 : i32
    "tpu.region"() ({
      %run_scoped3A = tpu.sem_alloc : memref<!tpu.dma_semaphore, #tpu.memory_space<semaphore_mem>>
      %dma_start3A_788 = arith.constant 0 : i32
      %dma_start3A_789 = tpu.memref_slice %arg18[%dma_start3A_788] : memref<3200xf32, #tpu.memory_space<vmem>> -> memref<3200xf32, #tpu.memory_space<vmem>>
      %dma_start3A_790 = tpu.memref_slice %arg22[%mul3A_748] : memref<50176xf32, #tpu.memory_space<vmem_shared>> -> memref<3200xf32, #tpu.memory_space<vmem_shared>>
      %dma_start3A_791 = arith.constant 0 : i32
      %dma_start3A_792 = tpu.memref_slice %arg18[%dma_start3A_791] : memref<3200xf32, #tpu.memory_space<vmem>> -> memref<3200xf32, #tpu.memory_space<vmem>>
      %dma_start3A_793 = tpu.memref_slice %arg22[%mul3A_748] : memref<50176xf32, #tpu.memory_space<vmem_shared>> -> memref<3200xf32, #tpu.memory_space<vmem_shared>>
      tpu.enqueue_dma source(%dma_start3A_793 : memref<3200xf32, #tpu.memory_space<vmem_shared>>) target(%dma_start3A_792 : memref<3200xf32, #tpu.memory_space<vmem>>) target_semaphore(%run_scoped3A : memref<!tpu.dma_semaphore, #tpu.memory_space<semaphore_mem>>)
      %dma_wait3A_794 = arith.constant 0 : i32
      %dma_wait3A_795 = tpu.memref_slice %arg18[%dma_wait3A_794] : memref<3200xf32, #tpu.memory_space<vmem>> -> memref<3200xf32, #tpu.memory_space<vmem>>
      %dma_wait3A_796 = tpu.memref_slice %arg22[%mul3A_748] : memref<50176xf32, #tpu.memory_space<vmem_shared>> -> memref<3200xf32, #tpu.memory_space<vmem_shared>>
      %dma_wait3A_797 = arith.constant 0 : i32
      %dma_wait3A_798 = tpu.memref_slice %arg18[%dma_wait3A_797] : memref<3200xf32, #tpu.memory_space<vmem>> -> memref<3200xf32, #tpu.memory_space<vmem>>
      %dma_wait3A_799 = tpu.memref_slice %arg22[%mul3A_748] : memref<50176xf32, #tpu.memory_space<vmem_shared>> -> memref<3200xf32, #tpu.memory_space<vmem_shared>>
      tpu.wait_dma2 semaphore(%run_scoped3A : memref<!tpu.dma_semaphore, #tpu.memory_space<semaphore_mem>>) src(%dma_wait3A_799 : memref<3200xf32, #tpu.memory_space<vmem_shared>>) dst(%dma_wait3A_798 : memref<3200xf32, #tpu.memory_space<vmem>>)
      tpu.yield
    }) : () -> ()
    %mul3A_749 = arith.constant 128 : i32
    %mul3A_750 = arith.muli %add3A_734, %mul3A_749 : i32
    "tpu.region"() ({
      %run_scoped3A = tpu.sem_alloc : memref<!tpu.dma_semaphore, #tpu.memory_space<semaphore_mem>>
      %dma_start3A_788 = arith.constant 0 : i32
      %dma_start3A_789 = tpu.memref_slice %arg19[%dma_start3A_788] : memref<3200xf32, #tpu.memory_space<vmem>> -> memref<3200xf32, #tpu.memory_space<vmem>>
      %dma_start3A_790 = tpu.memref_slice %arg23[%mul3A_750] : memref<50176xf32, #tpu.memory_space<vmem_shared>> -> memref<3200xf32, #tpu.memory_space<vmem_shared>>
      %dma_start3A_791 = arith.constant 0 : i32
      %dma_start3A_792 = tpu.memref_slice %arg19[%dma_start3A_791] : memref<3200xf32, #tpu.memory_space<vmem>> -> memref<3200xf32, #tpu.memory_space<vmem>>
      %dma_start3A_793 = tpu.memref_slice %arg23[%mul3A_750] : memref<50176xf32, #tpu.memory_space<vmem_shared>> -> memref<3200xf32, #tpu.memory_space<vmem_shared>>
      tpu.enqueue_dma source(%dma_start3A_793 : memref<3200xf32, #tpu.memory_space<vmem_shared>>) target(%dma_start3A_792 : memref<3200xf32, #tpu.memory_space<vmem>>) target_semaphore(%run_scoped3A : memref<!tpu.dma_semaphore, #tpu.memory_space<semaphore_mem>>)
      %dma_wait3A_794 = arith.constant 0 : i32
      %dma_wait3A_795 = tpu.memref_slice %arg19[%dma_wait3A_794] : memref<3200xf32, #tpu.memory_space<vmem>> -> memref<3200xf32, #tpu.memory_space<vmem>>
      %dma_wait3A_796 = tpu.memref_slice %arg23[%mul3A_750] : memref<50176xf32, #tpu.memory_space<vmem_shared>> -> memref<3200xf32, #tpu.memory_space<vmem_shared>>
      %dma_wait3A_797 = arith.constant 0 : i32
      %dma_wait3A_798 = tpu.memref_slice %arg19[%dma_wait3A_797] : memref<3200xf32, #tpu.memory_space<vmem>> -> memref<3200xf32, #tpu.memory_space<vmem>>
      %dma_wait3A_799 = tpu.memref_slice %arg23[%mul3A_750] : memref<50176xf32, #tpu.memory_space<vmem_shared>> -> memref<3200xf32, #tpu.memory_space<vmem_shared>>
      tpu.wait_dma2 semaphore(%run_scoped3A : memref<!tpu.dma_semaphore, #tpu.memory_space<semaphore_mem>>) src(%dma_wait3A_799 : memref<3200xf32, #tpu.memory_space<vmem_shared>>) dst(%dma_wait3A_798 : memref<3200xf32, #tpu.memory_space<vmem>>)
      tpu.yield
    }) : () -> ()
    %mul3A_751 = arith.constant 128 : i32
    %mul3A_752 = arith.muli %add3A_734, %mul3A_751 : i32
    "tpu.region"() ({
      %run_scoped3A = tpu.sem_alloc : memref<!tpu.dma_semaphore, #tpu.memory_space<semaphore_mem>>
      %dma_start3A_788 = arith.constant 0 : i32
      %dma_start3A_789 = tpu.memref_slice %arg20[%dma_start3A_788] : memref<3200xf32, #tpu.memory_space<vmem>> -> memref<3200xf32, #tpu.memory_space<vmem>>
      %dma_start3A_790 = tpu.memref_slice %arg24[%mul3A_752] : memref<50176xf32, #tpu.memory_space<vmem_shared>> -> memref<3200xf32, #tpu.memory_space<vmem_shared>>
      %dma_start3A_791 = arith.constant 0 : i32
      %dma_start3A_792 = tpu.memref_slice %arg20[%dma_start3A_791] : memref<3200xf32, #tpu.memory_space<vmem>> -> memref<3200xf32, #tpu.memory_space<vmem>>
      %dma_start3A_793 = tpu.memref_slice %arg24[%mul3A_752] : memref<50176xf32, #tpu.memory_space<vmem_shared>> -> memref<3200xf32, #tpu.memory_space<vmem_shared>>
      tpu.enqueue_dma source(%dma_start3A_793 : memref<3200xf32, #tpu.memory_space<vmem_shared>>) target(%dma_start3A_792 : memref<3200xf32, #tpu.memory_space<vmem>>) target_semaphore(%run_scoped3A : memref<!tpu.dma_semaphore, #tpu.memory_space<semaphore_mem>>)
      %dma_wait3A_794 = arith.constant 0 : i32
      %dma_wait3A_795 = tpu.memref_slice %arg20[%dma_wait3A_794] : memref<3200xf32, #tpu.memory_space<vmem>> -> memref<3200xf32, #tpu.memory_space<vmem>>
      %dma_wait3A_796 = tpu.memref_slice %arg24[%mul3A_752] : memref<50176xf32, #tpu.memory_space<vmem_shared>> -> memref<3200xf32, #tpu.memory_space<vmem_shared>>
      %dma_wait3A_797 = arith.constant 0 : i32
      %dma_wait3A_798 = tpu.memref_slice %arg20[%dma_wait3A_797] : memref<3200xf32, #tpu.memory_space<vmem>> -> memref<3200xf32, #tpu.memory_space<vmem>>
      %dma_wait3A_799 = tpu.memref_slice %arg24[%mul3A_752] : memref<50176xf32, #tpu.memory_space<vmem_shared>> -> memref<3200xf32, #tpu.memory_space<vmem_shared>>
      tpu.wait_dma2 semaphore(%run_scoped3A : memref<!tpu.dma_semaphore, #tpu.memory_space<semaphore_mem>>) src(%dma_wait3A_799 : memref<3200xf32, #tpu.memory_space<vmem_shared>>) dst(%dma_wait3A_798 : memref<3200xf32, #tpu.memory_space<vmem>>)
      tpu.yield
    }) : () -> ()
    %parallel_loop3A_753 = arith.constant 0 : i32
    %parallel_loop3A_754 = arith.constant 200 : i32
    %parallel_loop3A_755 = arith.constant 1 : i32
    scf.for %parallel_loop3A_788 = %parallel_loop3A_753 to %parallel_loop3A_754 step %parallel_loop3A_755  : i32 {
      %parallel_loop3A_789 = arith.constant 16 : i32
      %parallel_loop3A_790 = arith.muli %parallel_loop3A_789, %parallel_loop3A_788 : i32
      %parallel_loop3A_791 = arith.index_cast %parallel_loop3A_790 : i32 to index
      %parallel_loop3A_792 = tpu.vector_load %arg20[%parallel_loop3A_791] {strides = array<i32>} : memref<3200xf32, #tpu.memory_space<vmem>>, vector<16xf32>,
      %parallel_loop3A_793 = arith.constant 1.000000e-10 : f32
      %parallel_loop3A_794 = vector.broadcast %parallel_loop3A_793 : f32 to vector<16xf32>
      %parallel_loop3A_795 = arith.cmpf olt, %parallel_loop3A_792, %parallel_loop3A_794 : vector<16xf32>
      %parallel_loop3A_796 = arith.select %parallel_loop3A_795, %broadcast_in_dim3A_0, %parallel_loop3A_792 : vector<16xi1>, vector<16xf32>
      %parallel_loop3A_797 = arith.divf %broadcast_in_dim3A_0, %parallel_loop3A_796 : vector<16xf32>
      %parallel_loop3A_798 = arith.constant 16 : i32
      %parallel_loop3A_799 = arith.muli %parallel_loop3A_798, %parallel_loop3A_788 : i32
      %parallel_loop3A_800 = arith.index_cast %parallel_loop3A_799 : i32 to index
      %parallel_loop3A_801 = tpu.vector_load %arg17[%parallel_loop3A_800] {strides = array<i32>} : memref<3200xf32, #tpu.memory_space<vmem>>, vector<16xf32>,
      %parallel_loop3A_802 = arith.mulf %parallel_loop3A_801, %parallel_loop3A_797 : vector<16xf32>
      %parallel_loop3A_803 = arith.constant 16 : i32
      %parallel_loop3A_804 = arith.muli %parallel_loop3A_803, %parallel_loop3A_788 : i32
      %parallel_loop3A_805 = arith.index_cast %parallel_loop3A_804 : i32 to index
      %parallel_loop3A_806 = tpu.vector_load %arg17[%parallel_loop3A_805] {strides = array<i32>} : memref<3200xf32, #tpu.memory_space<vmem>>, vector<16xf32>,
      tpu.vector_store %arg17[%parallel_loop3A_805], %parallel_loop3A_802 {strides = array<i32>} : memref<3200xf32, #tpu.memory_space<vmem>>, vector<16xf32>,
      %parallel_loop3A_807 = arith.constant 16 : i32
      %parallel_loop3A_808 = arith.muli %parallel_loop3A_807, %parallel_loop3A_788 : i32
      %parallel_loop3A_809 = arith.index_cast %parallel_loop3A_808 : i32 to index
      %parallel_loop3A_810 = tpu.vector_load %arg18[%parallel_loop3A_809] {strides = array<i32>} : memref<3200xf32, #tpu.memory_space<vmem>>, vector<16xf32>,
      %parallel_loop3A_811 = arith.mulf %parallel_loop3A_810, %parallel_loop3A_797 : vector<16xf32>
      %parallel_loop3A_812 = arith.constant 16 : i32
      %parallel_loop3A_813 = arith.muli %parallel_loop3A_812, %parallel_loop3A_788 : i32
      %parallel_loop3A_814 = arith.index_cast %parallel_loop3A_813 : i32 to index
      %parallel_loop3A_815 = tpu.vector_load %arg18[%parallel_loop3A_814] {strides = array<i32>} : memref<3200xf32, #tpu.memory_space<vmem>>, vector<16xf32>,
      tpu.vector_store %arg18[%parallel_loop3A_814], %parallel_loop3A_811 {strides = array<i32>} : memref<3200xf32, #tpu.memory_space<vmem>>, vector<16xf32>,
      %parallel_loop3A_816 = arith.constant 16 : i32
      %parallel_loop3A_817 = arith.muli %parallel_loop3A_816, %parallel_loop3A_788 : i32
      %parallel_loop3A_818 = arith.index_cast %parallel_loop3A_817 : i32 to index
      %parallel_loop3A_819 = tpu.vector_load %arg19[%parallel_loop3A_818] {strides = array<i32>} : memref<3200xf32, #tpu.memory_space<vmem>>, vector<16xf32>,
      %parallel_loop3A_820 = arith.mulf %parallel_loop3A_819, %parallel_loop3A_797 : vector<16xf32>
      %parallel_loop3A_821 = arith.constant 16 : i32
      %parallel_loop3A_822 = arith.muli %parallel_loop3A_821, %parallel_loop3A_788 : i32
      %parallel_loop3A_823 = arith.index_cast %parallel_loop3A_822 : i32 to index
      %parallel_loop3A_824 = tpu.vector_load %arg19[%parallel_loop3A_823] {strides = array<i32>} : memref<3200xf32, #tpu.memory_space<vmem>>, vector<16xf32>,
      tpu.vector_store %arg19[%parallel_loop3A_823], %parallel_loop3A_820 {strides = array<i32>} : memref<3200xf32, #tpu.memory_space<vmem>>, vector<16xf32>,
    } {sc.loop_unroll_factor = 4 : i64, sc.parallel_access}
    %while3A = arith.constant 0 : i32
    %while3A_756 = arith.subi %add3A_740, %while3A : i32
    %while3A_757 = arith.addi %while3A, %while3A_756 : i32
    %while3A_758 = arith.constant 1 : i32
    %while3A_759 = arith.divsi %while3A_756, %while3A_758 : i32
    %while3A_760 = arith.muli %while3A_759, %while3A_758 : i32
    %while3A_761 = arith.addi %while3A, %while3A_760 : i32
    %while3A_762 = arith.constant 1 : i32
    scf.for %while3A_788 = %while3A to %while3A_761 step %while3A_762  : i32 {
      %add3A_789 = arith.addi %add3A_734, %while3A_788 : i32
      %mul3A_790 = arith.constant 512 : i32
      %mul3A_791 = arith.muli %add3A_789, %mul3A_790 : i32
      %mul3A_792 = arith.constant 128 : i32
      %mul3A_793 = arith.muli %add3A_744, %mul3A_792 : i32
      %add3A_794 = arith.addi %mul3A_791, %mul3A_793 : i32
      %mul3A_795 = arith.constant 128 : i32
      %mul3A_796 = arith.muli %mul3A_795, %while3A_788 : i32
      %add3A_797 = arith.constant 0 : i32
      %add3A_798 = arith.addi %add3A_797, %add3A_794 : i32
      %dma_start3A_799 = tpu.memref_slice %arg17[%mul3A_796] : memref<3200xf32, #tpu.memory_space<vmem>> -> memref<128xf32, #tpu.memory_space<vmem>>
      %dma_start3A_800 = tpu.memref_slice %arg5[%add3A_798] : memref<600576xf32, #tpu.memory_space<hbm>> -> memref<128xf32, #tpu.memory_space<hbm>>
      %dma_start3A_801 = tpu.memref_slice %arg5[%add3A_798] : memref<600576xf32, #tpu.memory_space<hbm>> -> memref<128xf32, #tpu.memory_space<hbm>>
      %dma_start3A_802 = tpu.memref_slice %arg17[%mul3A_796] : memref<3200xf32, #tpu.memory_space<vmem>> -> memref<128xf32, #tpu.memory_space<vmem>>
      tpu.enqueue_dma source(%dma_start3A_802 : memref<128xf32, #tpu.memory_space<vmem>>) target(%dma_start3A_801 : memref<128xf32, #tpu.memory_space<hbm>>) target_semaphore(%arg34 : memref<!tpu.dma_semaphore, #tpu.memory_space<semaphore_mem>>)
      %mul3A_803 = arith.constant 128 : i32
      %mul3A_804 = arith.muli %mul3A_803, %while3A_788 : i32
      %add3A_805 = arith.constant 200192 : i32
      %add3A_806 = arith.addi %add3A_805, %add3A_794 : i32
      %dma_start3A_807 = tpu.memref_slice %arg18[%mul3A_804] : memref<3200xf32, #tpu.memory_space<vmem>> -> memref<128xf32, #tpu.memory_space<vmem>>
      %dma_start3A_808 = tpu.memref_slice %arg5[%add3A_806] : memref<600576xf32, #tpu.memory_space<hbm>> -> memref<128xf32, #tpu.memory_space<hbm>>
      %dma_start3A_809 = tpu.memref_slice %arg5[%add3A_806] : memref<600576xf32, #tpu.memory_space<hbm>> -> memref<128xf32, #tpu.memory_space<hbm>>
      %dma_start3A_810 = tpu.memref_slice %arg18[%mul3A_804] : memref<3200xf32, #tpu.memory_space<vmem>> -> memref<128xf32, #tpu.memory_space<vmem>>
      tpu.enqueue_dma source(%dma_start3A_810 : memref<128xf32, #tpu.memory_space<vmem>>) target(%dma_start3A_809 : memref<128xf32, #tpu.memory_space<hbm>>) target_semaphore(%arg34 : memref<!tpu.dma_semaphore, #tpu.memory_space<semaphore_mem>>)
      %mul3A_811 = arith.constant 128 : i32
      %mul3A_812 = arith.muli %mul3A_811, %while3A_788 : i32
      %add3A_813 = arith.constant 400384 : i32
      %add3A_814 = arith.addi %add3A_813, %add3A_794 : i32
      %dma_start3A_815 = tpu.memref_slice %arg19[%mul3A_812] : memref<3200xf32, #tpu.memory_space<vmem>> -> memref<128xf32, #tpu.memory_space<vmem>>
      %dma_start3A_816 = tpu.memref_slice %arg5[%add3A_814] : memref<600576xf32, #tpu.memory_space<hbm>> -> memref<128xf32, #tpu.memory_space<hbm>>
      %dma_start3A_817 = tpu.memref_slice %arg5[%add3A_814] : memref<600576xf32, #tpu.memory_space<hbm>> -> memref<128xf32, #tpu.memory_space<hbm>>
      %dma_start3A_818 = tpu.memref_slice %arg19[%mul3A_812] : memref<3200xf32, #tpu.memory_space<vmem>> -> memref<128xf32, #tpu.memory_space<vmem>>
      tpu.enqueue_dma source(%dma_start3A_818 : memref<128xf32, #tpu.memory_space<vmem>>) target(%dma_start3A_817 : memref<128xf32, #tpu.memory_space<hbm>>) target_semaphore(%arg34 : memref<!tpu.dma_semaphore, #tpu.memory_space<semaphore_mem>>)
      %dma_wait3A_819 = tpu.memref_slice %arg17[%mul3A_796] : memref<3200xf32, #tpu.memory_space<vmem>> -> memref<128xf32, #tpu.memory_space<vmem>>
      %dma_wait3A_820 = tpu.memref_slice %arg5[%add3A_798] : memref<600576xf32, #tpu.memory_space<hbm>> -> memref<128xf32, #tpu.memory_space<hbm>>
      %dma_wait3A_821 = tpu.memref_slice %arg5[%add3A_798] : memref<600576xf32, #tpu.memory_space<hbm>> -> memref<128xf32, #tpu.memory_space<hbm>>
      %dma_wait3A_822 = tpu.memref_slice %arg17[%mul3A_796] : memref<3200xf32, #tpu.memory_space<vmem>> -> memref<128xf32, #tpu.memory_space<vmem>>
      tpu.wait_dma2 semaphore(%arg34 : memref<!tpu.dma_semaphore, #tpu.memory_space<semaphore_mem>>) src(%dma_wait3A_822 : memref<128xf32, #tpu.memory_space<vmem>>) dst(%dma_wait3A_821 : memref<128xf32, #tpu.memory_space<hbm>>)
      %dma_wait3A_823 = tpu.memref_slice %arg18[%mul3A_804] : memref<3200xf32, #tpu.memory_space<vmem>> -> memref<128xf32, #tpu.memory_space<vmem>>
      %dma_wait3A_824 = tpu.memref_slice %arg5[%add3A_806] : memref<600576xf32, #tpu.memory_space<hbm>> -> memref<128xf32, #tpu.memory_space<hbm>>
      %dma_wait3A_825 = tpu.memref_slice %arg5[%add3A_806] : memref<600576xf32, #tpu.memory_space<hbm>> -> memref<128xf32, #tpu.memory_space<hbm>>
      %dma_wait3A_826 = tpu.memref_slice %arg18[%mul3A_804] : memref<3200xf32, #tpu.memory_space<vmem>> -> memref<128xf32, #tpu.memory_space<vmem>>
      tpu.wait_dma2 semaphore(%arg34 : memref<!tpu.dma_semaphore, #tpu.memory_space<semaphore_mem>>) src(%dma_wait3A_826 : memref<128xf32, #tpu.memory_space<vmem>>) dst(%dma_wait3A_825 : memref<128xf32, #tpu.memory_space<hbm>>)
      %dma_wait3A_827 = tpu.memref_slice %arg19[%mul3A_812] : memref<3200xf32, #tpu.memory_space<vmem>> -> memref<128xf32, #tpu.memory_space<vmem>>
      %dma_wait3A_828 = tpu.memref_slice %arg5[%add3A_814] : memref<600576xf32, #tpu.memory_space<hbm>> -> memref<128xf32, #tpu.memory_space<hbm>>
      %dma_wait3A_829 = tpu.memref_slice %arg5[%add3A_814] : memref<600576xf32, #tpu.memory_space<hbm>> -> memref<128xf32, #tpu.memory_space<hbm>>
      %dma_wait3A_830 = tpu.memref_slice %arg19[%mul3A_812] : memref<3200xf32, #tpu.memory_space<vmem>> -> memref<128xf32, #tpu.memory_space<vmem>>
      tpu.wait_dma2 semaphore(%arg34 : memref<!tpu.dma_semaphore, #tpu.memory_space<semaphore_mem>>) src(%dma_wait3A_830 : memref<128xf32, #tpu.memory_space<vmem>>) dst(%dma_wait3A_829 : memref<128xf32, #tpu.memory_space<hbm>>)
    }
    %while3A_763 = arith.constant 1 : i32
    scf.for %while3A_788 = %while3A_761 to %while3A_757 step %while3A_763  : i32 {
      %add3A_789 = arith.addi %add3A_734, %while3A_788 : i32
      %mul3A_790 = arith.constant 512 : i32
      %mul3A_791 = arith.muli %add3A_789, %mul3A_790 : i32
      %mul3A_792 = arith.constant 128 : i32
      %mul3A_793 = arith.muli %add3A_744, %mul3A_792 : i32
      %add3A_794 = arith.addi %mul3A_791, %mul3A_793 : i32
      %mul3A_795 = arith.constant 128 : i32
      %mul3A_796 = arith.muli %mul3A_795, %while3A_788 : i32
      %add3A_797 = arith.constant 0 : i32
      %add3A_798 = arith.addi %add3A_797, %add3A_794 : i32
      %dma_start3A_799 = tpu.memref_slice %arg17[%mul3A_796] : memref<3200xf32, #tpu.memory_space<vmem>> -> memref<128xf32, #tpu.memory_space<vmem>>
      %dma_start3A_800 = tpu.memref_slice %arg5[%add3A_798] : memref<600576xf32, #tpu.memory_space<hbm>> -> memref<128xf32, #tpu.memory_space<hbm>>
      %dma_start3A_801 = tpu.memref_slice %arg5[%add3A_798] : memref<600576xf32, #tpu.memory_space<hbm>> -> memref<128xf32, #tpu.memory_space<hbm>>
      %dma_start3A_802 = tpu.memref_slice %arg17[%mul3A_796] : memref<3200xf32, #tpu.memory_space<vmem>> -> memref<128xf32, #tpu.memory_space<vmem>>
      tpu.enqueue_dma source(%dma_start3A_802 : memref<128xf32, #tpu.memory_space<vmem>>) target(%dma_start3A_801 : memref<128xf32, #tpu.memory_space<hbm>>) target_semaphore(%arg34 : memref<!tpu.dma_semaphore, #tpu.memory_space<semaphore_mem>>)
      %mul3A_803 = arith.constant 128 : i32
      %mul3A_804 = arith.muli %mul3A_803, %while3A_788 : i32
      %add3A_805 = arith.constant 200192 : i32
      %add3A_806 = arith.addi %add3A_805, %add3A_794 : i32
      %dma_start3A_807 = tpu.memref_slice %arg18[%mul3A_804] : memref<3200xf32, #tpu.memory_space<vmem>> -> memref<128xf32, #tpu.memory_space<vmem>>
      %dma_start3A_808 = tpu.memref_slice %arg5[%add3A_806] : memref<600576xf32, #tpu.memory_space<hbm>> -> memref<128xf32, #tpu.memory_space<hbm>>
      %dma_start3A_809 = tpu.memref_slice %arg5[%add3A_806] : memref<600576xf32, #tpu.memory_space<hbm>> -> memref<128xf32, #tpu.memory_space<hbm>>
      %dma_start3A_810 = tpu.memref_slice %arg18[%mul3A_804] : memref<3200xf32, #tpu.memory_space<vmem>> -> memref<128xf32, #tpu.memory_space<vmem>>
      tpu.enqueue_dma source(%dma_start3A_810 : memref<128xf32, #tpu.memory_space<vmem>>) target(%dma_start3A_809 : memref<128xf32, #tpu.memory_space<hbm>>) target_semaphore(%arg34 : memref<!tpu.dma_semaphore, #tpu.memory_space<semaphore_mem>>)
      %mul3A_811 = arith.constant 128 : i32
      %mul3A_812 = arith.muli %mul3A_811, %while3A_788 : i32
      %add3A_813 = arith.constant 400384 : i32
      %add3A_814 = arith.addi %add3A_813, %add3A_794 : i32
      %dma_start3A_815 = tpu.memref_slice %arg19[%mul3A_812] : memref<3200xf32, #tpu.memory_space<vmem>> -> memref<128xf32, #tpu.memory_space<vmem>>
      %dma_start3A_816 = tpu.memref_slice %arg5[%add3A_814] : memref<600576xf32, #tpu.memory_space<hbm>> -> memref<128xf32, #tpu.memory_space<hbm>>
      %dma_start3A_817 = tpu.memref_slice %arg5[%add3A_814] : memref<600576xf32, #tpu.memory_space<hbm>> -> memref<128xf32, #tpu.memory_space<hbm>>
      %dma_start3A_818 = tpu.memref_slice %arg19[%mul3A_812] : memref<3200xf32, #tpu.memory_space<vmem>> -> memref<128xf32, #tpu.memory_space<vmem>>
      tpu.enqueue_dma source(%dma_start3A_818 : memref<128xf32, #tpu.memory_space<vmem>>) target(%dma_start3A_817 : memref<128xf32, #tpu.memory_space<hbm>>) target_semaphore(%arg34 : memref<!tpu.dma_semaphore, #tpu.memory_space<semaphore_mem>>)
      %dma_wait3A_819 = tpu.memref_slice %arg17[%mul3A_796] : memref<3200xf32, #tpu.memory_space<vmem>> -> memref<128xf32, #tpu.memory_space<vmem>>
      %dma_wait3A_820 = tpu.memref_slice %arg5[%add3A_798] : memref<600576xf32, #tpu.memory_space<hbm>> -> memref<128xf32, #tpu.memory_space<hbm>>
      %dma_wait3A_821 = tpu.memref_slice %arg5[%add3A_798] : memref<600576xf32, #tpu.memory_space<hbm>> -> memref<128xf32, #tpu.memory_space<hbm>>
      %dma_wait3A_822 = tpu.memref_slice %arg17[%mul3A_796] : memref<3200xf32, #tpu.memory_space<vmem>> -> memref<128xf32, #tpu.memory_space<vmem>>
      tpu.wait_dma2 semaphore(%arg34 : memref<!tpu.dma_semaphore, #tpu.memory_space<semaphore_mem>>) src(%dma_wait3A_822 : memref<128xf32, #tpu.memory_space<vmem>>) dst(%dma_wait3A_821 : memref<128xf32, #tpu.memory_space<hbm>>)
      %dma_wait3A_823 = tpu.memref_slice %arg18[%mul3A_804] : memref<3200xf32, #tpu.memory_space<vmem>> -> memref<128xf32, #tpu.memory_space<vmem>>
      %dma_wait3A_824 = tpu.memref_slice %arg5[%add3A_806] : memref<600576xf32, #tpu.memory_space<hbm>> -> memref<128xf32, #tpu.memory_space<hbm>>
      %dma_wait3A_825 = tpu.memref_slice %arg5[%add3A_806] : memref<600576xf32, #tpu.memory_space<hbm>> -> memref<128xf32, #tpu.memory_space<hbm>>
      %dma_wait3A_826 = tpu.memref_slice %arg18[%mul3A_804] : memref<3200xf32, #tpu.memory_space<vmem>> -> memref<128xf32, #tpu.memory_space<vmem>>
      tpu.wait_dma2 semaphore(%arg34 : memref<!tpu.dma_semaphore, #tpu.memory_space<semaphore_mem>>) src(%dma_wait3A_826 : memref<128xf32, #tpu.memory_space<vmem>>) dst(%dma_wait3A_825 : memref<128xf32, #tpu.memory_space<hbm>>)
      %dma_wait3A_827 = tpu.memref_slice %arg19[%mul3A_812] : memref<3200xf32, #tpu.memory_space<vmem>> -> memref<128xf32, #tpu.memory_space<vmem>>
      %dma_wait3A_828 = tpu.memref_slice %arg5[%add3A_814] : memref<600576xf32, #tpu.memory_space<hbm>> -> memref<128xf32, #tpu.memory_space<hbm>>
      %dma_wait3A_829 = tpu.memref_slice %arg5[%add3A_814] : memref<600576xf32, #tpu.memory_space<hbm>> -> memref<128xf32, #tpu.memory_space<hbm>>
      %dma_wait3A_830 = tpu.memref_slice %arg19[%mul3A_812] : memref<3200xf32, #tpu.memory_space<vmem>> -> memref<128xf32, #tpu.memory_space<vmem>>
      tpu.wait_dma2 semaphore(%arg34 : memref<!tpu.dma_semaphore, #tpu.memory_space<semaphore_mem>>) src(%dma_wait3A_830 : memref<128xf32, #tpu.memory_space<vmem>>) dst(%dma_wait3A_829 : memref<128xf32, #tpu.memory_space<hbm>>)
    }
    %mul3A_764 = arith.constant 2 : i32
    %mul3A_765 = arith.muli %mul3A_764, %arg0 : i32
    %add3A_766 = arith.constant 1 : i32
    %add3A_767 = arith.addi %mul3A_765, %add3A_766 : i32
    %mul3A_768 = arith.constant 128 : i32
    %mul3A_769 = arith.muli %add3A_734, %mul3A_768 : i32
    "tpu.region"() ({
      %run_scoped3A = tpu.sem_alloc : memref<!tpu.dma_semaphore, #tpu.memory_space<semaphore_mem>>
      %dma_start3A_788 = arith.constant 0 : i32
      %dma_start3A_789 = tpu.memref_slice %arg17[%dma_start3A_788] : memref<3200xf32, #tpu.memory_space<vmem>> -> memref<3200xf32, #tpu.memory_space<vmem>>
      %dma_start3A_790 = tpu.memref_slice %arg25[%mul3A_769] : memref<50176xf32, #tpu.memory_space<vmem_shared>> -> memref<3200xf32, #tpu.memory_space<vmem_shared>>
      %dma_start3A_791 = arith.constant 0 : i32
      %dma_start3A_792 = tpu.memref_slice %arg17[%dma_start3A_791] : memref<3200xf32, #tpu.memory_space<vmem>> -> memref<3200xf32, #tpu.memory_space<vmem>>
      %dma_start3A_793 = tpu.memref_slice %arg25[%mul3A_769] : memref<50176xf32, #tpu.memory_space<vmem_shared>> -> memref<3200xf32, #tpu.memory_space<vmem_shared>>
      tpu.enqueue_dma source(%dma_start3A_793 : memref<3200xf32, #tpu.memory_space<vmem_shared>>) target(%dma_start3A_792 : memref<3200xf32, #tpu.memory_space<vmem>>) target_semaphore(%run_scoped3A : memref<!tpu.dma_semaphore, #tpu.memory_space<semaphore_mem>>)
      %dma_wait3A_794 = arith.constant 0 : i32
      %dma_wait3A_795 = tpu.memref_slice %arg17[%dma_wait3A_794] : memref<3200xf32, #tpu.memory_space<vmem>> -> memref<3200xf32, #tpu.memory_space<vmem>>
      %dma_wait3A_796 = tpu.memref_slice %arg25[%mul3A_769] : memref<50176xf32, #tpu.memory_space<vmem_shared>> -> memref<3200xf32, #tpu.memory_space<vmem_shared>>
      %dma_wait3A_797 = arith.constant 0 : i32
      %dma_wait3A_798 = tpu.memref_slice %arg17[%dma_wait3A_797] : memref<3200xf32, #tpu.memory_space<vmem>> -> memref<3200xf32, #tpu.memory_space<vmem>>
      %dma_wait3A_799 = tpu.memref_slice %arg25[%mul3A_769] : memref<50176xf32, #tpu.memory_space<vmem_shared>> -> memref<3200xf32, #tpu.memory_space<vmem_shared>>
      tpu.wait_dma2 semaphore(%run_scoped3A : memref<!tpu.dma_semaphore, #tpu.memory_space<semaphore_mem>>) src(%dma_wait3A_799 : memref<3200xf32, #tpu.memory_space<vmem_shared>>) dst(%dma_wait3A_798 : memref<3200xf32, #tpu.memory_space<vmem>>)
      tpu.yield
    }) : () -> ()
    %mul3A_770 = arith.constant 128 : i32
    %mul3A_771 = arith.muli %add3A_734, %mul3A_770 : i32
    "tpu.region"() ({
      %run_scoped3A = tpu.sem_alloc : memref<!tpu.dma_semaphore, #tpu.memory_space<semaphore_mem>>
      %dma_start3A_788 = arith.constant 0 : i32
      %dma_start3A_789 = tpu.memref_slice %arg18[%dma_start3A_788] : memref<3200xf32, #tpu.memory_space<vmem>> -> memref<3200xf32, #tpu.memory_space<vmem>>
      %dma_start3A_790 = tpu.memref_slice %arg26[%mul3A_771] : memref<50176xf32, #tpu.memory_space<vmem_shared>> -> memref<3200xf32, #tpu.memory_space<vmem_shared>>
      %dma_start3A_791 = arith.constant 0 : i32
      %dma_start3A_792 = tpu.memref_slice %arg18[%dma_start3A_791] : memref<3200xf32, #tpu.memory_space<vmem>> -> memref<3200xf32, #tpu.memory_space<vmem>>
      %dma_start3A_793 = tpu.memref_slice %arg26[%mul3A_771] : memref<50176xf32, #tpu.memory_space<vmem_shared>> -> memref<3200xf32, #tpu.memory_space<vmem_shared>>
      tpu.enqueue_dma source(%dma_start3A_793 : memref<3200xf32, #tpu.memory_space<vmem_shared>>) target(%dma_start3A_792 : memref<3200xf32, #tpu.memory_space<vmem>>) target_semaphore(%run_scoped3A : memref<!tpu.dma_semaphore, #tpu.memory_space<semaphore_mem>>)
      %dma_wait3A_794 = arith.constant 0 : i32
      %dma_wait3A_795 = tpu.memref_slice %arg18[%dma_wait3A_794] : memref<3200xf32, #tpu.memory_space<vmem>> -> memref<3200xf32, #tpu.memory_space<vmem>>
      %dma_wait3A_796 = tpu.memref_slice %arg26[%mul3A_771] : memref<50176xf32, #tpu.memory_space<vmem_shared>> -> memref<3200xf32, #tpu.memory_space<vmem_shared>>
      %dma_wait3A_797 = arith.constant 0 : i32
      %dma_wait3A_798 = tpu.memref_slice %arg18[%dma_wait3A_797] : memref<3200xf32, #tpu.memory_space<vmem>> -> memref<3200xf32, #tpu.memory_space<vmem>>
      %dma_wait3A_799 = tpu.memref_slice %arg26[%mul3A_771] : memref<50176xf32, #tpu.memory_space<vmem_shared>> -> memref<3200xf32, #tpu.memory_space<vmem_shared>>
      tpu.wait_dma2 semaphore(%run_scoped3A : memref<!tpu.dma_semaphore, #tpu.memory_space<semaphore_mem>>) src(%dma_wait3A_799 : memref<3200xf32, #tpu.memory_space<vmem_shared>>) dst(%dma_wait3A_798 : memref<3200xf32, #tpu.memory_space<vmem>>)
      tpu.yield
    }) : () -> ()
    %mul3A_772 = arith.constant 128 : i32
    %mul3A_773 = arith.muli %add3A_734, %mul3A_772 : i32
    "tpu.region"() ({
      %run_scoped3A = tpu.sem_alloc : memref<!tpu.dma_semaphore, #tpu.memory_space<semaphore_mem>>
      %dma_start3A_788 = arith.constant 0 : i32
      %dma_start3A_789 = tpu.memref_slice %arg19[%dma_start3A_788] : memref<3200xf32, #tpu.memory_space<vmem>> -> memref<3200xf32, #tpu.memory_space<vmem>>
      %dma_start3A_790 = tpu.memref_slice %arg27[%mul3A_773] : memref<50176xf32, #tpu.memory_space<vmem_shared>> -> memref<3200xf32, #tpu.memory_space<vmem_shared>>
      %dma_start3A_791 = arith.constant 0 : i32
      %dma_start3A_792 = tpu.memref_slice %arg19[%dma_start3A_791] : memref<3200xf32, #tpu.memory_space<vmem>> -> memref<3200xf32, #tpu.memory_space<vmem>>
      %dma_start3A_793 = tpu.memref_slice %arg27[%mul3A_773] : memref<50176xf32, #tpu.memory_space<vmem_shared>> -> memref<3200xf32, #tpu.memory_space<vmem_shared>>
      tpu.enqueue_dma source(%dma_start3A_793 : memref<3200xf32, #tpu.memory_space<vmem_shared>>) target(%dma_start3A_792 : memref<3200xf32, #tpu.memory_space<vmem>>) target_semaphore(%run_scoped3A : memref<!tpu.dma_semaphore, #tpu.memory_space<semaphore_mem>>)
      %dma_wait3A_794 = arith.constant 0 : i32
      %dma_wait3A_795 = tpu.memref_slice %arg19[%dma_wait3A_794] : memref<3200xf32, #tpu.memory_space<vmem>> -> memref<3200xf32, #tpu.memory_space<vmem>>
      %dma_wait3A_796 = tpu.memref_slice %arg27[%mul3A_773] : memref<50176xf32, #tpu.memory_space<vmem_shared>> -> memref<3200xf32, #tpu.memory_space<vmem_shared>>
      %dma_wait3A_797 = arith.constant 0 : i32
      %dma_wait3A_798 = tpu.memref_slice %arg19[%dma_wait3A_797] : memref<3200xf32, #tpu.memory_space<vmem>> -> memref<3200xf32, #tpu.memory_space<vmem>>
      %dma_wait3A_799 = tpu.memref_slice %arg27[%mul3A_773] : memref<50176xf32, #tpu.memory_space<vmem_shared>> -> memref<3200xf32, #tpu.memory_space<vmem_shared>>
      tpu.wait_dma2 semaphore(%run_scoped3A : memref<!tpu.dma_semaphore, #tpu.memory_space<semaphore_mem>>) src(%dma_wait3A_799 : memref<3200xf32, #tpu.memory_space<vmem_shared>>) dst(%dma_wait3A_798 : memref<3200xf32, #tpu.memory_space<vmem>>)
      tpu.yield
    }) : () -> ()
    %mul3A_774 = arith.constant 128 : i32
    %mul3A_775 = arith.muli %add3A_734, %mul3A_774 : i32
    "tpu.region"() ({
      %run_scoped3A = tpu.sem_alloc : memref<!tpu.dma_semaphore, #tpu.memory_space<semaphore_mem>>
      %dma_start3A_788 = arith.constant 0 : i32
      %dma_start3A_789 = tpu.memref_slice %arg20[%dma_start3A_788] : memref<3200xf32, #tpu.memory_space<vmem>> -> memref<3200xf32, #tpu.memory_space<vmem>>
      %dma_start3A_790 = tpu.memref_slice %arg28[%mul3A_775] : memref<50176xf32, #tpu.memory_space<vmem_shared>> -> memref<3200xf32, #tpu.memory_space<vmem_shared>>
      %dma_start3A_791 = arith.constant 0 : i32
      %dma_start3A_792 = tpu.memref_slice %arg20[%dma_start3A_791] : memref<3200xf32, #tpu.memory_space<vmem>> -> memref<3200xf32, #tpu.memory_space<vmem>>
      %dma_start3A_793 = tpu.memref_slice %arg28[%mul3A_775] : memref<50176xf32, #tpu.memory_space<vmem_shared>> -> memref<3200xf32, #tpu.memory_space<vmem_shared>>
      tpu.enqueue_dma source(%dma_start3A_793 : memref<3200xf32, #tpu.memory_space<vmem_shared>>) target(%dma_start3A_792 : memref<3200xf32, #tpu.memory_space<vmem>>) target_semaphore(%run_scoped3A : memref<!tpu.dma_semaphore, #tpu.memory_space<semaphore_mem>>)
      %dma_wait3A_794 = arith.constant 0 : i32
      %dma_wait3A_795 = tpu.memref_slice %arg20[%dma_wait3A_794] : memref<3200xf32, #tpu.memory_space<vmem>> -> memref<3200xf32, #tpu.memory_space<vmem>>
      %dma_wait3A_796 = tpu.memref_slice %arg28[%mul3A_775] : memref<50176xf32, #tpu.memory_space<vmem_shared>> -> memref<3200xf32, #tpu.memory_space<vmem_shared>>
      %dma_wait3A_797 = arith.constant 0 : i32
      %dma_wait3A_798 = tpu.memref_slice %arg20[%dma_wait3A_797] : memref<3200xf32, #tpu.memory_space<vmem>> -> memref<3200xf32, #tpu.memory_space<vmem>>
      %dma_wait3A_799 = tpu.memref_slice %arg28[%mul3A_775] : memref<50176xf32, #tpu.memory_space<vmem_shared>> -> memref<3200xf32, #tpu.memory_space<vmem_shared>>
      tpu.wait_dma2 semaphore(%run_scoped3A : memref<!tpu.dma_semaphore, #tpu.memory_space<semaphore_mem>>) src(%dma_wait3A_799 : memref<3200xf32, #tpu.memory_space<vmem_shared>>) dst(%dma_wait3A_798 : memref<3200xf32, #tpu.memory_space<vmem>>)
      tpu.yield
    }) : () -> ()
    %parallel_loop3A_776 = arith.constant 0 : i32
    %parallel_loop3A_777 = arith.constant 200 : i32
    %parallel_loop3A_778 = arith.constant 1 : i32
    scf.for %parallel_loop3A_788 = %parallel_loop3A_776 to %parallel_loop3A_777 step %parallel_loop3A_778  : i32 {
      %parallel_loop3A_789 = arith.constant 16 : i32
      %parallel_loop3A_790 = arith.muli %parallel_loop3A_789, %parallel_loop3A_788 : i32
      %parallel_loop3A_791 = arith.index_cast %parallel_loop3A_790 : i32 to index
      %parallel_loop3A_792 = tpu.vector_load %arg20[%parallel_loop3A_791] {strides = array<i32>} : memref<3200xf32, #tpu.memory_space<vmem>>, vector<16xf32>,
      %parallel_loop3A_793 = arith.constant 1.000000e-10 : f32
      %parallel_loop3A_794 = vector.broadcast %parallel_loop3A_793 : f32 to vector<16xf32>
      %parallel_loop3A_795 = arith.cmpf olt, %parallel_loop3A_792, %parallel_loop3A_794 : vector<16xf32>
      %parallel_loop3A_796 = arith.select %parallel_loop3A_795, %broadcast_in_dim3A_0, %parallel_loop3A_792 : vector<16xi1>, vector<16xf32>
      %parallel_loop3A_797 = arith.divf %broadcast_in_dim3A_0, %parallel_loop3A_796 : vector<16xf32>
      %parallel_loop3A_798 = arith.constant 16 : i32
      %parallel_loop3A_799 = arith.muli %parallel_loop3A_798, %parallel_loop3A_788 : i32
      %parallel_loop3A_800 = arith.index_cast %parallel_loop3A_799 : i32 to index
      %parallel_loop3A_801 = tpu.vector_load %arg17[%parallel_loop3A_800] {strides = array<i32>} : memref<3200xf32, #tpu.memory_space<vmem>>, vector<16xf32>,
      %parallel_loop3A_802 = arith.mulf %parallel_loop3A_801, %parallel_loop3A_797 : vector<16xf32>
      %parallel_loop3A_803 = arith.constant 16 : i32
      %parallel_loop3A_804 = arith.muli %parallel_loop3A_803, %parallel_loop3A_788 : i32
      %parallel_loop3A_805 = arith.index_cast %parallel_loop3A_804 : i32 to index
      %parallel_loop3A_806 = tpu.vector_load %arg17[%parallel_loop3A_805] {strides = array<i32>} : memref<3200xf32, #tpu.memory_space<vmem>>, vector<16xf32>,
      tpu.vector_store %arg17[%parallel_loop3A_805], %parallel_loop3A_802 {strides = array<i32>} : memref<3200xf32, #tpu.memory_space<vmem>>, vector<16xf32>,
      %parallel_loop3A_807 = arith.constant 16 : i32
      %parallel_loop3A_808 = arith.muli %parallel_loop3A_807, %parallel_loop3A_788 : i32
      %parallel_loop3A_809 = arith.index_cast %parallel_loop3A_808 : i32 to index
      %parallel_loop3A_810 = tpu.vector_load %arg18[%parallel_loop3A_809] {strides = array<i32>} : memref<3200xf32, #tpu.memory_space<vmem>>, vector<16xf32>,
      %parallel_loop3A_811 = arith.mulf %parallel_loop3A_810, %parallel_loop3A_797 : vector<16xf32>
      %parallel_loop3A_812 = arith.constant 16 : i32
      %parallel_loop3A_813 = arith.muli %parallel_loop3A_812, %parallel_loop3A_788 : i32
      %parallel_loop3A_814 = arith.index_cast %parallel_loop3A_813 : i32 to index
      %parallel_loop3A_815 = tpu.vector_load %arg18[%parallel_loop3A_814] {strides = array<i32>} : memref<3200xf32, #tpu.memory_space<vmem>>, vector<16xf32>,
      tpu.vector_store %arg18[%parallel_loop3A_814], %parallel_loop3A_811 {strides = array<i32>} : memref<3200xf32, #tpu.memory_space<vmem>>, vector<16xf32>,
      %parallel_loop3A_816 = arith.constant 16 : i32
      %parallel_loop3A_817 = arith.muli %parallel_loop3A_816, %parallel_loop3A_788 : i32
      %parallel_loop3A_818 = arith.index_cast %parallel_loop3A_817 : i32 to index
      %parallel_loop3A_819 = tpu.vector_load %arg19[%parallel_loop3A_818] {strides = array<i32>} : memref<3200xf32, #tpu.memory_space<vmem>>, vector<16xf32>,
      %parallel_loop3A_820 = arith.mulf %parallel_loop3A_819, %parallel_loop3A_797 : vector<16xf32>
      %parallel_loop3A_821 = arith.constant 16 : i32
      %parallel_loop3A_822 = arith.muli %parallel_loop3A_821, %parallel_loop3A_788 : i32
      %parallel_loop3A_823 = arith.index_cast %parallel_loop3A_822 : i32 to index
      %parallel_loop3A_824 = tpu.vector_load %arg19[%parallel_loop3A_823] {strides = array<i32>} : memref<3200xf32, #tpu.memory_space<vmem>>, vector<16xf32>,
      tpu.vector_store %arg19[%parallel_loop3A_823], %parallel_loop3A_820 {strides = array<i32>} : memref<3200xf32, #tpu.memory_space<vmem>>, vector<16xf32>,
    } {sc.loop_unroll_factor = 4 : i64, sc.parallel_access}
    %while3A_779 = arith.constant 0 : i32
    %while3A_780 = arith.subi %add3A_740, %while3A_779 : i32
    %while3A_781 = arith.addi %while3A_779, %while3A_780 : i32
    %while3A_782 = arith.constant 1 : i32
    %while3A_783 = arith.divsi %while3A_780, %while3A_782 : i32
    %while3A_784 = arith.muli %while3A_783, %while3A_782 : i32
    %while3A_785 = arith.addi %while3A_779, %while3A_784 : i32
    %while3A_786 = arith.constant 1 : i32
    scf.for %while3A_788 = %while3A_779 to %while3A_785 step %while3A_786  : i32 {
      %add3A_789 = arith.addi %add3A_734, %while3A_788 : i32
      %mul3A_790 = arith.constant 512 : i32
      %mul3A_791 = arith.muli %add3A_789, %mul3A_790 : i32
      %mul3A_792 = arith.constant 128 : i32
      %mul3A_793 = arith.muli %add3A_767, %mul3A_792 : i32
      %add3A_794 = arith.addi %mul3A_791, %mul3A_793 : i32
      %mul3A_795 = arith.constant 128 : i32
      %mul3A_796 = arith.muli %mul3A_795, %while3A_788 : i32
      %add3A_797 = arith.constant 0 : i32
      %add3A_798 = arith.addi %add3A_797, %add3A_794 : i32
      %dma_start3A_799 = tpu.memref_slice %arg17[%mul3A_796] : memref<3200xf32, #tpu.memory_space<vmem>> -> memref<128xf32, #tpu.memory_space<vmem>>
      %dma_start3A_800 = tpu.memref_slice %arg5[%add3A_798] : memref<600576xf32, #tpu.memory_space<hbm>> -> memref<128xf32, #tpu.memory_space<hbm>>
      %dma_start3A_801 = tpu.memref_slice %arg5[%add3A_798] : memref<600576xf32, #tpu.memory_space<hbm>> -> memref<128xf32, #tpu.memory_space<hbm>>
      %dma_start3A_802 = tpu.memref_slice %arg17[%mul3A_796] : memref<3200xf32, #tpu.memory_space<vmem>> -> memref<128xf32, #tpu.memory_space<vmem>>
      tpu.enqueue_dma source(%dma_start3A_802 : memref<128xf32, #tpu.memory_space<vmem>>) target(%dma_start3A_801 : memref<128xf32, #tpu.memory_space<hbm>>) target_semaphore(%arg34 : memref<!tpu.dma_semaphore, #tpu.memory_space<semaphore_mem>>)
      %mul3A_803 = arith.constant 128 : i32
      %mul3A_804 = arith.muli %mul3A_803, %while3A_788 : i32
      %add3A_805 = arith.constant 200192 : i32
      %add3A_806 = arith.addi %add3A_805, %add3A_794 : i32
      %dma_start3A_807 = tpu.memref_slice %arg18[%mul3A_804] : memref<3200xf32, #tpu.memory_space<vmem>> -> memref<128xf32, #tpu.memory_space<vmem>>
      %dma_start3A_808 = tpu.memref_slice %arg5[%add3A_806] : memref<600576xf32, #tpu.memory_space<hbm>> -> memref<128xf32, #tpu.memory_space<hbm>>
      %dma_start3A_809 = tpu.memref_slice %arg5[%add3A_806] : memref<600576xf32, #tpu.memory_space<hbm>> -> memref<128xf32, #tpu.memory_space<hbm>>
      %dma_start3A_810 = tpu.memref_slice %arg18[%mul3A_804] : memref<3200xf32, #tpu.memory_space<vmem>> -> memref<128xf32, #tpu.memory_space<vmem>>
      tpu.enqueue_dma source(%dma_start3A_810 : memref<128xf32, #tpu.memory_space<vmem>>) target(%dma_start3A_809 : memref<128xf32, #tpu.memory_space<hbm>>) target_semaphore(%arg34 : memref<!tpu.dma_semaphore, #tpu.memory_space<semaphore_mem>>)
      %mul3A_811 = arith.constant 128 : i32
      %mul3A_812 = arith.muli %mul3A_811, %while3A_788 : i32
      %add3A_813 = arith.constant 400384 : i32
      %add3A_814 = arith.addi %add3A_813, %add3A_794 : i32
      %dma_start3A_815 = tpu.memref_slice %arg19[%mul3A_812] : memref<3200xf32, #tpu.memory_space<vmem>> -> memref<128xf32, #tpu.memory_space<vmem>>
      %dma_start3A_816 = tpu.memref_slice %arg5[%add3A_814] : memref<600576xf32, #tpu.memory_space<hbm>> -> memref<128xf32, #tpu.memory_space<hbm>>
      %dma_start3A_817 = tpu.memref_slice %arg5[%add3A_814] : memref<600576xf32, #tpu.memory_space<hbm>> -> memref<128xf32, #tpu.memory_space<hbm>>
      %dma_start3A_818 = tpu.memref_slice %arg19[%mul3A_812] : memref<3200xf32, #tpu.memory_space<vmem>> -> memref<128xf32, #tpu.memory_space<vmem>>
      tpu.enqueue_dma source(%dma_start3A_818 : memref<128xf32, #tpu.memory_space<vmem>>) target(%dma_start3A_817 : memref<128xf32, #tpu.memory_space<hbm>>) target_semaphore(%arg34 : memref<!tpu.dma_semaphore, #tpu.memory_space<semaphore_mem>>)
      %dma_wait3A_819 = tpu.memref_slice %arg17[%mul3A_796] : memref<3200xf32, #tpu.memory_space<vmem>> -> memref<128xf32, #tpu.memory_space<vmem>>
      %dma_wait3A_820 = tpu.memref_slice %arg5[%add3A_798] : memref<600576xf32, #tpu.memory_space<hbm>> -> memref<128xf32, #tpu.memory_space<hbm>>
      %dma_wait3A_821 = tpu.memref_slice %arg5[%add3A_798] : memref<600576xf32, #tpu.memory_space<hbm>> -> memref<128xf32, #tpu.memory_space<hbm>>
      %dma_wait3A_822 = tpu.memref_slice %arg17[%mul3A_796] : memref<3200xf32, #tpu.memory_space<vmem>> -> memref<128xf32, #tpu.memory_space<vmem>>
      tpu.wait_dma2 semaphore(%arg34 : memref<!tpu.dma_semaphore, #tpu.memory_space<semaphore_mem>>) src(%dma_wait3A_822 : memref<128xf32, #tpu.memory_space<vmem>>) dst(%dma_wait3A_821 : memref<128xf32, #tpu.memory_space<hbm>>)
      %dma_wait3A_823 = tpu.memref_slice %arg18[%mul3A_804] : memref<3200xf32, #tpu.memory_space<vmem>> -> memref<128xf32, #tpu.memory_space<vmem>>
      %dma_wait3A_824 = tpu.memref_slice %arg5[%add3A_806] : memref<600576xf32, #tpu.memory_space<hbm>> -> memref<128xf32, #tpu.memory_space<hbm>>
      %dma_wait3A_825 = tpu.memref_slice %arg5[%add3A_806] : memref<600576xf32, #tpu.memory_space<hbm>> -> memref<128xf32, #tpu.memory_space<hbm>>
      %dma_wait3A_826 = tpu.memref_slice %arg18[%mul3A_804] : memref<3200xf32, #tpu.memory_space<vmem>> -> memref<128xf32, #tpu.memory_space<vmem>>
      tpu.wait_dma2 semaphore(%arg34 : memref<!tpu.dma_semaphore, #tpu.memory_space<semaphore_mem>>) src(%dma_wait3A_826 : memref<128xf32, #tpu.memory_space<vmem>>) dst(%dma_wait3A_825 : memref<128xf32, #tpu.memory_space<hbm>>)
      %dma_wait3A_827 = tpu.memref_slice %arg19[%mul3A_812] : memref<3200xf32, #tpu.memory_space<vmem>> -> memref<128xf32, #tpu.memory_space<vmem>>
      %dma_wait3A_828 = tpu.memref_slice %arg5[%add3A_814] : memref<600576xf32, #tpu.memory_space<hbm>> -> memref<128xf32, #tpu.memory_space<hbm>>
      %dma_wait3A_829 = tpu.memref_slice %arg5[%add3A_814] : memref<600576xf32, #tpu.memory_space<hbm>> -> memref<128xf32, #tpu.memory_space<hbm>>
      %dma_wait3A_830 = tpu.memref_slice %arg19[%mul3A_812] : memref<3200xf32, #tpu.memory_space<vmem>> -> memref<128xf32, #tpu.memory_space<vmem>>
      tpu.wait_dma2 semaphore(%arg34 : memref<!tpu.dma_semaphore, #tpu.memory_space<semaphore_mem>>) src(%dma_wait3A_830 : memref<128xf32, #tpu.memory_space<vmem>>) dst(%dma_wait3A_829 : memref<128xf32, #tpu.memory_space<hbm>>)
    }
    %while3A_787 = arith.constant 1 : i32
    scf.for %while3A_788 = %while3A_785 to %while3A_781 step %while3A_787  : i32 {
      %add3A_789 = arith.addi %add3A_734, %while3A_788 : i32
      %mul3A_790 = arith.constant 512 : i32
      %mul3A_791 = arith.muli %add3A_789, %mul3A_790 : i32
      %mul3A_792 = arith.constant 128 : i32
      %mul3A_793 = arith.muli %add3A_767, %mul3A_792 : i32
      %add3A_794 = arith.addi %mul3A_791, %mul3A_793 : i32
      %mul3A_795 = arith.constant 128 : i32
      %mul3A_796 = arith.muli %mul3A_795, %while3A_788 : i32
      %add3A_797 = arith.constant 0 : i32
      %add3A_798 = arith.addi %add3A_797, %add3A_794 : i32
      %dma_start3A_799 = tpu.memref_slice %arg17[%mul3A_796] : memref<3200xf32, #tpu.memory_space<vmem>> -> memref<128xf32, #tpu.memory_space<vmem>>
      %dma_start3A_800 = tpu.memref_slice %arg5[%add3A_798] : memref<600576xf32, #tpu.memory_space<hbm>> -> memref<128xf32, #tpu.memory_space<hbm>>
      %dma_start3A_801 = tpu.memref_slice %arg5[%add3A_798] : memref<600576xf32, #tpu.memory_space<hbm>> -> memref<128xf32, #tpu.memory_space<hbm>>
      %dma_start3A_802 = tpu.memref_slice %arg17[%mul3A_796] : memref<3200xf32, #tpu.memory_space<vmem>> -> memref<128xf32, #tpu.memory_space<vmem>>
      tpu.enqueue_dma source(%dma_start3A_802 : memref<128xf32, #tpu.memory_space<vmem>>) target(%dma_start3A_801 : memref<128xf32, #tpu.memory_space<hbm>>) target_semaphore(%arg34 : memref<!tpu.dma_semaphore, #tpu.memory_space<semaphore_mem>>)
      %mul3A_803 = arith.constant 128 : i32
      %mul3A_804 = arith.muli %mul3A_803, %while3A_788 : i32
      %add3A_805 = arith.constant 200192 : i32
      %add3A_806 = arith.addi %add3A_805, %add3A_794 : i32
      %dma_start3A_807 = tpu.memref_slice %arg18[%mul3A_804] : memref<3200xf32, #tpu.memory_space<vmem>> -> memref<128xf32, #tpu.memory_space<vmem>>
      %dma_start3A_808 = tpu.memref_slice %arg5[%add3A_806] : memref<600576xf32, #tpu.memory_space<hbm>> -> memref<128xf32, #tpu.memory_space<hbm>>
      %dma_start3A_809 = tpu.memref_slice %arg5[%add3A_806] : memref<600576xf32, #tpu.memory_space<hbm>> -> memref<128xf32, #tpu.memory_space<hbm>>
      %dma_start3A_810 = tpu.memref_slice %arg18[%mul3A_804] : memref<3200xf32, #tpu.memory_space<vmem>> -> memref<128xf32, #tpu.memory_space<vmem>>
      tpu.enqueue_dma source(%dma_start3A_810 : memref<128xf32, #tpu.memory_space<vmem>>) target(%dma_start3A_809 : memref<128xf32, #tpu.memory_space<hbm>>) target_semaphore(%arg34 : memref<!tpu.dma_semaphore, #tpu.memory_space<semaphore_mem>>)
      %mul3A_811 = arith.constant 128 : i32
      %mul3A_812 = arith.muli %mul3A_811, %while3A_788 : i32
      %add3A_813 = arith.constant 400384 : i32
      %add3A_814 = arith.addi %add3A_813, %add3A_794 : i32
      %dma_start3A_815 = tpu.memref_slice %arg19[%mul3A_812] : memref<3200xf32, #tpu.memory_space<vmem>> -> memref<128xf32, #tpu.memory_space<vmem>>
      %dma_start3A_816 = tpu.memref_slice %arg5[%add3A_814] : memref<600576xf32, #tpu.memory_space<hbm>> -> memref<128xf32, #tpu.memory_space<hbm>>
      %dma_start3A_817 = tpu.memref_slice %arg5[%add3A_814] : memref<600576xf32, #tpu.memory_space<hbm>> -> memref<128xf32, #tpu.memory_space<hbm>>
      %dma_start3A_818 = tpu.memref_slice %arg19[%mul3A_812] : memref<3200xf32, #tpu.memory_space<vmem>> -> memref<128xf32, #tpu.memory_space<vmem>>
      tpu.enqueue_dma source(%dma_start3A_818 : memref<128xf32, #tpu.memory_space<vmem>>) target(%dma_start3A_817 : memref<128xf32, #tpu.memory_space<hbm>>) target_semaphore(%arg34 : memref<!tpu.dma_semaphore, #tpu.memory_space<semaphore_mem>>)
      %dma_wait3A_819 = tpu.memref_slice %arg17[%mul3A_796] : memref<3200xf32, #tpu.memory_space<vmem>> -> memref<128xf32, #tpu.memory_space<vmem>>
      %dma_wait3A_820 = tpu.memref_slice %arg5[%add3A_798] : memref<600576xf32, #tpu.memory_space<hbm>> -> memref<128xf32, #tpu.memory_space<hbm>>
      %dma_wait3A_821 = tpu.memref_slice %arg5[%add3A_798] : memref<600576xf32, #tpu.memory_space<hbm>> -> memref<128xf32, #tpu.memory_space<hbm>>
      %dma_wait3A_822 = tpu.memref_slice %arg17[%mul3A_796] : memref<3200xf32, #tpu.memory_space<vmem>> -> memref<128xf32, #tpu.memory_space<vmem>>
      tpu.wait_dma2 semaphore(%arg34 : memref<!tpu.dma_semaphore, #tpu.memory_space<semaphore_mem>>) src(%dma_wait3A_822 : memref<128xf32, #tpu.memory_space<vmem>>) dst(%dma_wait3A_821 : memref<128xf32, #tpu.memory_space<hbm>>)
      %dma_wait3A_823 = tpu.memref_slice %arg18[%mul3A_804] : memref<3200xf32, #tpu.memory_space<vmem>> -> memref<128xf32, #tpu.memory_space<vmem>>
      %dma_wait3A_824 = tpu.memref_slice %arg5[%add3A_806] : memref<600576xf32, #tpu.memory_space<hbm>> -> memref<128xf32, #tpu.memory_space<hbm>>
      %dma_wait3A_825 = tpu.memref_slice %arg5[%add3A_806] : memref<600576xf32, #tpu.memory_space<hbm>> -> memref<128xf32, #tpu.memory_space<hbm>>
      %dma_wait3A_826 = tpu.memref_slice %arg18[%mul3A_804] : memref<3200xf32, #tpu.memory_space<vmem>> -> memref<128xf32, #tpu.memory_space<vmem>>
      tpu.wait_dma2 semaphore(%arg34 : memref<!tpu.dma_semaphore, #tpu.memory_space<semaphore_mem>>) src(%dma_wait3A_826 : memref<128xf32, #tpu.memory_space<vmem>>) dst(%dma_wait3A_825 : memref<128xf32, #tpu.memory_space<hbm>>)
      %dma_wait3A_827 = tpu.memref_slice %arg19[%mul3A_812] : memref<3200xf32, #tpu.memory_space<vmem>> -> memref<128xf32, #tpu.memory_space<vmem>>
      %dma_wait3A_828 = tpu.memref_slice %arg5[%add3A_814] : memref<600576xf32, #tpu.memory_space<hbm>> -> memref<128xf32, #tpu.memory_space<hbm>>
      %dma_wait3A_829 = tpu.memref_slice %arg5[%add3A_814] : memref<600576xf32, #tpu.memory_space<hbm>> -> memref<128xf32, #tpu.memory_space<hbm>>
      %dma_wait3A_830 = tpu.memref_slice %arg19[%mul3A_812] : memref<3200xf32, #tpu.memory_space<vmem>> -> memref<128xf32, #tpu.memory_space<vmem>>
      tpu.wait_dma2 semaphore(%arg34 : memref<!tpu.dma_semaphore, #tpu.memory_space<semaphore_mem>>) src(%dma_wait3A_830 : memref<128xf32, #tpu.memory_space<vmem>>) dst(%dma_wait3A_829 : memref<128xf32, #tpu.memory_space<hbm>>)
    }
    return
  }
}

</mosaic_0001>

<sc_bundles>
// kernel: diffusion_sb2_scatter.3.cloned.1.call-start
scs
__scs_entry_jumppad:
0x0: {  	(pc) =	sbr.rel $0x88, $3  }
0x1: {  	(tag) =	ssettag $0x0;
	lr =	simm.s32 $0x1  }
0x2: {  	[smem:$0x3F9E] =	sst lr;
	_ =	strace $0xD0000000  }
0x3: {  	_ = 	snop  }
0x4: {  	_ = 	snop  }
0x5: {  	_ = 	snop  }
0x6: {  	_ = 	snop  }
0x7: {  	_ = 	snop  }
__scs_overlays_trampoline_lowered:
0x8: {  	[smem:$0x3FAD] =	sst s0  }
0x9: {  	[smem:$0x3FAE] =	sst s1  }
0xa: {  	[smem:$0x3FAF] =	sst s2  }
0xb: {  	[smem:$0x3FB0] =	sst s3  }
0xc: {  	[smem:$0x3FB1] =	sst s4  }
0xd: {  	[smem:$0x3FB2] =	sst s5  }
0xe: {  	[smem:$0x3FB3] =	sst s6  }
0xf: {  	[smem:$0x3FB4] =	sst s7  }
0x10: {  	[smem:$0x3FB5] =	sst s8  }
0x11: {  	[smem:$0x3FB6] =	sst s9;
	s0 =	simm.s32 @!p0 $0x0  }
0x12: {  	s1 =	sld [smem:$0x3F9C];
	s0 =	simm.s32 @p0 $0x1  }
0x13: {  	[smem:$0x3FB7] =	sst s0;
	s0 =	simm.s32 @!p1 $0x0  }
0x14: {  	s2 =	sld [smem:$0x3F9B];
	s0 =	simm.s32 @p1 $0x1  }
0x15: {  	[smem:$0x3FB8] =	sst s0;
	s0 =	simm.s32 @!p2 $0x0  }
0x16: {  	s3 =	sld [smem:$0x3FDB];
	s0 =	simm.s32 @p2 $0x1  }
0x17: {  	s4 =	simm.s32 $0x1BF5;
	[smem:$0x3FBA] =	sst s0  }
0x18: {  	s0 =	sld [smem:$0x3F9D];
	_ =	swait.ge [sflag:s4], $0x0  }
0x19: {  	s7 =	sld [smem:$0x3F9E]  }
0x1a: {  	s8 =	sadd.s32 $0xFFFFE003, lr  }
0x1b: {  	s9 =	sadd.s32 $0xFFFFFEF7, lr;
	s5 =	simm.s32 $0xFFFFFFFF;
	p2 =	slt.u32 s8, $0xFFFFF086  }
0x1c: {  	p1 =	slt.u32 s9, $0xF7A;
	s5 =	simm.s32 @!p2 $0x0  }
0x1d: {  	s5 =	simm.s32 @p1 $0x1;
	p0 =	seq.s32 s7, s2  }
0x1e: {  	s7 =	smul.u32 @!p0 $0xF7A, s2;
	p2 =	seq.s32 @!p0 s5, $0x0  }
0x1f: {  	s9 =	smul.u32 $0xF7A, s1;
	s8 =	simm.s32 @!p0 $0x1BF5;
	p2 =	por !p2, p0  }
0x20: {  	[sflag:s8] =	ssyncset.s32 @!p0 $0xFFFFF086;
	s6 =	sadd.s32 @!p0 s3, s7;
	s7 =	simm.s32 @!p0 $0x108  }
0x21: {  	s3 =	sadd.s32 s3, s9;
	s6 =	sadd.s32 @!p0 $0x88, s6;
	s7 =	simm.s32 @p2 $0x1082  }
0x22: {  	[simem:s7], [sflag:s8] =	dma.local @!p0 [hbm:s6], $0xF7A  }
0x23: {  	s9 =	sor.u32 $0xD0000000, s2;
	s6 =	simm.s32 $0x108;
	_ =	swait.ge @!p0 [sflag:s8], $0x0  }
0x24: {  	s3 =	sadd.s32 $0x88, s3;
	s6 =	simm.s32 @!p1 $0x1082;
	[sflag:s4] =	ssyncset.s32 $0xFFFFF086  }
0x25: {  	[simem:s6], [sflag:s4] =	dma.local [hbm:s3], $0xF7A  }
0x26: {  	[smem:$0x3F9E] =	sst s1;
	(tag) =	ssettag s2;
	_ =	strace s9  }
0x27: {  	s1 =	sld [smem:$0x3FAE]  }
0x28: {  	s2 =	sld [smem:$0x3FAF]  }
0x29: {  	s4 =	sld [smem:$0x3FB1]  }
0x2a: {  	p0 =	seq.s32 s5, $0x0;
	s5 =	sld [smem:$0x3FB2]  }
0x2b: {  	s6 =	sld [smem:$0x3FB3]  }
0x2c: {  	s7 =	sld [smem:$0x3FB4]  }
0x2d: {  	s3 =	simm.s32 $0x108;
	s8 =	sld [smem:$0x3FB5]  }
0x2e: {  	s3 =	simm.s32 @!p0 $0x1082;
	s9 =	sld [smem:$0x3FB6]  }
0x2f: {  	lr =	sadd.s32 s0, s3;
	s0 =	sld [smem:$0x3FAD]  }
0x30: {  	s3 =	sld [smem:$0x3FB0]  }
0x31: {  	[smem:$0x3FB9] =	sst s10  }
0x32: {  	s10 =	sld [smem:$0x3FB7];
	_ =	sdelay $0x3  }
0x33: {  	p0 =	seq.s32 s10, $0x1;
	s10 =	sld [smem:$0x3FB9];
	_ =	sdelay $0x3  }
0x34: {  	[smem:$0x3FB9] =	sst s10  }
0x35: {  	s10 =	sld [smem:$0x3FB8];
	_ =	sdelay $0x3  }
0x36: {  	p1 =	seq.s32 s10, $0x1;
	s10 =	sld [smem:$0x3FB9];
	_ =	sdelay $0x3  }
0x37: {  	[smem:$0x3FB9] =	sst s10  }
0x38: {  	s10 =	sld [smem:$0x3FBA]  }
0x39: {  	_ = 	snop;
	(pc) =	sbr.ind lr, $3  }
0x3a: {  	_ = 	snop  }
0x3b: {  	_ = 	snop  }
0x3c: {  	p2 =	seq.s32 s10, $0x1;
	s10 =	sld [smem:$0x3FB9]  }
0x3d: {  	_ =	shalt  }
0x3e: {  	_ =	shalt  }
0x3f: {  	_ =	shalt  }
0x40: {  	_ =	shalt  }
0x41: {  	_ =	shalt  }
0x42: {  	_ =	shalt  }
0x43: {  	_ =	shalt  }
0x44: {  	_ =	shalt  }
0x45: {  	_ =	shalt  }
0x46: {  	_ =	shalt  }
0x47: {  	_ =	shalt  }
0x48: {  	_ =	shalt  }
0x49: {  	_ =	shalt  }
0x4a: {  	_ =	shalt  }
0x4b: {  	_ =	shalt  }
0x4c: {  	_ =	shalt  }
0x4d: {  	_ =	shalt  }
0x4e: {  	_ =	shalt  }
0x4f: {  	_ =	shalt  }
0x50: {  	_ =	shalt  }
0x51: {  	_ =	shalt  }
0x52: {  	_ =	shalt  }
0x53: {  	_ =	shalt  }
0x54: {  	_ =	shalt  }
0x55: {  	_ =	shalt  }
0x56: {  	_ =	shalt  }
0x57: {  	_ =	shalt  }
0x58: {  	_ =	shalt  }
0x59: {  	_ =	shalt  }
0x5a: {  	_ =	shalt  }
0x5b: {  	_ =	shalt  }
0x5c: {  	_ =	shalt  }
0x5d: {  	_ =	shalt  }
0x5e: {  	_ =	shalt  }
0x5f: {  	_ =	shalt  }
0x60: {  	_ =	shalt  }
0x61: {  	_ =	shalt  }
0x62: {  	_ =	shalt  }
0x63: {  	_ =	shalt  }
0x64: {  	_ =	shalt  }
0x65: {  	_ =	shalt  }
0x66: {  	_ =	shalt  }
0x67: {  	_ =	shalt  }
0x68: {  	_ =	shalt  }
0x69: {  	_ =	shalt  }
0x6a: {  	_ =	shalt  }
0x6b: {  	_ =	shalt  }
0x6c: {  	_ =	shalt  }
0x6d: {  	_ =	shalt  }
0x6e: {  	_ =	shalt  }
0x6f: {  	_ =	shalt  }
0x70: {  	_ =	shalt  }
0x71: {  	_ =	shalt  }
0x72: {  	_ =	shalt  }
0x73: {  	_ =	shalt  }
0x74: {  	_ =	shalt  }
0x75: {  	_ =	shalt  }
0x76: {  	_ =	shalt  }
0x77: {  	_ =	shalt  }
0x78: {  	_ =	shalt  }
0x79: {  	_ =	shalt  }
0x7a: {  	_ =	shalt  }
0x7b: {  	_ =	shalt  }
0x7c: {  	_ =	shalt  }
0x7d: {  	_ =	shalt  }
0x7e: {  	_ =	shalt  }
0x7f: {  	_ =	shalt  }
0x80: {  	_ =	shalt  }
0x81: {  	_ =	shalt  }
0x82: {  	_ =	shalt  }
0x83: {  	_ =	shalt  }
0x84: {  	_ =	shalt  }
0x85: {  	_ =	shalt  }
0x86: {  	_ =	shalt  }
0x87: {  	_ =	shalt  }
.Lfunc_end0:
.L_simem_size_0:
called_computation_lowered:
.L_overlay_start_0:
0x88: {  	s2 =	sld [smem:$0x3FD9]  }
0x89: {  	s3 =	sld [smem:$0x3FFE];
	_ =	sdelay $0x1  }
0x8a: {  	s1 =	srdreg.scid  }
0x8b: {  	s0 =	sand.u32 $0x1, s1  }
0x8c: {  	s18 =	sshll.u32 s0, $0xA;
	s2 =	sadd.s32 s3, s2  }
0x8d: {  	s2 =	sadd.s32 s2, s18  }
0x8e: {  	[smem:$0x3FC5] =	sst s2  }
0x8f: {  	_ = 	snop  }
0x90: {  	s2 =	sld [smem:$0x3FC9]  }
0x91: {  	s19 =	sld [smem:$0x3FC8]  }
0x92: {  	s4 =	sld [smem:$0x3FC7]  }
0x93: {  	s5 =	sld [smem:$0x3FD0];
	(tm) =	ssettm $0x1  }
0x94: {  	s6 =	sld [smem:$0x3FFB];
	_ =	sdelay $0x3  }
0x95: {  	_ =	strace s6  }
0x96: {  	s6 =	sld [smem:$0x3FFC];
	_ =	sdelay $0x3  }
0x97: {  	_ =	strace s6  }
0x98: {  	s6 =	sld [smem:$0x3FFD];
	_ =	sdelay $0x3  }
0x99: {  	_ =	strace s6  }
0x9a: {  	_ =	strace $0x8FFFFFFF  }
0x9b: {  	s20 =	sld [smem:$0x3FDB];
	_ =	sdelay $0x1  }
0x9c: {  	s7 =	simm.s32 $_scs_section_size  }
0x9d: {  	s8 =	simm.s32 $_size__tile_overlayer_lowered;
	s9 =	simm.s32 $_tile_overlayer_lowered  }
0x9e: {  	s23 =	simm.s32 $0x1BFF;
	s22 =	sshll.u32 s9, $0x1;
	s6 =	sadd.s32 s7, s20  }
0x9f: {  	s10 =	simm.s32 $0x0;
	s21 =	sshll.u32 s8, $0x1;
	s8 =	sadd.s32 s22, s6  }
0xa0: {  	[timem:s10], [sflag:s23] =	dma.local [hbm:s8], s21  }
0xa1: {  	_ =	swait.ge [sflag:s23], s21  }
0xa2: {  	s7 =	ssub.s32 $0x0, s21;
	[sflag:s23] =	ssyncset.done $0x0  }
0xa3: {  	[sflag:s23] =	ssyncadd.s32 s7;
	_ =	sdelay $0x1  }
0xa4: {  	s24 =	simm.s32 $0x1B8B  }
0xa5: {  	_ =	swait.ge [sflag:s24], $0x1  }
0xa6: {  	[sflag:s24] =	ssyncset.done $0x0  }
0xa7: {  	s25 =	simm.s32 $0x1B8E;
	[sflag:s24] =	ssyncadd.s32 $0xFFFFFFFF  }
0xa8: {  	s26 =	simm.s32 $execute0_lowered;
	[smem:$0x3FD2] =	sst s25  }
0xa9: {  	s7 =	sshll.u32 s26, $0x1;
	_ =	strace $0x80000046;
	[dreg:$0x1] =	wrdreg $0xFFFFFFFF  }
0xaa: {  	s28 =	simm.s32 $_size_execute0_lowered;
	s6 =	sadd.s32 s6, s7;
	[dreg:$0x0] =	wrdreg $0x0  }
0xab: {  	s7 =	sshll.u32 s28, $0x1;
	[dreg:$0x2] =	wrdreg s6  }
0xac: {  	[dreg:$0x3] =	wrdreg s7  }
0xad: {  	[dreg:$0x4] =	wrdreg $0xC0  }
0xae: {  	_ =	task [dreg:s10], $0x5FFFF  }
0xaf: {  	[dreg:$0x1] =	wrdreg $0xFFFFFFFF  }
0xb0: {  	[dreg:$0x0] =	wrdreg $0x60  }
0xb1: {  	[dreg:$0x2] =	wrdreg s2  }
0xb2: {  	[dreg:$0x3] =	wrdreg s19  }
0xb3: {  	[dreg:$0x4] =	wrdreg s4  }
0xb4: {  	[dreg:$0x5] =	wrdreg s5  }
0xb5: {  	[dreg:$0x6] =	wrdreg $0x175800  }
0xb6: {  	[dreg:$0x7] =	wrdreg $0x181C00  }
0xb7: {  	[dreg:$0x8] =	wrdreg $0x18E000  }
0xb8: {  	[dreg:$0x9] =	wrdreg $0x19A400  }
0xb9: {  	[dreg:$0xa] =	wrdreg $0x1A6800  }
0xba: {  	[dreg:$0xb] =	wrdreg $0x1B2C00  }
0xbb: {  	[dreg:$0xc] =	wrdreg $0x1BF000  }
0xbc: {  	[dreg:$0xd] =	wrdreg $0x1CB400  }
0xbd: {  	[dreg:$0xe] =	wrdreg $0x9  }
0xbe: {  	_ =	task.clear_ibuf [dreg:s10], $0xFFFFF;
	_ =	strace $0x90000046  }
0xbf: {  	s29 =	simm.s32 $0x9;
	_ =	strace $0x80000048  }
0xc0: {  	_ =	swait.ge [sflag:s29], $0x1  }
0xc1: {  	[sflag:s29] =	ssyncadd.s32 $0xFFFFFFFF  }
0xc2: {  	_ =	strace $0x90000048  }
0xc3: {  	_ =	sfence  }
0xc4: {  	s30 =	sld [smem:$0x0];
	_ =	sdelay $0x2  }
0xc5: {  	s31 =	sshll.u32 s1, $0xD;
	s1 =	sshrl.u32 s1, $0x2  }
0xc6: {  	s3 =	sand.u32 $0x4000, s31;
	s1 =	sadd.s32 s1, s30  }
0xc7: {  	s0 =	sor.u32 s3, s0;
	s1 =	sshll.u32 s1, $0x11  }
0xc8: {  	s0 =	sor.u32 s1, s0  }
0xc9: {  	s0 =	sadd.s32 $0x8F2B, s0  }
0xca: {  	[sflag:s0] =	ssyncadd.remote.s32 $0x1  }
0xcb: {  	_ =	sfence.sel $0xFFFF  }
0xcc: {  	[dreg:$0x0] =	wrdreg $0xFFFFFFFF;
	(pc) =	sbr.abs _section_cstart, $3  }
0xcd: {  	[dreg:$0x1] =	wrdreg $0xFFFFFFFF  }
0xce: {  	_ =	task.clear_ibuf [dreg:s10], $0x2FFFF;
	_ =	strace $0x9FFFFFFF  }
0xcf: {  	(tm) =	ssettm $0x7FFFFFFF  }
tec
execute0_lowered:
.L_overlay_start_1:
0x0: {  	(tag) =	ssettag $0x1  }
0x1: {  	s0 =	rddreg [dreg:$0x0]  }
0x2: {  	s16 =	rddreg [dreg:$0x1]  }
0x3: {  	s18 =	rddreg [dreg:$0x2]  }
0x4: {  	s2 =	rddreg [dreg:$0x3]  }
0x5: {  	s28 =	rddreg [dreg:$0x4]  }
0x6: {  	s17 =	rddreg [dreg:$0x5]  }
0x7: {  	s22 =	rddreg [dreg:$0x6]  }
0x8: {  	s19 =	stileid.u32;
	s24 =	rddreg [dreg:$0x7]  }
0x9: {  	s26 =	rddreg [dreg:$0x8];
	s1 =	srdreg.scid  }
0xa: {  	s21 =	rddreg [dreg:$0x9];
	s10 =	simm.s32 $0x0;
	s3 =	smul.u32 $0x2B, s19  }
0xb: {  	s1 =	sand.u32 $0x1, s1;
	[smem:$0x7FF] =	sst s10;
	s11 =	smul.u32 $0x3000, s19  }
0xc: {  	s9 =	smin.u32 s19, $0x7;
	s23 =	smul.u32 $0x18, s19;
	s4 =	sshrl.u32 s3, $0x8  }
0xd: {  	s14 =	ssub.s32 $0x2, s1;
	s13 =	sshll.u32 s9, $0x9;
	s5 =	smul.u32 $0x7FFFA, s4  }
0xe: {  	s12 =	sshll.u32 s1, $0x6;
	s6 =	sshrl.u32 s14, $0x1;
	s11 =	sor.u32 s13, s11  }
0xf: {  	s20 =	ssub.s32 s14, s6;
	s7 =	smul.u32 $0xC380, s4;
	s5 =	sadd.s32 s19, s5  }
0x10: {  	s14 =	sshll.u32 s1, $0x8;
	s15 =	sshll.u32 s5, $0xD;
	s5 =	sshllo.u32 s1, $0x1  }
0x11: {  	s8 =	sor.u32 s4, s12;
	s11 =	sor.u32 s14, s11;
	s25 =	sshll.u32 s5, $0x5  }
0x12: {  	s8 =	smul.u32 $0xC380, s8;
	s14 =	sadd.s32 $0x30E00, s11;
	s4 =	sor.u32 s4, s25  }
0x13: {  	s14 =	sshrl.u32 s14, $0x3;
	s7 =	sadd.s32 s7, s15;
	s4 =	smul.u32 $0xC380, s4  }
0x14: {  	s8 =	sadd.s32 s8, s15;
	s3 =	sadd.s32 s14, s2;
	s14 =	sshrl.u32 s11, $0x3  }
0x15: {  	[dreg:$0xd] =	wrdreg s3;
	s6 =	sadd.s32 s15, s4;
	s15 =	sadd.s32 $0x61C00, s11  }
0x16: {  	s4 =	sor.u32 s9, s23;
	s13 =	sshrl.u32 s15, $0x3;
	s15 =	sadd.s32 $0x30E80, s11  }
0x17: {  	s9 =	sadd.s32 s13, s2;
	s23 =	sshrl.u32 s15, $0x3;
	s15 =	rddreg [dreg:$0xa]  }
0x18: {  	s3 =	sadd.s32 $0x61C80, s11;
	s11 =	sor.u32 $0x80, s11;
	[dreg:$0xe] =	wrdreg s9  }
0x19: {  	s9 =	sadd.s32 s14, s2;
	s14 =	sshrl.u32 s3, $0x3;
	s3 =	rddreg [dreg:$0xb]  }
0x1a: {  	s13 =	smul.u32 $0xC38, s19;
	[dreg:$0xf] =	wrdreg s9;
	s9 =	sadd.s32 s23, s2  }
0x1b: {  	s11 =	sshrl.u32 s11, $0x3;
	[dreg:$0x10] =	wrdreg s9;
	s9 =	sadd.s32 s14, s2  }
0x1c: {  	s23 =	smul.u32 $0x6, s1;
	s2 =	sadd.s32 s11, s2;
	[dreg:$0x11] =	wrdreg s9  }
0x1d: {  	[dreg:$0x12] =	wrdreg s2  }
0x1e: {  	s2 =	sor.u32 $0x1, s23;
	s9 =	sadd.s32 $0x2, s23;
	s23 =	sadd.s32 s13, s28  }
0x1f: {  	s14 =	sadd.s32 s13, s17;
	_ =	strace $0x80000047;
	[dreg:$0x13] =	wrdreg s23  }
0x20: {  	s17 =	sadd.s32 s13, s22;
	s11 =	smul.u32 $0x92A000, s1;
	[dreg:$0x14] =	wrdreg s14  }
0x21: {  	[dreg:$0x15] =	wrdreg s17  }
0x22: {  	p0 =	slt.u32 s19, $0x7;
	[dreg:$0x16] =	wrdreg s11  }
0x23: {  	s8 =	sshrl.u32 s8, $0x3;
	s23 =	sadd.s32 s13, s24;
	[smem:$0x7DE] =	sst s12  }
0x24: {  	s31 =	smov.u32 s25;
	s17 =	sadd.s32 s13, s26;
	[dreg:$0x17] =	wrdreg s23  }
0x25: {  	s14 =	smul.u32 $0x187000, s2;
	[dreg:$0x18] =	wrdreg s17;
	s23 =	sadd.s32 s13, s21  }
0x26: {  	s6 =	sshrl.u32 s6, $0x3;
	s1 =	smul.u32 $0xC0, s1;
	[dreg:$0x1a] =	wrdreg s23  }
0x27: {  	s11 =	sadd.s32 s11, s7;
	s23 =	sadd.s32 s13, s15;
	[dreg:$0x19] =	wrdreg s14  }
0x28: {  	s11 =	sshrl.u32 s11, $0x3;
	s13 =	sadd.s32 s13, s3;
	[dreg:$0x1c] =	wrdreg s23  }
0x29: {  	s17 =	smul.u32 $0x187000, s9;
	s11 =	sadd.s32 s0, s11;
	[dreg:$0x1d] =	wrdreg s13  }
0x2a: {  	s2 =	sshll.u32 s2, $0x5;
	s9 =	sshll.u32 s9, $0x5;
	[dreg:$0x1e] =	wrdreg s11  }
0x2b: {  	s14 =	sadd.s32 s14, s7;
	[dreg:$0x1b] =	wrdreg s17;
	s23 =	sadd.s32 s17, s7  }
0x2c: {  	s11 =	sshrl.u32 s14, $0x3;
	s14 =	sadd.s32 s16, s8;
	s17 =	sor.u32 s19, s1  }
0x2d: {  	s8 =	sadd.s32 s18, s8;
	s13 =	sshrl.u32 s23, $0x3;
	[smem:$0x7D7] =	sst s14  }
0x2e: {  	s11 =	sadd.s32 s0, s11;
	[smem:$0x7D8] =	sst s8;
	s23 =	smul.u32 $0xC380, s17  }
0x2f: {  	s14 =	sor.u32 s19, s2;
	[dreg:$0x1f] =	wrdreg s11;
	s13 =	sadd.s32 s0, s13  }
0x30: {  	s17 =	sor.u32 s19, s12;
	s11 =	smul.u32 $0xC380, s14;
	[smem:$0x7D6] =	sst s13  }
0x31: {  	s13 =	smul.u32 $0xC380, s17;
	s8 =	sshrl.u32 s23, $0x3;
	s23 =	sor.u32 s19, s9  }
0x32: {  	s17 =	sor.u32 $0x10, s19;
	s8 =	sadd.s32 s0, s8;
	s11 =	sshrl.u32 s11, $0x3  }
0x33: {  	s14 =	smul.u32 $0xC380, s23;
	s1 =	sor.u32 s17, s1;
	s2 =	sor.u32 s17, s2  }
0x34: {  	s30 =	smov.u32 s17;
	s8 =	sadd.s32 $0x1800, s8;
	s1 =	smul.u32 $0xC380, s1  }
0x35: {  	s11 =	sadd.s32 s0, s11;
	s23 =	sshrl.u32 s13, $0x3;
	s2 =	smul.u32 $0xC380, s2  }
0x36: {  	[smem:$0x7D9] =	sst s8;
	s8 =	sadd.s32 $0x1800, s11;
	s14 =	sshrl.u32 s14, $0x3  }
0x37: {  	s13 =	sadd.s32 $0x1800, s23;
	s23 =	sor.u32 s17, s12;
	[smem:$0x7DA] =	sst s8  }
0x38: {  	s8 =	sadd.s32 s0, s14;
	s1 =	sshrl.u32 s1, $0x3;
	s11 =	sadd.s32 s16, s13  }
0x39: {  	s14 =	sor.u32 s17, s9;
	s2 =	sshrl.u32 s2, $0x3;
	s9 =	smul.u32 $0xC380, s23  }
0x3a: {  	s8 =	sadd.s32 $0x1800, s8;
	[smem:$0x7DC] =	sst s11;
	s1 =	sadd.s32 s0, s1  }
0x3b: {  	s2 =	sadd.s32 s0, s2;
	[smem:$0x7DB] =	sst s8;
	s8 =	sadd.s32 s18, s13  }
0x3c: {  	s11 =	smul.u32 $0x495000, s5;
	s1 =	sadd.s32 $0x1800, s1;
	[smem:$0x7DD] =	sst s8  }
0x3d: {  	s9 =	sshrl.u32 s9, $0x3;
	s8 =	smul.u32 $0xC380, s14;
	[smem:$0x7DF] =	sst s1  }
0x3e: {  	s1 =	sadd.s32 $0x1800, s2;
	s2 =	smul.u32 $0x3, s5;
	s12 =	sadd.s32 $0x1800, s9  }
0x3f: {  	s14 =	sadd.s32 s11, s7;
	s5 =	smul.u32 $0x60, s5;
	[smem:$0x7E0] =	sst s1  }
0x40: {  	s13 =	sadd.s32 s16, s12;
	s9 =	sshrl.u32 s14, $0x3;
	s8 =	sshrl.u32 s8, $0x3  }
0x41: {  	[smem:$0x7E2] =	sst s13;
	s13 =	sadd.s32 $0x30E000, s11;
	s14 =	sor.u32 s19, s5  }
0x42: {  	s5 =	sor.u32 s17, s5;
	s1 =	sadd.s32 s0, s8;
	s8 =	sadd.s32 $0x1, s2  }
0x43: {  	s2 =	sshll.u32 s2, $0x5;
	s5 =	smul.u32 $0xC380, s5;
	s1 =	sadd.s32 $0x1800, s1  }
0x44: {  	s23 =	smul.u32 $0x187000, s8;
	[smem:$0x7E1] =	sst s1;
	s1 =	sadd.s32 s18, s12  }
0x45: {  	s29 =	smov.u32 s13;
	s2 =	sadd.s32 $0x40, s2;
	[smem:$0x7E3] =	sst s1  }
0x46: {  	s5 =	sshrl.u32 s5, $0x3;
	s1 =	sadd.s32 s0, s9;
	[smem:$0x7E5] =	sst s23  }
0x47: {  	s12 =	sadd.s32 s7, s23;
	s23 =	smov.u32 s11;
	s7 =	sadd.s32 s7, s13  }
0x48: {  	s9 =	smul.u32 $0xC380, s14;
	s11 =	sadd.s32 s16, s6;
	s6 =	sadd.s32 s18, s6  }
0x49: {  	s13 =	sor.u32 s19, s2;
	s14 =	sor.u32 s19, s25;
	[smem:$0x7E4] =	sst s1  }
0x4a: {  	s2 =	sor.u32 s17, s2;
	s5 =	sadd.s32 s0, s5;
	[smem:$0x7E8] =	sst s11  }
0x4b: {  	s1 =	sshrl.u32 s12, $0x3;
	[smem:$0x7E9] =	sst s6;
	s5 =	sadd.s32 $0x1800, s5  }
0x4c: {  	s7 =	sshrl.u32 s7, $0x3;
	s1 =	sadd.s32 s0, s1;
	[smem:$0x7EF] =	sst s5  }
0x4d: {  	s2 =	smul.u32 $0xC380, s2;
	s5 =	simm.s32 $0x2;
	[smem:$0x7E6] =	sst s1  }
0x4e: {  	s1 =	sadd.s32 s0, s7;
	s7 =	sshrl.u32 s9, $0x3;
	s9 =	smul.u32 $0xC380, s14  }
0x4f: {  	s2 =	sshrl.u32 s2, $0x3;
	[smem:$0x7E7] =	sst s1;
	s1 =	sshll.u32 s8, $0x5  }
0x50: {  	s12 =	sadd.s32 s0, s7;
	s7 =	smul.u32 $0xC380, s13;
	s8 =	sor.u32 s19, s1  }
0x51: {  	s6 =	sadd.s32 $0x1800, s12;
	s13 =	sshrl.u32 s9, $0x3;
	s1 =	sor.u32 s17, s1  }
0x52: {  	s8 =	smul.u32 $0xC380, s8;
	[smem:$0x7EA] =	sst s6;
	s14 =	sadd.s32 $0x1800, s13  }
0x53: {  	s12 =	sshrl.u32 s7, $0x3;
	s1 =	smul.u32 $0xC380, s1;
	s7 =	sadd.s32 s16, s14  }
0x54: {  	s2 =	sadd.s32 s0, s2;
	s8 =	sshrl.u32 s8, $0x3;
	[smem:$0x7ED] =	sst s7  }
0x55: {  	s1 =	sshrl.u32 s1, $0x3;
	s7 =	sadd.s32 $0x1800, s2;
	s2 =	simm.s32 $0x19  }
0x56: {  	s11 =	sadd.s32 s0, s8;
	[smem:$0x7F1] =	sst s7;
	s2 =	simm.s32 @!p0 $0x18  }
0x57: {  	s1 =	sadd.s32 s0, s1;
	s6 =	sadd.s32 $0x1800, s11;
	[smem:$0x7F4] =	sst s2  }
0x58: {  	s1 =	sadd.s32 $0x1800, s1;
	s11 =	sshll.u32 s4, $0x7;
	[smem:$0x7EB] =	sst s6  }
0x59: {  	s17 =	sor.u32 s17, s25;
	[smem:$0x7F0] =	sst s1;
	s13 =	sadd.s32 s11, s28  }
0x5a: {  	s25 =	smul.u32 $0xC380, s17;
	s17 =	sadd.s32 s11, s24;
	[smem:$0x7F5] =	sst s13  }
0x5b: {  	s6 =	sadd.s32 s0, s12;
	s24 =	sadd.s32 s11, s15;
	[smem:$0x7F8] =	sst s17  }
0x5c: {  	s7 =	simm.s32 $0x6;
	s6 =	sadd.s32 $0x1800, s6;
	[smem:$0x7FB] =	sst s24  }
0x5d: {  	s4 =	simm.s32 $0x12000;
	s12 =	smov.u32 s16;
	[smem:$0x7EC] =	sst s6  }
0x5e: {  	s28 =	simm.s32 $0x14000;
	s6 =	sadd.s32 s18, s14;
	s14 =	rddreg [dreg:$0x5]  }
0x5f: {  	s13 =	simm.s32 $0x2000;
	[smem:$0x7EE] =	sst s6;
	s6 =	sshrl.u32 s25, $0x3  }
0x60: {  	s17 =	simm.s32 $0x6000;
	s2 =	sadd.s32 s11, s14;
	s8 =	sadd.s32 $0x1800, s6  }
0x61: {  	s24 =	simm.s32 $0x10000;
	[smem:$0x7F6] =	sst s2;
	s9 =	sadd.s32 s16, s8  }
0x62: {  	s25 =	smov.u32 s18;
	s1 =	sadd.s32 s18, s8;
	[smem:$0x7F2] =	sst s9  }
0x63: {  	s2 =	simm.s32 $0x0;
	s16 =	sadd.s32 s11, s22;
	[smem:$0x7F3] =	sst s1  }
0x64: {  	s18 =	sadd.s32 s11, s26;
	s22 =	sadd.s32 s11, s21;
	[smem:$0x7F7] =	sst s16  }
0x65: {  	s26 =	smax.u32 s20, $0x1;
	s20 =	simm.s32 $0x1;
	[smem:$0x7F9] =	sst s18  }
0x66: {  	s21 =	simm.s32 $0xA000;
	[smem:$0x7FA] =	sst s22;
	s1 =	sadd.s32 s11, s3  }
0x67: {  	[smem:$0x7FD] =	sst s26;
	s26 =	sor.u32 $0x20, s19;
	s16 =	simm.s32 $0x8000  }
0x68: {  	v0 =	vimm.f32 $0.0e+00;
	s22 =	simm.s32 $0xC000;
	s3 =	simm.s32 $0xE000;
	[smem:$0x7FC] =	sst s1  }
.LBB2_1:
0x69: {  	[smem:$0x7D5] =	sst s2;
	s1 =	simm.s32 $0x40;
	s2 =	simm.s32 $0x0  }
.LBB2_2:
0x6a: {  	p0 =	sne.s32 s1, $0x31C0;
	[tilespmem:s2+$0x14380] =	vst v0;
	s2 =	smov.u32 s1;
	s1 =	sadd.s32 $0x40, s1  }
.Ltmp0:
0x6b: {  	(pc) =	sbr.rel @p0 .LBB2_2-.Ltmp0, $2  }
0x6c: {  	_ =	sdelay $0x2  }
0x6d: {  	s2 =	sshra.s32 s2, $0x2  }
0x6e: {  	[tilespmem:s2+$0x14380] =	vst v0;
	s1 =	rddreg [dreg:$0x13];
	s2 =	simm.s32 $0x14380;
	s6 =	simm.s32 $0x7  }
0x6f: {  	[spmem:s1] =	stream.linear.scatter [tilespmem:s2], [sflag:$0x7], $0xC38, $0x38;
	[tilespmem:$0x1D780] =	vst v63  }
0x70: {  	_ =	swait.ge [sflag:s6], $0xC38  }
0x71: {  	[sflag:s6] =	ssyncset.done $0x0  }
0x72: {  	s9 =	rddreg [dreg:$0x14];
	[sflag:s6] =	ssyncadd.s32 $0xFFFFF3C8  }
0x73: {  	[spmem:s9] =	stream.linear.scatter [tilespmem:s2], [sflag:$0x7], $0xC38, $0x38;
	[tilespmem:$0x1D780] =	vst v63  }
0x74: {  	_ =	swait.ge [sflag:s6], $0xC38  }
0x75: {  	[sflag:s6] =	ssyncset.done $0x0  }
0x76: {  	s11 =	rddreg [dreg:$0x15];
	[sflag:s6] =	ssyncadd.s32 $0xFFFFF3C8  }
0x77: {  	[spmem:s11] =	stream.linear.scatter [tilespmem:s2], [sflag:$0x7], $0xC38, $0x38;
	[tilespmem:$0x1D780] =	vst v63  }
0x78: {  	_ =	swait.ge [sflag:s6], $0xC38  }
0x79: {  	[sflag:s6] =	ssyncset.done $0x0  }
0x7a: {  	s14 =	rddreg [dreg:$0x17];
	[sflag:s6] =	ssyncadd.s32 $0xFFFFF3C8  }
0x7b: {  	[spmem:s14] =	stream.linear.scatter [tilespmem:s2], [sflag:$0x7], $0xC38, $0x38;
	[tilespmem:$0x1D780] =	vst v63  }
0x7c: {  	_ =	swait.ge [sflag:s6], $0xC38  }
0x7d: {  	[sflag:s6] =	ssyncset.done $0x0  }
0x7e: {  	s15 =	rddreg [dreg:$0x18];
	[sflag:s6] =	ssyncadd.s32 $0xFFFFF3C8  }
0x7f: {  	[spmem:s15] =	stream.linear.scatter [tilespmem:s2], [sflag:$0x7], $0xC38, $0x38;
	[tilespmem:$0x1D780] =	vst v63  }
0x80: {  	_ =	swait.ge [sflag:s6], $0xC38  }
0x81: {  	[sflag:s6] =	ssyncset.done $0x0  }
0x82: {  	s18 =	rddreg [dreg:$0x1a];
	[sflag:s6] =	ssyncadd.s32 $0xFFFFF3C8  }
0x83: {  	[spmem:s18] =	stream.linear.scatter [tilespmem:s2], [sflag:$0x7], $0xC38, $0x38;
	[tilespmem:$0x1D780] =	vst v63  }
0x84: {  	_ =	swait.ge [sflag:s6], $0xC38  }
0x85: {  	[sflag:s6] =	ssyncset.done $0x0  }
0x86: {  	s19 =	rddreg [dreg:$0x1c];
	[sflag:s6] =	ssyncadd.s32 $0xFFFFF3C8  }
0x87: {  	[spmem:s19] =	stream.linear.scatter [tilespmem:s2], [sflag:$0x7], $0xC38, $0x38;
	[tilespmem:$0x1D780] =	vst v63  }
0x88: {  	_ =	swait.ge [sflag:s6], $0xC38  }
0x89: {  	[sflag:s6] =	ssyncset.done $0x0  }
0x8a: {  	s8 =	rddreg [dreg:$0x1d];
	[sflag:s6] =	ssyncadd.s32 $0xFFFFF3C8  }
0x8b: {  	[spmem:s8] =	stream.linear.scatter [tilespmem:s2], [sflag:$0x7], $0xC38, $0x38;
	[tilespmem:$0x1D780] =	vst v63  }
0x8c: {  	_ =	swait.ge [sflag:s6], $0xC38  }
0x8d: {  	[sflag:s6] =	ssyncset.done $0x0  }
0x8e: {  	[sflag:s6] =	ssyncadd.s32 $0xFFFFF3C8  }
0x8f: {  	[bflag:$0x0] =	sbarrier.arrive $0xFFFF  }
0x90: {  	s9 =	rddreg [dreg:$0x1e]  }
0x91: {  	s8 =	simm.s32 $0x0;
	s11 =	rddreg [dreg:$0x1f]  }
0x92: {  	[tilespmem:s8], [sflag:$0x1] =	stream.linear.gather [hbm4b:s9+s8], $0x2000, $0x38;
	[tilespmem:$0x1D780] =	vst v63  }
0x93: {  	s14 =	sld [smem:$0x7D6]  }
0x94: {  	[tilespmem:s13], [sflag:$0x1] =	stream.linear.gather [hbm4b:s11+s8], $0x2000, $0x38;
	[tilespmem:$0x1D780] =	vst v63  }
0x95: {  	s15 =	simm.s32 $0x4000;
	s18 =	sld [smem:$0x7D7]  }
0x96: {  	[tilespmem:s15], [sflag:$0x1] =	stream.linear.gather [hbm4b:s14+s8], $0x2000, $0x38;
	[tilespmem:$0x1D780] =	vst v63  }
0x97: {  	s19 =	sld [smem:$0x7D8]  }
0x98: {  	[tilespmem:s17], [sflag:$0x1] =	stream.linear.gather [hbm4b:s18+s8], $0x2000, $0x38;
	[tilespmem:$0x1D780] =	vst v63  }
0x99: {  	_ = 	snop  }
0x9a: {  	[tilespmem:s16], [sflag:$0x1] =	stream.linear.gather [hbm4b:s19+s8], $0x2000, $0x38;
	[tilespmem:$0x1D780] =	vst v63  }
.LBB2_4:
0x9b: {  	_ =	swait.ge [sflag:s20], $0x2000  }
0x9c: {  	[sflag:s20] =	ssyncset.done $0x0  }
0x9d: {  	[sflag:s20] =	ssyncadd.s32 $0xFFFFE000  }
0x9e: {  	_ =	swait.ge [sflag:s20], $0x2000  }
0x9f: {  	[sflag:s20] =	ssyncset.done $0x0  }
0xa0: {  	[sflag:s20] =	ssyncadd.s32 $0xFFFFE000  }
0xa1: {  	_ =	swait.ge [sflag:s20], $0x2000  }
0xa2: {  	[sflag:s20] =	ssyncset.done $0x0  }
0xa3: {  	[sflag:s20] =	ssyncadd.s32 $0xFFFFE000  }
0xa4: {  	_ =	swait.ge [sflag:s20], $0x2000  }
0xa5: {  	[sflag:s20] =	ssyncset.done $0x0  }
0xa6: {  	[sflag:s20] =	ssyncadd.s32 $0xFFFFE000  }
0xa7: {  	_ =	swait.ge [sflag:s20], $0x2000  }
0xa8: {  	p0 =	seq.s32 s8, $0x0;
	[sflag:s20] =	ssyncset.done $0x0  }
0xa9: {  	s1 =	simm.s32 @!p0 $0x4;
	[sflag:s20] =	ssyncadd.s32 $0xFFFFE000  }
0xaa: {  	_ =	swait.ge @!p0 [sflag:s1], $0x2000  }
0xab: {  	[sflag:s1] =	ssyncset.done @!p0 $0x0  }
0xac: {  	s9 =	sshll.u32 s8, $0x5;
	[sflag:s1] =	ssyncadd.s32 @!p0 $0xFFFFE000  }
0xad: {  	s2 =	sor.u32 s30, s9;
	_ =	swait.ge @!p0 [sflag:s1], $0x2000  }
0xae: {  	s6 =	smulhi.u32 $0x2AAAAAAB, s2;
	[sflag:s1] =	ssyncset.done @!p0 $0x0  }
0xaf: {  	[sflag:s1] =	ssyncadd.s32 @!p0 $0xFFFFE000  }
0xb0: {  	s11 =	smul.u32 $0x7FFFA, s6;
	_ =	swait.ge @!p0 [sflag:s1], $0x2000  }
0xb1: {  	[sflag:s1] =	ssyncset.done @!p0 $0x0  }
0xb2: {  	s18 =	smul.u32 $0xC380, s6;
	s2 =	sadd.s32 s2, s11;
	[sflag:s1] =	ssyncadd.s32 @!p0 $0xFFFFE000  }
0xb3: {  	s2 =	sshll.u32 s2, $0xD;
	_ =	swait.ge @!p0 [sflag:s1], $0x2000  }
0xb4: {  	s11 =	sadd.s32 s18, s2;
	s14 =	rddreg [dreg:$0x16]  }
0xb5: {  	s14 =	sadd.s32 s14, s11  }
0xb6: {  	[sflag:s1] =	ssyncset.done @!p0 $0x0;
	s15 =	sld [smem:$0x7DE];
	s14 =	sshrl.u32 s14, $0x3  }
0xb7: {  	[sflag:s1] =	ssyncadd.s32 @!p0 $0xFFFFE000;
	s19 =	sadd.s32 s0, s14;
	s14 =	rddreg [dreg:$0x19]  }
0xb8: {  	[tilespmem:s21], [sflag:$0x2] =	stream.linear.gather [hbm4b:s19+s10], $0x2000, $0x38;
	[tilespmem:$0x1D780] =	vst v63  }
0xb9: {  	s1 =	sadd.s32 s14, s11  }
0xba: {  	s6 =	sadd.s32 s15, s6;
	s19 =	rddreg [dreg:$0x1b];
	s1 =	sshrl.u32 s1, $0x3  }
0xbb: {  	s18 =	smul.u32 $0xC380, s6;
	s6 =	sadd.s32 s19, s11;
	s1 =	sadd.s32 s0, s1  }
0xbc: {  	[tilespmem:s22], [sflag:$0x2] =	stream.linear.gather [hbm4b:s1+s10], $0x2000, $0x38;
	[tilespmem:$0x1D780] =	vst v63  }
0xbd: {  	s6 =	sshrl.u32 s6, $0x3;
	s1 =	sadd.s32 s18, s2  }
0xbe: {  	s6 =	sadd.s32 s0, s6;
	s1 =	sshrl.u32 s1, $0x3  }
0xbf: {  	[tilespmem:s3], [sflag:$0x2] =	stream.linear.gather [hbm4b:s6+s10], $0x2000, $0x38;
	[tilespmem:$0x1D780] =	vst v63  }
0xc0: {  	s11 =	sadd.s32 s12, s1  }
0xc1: {  	[tilespmem:s24], [sflag:$0x2] =	stream.linear.gather [hbm4b:s11+s10], $0x2000, $0x38;
	[tilespmem:$0x1D780] =	vst v63  }
0xc2: {  	s14 =	simm.s32 $0x6020;
	s1 =	sadd.s32 s25, s1  }
0xc3: {  	[tilespmem:s4], [sflag:$0x2] =	stream.linear.gather [hbm4b:s1+s10], $0x2000, $0x38;
	[tilespmem:$0x1D780] =	vst v63  }
0xc4: {  	s15 =	simm.s32 $0x20;
	v6 =	vld [tilespmem:s14+$0x10]  }
0xc5: {  	v1 =	vld [tilespmem:s15+$0x10]  }
0xc6: {  	v8 =	vld [tilespmem:s14+$0xFFFFFFF0]  }
0xc7: {  	v9 =	vld [tilespmem:s14+$0x0]  }
0xc8: {  	v3 =	vld [tilespmem:s15+$0x0]  }
0xc9: {  	v2 =	vld [tilespmem:s15+$0xFFFFFFF0];
	_ =	sdelay $0x1  }
0xca: {  	s19 =	simm.s32 $0x6060;
	v5 =	vld [tilespmem:s15+$0xFFFFFFE0]  }
0xcb: {  	s11 =	simm.s32 $0x60;
	v11 =	vld [tilespmem:s19+$0x10];
	v1 =	vmul.f32 v1, v6  }
0xcc: {  	v13 =	vld [tilespmem:s11+$0xFFFFFFF0];
	v3 =	vmul.f32 v3, v9  }
0xcd: {  	v2 =	vmul.f32 v2, v8;
	[tilespmem:s15+$0x10] =	vst v1;
	v1 =	vld [tilespmem:s14+$0xFFFFFFE0]  }
0xce: {  	s6 =	simm.s32 $0x2020;
	[tilespmem:s15+$0x0] =	vst v3;
	v3 =	vld [tilespmem:s11+$0x10]  }
0xcf: {  	[tilespmem:s15+$0xFFFFFFF0] =	vst v2;
	v4 =	vld [tilespmem:s6+$0x10]  }
0xd0: {  	v7 =	vld [tilespmem:s6+$0xFFFFFFF0]  }
0xd1: {  	v15 =	vld [tilespmem:s11+$0x0]  }
0xd2: {  	v10 =	vld [tilespmem:s6+$0x0]  }
0xd3: {  	v16 =	vld [tilespmem:s11+$0xFFFFFFE0];
	v5 =	vmul.f32 v5, v1  }
0xd4: {  	v14 =	vmul.f32 v3, v11;
	v3 =	vld [tilespmem:s19+$0xFFFFFFE0];
	v2 =	vmul.f32 v4, v6  }
0xd5: {  	v4 =	vld [tilespmem:s19+$0xFFFFFFF0];
	v7 =	vmul.f32 v7, v8;
	[tilespmem:s15+$0xFFFFFFE0] =	vst v5  }
0xd6: {  	[tilespmem:s6+$0x10] =	vst v2;
	v2 =	vld [tilespmem:s19+$0x0]  }
0xd7: {  	s15 =	simm.s32 $0xA0;
	[tilespmem:s6+$0xFFFFFFF0] =	vst v7;
	v7 =	vmul.f32 v10, v9;
	v10 =	vld [tilespmem:s6+$0xFFFFFFE0]  }
0xd8: {  	s18 =	simm.s32 $0x4020;
	v19 =	vld [tilespmem:s15+$0xFFFFFFE0]  }
0xd9: {  	v12 =	vld [tilespmem:s18+$0x10]  }
0xda: {  	[tilespmem:s11+$0x10] =	vst v14;
	s19 =	simm.s32 $0x2060;
	v14 =	vld [tilespmem:s18+$0xFFFFFFF0];
	v5 =	vmul.f32 v13, v4  }
0xdb: {  	[tilespmem:s6+$0x0] =	vst v7;
	v13 =	vld [tilespmem:s19+$0x10]  }
0xdc: {  	v17 =	vld [tilespmem:s18+$0x0];
	[tilespmem:s11+$0xFFFFFFF0] =	vst v5;
	v5 =	vmul.f32 v15, v2  }
0xdd: {  	s2 =	simm.s32 $0x60A0;
	v15 =	vld [tilespmem:s19+$0xFFFFFFF0]  }
0xde: {  	[tilespmem:s11+$0x0] =	vst v5;
	v5 =	vld [tilespmem:s2+$0x10]  }
0xdf: {  	v6 =	vmul.f32 v12, v6;
	v18 =	vld [tilespmem:s19+$0x0]  }
0xe0: {  	v7 =	vmul.f32 v13, v11;
	v13 =	vld [tilespmem:s15+$0x10]  }
0xe1: {  	[tilespmem:s18+$0x10] =	vst v6;
	v6 =	vmul.f32 v10, v1;
	v10 =	vld [tilespmem:s15+$0xFFFFFFF0]  }
0xe2: {  	v16 =	vmul.f32 v16, v3;
	[tilespmem:s19+$0x10] =	vst v7;
	v7 =	vld [tilespmem:s2+$0xFFFFFFF0]  }
0xe3: {  	s14 =	simm.s32 $0x4060;
	v8 =	vmul.f32 v14, v8;
	[tilespmem:s6+$0xFFFFFFE0] =	vst v6;
	v6 =	vld [tilespmem:s2+$0x0]  }
0xe4: {  	[tilespmem:s11+$0xFFFFFFE0] =	vst v16;
	v12 =	vld [tilespmem:s14+$0x10];
	v14 =	vmul.f32 v15, v4  }
0xe5: {  	[tilespmem:s18+$0xFFFFFFF0] =	vst v8;
	v15 =	vld [tilespmem:s15+$0x0];
	v13 =	vmul.f32 v13, v5  }
0xe6: {  	v9 =	vmul.f32 v17, v9;
	v8 =	vld [tilespmem:s2+$0xFFFFFFE0];
	[tilespmem:s19+$0xFFFFFFF0] =	vst v14  }
0xe7: {  	v16 =	vld [tilespmem:s19+$0xFFFFFFE0];
	s6 =	simm.s32 $0x20A0;
	v14 =	vmul.f32 v18, v2;
	[tilespmem:s15+$0x10] =	vst v13  }
0xe8: {  	[tilespmem:s18+$0x0] =	vst v9;
	v9 =	vmul.f32 v10, v7;
	v17 =	vld [tilespmem:s6+$0x10]  }
0xe9: {  	[tilespmem:s19+$0x0] =	vst v14;
	v12 =	vmul.f32 v12, v11;
	v11 =	vld [tilespmem:s18+$0xFFFFFFE0]  }
0xea: {  	v10 =	vld [tilespmem:s14+$0xFFFFFFF0];
	[tilespmem:s15+$0xFFFFFFF0] =	vst v9;
	v9 =	vmul.f32 v15, v6  }
0xeb: {  	[tilespmem:s14+$0x10] =	vst v12;
	v12 =	vmul.f32 v19, v8;
	v13 =	vld [tilespmem:s6+$0xFFFFFFF0]  }
0xec: {  	v14 =	vmul.f32 v16, v3;
	[tilespmem:s15+$0x0] =	vst v9;
	v9 =	vld [tilespmem:s14+$0x0]  }
0xed: {  	s1 =	simm.s32 $0x4060;
	s11 =	simm.s32 $0x60E0;
	s2 =	simm.s32 $0x8;
	[tilespmem:s15+$0xFFFFFFE0] =	vst v12;
	v12 =	vld [tilespmem:s6+$0x0];
	v15 =	vmul.f32 v17, v5  }
.LBB2_5:
0xee: {  	v16 =	vld [tilespmem:s11+$0x10];
	s15 =	sadd.s32 $0x40, s15;
	[tilespmem:s19+$0xFFFFFFE0] =	vst v14;
	v11 =	vmul.f32 v11, v1;
	v1 =	vmov v3;
	v3 =	vmov v8;
	s19 =	smov.u32 s6  }
0xef: {  	s14 =	sadd.s32 $0x40, s14;
	v8 =	vld [tilespmem:s15+$0x10];
	[tilespmem:s6+$0x10] =	vst v15;
	v10 =	vmul.f32 v10, v4;
	v4 =	vmov v7  }
0xf0: {  	s2 =	sadd.s32 $0x4, s2;
	v13 =	vmul.f32 v13, v4;
	v14 =	vld [tilespmem:s14+$0x10];
	[tilespmem:s18+$0xFFFFFFE0] =	vst v11;
	s18 =	smov.u32 s1;
	s1 =	smov.u32 s14  }
0xf1: {  	p0 =	slt.u32 s2, $0x1FC;
	v15 =	vld [tilespmem:s15+$0xFFFFFFE0];
	[tilespmem:s18+$0xFFFFFFF0] =	vst v10;
	v9 =	vmul.f32 v9, v2;
	v2 =	vmov v6  }
0xf2: {  	v7 =	vld [tilespmem:s11+$0xFFFFFFF0];
	[tilespmem:s6+$0xFFFFFFF0] =	vst v13;
	v10 =	vmul.f32 v12, v2  }
0xf3: {  	v11 =	vld [tilespmem:s15+$0xFFFFFFF0];
	[tilespmem:s18+$0x0] =	vst v9  }
0xf4: {  	v6 =	vld [tilespmem:s11+$0x0];
	v9 =	vmul.f32 v8, v16;
	[tilespmem:s6+$0x0] =	vst v10  }
0xf5: {  	v10 =	vld [tilespmem:s15+$0x0];
	v12 =	vmul.f32 v14, v5;
	v5 =	vmov v16  }
0xf6: {  	v8 =	vld [tilespmem:s11+$0xFFFFFFE0];
	[tilespmem:s15+$0x10] =	vst v9  }
0xf7: {  	s6 =	sadd.s32 $0x40, s6;
	v9 =	vld [tilespmem:s19+$0xFFFFFFE0];
	[tilespmem:s14+$0x10] =	vst v12  }
0xf8: {  	v12 =	vmul.f32 v11, v7;
	v16 =	vld [tilespmem:s6+$0x10]  }
.Ltmp1:
0xf9: {  	v11 =	vld [tilespmem:s18+$0xFFFFFFE0];
	(pc) =	sbr.rel @p0 .LBB2_5-.Ltmp1, $4  }
0xfa: {  	[tilespmem:s15+$0xFFFFFFF0] =	vst v12;
	v12 =	vmul.f32 v10, v6;
	v10 =	vld [tilespmem:s14+$0xFFFFFFF0]  }
0xfb: {  	v15 =	vmul.f32 v15, v8;
	v13 =	vld [tilespmem:s6+$0xFFFFFFF0]  }
0xfc: {  	[tilespmem:s15+$0x0] =	vst v12;
	v14 =	vmul.f32 v9, v3;
	v9 =	vld [tilespmem:s14+$0x0]  }
0xfd: {  	s11 =	sadd.s32 $0x40, s11;
	[tilespmem:s15+$0xFFFFFFE0] =	vst v15;
	v12 =	vld [tilespmem:s6+$0x0];
	v15 =	vmul.f32 v16, v5  }
0xfe: {  	v16 =	vld [tilespmem:s6+$0xFFFFFFE0];
	_ =	sdelay $0x2  }
0xff: {  	s2 =	sadd.s32 $0x40, s14;
	[tilespmem:s6+$0x10] =	vst v15;
	v13 =	vmul.f32 v13, v7  }
0x100: {  	[tilespmem:s19+$0xFFFFFFE0] =	vst v14;
	v14 =	vld [tilespmem:s2+$0x10];
	v12 =	vmul.f32 v12, v6  }
0x101: {  	[tilespmem:s6+$0xFFFFFFF0] =	vst v13;
	v13 =	vld [tilespmem:s1+$0xFFFFFFE0];
	v15 =	vmul.f32 v16, v8  }
0x102: {  	v1 =	vmul.f32 v11, v1;
	v11 =	vld [tilespmem:s2+$0xFFFFFFF0];
	[tilespmem:s6+$0x0] =	vst v12  }
0x103: {  	v4 =	vmul.f32 v10, v4;
	v10 =	vld [tilespmem:s2+$0x0];
	[tilespmem:s6+$0xFFFFFFE0] =	vst v15  }
0x104: {  	[tilespmem:s18+$0xFFFFFFE0] =	vst v1;
	v1 =	vmul.f32 v9, v2;
	v2 =	vld [tilespmem:s2+$0xFFFFFFE0]  }
0x105: {  	[tilespmem:s1+$0xFFFFFFF0] =	vst v4;
	v4 =	vmul.f32 v14, v5  }
0x106: {  	[tilespmem:s1+$0x0] =	vst v1;
	v1 =	vmul.f32 v13, v3  }
0x107: {  	[tilespmem:s2+$0x10] =	vst v4;
	v3 =	vmul.f32 v11, v7  }
0x108: {  	[tilespmem:s1+$0xFFFFFFE0] =	vst v1;
	v1 =	vmul.f32 v10, v6  }
0x109: {  	[tilespmem:s2+$0xFFFFFFF0] =	vst v3;
	v2 =	vmul.f32 v2, v8  }
0x10a: {  	[tilespmem:s2+$0x0] =	vst v1  }
0x10b: {  	s18 =	rddreg [dreg:$0x4];
	[tilespmem:s2+$0xFFFFFFE0] =	vst v2  }
0x10c: {  	[spmem:s18] =	stream.indirect.scatter.add.f32 [tilespmem:s10], [sflag:$0x3], $0x1, s16, s13, $0xb8;
	[tilespmem:$0x1D780] =	vst v63  }
0x10d: {  	s19 =	rddreg [dreg:$0x5]  }
0x10e: {  	[spmem:s19] =	stream.indirect.scatter.add.f32 [tilespmem:s13], [sflag:$0x3], $0x1, s16, s13, $0xb8;
	[tilespmem:$0x1D780] =	vst v63  }
0x10f: {  	s6 =	simm.s32 $0x4000;
	s2 =	rddreg [dreg:$0x6]  }
0x110: {  	[spmem:s2] =	stream.indirect.scatter.add.f32 [tilespmem:s6], [sflag:$0x3], $0x1, s16, s13, $0xb8;
	[tilespmem:$0x1D780] =	vst v63  }
0x111: {  	s11 =	rddreg [dreg:$0x7]  }
0x112: {  	[spmem:s11] =	stream.indirect.scatter.add.f32 [tilespmem:s17], [sflag:$0x3], $0x1, s16, s13, $0xb8;
	[tilespmem:$0x1D780] =	vst v63  }
0x113: {  	_ =	swait.ge [sflag:s5], $0x2000  }
0x114: {  	[sflag:s5] =	ssyncset.done $0x0  }
0x115: {  	[sflag:s5] =	ssyncadd.s32 $0xFFFFE000  }
0x116: {  	_ =	swait.ge [sflag:s5], $0x2000  }
0x117: {  	[sflag:s5] =	ssyncset.done $0x0  }
0x118: {  	[sflag:s5] =	ssyncadd.s32 $0xFFFFE000  }
0x119: {  	_ =	swait.ge [sflag:s5], $0x2000  }
0x11a: {  	[sflag:s5] =	ssyncset.done $0x0  }
0x11b: {  	[sflag:s5] =	ssyncadd.s32 $0xFFFFE000  }
0x11c: {  	_ =	swait.ge [sflag:s5], $0x2000  }
0x11d: {  	[sflag:s5] =	ssyncset.done $0x0  }
0x11e: {  	[sflag:s5] =	ssyncadd.s32 $0xFFFFE000  }
0x11f: {  	_ =	swait.ge [sflag:s5], $0x2000  }
0x120: {  	p0 =	seq.s32 s8, $0x5;
	[sflag:s5] =	ssyncset.done $0x0  }
0x121: {  	s1 =	simm.s32 @!p0 $0x3;
	[sflag:s5] =	ssyncadd.s32 $0xFFFFE000  }
0x122: {  	_ =	swait.ge @!p0 [sflag:s1], $0x2000  }
0x123: {  	[sflag:s1] =	ssyncset.done @!p0 $0x0  }
0x124: {  	[sflag:s1] =	ssyncadd.s32 @!p0 $0xFFFFE000  }
0x125: {  	s2 =	sadd.s32 @!p0 s26, s9;
	_ =	swait.ge @!p0 [sflag:s1], $0x2000  }
0x126: {  	s6 =	smulhi.u32 @!p0 $0x2AAAAAAB, s2;
	[sflag:s1] =	ssyncset.done @!p0 $0x0  }
0x127: {  	[sflag:s1] =	ssyncadd.s32 @!p0 $0xFFFFE000  }
0x128: {  	s9 =	smul.u32 @!p0 $0x7FFFA, s6;
	_ =	swait.ge @!p0 [sflag:s1], $0x2000  }
0x129: {  	[sflag:s1] =	ssyncset.done @!p0 $0x0  }
0x12a: {  	s2 =	sadd.s32 @!p0 s2, s9;
	s9 =	smul.u32 @!p0 $0xC380, s6;
	[sflag:s1] =	ssyncadd.s32 @!p0 $0xFFFFE000  }
0x12b: {  	s2 =	sshll.u32 @!p0 s2, $0xD;
	_ =	swait.ge @!p0 [sflag:s1], $0x2000  }
0x12c: {  	s9 =	sadd.s32 @!p0 s9, s2;
	s11 =	rddreg [dreg:$0x16]  }
0x12d: {  	s11 =	sadd.s32 @!p0 s11, s9  }
0x12e: {  	[sflag:s1] =	ssyncset.done @!p0 $0x0;
	s14 =	sld [smem:$0x7DE];
	s11 =	sshrl.u32 @!p0 s11, $0x3  }
0x12f: {  	[sflag:s1] =	ssyncadd.s32 @!p0 $0xFFFFE000;
	s1 =	sadd.s32 @!p0 s0, s11;
	s11 =	simm.s32 @!p0 $0x0  }
0x130: {  	[tilespmem:s11], [sflag:$0x1] =	stream.linear.gather @!p0 [hbm4b:s1+s11], $0x2000, $0x38;
	[tilespmem:$0x1D780] =	vst v63  }
0x131: {  	s1 =	rddreg [dreg:$0x19]  }
0x132: {  	s1 =	sadd.s32 @!p0 s1, s9  }
0x133: {  	s1 =	sshrl.u32 @!p0 s1, $0x3  }
0x134: {  	s6 =	sadd.s32 @!p0 s14, s6;
	s14 =	simm.s32 @!p0 $0x2000;
	s1 =	sadd.s32 @!p0 s0, s1  }
0x135: {  	[tilespmem:s14], [sflag:$0x1] =	stream.linear.gather @!p0 [hbm4b:s1+s11], $0x2000, $0x38;
	[tilespmem:$0x1D780] =	vst v63  }
0x136: {  	s1 =	smul.u32 @!p0 $0xC380, s6;
	s6 =	rddreg [dreg:$0x1b]  }
0x137: {  	s6 =	sadd.s32 @!p0 s6, s9  }
0x138: {  	s6 =	sshrl.u32 @!p0 s6, $0x3;
	s1 =	sadd.s32 @!p0 s1, s2  }
0x139: {  	s2 =	sadd.s32 @!p0 s0, s6;
	s6 =	simm.s32 @!p0 $0x4000;
	s1 =	sshrl.u32 @!p0 s1, $0x3  }
0x13a: {  	[tilespmem:s6], [sflag:$0x1] =	stream.linear.gather @!p0 [hbm4b:s2+s11], $0x2000, $0x38;
	[tilespmem:$0x1D780] =	vst v63  }
0x13b: {  	s2 =	sadd.s32 @!p0 s12, s1;
	s6 =	simm.s32 @!p0 $0x6000  }
0x13c: {  	[tilespmem:s6], [sflag:$0x1] =	stream.linear.gather @!p0 [hbm4b:s2+s11], $0x2000, $0x38;
	[tilespmem:$0x1D780] =	vst v63  }
0x13d: {  	s14 =	simm.s32 $0x10020;
	s1 =	sadd.s32 @!p0 s25, s1;
	s2 =	simm.s32 @!p0 $0x8000  }
0x13e: {  	[tilespmem:s2], [sflag:$0x1] =	stream.linear.gather @!p0 [hbm4b:s1+s11], $0x2000, $0x38;
	[tilespmem:$0x1D780] =	vst v63  }
0x13f: {  	s15 =	simm.s32 $0xA020;
	v6 =	vld [tilespmem:s14+$0x10]  }
0x140: {  	v1 =	vld [tilespmem:s15+$0x10]  }
0x141: {  	v8 =	vld [tilespmem:s14+$0xFFFFFFF0]  }
0x142: {  	v9 =	vld [tilespmem:s14+$0x0]  }
0x143: {  	v3 =	vld [tilespmem:s15+$0x0]  }
0x144: {  	v2 =	vld [tilespmem:s15+$0xFFFFFFF0];
	_ =	sdelay $0x1  }
0x145: {  	s18 =	simm.s32 $0x10060;
	v5 =	vld [tilespmem:s15+$0xFFFFFFE0]  }
0x146: {  	s11 =	simm.s32 $0xA060;
	v11 =	vld [tilespmem:s18+$0x10];
	v1 =	vmul.f32 v1, v6  }
0x147: {  	v13 =	vld [tilespmem:s11+$0xFFFFFFF0];
	v3 =	vmul.f32 v3, v9  }
0x148: {  	v2 =	vmul.f32 v2, v8;
	[tilespmem:s15+$0x10] =	vst v1;
	v1 =	vld [tilespmem:s14+$0xFFFFFFE0]  }
0x149: {  	s6 =	simm.s32 $0xC020;
	[tilespmem:s15+$0x0] =	vst v3;
	v3 =	vld [tilespmem:s11+$0x10]  }
0x14a: {  	[tilespmem:s15+$0xFFFFFFF0] =	vst v2;
	v4 =	vld [tilespmem:s6+$0x10]  }
0x14b: {  	v7 =	vld [tilespmem:s6+$0xFFFFFFF0]  }
0x14c: {  	v15 =	vld [tilespmem:s11+$0x0]  }
0x14d: {  	v10 =	vld [tilespmem:s6+$0x0]  }
0x14e: {  	v16 =	vld [tilespmem:s11+$0xFFFFFFE0];
	v5 =	vmul.f32 v5, v1  }
0x14f: {  	v14 =	vmul.f32 v3, v11;
	v3 =	vld [tilespmem:s18+$0xFFFFFFE0];
	v2 =	vmul.f32 v4, v6  }
0x150: {  	v4 =	vld [tilespmem:s18+$0xFFFFFFF0];
	v7 =	vmul.f32 v7, v8;
	[tilespmem:s15+$0xFFFFFFE0] =	vst v5  }
0x151: {  	[tilespmem:s6+$0x10] =	vst v2;
	v2 =	vld [tilespmem:s18+$0x0]  }
0x152: {  	s15 =	simm.s32 $0xA0A0;
	[tilespmem:s6+$0xFFFFFFF0] =	vst v7;
	v7 =	vmul.f32 v10, v9;
	v10 =	vld [tilespmem:s6+$0xFFFFFFE0]  }
0x153: {  	s9 =	simm.s32 $0xE020;
	v19 =	vld [tilespmem:s15+$0xFFFFFFE0]  }
0x154: {  	v12 =	vld [tilespmem:s9+$0x10]  }
0x155: {  	[tilespmem:s11+$0x10] =	vst v14;
	s18 =	simm.s32 $0xC060;
	v14 =	vld [tilespmem:s9+$0xFFFFFFF0];
	v5 =	vmul.f32 v13, v4  }
0x156: {  	[tilespmem:s6+$0x0] =	vst v7;
	v13 =	vld [tilespmem:s18+$0x10]  }
0x157: {  	v17 =	vld [tilespmem:s9+$0x0];
	[tilespmem:s11+$0xFFFFFFF0] =	vst v5;
	v5 =	vmul.f32 v15, v2  }
0x158: {  	s19 =	simm.s32 $0x100A0;
	v15 =	vld [tilespmem:s18+$0xFFFFFFF0]  }
0x159: {  	[tilespmem:s11+$0x0] =	vst v5;
	v5 =	vld [tilespmem:s19+$0x10]  }
0x15a: {  	v6 =	vmul.f32 v12, v6;
	v18 =	vld [tilespmem:s18+$0x0]  }
0x15b: {  	v7 =	vmul.f32 v13, v11;
	v13 =	vld [tilespmem:s15+$0x10]  }
0x15c: {  	[tilespmem:s9+$0x10] =	vst v6;
	v6 =	vmul.f32 v10, v1;
	v10 =	vld [tilespmem:s15+$0xFFFFFFF0]  }
0x15d: {  	v16 =	vmul.f32 v16, v3;
	[tilespmem:s18+$0x10] =	vst v7;
	v7 =	vld [tilespmem:s19+$0xFFFFFFF0]  }
0x15e: {  	s14 =	simm.s32 $0xE060;
	v8 =	vmul.f32 v14, v8;
	[tilespmem:s6+$0xFFFFFFE0] =	vst v6;
	v6 =	vld [tilespmem:s19+$0x0]  }
0x15f: {  	[tilespmem:s11+$0xFFFFFFE0] =	vst v16;
	v12 =	vld [tilespmem:s14+$0x10];
	v14 =	vmul.f32 v15, v4  }
0x160: {  	[tilespmem:s9+$0xFFFFFFF0] =	vst v8;
	v15 =	vld [tilespmem:s15+$0x0];
	v13 =	vmul.f32 v13, v5  }
0x161: {  	v9 =	vmul.f32 v17, v9;
	v8 =	vld [tilespmem:s19+$0xFFFFFFE0];
	[tilespmem:s18+$0xFFFFFFF0] =	vst v14  }
0x162: {  	v16 =	vld [tilespmem:s18+$0xFFFFFFE0];
	s6 =	simm.s32 $0xC0A0;
	v14 =	vmul.f32 v18, v2;
	[tilespmem:s15+$0x10] =	vst v13  }
0x163: {  	[tilespmem:s9+$0x0] =	vst v9;
	v9 =	vmul.f32 v10, v7;
	v17 =	vld [tilespmem:s6+$0x10]  }
0x164: {  	[tilespmem:s18+$0x0] =	vst v14;
	v12 =	vmul.f32 v12, v11;
	v11 =	vld [tilespmem:s9+$0xFFFFFFE0]  }
0x165: {  	v10 =	vld [tilespmem:s14+$0xFFFFFFF0];
	[tilespmem:s15+$0xFFFFFFF0] =	vst v9;
	v9 =	vmul.f32 v15, v6  }
0x166: {  	[tilespmem:s14+$0x10] =	vst v12;
	v12 =	vmul.f32 v19, v8;
	v13 =	vld [tilespmem:s6+$0xFFFFFFF0]  }
0x167: {  	v14 =	vmul.f32 v16, v3;
	[tilespmem:s15+$0x0] =	vst v9;
	v9 =	vld [tilespmem:s14+$0x0]  }
0x168: {  	s2 =	simm.s32 $0x8;
	s1 =	simm.s32 $0xE060;
	s11 =	simm.s32 $0x100E0;
	[tilespmem:s15+$0xFFFFFFE0] =	vst v12;
	v12 =	vld [tilespmem:s6+$0x0];
	v15 =	vmul.f32 v17, v5  }
.LBB2_7:
0x169: {  	v16 =	vld [tilespmem:s11+$0x10];
	s15 =	sadd.s32 $0x40, s15;
	[tilespmem:s18+$0xFFFFFFE0] =	vst v14;
	v11 =	vmul.f32 v11, v1;
	v1 =	vmov v3;
	v3 =	vmov v8;
	s18 =	smov.u32 s6  }
0x16a: {  	s14 =	sadd.s32 $0x40, s14;
	v8 =	vld [tilespmem:s15+$0x10];
	[tilespmem:s6+$0x10] =	vst v15;
	v10 =	vmul.f32 v10, v4;
	v4 =	vmov v7  }
0x16b: {  	s2 =	sadd.s32 $0x4, s2;
	v13 =	vmul.f32 v13, v4;
	v14 =	vld [tilespmem:s14+$0x10];
	[tilespmem:s9+$0xFFFFFFE0] =	vst v11;
	s9 =	smov.u32 s1;
	s1 =	smov.u32 s14  }
0x16c: {  	p0 =	slt.u32 s2, $0x1FC;
	v15 =	vld [tilespmem:s15+$0xFFFFFFE0];
	[tilespmem:s9+$0xFFFFFFF0] =	vst v10;
	v9 =	vmul.f32 v9, v2;
	v2 =	vmov v6  }
0x16d: {  	v7 =	vld [tilespmem:s11+$0xFFFFFFF0];
	[tilespmem:s6+$0xFFFFFFF0] =	vst v13;
	v10 =	vmul.f32 v12, v2  }
0x16e: {  	v11 =	vld [tilespmem:s15+$0xFFFFFFF0];
	[tilespmem:s9+$0x0] =	vst v9  }
0x16f: {  	v6 =	vld [tilespmem:s11+$0x0];
	v9 =	vmul.f32 v8, v16;
	[tilespmem:s6+$0x0] =	vst v10  }
0x170: {  	v10 =	vld [tilespmem:s15+$0x0];
	v12 =	vmul.f32 v14, v5;
	v5 =	vmov v16  }
0x171: {  	v8 =	vld [tilespmem:s11+$0xFFFFFFE0];
	[tilespmem:s15+$0x10] =	vst v9  }
0x172: {  	s6 =	sadd.s32 $0x40, s6;
	v9 =	vld [tilespmem:s18+$0xFFFFFFE0];
	[tilespmem:s14+$0x10] =	vst v12  }
0x173: {  	v12 =	vmul.f32 v11, v7;
	v16 =	vld [tilespmem:s6+$0x10]  }
.Ltmp2:
0x174: {  	v11 =	vld [tilespmem:s9+$0xFFFFFFE0];
	(pc) =	sbr.rel @p0 .LBB2_7-.Ltmp2, $4  }
0x175: {  	[tilespmem:s15+$0xFFFFFFF0] =	vst v12;
	v12 =	vmul.f32 v10, v6;
	v10 =	vld [tilespmem:s14+$0xFFFFFFF0]  }
0x176: {  	v15 =	vmul.f32 v15, v8;
	v13 =	vld [tilespmem:s6+$0xFFFFFFF0]  }
0x177: {  	[tilespmem:s15+$0x0] =	vst v12;
	v14 =	vmul.f32 v9, v3;
	v9 =	vld [tilespmem:s14+$0x0]  }
0x178: {  	s11 =	sadd.s32 $0x40, s11;
	[tilespmem:s15+$0xFFFFFFE0] =	vst v15;
	v12 =	vld [tilespmem:s6+$0x0];
	v15 =	vmul.f32 v16, v5  }
0x179: {  	v16 =	vld [tilespmem:s6+$0xFFFFFFE0];
	_ =	sdelay $0x1  }
0x17a: {  	[tilespmem:s18+$0xFFFFFFE0] =	vst v14;
	v1 =	vmul.f32 v11, v1  }
0x17b: {  	[tilespmem:s6+$0x10] =	vst v15;
	v13 =	vmul.f32 v13, v7  }
0x17c: {  	s2 =	sadd.s32 $0x40, s14;
	v59 =	vld [tilespmem:s1+$0xFFFFFFE0];
	[tilespmem:s9+$0xFFFFFFE0] =	vst v1;
	v12 =	vmul.f32 v12, v6  }
0x17d: {  	v58 =	vld [tilespmem:s2+$0x10];
	[tilespmem:s6+$0xFFFFFFF0] =	vst v13;
	v60 =	vmul.f32 v16, v8  }
0x17e: {  	v61 =	vld [tilespmem:s2+$0xFFFFFFF0];
	[tilespmem:s6+$0x0] =	vst v12  }
0x17f: {  	v1 =	vmul.f32 v9, v2;
	v62 =	vld [tilespmem:s2+$0x0];
	[tilespmem:s6+$0xFFFFFFE0] =	vst v60  }
0x180: {  	v4 =	vmul.f32 v10, v4;
	v2 =	vld [tilespmem:s2+$0xFFFFFFE0]  }
0x181: {  	[tilespmem:s1+$0x0] =	vst v1;
	v1 =	vmul.f32 v59, v3  }
0x182: {  	[tilespmem:s1+$0xFFFFFFF0] =	vst v4;
	v63 =	vmul.f32 v58, v5  }
0x183: {  	[tilespmem:s1+$0xFFFFFFE0] =	vst v1;
	v3 =	vmul.f32 v61, v7  }
0x184: {  	[tilespmem:s2+$0x10] =	vst v63;
	v1 =	vmul.f32 v62, v6  }
0x185: {  	[tilespmem:s2+$0xFFFFFFF0] =	vst v3;
	v2 =	vmul.f32 v2, v8  }
0x186: {  	[tilespmem:s2+$0x0] =	vst v1  }
0x187: {  	s14 =	rddreg [dreg:$0x4];
	s8 =	sadd.s32 $0x1, s8;
	[tilespmem:s2+$0xFFFFFFE0] =	vst v2  }
0x188: {  	[spmem:s14] =	stream.indirect.scatter.add.f32 [tilespmem:s21], [sflag:$0x4], $0x1, s4, s13, $0xb8;
	[tilespmem:$0x1D780] =	vst v63  }
0x189: {  	s15 =	rddreg [dreg:$0x5];
	p0 =	sne.s32 s8, $0x6  }
0x18a: {  	[spmem:s15] =	stream.indirect.scatter.add.f32 [tilespmem:s22], [sflag:$0x4], $0x1, s4, s13, $0xb8;
	[tilespmem:$0x1D780] =	vst v63  }
.Ltmp3:
0x18b: {  	_ = 	snop;
	(pc) =	sbr.rel @p0 .LBB2_4-.Ltmp3, $4  }
0x18c: {  	s18 =	rddreg [dreg:$0x6]  }
0x18d: {  	[spmem:s18] =	stream.indirect.scatter.add.f32 [tilespmem:s3], [sflag:$0x4], $0x1, s4, s13, $0xb8;
	[tilespmem:$0x1D780] =	vst v63  }
0x18e: {  	s19 =	rddreg [dreg:$0x7]  }
0x18f: {  	[spmem:s19] =	stream.indirect.scatter.add.f32 [tilespmem:s24], [sflag:$0x4], $0x1, s4, s13, $0xb8;
	[tilespmem:$0x1D780] =	vst v63  }
0x190: {  	s1 =	simm.s32 $0x3  }
0x191: {  	_ =	swait.ge [sflag:s1], $0x2000  }
0x192: {  	[sflag:s1] =	ssyncset.done $0x0  }
0x193: {  	[sflag:s1] =	ssyncadd.s32 $0xFFFFE000  }
0x194: {  	_ =	swait.ge [sflag:s1], $0x2000  }
0x195: {  	[sflag:s1] =	ssyncset.done $0x0  }
0x196: {  	[sflag:s1] =	ssyncadd.s32 $0xFFFFE000  }
0x197: {  	_ =	swait.ge [sflag:s1], $0x2000  }
0x198: {  	[sflag:s1] =	ssyncset.done $0x0  }
0x199: {  	[sflag:s1] =	ssyncadd.s32 $0xFFFFE000  }
0x19a: {  	_ =	swait.ge [sflag:s1], $0x2000  }
0x19b: {  	[sflag:s1] =	ssyncset.done $0x0  }
0x19c: {  	s19 =	simm.s32 $0x4;
	[sflag:s1] =	ssyncadd.s32 $0xFFFFE000  }
0x19d: {  	_ =	swait.ge [sflag:s19], $0x2000  }
0x19e: {  	[sflag:s19] =	ssyncset.done $0x0  }
0x19f: {  	[sflag:s19] =	ssyncadd.s32 $0xFFFFE000  }
0x1a0: {  	_ =	swait.ge [sflag:s19], $0x2000  }
0x1a1: {  	[sflag:s19] =	ssyncset.done $0x0  }
0x1a2: {  	[sflag:s19] =	ssyncadd.s32 $0xFFFFE000  }
0x1a3: {  	_ =	swait.ge [sflag:s19], $0x2000  }
0x1a4: {  	[sflag:s19] =	ssyncset.done $0x0  }
0x1a5: {  	[sflag:s19] =	ssyncadd.s32 $0xFFFFE000  }
0x1a6: {  	_ =	swait.ge [sflag:s19], $0x2000  }
0x1a7: {  	s2 =	sld [smem:$0x7D9]  }
0x1a8: {  	[sflag:s19] =	ssyncset.done $0x0  }
0x1a9: {  	s6 =	sld [smem:$0x7DA];
	[sflag:s19] =	ssyncadd.s32 $0xFFFFE000  }
0x1aa: {  	[tilespmem:s10], [sflag:$0x5] =	stream.linear.gather [hbm4b:s2+s10], $0x380, $0x38;
	[tilespmem:$0x1D780] =	vst v63  }
0x1ab: {  	s8 =	sld [smem:$0x7DB]  }
0x1ac: {  	[tilespmem:s13], [sflag:$0x5] =	stream.linear.gather [hbm4b:s6+s10], $0x380, $0x38;
	[tilespmem:$0x1D780] =	vst v63  }
0x1ad: {  	s9 =	sld [smem:$0x7DC];
	s2 =	simm.s32 $0x4000  }
0x1ae: {  	[tilespmem:s2], [sflag:$0x5] =	stream.linear.gather [hbm4b:s8+s10], $0x380, $0x38;
	[tilespmem:$0x1D780] =	vst v63  }
0x1af: {  	s11 =	sld [smem:$0x7DD]  }
0x1b0: {  	[tilespmem:s17], [sflag:$0x5] =	stream.linear.gather [hbm4b:s9+s10], $0x380, $0x38;
	[tilespmem:$0x1D780] =	vst v63  }
0x1b1: {  	s17 =	simm.s32 $0x5  }
0x1b2: {  	[tilespmem:s28], [sflag:$0x5] =	stream.linear.gather [hbm4b:s11+s10], $0x380, $0x38;
	[tilespmem:$0x1D780] =	vst v63  }
0x1b3: {  	_ =	swait.ge [sflag:s17], $0x380  }
0x1b4: {  	[sflag:s17] =	ssyncset.done $0x0  }
0x1b5: {  	[sflag:s17] =	ssyncadd.s32 $0xFFFFFC80  }
0x1b6: {  	_ =	swait.ge [sflag:s17], $0x380  }
0x1b7: {  	[sflag:s17] =	ssyncset.done $0x0  }
0x1b8: {  	[sflag:s17] =	ssyncadd.s32 $0xFFFFFC80  }
0x1b9: {  	_ =	swait.ge [sflag:s17], $0x380  }
0x1ba: {  	[sflag:s17] =	ssyncset.done $0x0  }
0x1bb: {  	[sflag:s17] =	ssyncadd.s32 $0xFFFFFC80  }
0x1bc: {  	_ =	swait.ge [sflag:s17], $0x380  }
0x1bd: {  	[sflag:s17] =	ssyncset.done $0x0  }
0x1be: {  	[sflag:s17] =	ssyncadd.s32 $0xFFFFFC80  }
0x1bf: {  	_ =	swait.ge [sflag:s17], $0x380  }
0x1c0: {  	[sflag:s17] =	ssyncset.done $0x0  }
0x1c1: {  	s14 =	simm.s32 $0x6020;
	[sflag:s17] =	ssyncadd.s32 $0xFFFFFC80  }
0x1c2: {  	s15 =	simm.s32 $0x20;
	v6 =	vld [tilespmem:s14+$0x10]  }
0x1c3: {  	v1 =	vld [tilespmem:s15+$0x10]  }
0x1c4: {  	v8 =	vld [tilespmem:s14+$0xFFFFFFF0]  }
0x1c5: {  	v9 =	vld [tilespmem:s14+$0x0]  }
0x1c6: {  	v3 =	vld [tilespmem:s15+$0x0]  }
0x1c7: {  	v2 =	vld [tilespmem:s15+$0xFFFFFFF0];
	_ =	sdelay $0x1  }
0x1c8: {  	s18 =	simm.s32 $0x6060;
	v5 =	vld [tilespmem:s15+$0xFFFFFFE0]  }
0x1c9: {  	s11 =	simm.s32 $0x60;
	v11 =	vld [tilespmem:s18+$0x10];
	v1 =	vmul.f32 v1, v6  }
0x1ca: {  	v13 =	vld [tilespmem:s11+$0xFFFFFFF0];
	v3 =	vmul.f32 v3, v9  }
0x1cb: {  	v2 =	vmul.f32 v2, v8;
	[tilespmem:s15+$0x10] =	vst v1;
	v1 =	vld [tilespmem:s14+$0xFFFFFFE0]  }
0x1cc: {  	s6 =	simm.s32 $0x2020;
	[tilespmem:s15+$0x0] =	vst v3;
	v3 =	vld [tilespmem:s11+$0x10]  }
0x1cd: {  	[tilespmem:s15+$0xFFFFFFF0] =	vst v2;
	v4 =	vld [tilespmem:s6+$0x10]  }
0x1ce: {  	v7 =	vld [tilespmem:s6+$0xFFFFFFF0]  }
0x1cf: {  	v15 =	vld [tilespmem:s11+$0x0]  }
0x1d0: {  	v10 =	vld [tilespmem:s6+$0x0]  }
0x1d1: {  	v16 =	vld [tilespmem:s11+$0xFFFFFFE0];
	v5 =	vmul.f32 v5, v1  }
0x1d2: {  	v14 =	vmul.f32 v3, v11;
	v3 =	vld [tilespmem:s18+$0xFFFFFFE0];
	v2 =	vmul.f32 v4, v6  }
0x1d3: {  	v4 =	vld [tilespmem:s18+$0xFFFFFFF0];
	v7 =	vmul.f32 v7, v8;
	[tilespmem:s15+$0xFFFFFFE0] =	vst v5  }
0x1d4: {  	[tilespmem:s6+$0x10] =	vst v2;
	v2 =	vld [tilespmem:s18+$0x0]  }
0x1d5: {  	s15 =	simm.s32 $0xA0;
	[tilespmem:s6+$0xFFFFFFF0] =	vst v7;
	v7 =	vmul.f32 v10, v9;
	v10 =	vld [tilespmem:s6+$0xFFFFFFE0]  }
0x1d6: {  	s8 =	simm.s32 $0x4020;
	v19 =	vld [tilespmem:s15+$0xFFFFFFE0]  }
0x1d7: {  	v12 =	vld [tilespmem:s8+$0x10]  }
0x1d8: {  	s9 =	simm.s32 $0x2060;
	[tilespmem:s11+$0x10] =	vst v14;
	v14 =	vld [tilespmem:s8+$0xFFFFFFF0];
	v5 =	vmul.f32 v13, v4  }
0x1d9: {  	[tilespmem:s6+$0x0] =	vst v7;
	v13 =	vld [tilespmem:s9+$0x10]  }
0x1da: {  	v17 =	vld [tilespmem:s8+$0x0];
	[tilespmem:s11+$0xFFFFFFF0] =	vst v5;
	v5 =	vmul.f32 v15, v2  }
0x1db: {  	s19 =	simm.s32 $0x60A0;
	v15 =	vld [tilespmem:s9+$0xFFFFFFF0]  }
0x1dc: {  	[tilespmem:s11+$0x0] =	vst v5;
	v5 =	vld [tilespmem:s19+$0x10]  }
0x1dd: {  	v6 =	vmul.f32 v12, v6;
	v18 =	vld [tilespmem:s9+$0x0]  }
0x1de: {  	v7 =	vmul.f32 v13, v11;
	v13 =	vld [tilespmem:s15+$0x10]  }
0x1df: {  	[tilespmem:s8+$0x10] =	vst v6;
	v6 =	vmul.f32 v10, v1;
	v10 =	vld [tilespmem:s15+$0xFFFFFFF0]  }
0x1e0: {  	v16 =	vmul.f32 v16, v3;
	[tilespmem:s9+$0x10] =	vst v7;
	v7 =	vld [tilespmem:s19+$0xFFFFFFF0]  }
0x1e1: {  	s14 =	simm.s32 $0x4060;
	v8 =	vmul.f32 v14, v8;
	[tilespmem:s6+$0xFFFFFFE0] =	vst v6;
	v6 =	vld [tilespmem:s19+$0x0]  }
0x1e2: {  	[tilespmem:s11+$0xFFFFFFE0] =	vst v16;
	v12 =	vld [tilespmem:s14+$0x10];
	v14 =	vmul.f32 v15, v4  }
0x1e3: {  	[tilespmem:s8+$0xFFFFFFF0] =	vst v8;
	v15 =	vld [tilespmem:s15+$0x0];
	v13 =	vmul.f32 v13, v5  }
0x1e4: {  	v9 =	vmul.f32 v17, v9;
	v8 =	vld [tilespmem:s19+$0xFFFFFFE0];
	[tilespmem:s9+$0xFFFFFFF0] =	vst v14  }
0x1e5: {  	v16 =	vld [tilespmem:s9+$0xFFFFFFE0];
	s6 =	simm.s32 $0x20A0;
	v14 =	vmul.f32 v18, v2;
	[tilespmem:s15+$0x10] =	vst v13  }
0x1e6: {  	[tilespmem:s8+$0x0] =	vst v9;
	v9 =	vmul.f32 v10, v7;
	v17 =	vld [tilespmem:s6+$0x10]  }
0x1e7: {  	[tilespmem:s9+$0x0] =	vst v14;
	v12 =	vmul.f32 v12, v11;
	v11 =	vld [tilespmem:s8+$0xFFFFFFE0]  }
0x1e8: {  	v10 =	vld [tilespmem:s14+$0xFFFFFFF0];
	[tilespmem:s15+$0xFFFFFFF0] =	vst v9;
	v9 =	vmul.f32 v15, v6  }
0x1e9: {  	[tilespmem:s14+$0x10] =	vst v12;
	v12 =	vmul.f32 v19, v8;
	v13 =	vld [tilespmem:s6+$0xFFFFFFF0]  }
0x1ea: {  	v14 =	vmul.f32 v16, v3;
	[tilespmem:s15+$0x0] =	vst v9;
	v9 =	vld [tilespmem:s14+$0x0]  }
0x1eb: {  	s1 =	simm.s32 $0x4060;
	s2 =	simm.s32 $0x8;
	s11 =	simm.s32 $0x60E0;
	[tilespmem:s15+$0xFFFFFFE0] =	vst v12;
	v12 =	vld [tilespmem:s6+$0x0];
	v15 =	vmul.f32 v17, v5  }
.LBB2_10:
0x1ec: {  	v16 =	vld [tilespmem:s11+$0x10];
	s15 =	sadd.s32 $0x40, s15;
	[tilespmem:s9+$0xFFFFFFE0] =	vst v14;
	v11 =	vmul.f32 v11, v1;
	v1 =	vmov v3;
	v3 =	vmov v8;
	s9 =	smov.u32 s6  }
0x1ed: {  	s14 =	sadd.s32 $0x40, s14;
	v8 =	vld [tilespmem:s15+$0x10];
	[tilespmem:s6+$0x10] =	vst v15;
	v10 =	vmul.f32 v10, v4;
	v4 =	vmov v7  }
0x1ee: {  	s2 =	sadd.s32 $0x4, s2;
	v13 =	vmul.f32 v13, v4;
	v14 =	vld [tilespmem:s14+$0x10];
	[tilespmem:s8+$0xFFFFFFE0] =	vst v11;
	s8 =	smov.u32 s1;
	s1 =	smov.u32 s14  }
0x1ef: {  	p0 =	slt.u32 s2, $0x34;
	v15 =	vld [tilespmem:s15+$0xFFFFFFE0];
	[tilespmem:s8+$0xFFFFFFF0] =	vst v10;
	v9 =	vmul.f32 v9, v2;
	v2 =	vmov v6  }
0x1f0: {  	v7 =	vld [tilespmem:s11+$0xFFFFFFF0];
	[tilespmem:s6+$0xFFFFFFF0] =	vst v13;
	v10 =	vmul.f32 v12, v2  }
0x1f1: {  	v11 =	vld [tilespmem:s15+$0xFFFFFFF0];
	[tilespmem:s8+$0x0] =	vst v9  }
0x1f2: {  	v6 =	vld [tilespmem:s11+$0x0];
	v9 =	vmul.f32 v8, v16;
	[tilespmem:s6+$0x0] =	vst v10  }
0x1f3: {  	v10 =	vld [tilespmem:s15+$0x0];
	v12 =	vmul.f32 v14, v5;
	v5 =	vmov v16  }
0x1f4: {  	v8 =	vld [tilespmem:s11+$0xFFFFFFE0];
	[tilespmem:s15+$0x10] =	vst v9  }
0x1f5: {  	s6 =	sadd.s32 $0x40, s6;
	v9 =	vld [tilespmem:s9+$0xFFFFFFE0];
	[tilespmem:s14+$0x10] =	vst v12  }
0x1f6: {  	v12 =	vmul.f32 v11, v7;
	v16 =	vld [tilespmem:s6+$0x10]  }
.Ltmp4:
0x1f7: {  	v11 =	vld [tilespmem:s8+$0xFFFFFFE0];
	(pc) =	sbr.rel @p0 .LBB2_10-.Ltmp4, $4  }
0x1f8: {  	[tilespmem:s15+$0xFFFFFFF0] =	vst v12;
	v12 =	vmul.f32 v10, v6;
	v10 =	vld [tilespmem:s14+$0xFFFFFFF0]  }
0x1f9: {  	v15 =	vmul.f32 v15, v8;
	v13 =	vld [tilespmem:s6+$0xFFFFFFF0]  }
0x1fa: {  	[tilespmem:s15+$0x0] =	vst v12;
	v14 =	vmul.f32 v9, v3;
	v9 =	vld [tilespmem:s14+$0x0]  }
0x1fb: {  	s11 =	sadd.s32 $0x40, s11;
	[tilespmem:s15+$0xFFFFFFE0] =	vst v15;
	v12 =	vld [tilespmem:s6+$0x0];
	v15 =	vmul.f32 v16, v5  }
0x1fc: {  	v16 =	vld [tilespmem:s6+$0xFFFFFFE0];
	_ =	sdelay $0x2  }
0x1fd: {  	s2 =	sadd.s32 $0x40, s14;
	[tilespmem:s6+$0x10] =	vst v15;
	v13 =	vmul.f32 v13, v7  }
0x1fe: {  	[tilespmem:s9+$0xFFFFFFE0] =	vst v14;
	v14 =	vld [tilespmem:s2+$0x10];
	v12 =	vmul.f32 v12, v6  }
0x1ff: {  	[tilespmem:s6+$0xFFFFFFF0] =	vst v13;
	v13 =	vld [tilespmem:s1+$0xFFFFFFE0];
	v15 =	vmul.f32 v16, v8  }
0x200: {  	v1 =	vmul.f32 v11, v1;
	v11 =	vld [tilespmem:s2+$0xFFFFFFF0];
	[tilespmem:s6+$0x0] =	vst v12  }
0x201: {  	v4 =	vmul.f32 v10, v4;
	v10 =	vld [tilespmem:s2+$0x0];
	[tilespmem:s6+$0xFFFFFFE0] =	vst v15  }
0x202: {  	[tilespmem:s8+$0xFFFFFFE0] =	vst v1;
	v1 =	vmul.f32 v9, v2;
	v2 =	vld [tilespmem:s2+$0xFFFFFFE0]  }
0x203: {  	[tilespmem:s1+$0xFFFFFFF0] =	vst v4;
	v4 =	vmul.f32 v14, v5  }
0x204: {  	[tilespmem:s1+$0x0] =	vst v1;
	v1 =	vmul.f32 v13, v3  }
0x205: {  	[tilespmem:s2+$0x10] =	vst v4;
	v3 =	vmul.f32 v11, v7  }
0x206: {  	[tilespmem:s1+$0xFFFFFFE0] =	vst v1;
	v1 =	vmul.f32 v10, v6  }
0x207: {  	[tilespmem:s2+$0xFFFFFFF0] =	vst v3;
	v2 =	vmul.f32 v2, v8  }
0x208: {  	[tilespmem:s2+$0x0] =	vst v1  }
0x209: {  	s19 =	rddreg [dreg:$0x4];
	[tilespmem:s2+$0xFFFFFFE0] =	vst v2;
	s2 =	simm.s32 $0x380  }
0x20a: {  	[spmem:s19] =	stream.indirect.scatter.add.f32 [tilespmem:s10], [sflag:$0x5], $0x1, s28, s2, $0xb8;
	[tilespmem:$0x1D780] =	vst v63  }
0x20b: {  	s6 =	rddreg [dreg:$0x5]  }
0x20c: {  	[spmem:s6] =	stream.indirect.scatter.add.f32 [tilespmem:s13], [sflag:$0x5], $0x1, s28, s2, $0xb8;
	[tilespmem:$0x1D780] =	vst v63  }
0x20d: {  	s9 =	rddreg [dreg:$0x6];
	s11 =	simm.s32 $0x4000  }
0x20e: {  	[spmem:s9] =	stream.indirect.scatter.add.f32 [tilespmem:s11], [sflag:$0x5], $0x1, s28, s2, $0xb8;
	[tilespmem:$0x1D780] =	vst v63  }
0x20f: {  	s14 =	rddreg [dreg:$0x7];
	s15 =	simm.s32 $0x6000  }
0x210: {  	[spmem:s14] =	stream.indirect.scatter.add.f32 [tilespmem:s15], [sflag:$0x5], $0x1, s28, s2, $0xb8;
	[tilespmem:$0x1D780] =	vst v63  }
0x211: {  	_ =	swait.ge [sflag:s17], $0x380  }
0x212: {  	[sflag:s17] =	ssyncset.done $0x0  }
0x213: {  	[sflag:s17] =	ssyncadd.s32 $0xFFFFFC80  }
0x214: {  	_ =	swait.ge [sflag:s17], $0x380  }
0x215: {  	[sflag:s17] =	ssyncset.done $0x0  }
0x216: {  	[sflag:s17] =	ssyncadd.s32 $0xFFFFFC80  }
0x217: {  	_ =	swait.ge [sflag:s17], $0x380  }
0x218: {  	[sflag:s17] =	ssyncset.done $0x0  }
0x219: {  	[sflag:s17] =	ssyncadd.s32 $0xFFFFFC80  }
0x21a: {  	_ =	swait.ge [sflag:s17], $0x380  }
0x21b: {  	s18 =	sld [smem:$0x7DF]  }
0x21c: {  	[sflag:s17] =	ssyncset.done $0x0  }
0x21d: {  	s19 =	sld [smem:$0x7E0];
	[sflag:s17] =	ssyncadd.s32 $0xFFFFFC80  }
0x21e: {  	[tilespmem:s10], [sflag:$0x5] =	stream.linear.gather [hbm4b:s18+s10], $0x380, $0x38;
	[tilespmem:$0x1D780] =	vst v63  }
0x21f: {  	s8 =	sld [smem:$0x7E1]  }
0x220: {  	[tilespmem:s13], [sflag:$0x5] =	stream.linear.gather [hbm4b:s19+s10], $0x380, $0x38;
	[tilespmem:$0x1D780] =	vst v63  }
0x221: {  	s9 =	sld [smem:$0x7E2]  }
0x222: {  	[tilespmem:s11], [sflag:$0x5] =	stream.linear.gather [hbm4b:s8+s10], $0x380, $0x38;
	[tilespmem:$0x1D780] =	vst v63  }
0x223: {  	s11 =	sld [smem:$0x7E3]  }
0x224: {  	[tilespmem:s15], [sflag:$0x5] =	stream.linear.gather [hbm4b:s9+s10], $0x380, $0x38;
	[tilespmem:$0x1D780] =	vst v63  }
0x225: {  	_ = 	snop  }
0x226: {  	[tilespmem:s28], [sflag:$0x5] =	stream.linear.gather [hbm4b:s11+s10], $0x380, $0x38;
	[tilespmem:$0x1D780] =	vst v63  }
0x227: {  	_ =	swait.ge [sflag:s17], $0x380  }
0x228: {  	[sflag:s17] =	ssyncset.done $0x0  }
0x229: {  	[sflag:s17] =	ssyncadd.s32 $0xFFFFFC80  }
0x22a: {  	_ =	swait.ge [sflag:s17], $0x380  }
0x22b: {  	[sflag:s17] =	ssyncset.done $0x0  }
0x22c: {  	[sflag:s17] =	ssyncadd.s32 $0xFFFFFC80  }
0x22d: {  	_ =	swait.ge [sflag:s17], $0x380  }
0x22e: {  	[sflag:s17] =	ssyncset.done $0x0  }
0x22f: {  	[sflag:s17] =	ssyncadd.s32 $0xFFFFFC80  }
0x230: {  	_ =	swait.ge [sflag:s17], $0x380  }
0x231: {  	[sflag:s17] =	ssyncset.done $0x0  }
0x232: {  	[sflag:s17] =	ssyncadd.s32 $0xFFFFFC80  }
0x233: {  	_ =	swait.ge [sflag:s17], $0x380  }
0x234: {  	[sflag:s17] =	ssyncset.done $0x0  }
0x235: {  	s14 =	simm.s32 $0x6020;
	[sflag:s17] =	ssyncadd.s32 $0xFFFFFC80  }
0x236: {  	s15 =	simm.s32 $0x20;
	v6 =	vld [tilespmem:s14+$0x10]  }
0x237: {  	v1 =	vld [tilespmem:s15+$0x10]  }
0x238: {  	v8 =	vld [tilespmem:s14+$0xFFFFFFF0]  }
0x239: {  	v9 =	vld [tilespmem:s14+$0x0]  }
0x23a: {  	v3 =	vld [tilespmem:s15+$0x0]  }
0x23b: {  	v2 =	vld [tilespmem:s15+$0xFFFFFFF0];
	_ =	sdelay $0x1  }
0x23c: {  	s18 =	simm.s32 $0x6060;
	v5 =	vld [tilespmem:s15+$0xFFFFFFE0]  }
0x23d: {  	s11 =	simm.s32 $0x60;
	v11 =	vld [tilespmem:s18+$0x10];
	v1 =	vmul.f32 v1, v6  }
0x23e: {  	v13 =	vld [tilespmem:s11+$0xFFFFFFF0];
	v3 =	vmul.f32 v3, v9  }
0x23f: {  	v2 =	vmul.f32 v2, v8;
	[tilespmem:s15+$0x10] =	vst v1;
	v1 =	vld [tilespmem:s14+$0xFFFFFFE0]  }
0x240: {  	s6 =	simm.s32 $0x2020;
	[tilespmem:s15+$0x0] =	vst v3;
	v3 =	vld [tilespmem:s11+$0x10]  }
0x241: {  	[tilespmem:s15+$0xFFFFFFF0] =	vst v2;
	v4 =	vld [tilespmem:s6+$0x10]  }
0x242: {  	v7 =	vld [tilespmem:s6+$0xFFFFFFF0]  }
0x243: {  	v15 =	vld [tilespmem:s11+$0x0]  }
0x244: {  	v10 =	vld [tilespmem:s6+$0x0]  }
0x245: {  	v16 =	vld [tilespmem:s11+$0xFFFFFFE0];
	v5 =	vmul.f32 v5, v1  }
0x246: {  	v14 =	vmul.f32 v3, v11;
	v3 =	vld [tilespmem:s18+$0xFFFFFFE0];
	v2 =	vmul.f32 v4, v6  }
0x247: {  	v4 =	vld [tilespmem:s18+$0xFFFFFFF0];
	v7 =	vmul.f32 v7, v8;
	[tilespmem:s15+$0xFFFFFFE0] =	vst v5  }
0x248: {  	[tilespmem:s6+$0x10] =	vst v2;
	v2 =	vld [tilespmem:s18+$0x0]  }
0x249: {  	s15 =	simm.s32 $0xA0;
	[tilespmem:s6+$0xFFFFFFF0] =	vst v7;
	v7 =	vmul.f32 v10, v9;
	v10 =	vld [tilespmem:s6+$0xFFFFFFE0]  }
0x24a: {  	s8 =	simm.s32 $0x4020;
	v19 =	vld [tilespmem:s15+$0xFFFFFFE0]  }
0x24b: {  	v12 =	vld [tilespmem:s8+$0x10]  }
0x24c: {  	s9 =	simm.s32 $0x2060;
	[tilespmem:s11+$0x10] =	vst v14;
	v14 =	vld [tilespmem:s8+$0xFFFFFFF0];
	v5 =	vmul.f32 v13, v4  }
0x24d: {  	[tilespmem:s6+$0x0] =	vst v7;
	v13 =	vld [tilespmem:s9+$0x10]  }
0x24e: {  	v17 =	vld [tilespmem:s8+$0x0];
	[tilespmem:s11+$0xFFFFFFF0] =	vst v5;
	v5 =	vmul.f32 v15, v2  }
0x24f: {  	s19 =	simm.s32 $0x60A0;
	v15 =	vld [tilespmem:s9+$0xFFFFFFF0]  }
0x250: {  	[tilespmem:s11+$0x0] =	vst v5;
	v5 =	vld [tilespmem:s19+$0x10]  }
0x251: {  	v6 =	vmul.f32 v12, v6;
	v18 =	vld [tilespmem:s9+$0x0]  }
0x252: {  	v7 =	vmul.f32 v13, v11;
	v13 =	vld [tilespmem:s15+$0x10]  }
0x253: {  	[tilespmem:s8+$0x10] =	vst v6;
	v6 =	vmul.f32 v10, v1;
	v10 =	vld [tilespmem:s15+$0xFFFFFFF0]  }
0x254: {  	v16 =	vmul.f32 v16, v3;
	[tilespmem:s9+$0x10] =	vst v7;
	v7 =	vld [tilespmem:s19+$0xFFFFFFF0]  }
0x255: {  	s14 =	simm.s32 $0x4060;
	v8 =	vmul.f32 v14, v8;
	[tilespmem:s6+$0xFFFFFFE0] =	vst v6;
	v6 =	vld [tilespmem:s19+$0x0]  }
0x256: {  	[tilespmem:s11+$0xFFFFFFE0] =	vst v16;
	v12 =	vld [tilespmem:s14+$0x10];
	v14 =	vmul.f32 v15, v4  }
0x257: {  	[tilespmem:s8+$0xFFFFFFF0] =	vst v8;
	v15 =	vld [tilespmem:s15+$0x0];
	v13 =	vmul.f32 v13, v5  }
0x258: {  	v9 =	vmul.f32 v17, v9;
	v8 =	vld [tilespmem:s19+$0xFFFFFFE0];
	[tilespmem:s9+$0xFFFFFFF0] =	vst v14  }
0x259: {  	v16 =	vld [tilespmem:s9+$0xFFFFFFE0];
	s6 =	simm.s32 $0x20A0;
	v14 =	vmul.f32 v18, v2;
	[tilespmem:s15+$0x10] =	vst v13  }
0x25a: {  	[tilespmem:s8+$0x0] =	vst v9;
	v9 =	vmul.f32 v10, v7;
	v17 =	vld [tilespmem:s6+$0x10]  }
0x25b: {  	[tilespmem:s9+$0x0] =	vst v14;
	v12 =	vmul.f32 v12, v11;
	v11 =	vld [tilespmem:s8+$0xFFFFFFE0]  }
0x25c: {  	v10 =	vld [tilespmem:s14+$0xFFFFFFF0];
	[tilespmem:s15+$0xFFFFFFF0] =	vst v9;
	v9 =	vmul.f32 v15, v6  }
0x25d: {  	[tilespmem:s14+$0x10] =	vst v12;
	v12 =	vmul.f32 v19, v8;
	v13 =	vld [tilespmem:s6+$0xFFFFFFF0]  }
0x25e: {  	v14 =	vmul.f32 v16, v3;
	[tilespmem:s15+$0x0] =	vst v9;
	v9 =	vld [tilespmem:s14+$0x0]  }
0x25f: {  	s1 =	simm.s32 $0x4060;
	s2 =	simm.s32 $0x8;
	s11 =	simm.s32 $0x60E0;
	[tilespmem:s15+$0xFFFFFFE0] =	vst v12;
	v12 =	vld [tilespmem:s6+$0x0];
	v15 =	vmul.f32 v17, v5  }
.LBB2_12:
0x260: {  	v16 =	vld [tilespmem:s11+$0x10];
	s15 =	sadd.s32 $0x40, s15;
	[tilespmem:s9+$0xFFFFFFE0] =	vst v14;
	v11 =	vmul.f32 v11, v1;
	v1 =	vmov v3;
	v3 =	vmov v8;
	s9 =	smov.u32 s6  }
0x261: {  	s14 =	sadd.s32 $0x40, s14;
	v8 =	vld [tilespmem:s15+$0x10];
	[tilespmem:s6+$0x10] =	vst v15;
	v10 =	vmul.f32 v10, v4;
	v4 =	vmov v7  }
0x262: {  	s2 =	sadd.s32 $0x4, s2;
	v13 =	vmul.f32 v13, v4;
	v14 =	vld [tilespmem:s14+$0x10];
	[tilespmem:s8+$0xFFFFFFE0] =	vst v11;
	s8 =	smov.u32 s1;
	s1 =	smov.u32 s14  }
0x263: {  	p0 =	slt.u32 s2, $0x34;
	v15 =	vld [tilespmem:s15+$0xFFFFFFE0];
	[tilespmem:s8+$0xFFFFFFF0] =	vst v10;
	v9 =	vmul.f32 v9, v2;
	v2 =	vmov v6  }
0x264: {  	v7 =	vld [tilespmem:s11+$0xFFFFFFF0];
	[tilespmem:s6+$0xFFFFFFF0] =	vst v13;
	v10 =	vmul.f32 v12, v2  }
0x265: {  	v11 =	vld [tilespmem:s15+$0xFFFFFFF0];
	[tilespmem:s8+$0x0] =	vst v9  }
0x266: {  	v6 =	vld [tilespmem:s11+$0x0];
	v9 =	vmul.f32 v8, v16;
	[tilespmem:s6+$0x0] =	vst v10  }
0x267: {  	v10 =	vld [tilespmem:s15+$0x0];
	v12 =	vmul.f32 v14, v5;
	v5 =	vmov v16  }
0x268: {  	v8 =	vld [tilespmem:s11+$0xFFFFFFE0];
	[tilespmem:s15+$0x10] =	vst v9  }
0x269: {  	s6 =	sadd.s32 $0x40, s6;
	v9 =	vld [tilespmem:s9+$0xFFFFFFE0];
	[tilespmem:s14+$0x10] =	vst v12  }
0x26a: {  	v12 =	vmul.f32 v11, v7;
	v16 =	vld [tilespmem:s6+$0x10]  }
.Ltmp5:
0x26b: {  	v11 =	vld [tilespmem:s8+$0xFFFFFFE0];
	(pc) =	sbr.rel @p0 .LBB2_12-.Ltmp5, $4  }
0x26c: {  	[tilespmem:s15+$0xFFFFFFF0] =	vst v12;
	v12 =	vmul.f32 v10, v6;
	v10 =	vld [tilespmem:s14+$0xFFFFFFF0]  }
0x26d: {  	v15 =	vmul.f32 v15, v8;
	v13 =	vld [tilespmem:s6+$0xFFFFFFF0]  }
0x26e: {  	[tilespmem:s15+$0x0] =	vst v12;
	v14 =	vmul.f32 v9, v3;
	v9 =	vld [tilespmem:s14+$0x0]  }
0x26f: {  	s11 =	sadd.s32 $0x40, s11;
	[tilespmem:s15+$0xFFFFFFE0] =	vst v15;
	v12 =	vld [tilespmem:s6+$0x0];
	v15 =	vmul.f32 v16, v5  }
0x270: {  	v16 =	vld [tilespmem:s6+$0xFFFFFFE0];
	_ =	sdelay $0x1  }
0x271: {  	[tilespmem:s9+$0xFFFFFFE0] =	vst v14;
	v1 =	vmul.f32 v11, v1  }
0x272: {  	[tilespmem:s6+$0x10] =	vst v15;
	v13 =	vmul.f32 v13, v7  }
0x273: {  	s2 =	sadd.s32 $0x40, s14;
	v59 =	vld [tilespmem:s1+$0xFFFFFFE0];
	[tilespmem:s8+$0xFFFFFFE0] =	vst v1;
	v12 =	vmul.f32 v12, v6  }
0x274: {  	v58 =	vld [tilespmem:s2+$0x10];
	[tilespmem:s6+$0xFFFFFFF0] =	vst v13;
	v60 =	vmul.f32 v16, v8  }
0x275: {  	v61 =	vld [tilespmem:s2+$0xFFFFFFF0];
	[tilespmem:s6+$0x0] =	vst v12  }
0x276: {  	v1 =	vmul.f32 v9, v2;
	v62 =	vld [tilespmem:s2+$0x0];
	[tilespmem:s6+$0xFFFFFFE0] =	vst v60  }
0x277: {  	v4 =	vmul.f32 v10, v4;
	v2 =	vld [tilespmem:s2+$0xFFFFFFE0]  }
0x278: {  	[tilespmem:s1+$0x0] =	vst v1;
	v1 =	vmul.f32 v59, v3  }
0x279: {  	[tilespmem:s1+$0xFFFFFFF0] =	vst v4;
	v63 =	vmul.f32 v58, v5  }
0x27a: {  	[tilespmem:s1+$0xFFFFFFE0] =	vst v1;
	v3 =	vmul.f32 v61, v7  }
0x27b: {  	[tilespmem:s2+$0x10] =	vst v63;
	v1 =	vmul.f32 v62, v6  }
0x27c: {  	[tilespmem:s2+$0xFFFFFFF0] =	vst v3;
	v2 =	vmul.f32 v2, v8  }
0x27d: {  	[tilespmem:s2+$0x0] =	vst v1  }
0x27e: {  	s14 =	rddreg [dreg:$0x4];
	s15 =	simm.s32 $0x380;
	s8 =	simm.s32 $0x0;
	[tilespmem:s2+$0xFFFFFFE0] =	vst v2  }
0x27f: {  	[spmem:s14] =	stream.indirect.scatter.add.f32 [tilespmem:s8], [sflag:$0x5], $0x1, s28, s15, $0xb8;
	[tilespmem:$0x1D780] =	vst v63  }
0x280: {  	s19 =	rddreg [dreg:$0x5]  }
0x281: {  	[spmem:s19] =	stream.indirect.scatter.add.f32 [tilespmem:s13], [sflag:$0x5], $0x1, s28, s15, $0xb8;
	[tilespmem:$0x1D780] =	vst v63  }
0x282: {  	s6 =	simm.s32 $0x4000;
	s2 =	rddreg [dreg:$0x6]  }
0x283: {  	[spmem:s2] =	stream.indirect.scatter.add.f32 [tilespmem:s6], [sflag:$0x5], $0x1, s28, s15, $0xb8;
	[tilespmem:$0x1D780] =	vst v63  }
0x284: {  	s18 =	rddreg [dreg:$0x7];
	s19 =	simm.s32 $0x6000  }
0x285: {  	[spmem:s18] =	stream.indirect.scatter.add.f32 [tilespmem:s19], [sflag:$0x5], $0x1, s28, s15, $0xb8;
	[tilespmem:$0x1D780] =	vst v63  }
0x286: {  	_ =	swait.ge [sflag:s17], $0x380  }
0x287: {  	[sflag:s17] =	ssyncset.done $0x0  }
0x288: {  	[sflag:s17] =	ssyncadd.s32 $0xFFFFFC80  }
0x289: {  	_ =	swait.ge [sflag:s17], $0x380  }
0x28a: {  	[sflag:s17] =	ssyncset.done $0x0  }
0x28b: {  	[sflag:s17] =	ssyncadd.s32 $0xFFFFFC80  }
0x28c: {  	_ =	swait.ge [sflag:s17], $0x380  }
0x28d: {  	[sflag:s17] =	ssyncset.done $0x0  }
0x28e: {  	[sflag:s17] =	ssyncadd.s32 $0xFFFFFC80  }
0x28f: {  	_ =	swait.ge [sflag:s17], $0x380  }
0x290: {  	s11 =	sld [smem:$0x7E4]  }
0x291: {  	[sflag:s17] =	ssyncset.done $0x0  }
0x292: {  	s14 =	sld [smem:$0x7E6];
	[sflag:s17] =	ssyncadd.s32 $0xFFFFFC80  }
0x293: {  	[tilespmem:s8], [sflag:$0x1] =	stream.linear.gather [hbm4b:s11+s8], $0x2000, $0x38;
	[tilespmem:$0x1D780] =	vst v63  }
0x294: {  	s15 =	sld [smem:$0x7E7]  }
0x295: {  	[tilespmem:s13], [sflag:$0x1] =	stream.linear.gather [hbm4b:s14+s8], $0x2000, $0x38;
	[tilespmem:$0x1D780] =	vst v63  }
0x296: {  	s18 =	sld [smem:$0x7E8]  }
0x297: {  	[tilespmem:s6], [sflag:$0x1] =	stream.linear.gather [hbm4b:s15+s8], $0x2000, $0x38;
	[tilespmem:$0x1D780] =	vst v63  }
0x298: {  	_ = 	snop  }
0x299: {  	[tilespmem:s19], [sflag:$0x1] =	stream.linear.gather [hbm4b:s18+s8], $0x2000, $0x38;
	[tilespmem:$0x1D780] =	vst v63  }
0x29a: {  	s19 =	sld [smem:$0x7E9];
	_ =	sdelay $0x1  }
0x29b: {  	s28 =	simm.s32 $0x6000;
	s17 =	simm.s32 $0x4000  }
0x29c: {  	[tilespmem:s16], [sflag:$0x1] =	stream.linear.gather [hbm4b:s19+s8], $0x2000, $0x38;
	[tilespmem:$0x1D780] =	vst v63  }
.LBB2_14:
0x29d: {  	_ =	swait.ge [sflag:s20], $0x2000  }
0x29e: {  	[sflag:s20] =	ssyncset.done $0x0  }
0x29f: {  	[sflag:s20] =	ssyncadd.s32 $0xFFFFE000  }
0x2a0: {  	_ =	swait.ge [sflag:s20], $0x2000  }
0x2a1: {  	[sflag:s20] =	ssyncset.done $0x0  }
0x2a2: {  	[sflag:s20] =	ssyncadd.s32 $0xFFFFE000  }
0x2a3: {  	_ =	swait.ge [sflag:s20], $0x2000  }
0x2a4: {  	[sflag:s20] =	ssyncset.done $0x0  }
0x2a5: {  	[sflag:s20] =	ssyncadd.s32 $0xFFFFE000  }
0x2a6: {  	_ =	swait.ge [sflag:s20], $0x2000  }
0x2a7: {  	[sflag:s20] =	ssyncset.done $0x0  }
0x2a8: {  	[sflag:s20] =	ssyncadd.s32 $0xFFFFE000  }
0x2a9: {  	_ =	swait.ge [sflag:s20], $0x2000  }
0x2aa: {  	p0 =	seq.s32 s8, $0x0;
	[sflag:s20] =	ssyncset.done $0x0  }
0x2ab: {  	s1 =	simm.s32 @!p0 $0x4;
	[sflag:s20] =	ssyncadd.s32 $0xFFFFE000  }
0x2ac: {  	s9 =	sshll.u32 s8, $0x5;
	_ =	swait.ge @!p0 [sflag:s1], $0x2000  }
0x2ad: {  	s2 =	sor.u32 s30, s9;
	[sflag:s1] =	ssyncset.done @!p0 $0x0  }
0x2ae: {  	s6 =	smulhi.u32 $0x2AAAAAAB, s2;
	[sflag:s1] =	ssyncadd.s32 @!p0 $0xFFFFE000  }
0x2af: {  	_ =	swait.ge @!p0 [sflag:s1], $0x2000  }
0x2b0: {  	s11 =	smul.u32 $0x7FFFA, s6;
	[sflag:s1] =	ssyncset.done @!p0 $0x0  }
0x2b1: {  	[sflag:s1] =	ssyncadd.s32 @!p0 $0xFFFFE000  }
0x2b2: {  	s19 =	smul.u32 $0xC380, s6;
	s2 =	sadd.s32 s2, s11;
	_ =	swait.ge @!p0 [sflag:s1], $0x2000  }
0x2b3: {  	s2 =	sshll.u32 s2, $0xD;
	[sflag:s1] =	ssyncset.done @!p0 $0x0  }
0x2b4: {  	s11 =	sadd.s32 s19, s2;
	[sflag:s1] =	ssyncadd.s32 @!p0 $0xFFFFE000  }
0x2b5: {  	s14 =	sadd.s32 s23, s11;
	_ =	swait.ge @!p0 [sflag:s1], $0x2000  }
0x2b6: {  	s14 =	sshrl.u32 s14, $0x3;
	[sflag:s1] =	ssyncset.done @!p0 $0x0;
	s15 =	sld [smem:$0x7E5]  }
0x2b7: {  	s14 =	sadd.s32 s0, s14;
	[sflag:s1] =	ssyncadd.s32 @!p0 $0xFFFFE000  }
0x2b8: {  	[tilespmem:s21], [sflag:$0x2] =	stream.linear.gather [hbm4b:s14+s10], $0x2000, $0x38;
	[tilespmem:$0x1D780] =	vst v63  }
0x2b9: {  	s1 =	sadd.s32 s15, s11  }
0x2ba: {  	s6 =	sadd.s32 s31, s6;
	s1 =	sshrl.u32 s1, $0x3  }
0x2bb: {  	s18 =	smul.u32 $0xC380, s6;
	s19 =	sadd.s32 s29, s11;
	s1 =	sadd.s32 s0, s1  }
0x2bc: {  	[tilespmem:s22], [sflag:$0x2] =	stream.linear.gather [hbm4b:s1+s10], $0x2000, $0x38;
	[tilespmem:$0x1D780] =	vst v63  }
0x2bd: {  	s6 =	sshrl.u32 s19, $0x3;
	s1 =	sadd.s32 s18, s2  }
0x2be: {  	s6 =	sadd.s32 s0, s6;
	s1 =	sshrl.u32 s1, $0x3  }
0x2bf: {  	[tilespmem:s3], [sflag:$0x2] =	stream.linear.gather [hbm4b:s6+s10], $0x2000, $0x38;
	[tilespmem:$0x1D780] =	vst v63  }
0x2c0: {  	s11 =	sadd.s32 s12, s1  }
0x2c1: {  	[tilespmem:s24], [sflag:$0x2] =	stream.linear.gather [hbm4b:s11+s10], $0x2000, $0x38;
	[tilespmem:$0x1D780] =	vst v63  }
0x2c2: {  	s14 =	simm.s32 $0x6020;
	s1 =	sadd.s32 s25, s1  }
0x2c3: {  	[tilespmem:s4], [sflag:$0x2] =	stream.linear.gather [hbm4b:s1+s10], $0x2000, $0x38;
	[tilespmem:$0x1D780] =	vst v63  }
0x2c4: {  	s15 =	simm.s32 $0x20;
	v6 =	vld [tilespmem:s14+$0x10]  }
0x2c5: {  	v1 =	vld [tilespmem:s15+$0x10]  }
0x2c6: {  	v8 =	vld [tilespmem:s14+$0xFFFFFFF0]  }
0x2c7: {  	v9 =	vld [tilespmem:s14+$0x0]  }
0x2c8: {  	v3 =	vld [tilespmem:s15+$0x0]  }
0x2c9: {  	v2 =	vld [tilespmem:s15+$0xFFFFFFF0];
	_ =	sdelay $0x1  }
0x2ca: {  	s19 =	simm.s32 $0x6060;
	v5 =	vld [tilespmem:s15+$0xFFFFFFE0]  }
0x2cb: {  	s11 =	simm.s32 $0x60;
	v11 =	vld [tilespmem:s19+$0x10];
	v1 =	vmul.f32 v1, v6  }
0x2cc: {  	v13 =	vld [tilespmem:s11+$0xFFFFFFF0];
	v3 =	vmul.f32 v3, v9  }
0x2cd: {  	v2 =	vmul.f32 v2, v8;
	[tilespmem:s15+$0x10] =	vst v1;
	v1 =	vld [tilespmem:s14+$0xFFFFFFE0]  }
0x2ce: {  	s6 =	simm.s32 $0x2020;
	[tilespmem:s15+$0x0] =	vst v3;
	v3 =	vld [tilespmem:s11+$0x10]  }
0x2cf: {  	[tilespmem:s15+$0xFFFFFFF0] =	vst v2;
	v4 =	vld [tilespmem:s6+$0x10]  }
0x2d0: {  	v7 =	vld [tilespmem:s6+$0xFFFFFFF0]  }
0x2d1: {  	v15 =	vld [tilespmem:s11+$0x0]  }
0x2d2: {  	v10 =	vld [tilespmem:s6+$0x0]  }
0x2d3: {  	v16 =	vld [tilespmem:s11+$0xFFFFFFE0];
	v5 =	vmul.f32 v5, v1  }
0x2d4: {  	v14 =	vmul.f32 v3, v11;
	v3 =	vld [tilespmem:s19+$0xFFFFFFE0];
	v2 =	vmul.f32 v4, v6  }
0x2d5: {  	v4 =	vld [tilespmem:s19+$0xFFFFFFF0];
	v7 =	vmul.f32 v7, v8;
	[tilespmem:s15+$0xFFFFFFE0] =	vst v5  }
0x2d6: {  	[tilespmem:s6+$0x10] =	vst v2;
	v2 =	vld [tilespmem:s19+$0x0]  }
0x2d7: {  	s15 =	simm.s32 $0xA0;
	[tilespmem:s6+$0xFFFFFFF0] =	vst v7;
	v7 =	vmul.f32 v10, v9;
	v10 =	vld [tilespmem:s6+$0xFFFFFFE0]  }
0x2d8: {  	s18 =	simm.s32 $0x4020;
	v19 =	vld [tilespmem:s15+$0xFFFFFFE0]  }
0x2d9: {  	v12 =	vld [tilespmem:s18+$0x10]  }
0x2da: {  	[tilespmem:s11+$0x10] =	vst v14;
	s19 =	simm.s32 $0x2060;
	v14 =	vld [tilespmem:s18+$0xFFFFFFF0];
	v5 =	vmul.f32 v13, v4  }
0x2db: {  	[tilespmem:s6+$0x0] =	vst v7;
	v13 =	vld [tilespmem:s19+$0x10]  }
0x2dc: {  	v17 =	vld [tilespmem:s18+$0x0];
	[tilespmem:s11+$0xFFFFFFF0] =	vst v5;
	v5 =	vmul.f32 v15, v2  }
0x2dd: {  	s2 =	simm.s32 $0x60A0;
	v15 =	vld [tilespmem:s19+$0xFFFFFFF0]  }
0x2de: {  	[tilespmem:s11+$0x0] =	vst v5;
	v5 =	vld [tilespmem:s2+$0x10]  }
0x2df: {  	v6 =	vmul.f32 v12, v6;
	v18 =	vld [tilespmem:s19+$0x0]  }
0x2e0: {  	v7 =	vmul.f32 v13, v11;
	v13 =	vld [tilespmem:s15+$0x10]  }
0x2e1: {  	[tilespmem:s18+$0x10] =	vst v6;
	v6 =	vmul.f32 v10, v1;
	v10 =	vld [tilespmem:s15+$0xFFFFFFF0]  }
0x2e2: {  	v16 =	vmul.f32 v16, v3;
	[tilespmem:s19+$0x10] =	vst v7;
	v7 =	vld [tilespmem:s2+$0xFFFFFFF0]  }
0x2e3: {  	s14 =	simm.s32 $0x4060;
	v8 =	vmul.f32 v14, v8;
	[tilespmem:s6+$0xFFFFFFE0] =	vst v6;
	v6 =	vld [tilespmem:s2+$0x0]  }
0x2e4: {  	[tilespmem:s11+$0xFFFFFFE0] =	vst v16;
	v12 =	vld [tilespmem:s14+$0x10];
	v14 =	vmul.f32 v15, v4  }
0x2e5: {  	[tilespmem:s18+$0xFFFFFFF0] =	vst v8;
	v15 =	vld [tilespmem:s15+$0x0];
	v13 =	vmul.f32 v13, v5  }
0x2e6: {  	v9 =	vmul.f32 v17, v9;
	v8 =	vld [tilespmem:s2+$0xFFFFFFE0];
	[tilespmem:s19+$0xFFFFFFF0] =	vst v14  }
0x2e7: {  	v16 =	vld [tilespmem:s19+$0xFFFFFFE0];
	s6 =	simm.s32 $0x20A0;
	v14 =	vmul.f32 v18, v2;
	[tilespmem:s15+$0x10] =	vst v13  }
0x2e8: {  	[tilespmem:s18+$0x0] =	vst v9;
	v9 =	vmul.f32 v10, v7;
	v17 =	vld [tilespmem:s6+$0x10]  }
0x2e9: {  	[tilespmem:s19+$0x0] =	vst v14;
	v12 =	vmul.f32 v12, v11;
	v11 =	vld [tilespmem:s18+$0xFFFFFFE0]  }
0x2ea: {  	v10 =	vld [tilespmem:s14+$0xFFFFFFF0];
	[tilespmem:s15+$0xFFFFFFF0] =	vst v9;
	v9 =	vmul.f32 v15, v6  }
0x2eb: {  	[tilespmem:s14+$0x10] =	vst v12;
	v12 =	vmul.f32 v19, v8;
	v13 =	vld [tilespmem:s6+$0xFFFFFFF0]  }
0x2ec: {  	v14 =	vmul.f32 v16, v3;
	[tilespmem:s15+$0x0] =	vst v9;
	v9 =	vld [tilespmem:s14+$0x0]  }
0x2ed: {  	s1 =	simm.s32 $0x4060;
	s11 =	simm.s32 $0x60E0;
	s2 =	simm.s32 $0x8;
	[tilespmem:s15+$0xFFFFFFE0] =	vst v12;
	v12 =	vld [tilespmem:s6+$0x0];
	v15 =	vmul.f32 v17, v5  }
.LBB2_15:
0x2ee: {  	v16 =	vld [tilespmem:s11+$0x10];
	s15 =	sadd.s32 $0x40, s15;
	[tilespmem:s19+$0xFFFFFFE0] =	vst v14;
	v11 =	vmul.f32 v11, v1;
	v1 =	vmov v3;
	v3 =	vmov v8;
	s19 =	smov.u32 s6  }
0x2ef: {  	s14 =	sadd.s32 $0x40, s14;
	v8 =	vld [tilespmem:s15+$0x10];
	[tilespmem:s6+$0x10] =	vst v15;
	v10 =	vmul.f32 v10, v4;
	v4 =	vmov v7  }
0x2f0: {  	s2 =	sadd.s32 $0x4, s2;
	v13 =	vmul.f32 v13, v4;
	v14 =	vld [tilespmem:s14+$0x10];
	[tilespmem:s18+$0xFFFFFFE0] =	vst v11;
	s18 =	smov.u32 s1;
	s1 =	smov.u32 s14  }
0x2f1: {  	p0 =	slt.u32 s2, $0x1FC;
	v15 =	vld [tilespmem:s15+$0xFFFFFFE0];
	[tilespmem:s18+$0xFFFFFFF0] =	vst v10;
	v9 =	vmul.f32 v9, v2;
	v2 =	vmov v6  }
0x2f2: {  	v7 =	vld [tilespmem:s11+$0xFFFFFFF0];
	[tilespmem:s6+$0xFFFFFFF0] =	vst v13;
	v10 =	vmul.f32 v12, v2  }
0x2f3: {  	v11 =	vld [tilespmem:s15+$0xFFFFFFF0];
	[tilespmem:s18+$0x0] =	vst v9  }
0x2f4: {  	v6 =	vld [tilespmem:s11+$0x0];
	v9 =	vmul.f32 v8, v16;
	[tilespmem:s6+$0x0] =	vst v10  }
0x2f5: {  	v10 =	vld [tilespmem:s15+$0x0];
	v12 =	vmul.f32 v14, v5;
	v5 =	vmov v16  }
0x2f6: {  	v8 =	vld [tilespmem:s11+$0xFFFFFFE0];
	[tilespmem:s15+$0x10] =	vst v9  }
0x2f7: {  	s6 =	sadd.s32 $0x40, s6;
	v9 =	vld [tilespmem:s19+$0xFFFFFFE0];
	[tilespmem:s14+$0x10] =	vst v12  }
0x2f8: {  	v12 =	vmul.f32 v11, v7;
	v16 =	vld [tilespmem:s6+$0x10]  }
.Ltmp6:
0x2f9: {  	v11 =	vld [tilespmem:s18+$0xFFFFFFE0];
	(pc) =	sbr.rel @p0 .LBB2_15-.Ltmp6, $4  }
0x2fa: {  	[tilespmem:s15+$0xFFFFFFF0] =	vst v12;
	v12 =	vmul.f32 v10, v6;
	v10 =	vld [tilespmem:s14+$0xFFFFFFF0]  }
0x2fb: {  	v15 =	vmul.f32 v15, v8;
	v13 =	vld [tilespmem:s6+$0xFFFFFFF0]  }
0x2fc: {  	[tilespmem:s15+$0x0] =	vst v12;
	v14 =	vmul.f32 v9, v3;
	v9 =	vld [tilespmem:s14+$0x0]  }
0x2fd: {  	s11 =	sadd.s32 $0x40, s11;
	[tilespmem:s15+$0xFFFFFFE0] =	vst v15;
	v12 =	vld [tilespmem:s6+$0x0];
	v15 =	vmul.f32 v16, v5  }
0x2fe: {  	v16 =	vld [tilespmem:s6+$0xFFFFFFE0];
	_ =	sdelay $0x2  }
0x2ff: {  	s2 =	sadd.s32 $0x40, s14;
	[tilespmem:s6+$0x10] =	vst v15;
	v13 =	vmul.f32 v13, v7  }
0x300: {  	[tilespmem:s19+$0xFFFFFFE0] =	vst v14;
	v14 =	vld [tilespmem:s2+$0x10];
	v12 =	vmul.f32 v12, v6  }
0x301: {  	[tilespmem:s6+$0xFFFFFFF0] =	vst v13;
	v13 =	vld [tilespmem:s1+$0xFFFFFFE0];
	v15 =	vmul.f32 v16, v8  }
0x302: {  	v1 =	vmul.f32 v11, v1;
	v11 =	vld [tilespmem:s2+$0xFFFFFFF0];
	[tilespmem:s6+$0x0] =	vst v12  }
0x303: {  	v4 =	vmul.f32 v10, v4;
	v10 =	vld [tilespmem:s2+$0x0];
	[tilespmem:s6+$0xFFFFFFE0] =	vst v15  }
0x304: {  	[tilespmem:s18+$0xFFFFFFE0] =	vst v1;
	v1 =	vmul.f32 v9, v2;
	v2 =	vld [tilespmem:s2+$0xFFFFFFE0]  }
0x305: {  	[tilespmem:s1+$0xFFFFFFF0] =	vst v4;
	v4 =	vmul.f32 v14, v5  }
0x306: {  	[tilespmem:s1+$0x0] =	vst v1;
	v1 =	vmul.f32 v13, v3  }
0x307: {  	[tilespmem:s2+$0x10] =	vst v4;
	v3 =	vmul.f32 v11, v7  }
0x308: {  	[tilespmem:s1+$0xFFFFFFE0] =	vst v1;
	v1 =	vmul.f32 v10, v6  }
0x309: {  	[tilespmem:s2+$0xFFFFFFF0] =	vst v3;
	v2 =	vmul.f32 v2, v8  }
0x30a: {  	[tilespmem:s2+$0x0] =	vst v1  }
0x30b: {  	s19 =	rddreg [dreg:$0x8];
	[tilespmem:s2+$0xFFFFFFE0] =	vst v2  }
0x30c: {  	[spmem:s19] =	stream.indirect.scatter.add.f32 [tilespmem:s10], [sflag:$0x3], $0x1, s16, s13, $0xb8;
	[tilespmem:$0x1D780] =	vst v63  }
0x30d: {  	s2 =	rddreg [dreg:$0x9]  }
0x30e: {  	[spmem:s2] =	stream.indirect.scatter.add.f32 [tilespmem:s13], [sflag:$0x3], $0x1, s16, s13, $0xb8;
	[tilespmem:$0x1D780] =	vst v63  }
0x30f: {  	s6 =	rddreg [dreg:$0xa]  }
0x310: {  	[spmem:s6] =	stream.indirect.scatter.add.f32 [tilespmem:s17], [sflag:$0x3], $0x1, s16, s13, $0xb8;
	[tilespmem:$0x1D780] =	vst v63  }
0x311: {  	s11 =	rddreg [dreg:$0xb]  }
0x312: {  	[spmem:s11] =	stream.indirect.scatter.add.f32 [tilespmem:s28], [sflag:$0x3], $0x1, s16, s13, $0xb8;
	[tilespmem:$0x1D780] =	vst v63  }
0x313: {  	_ =	swait.ge [sflag:s5], $0x2000  }
0x314: {  	[sflag:s5] =	ssyncset.done $0x0  }
0x315: {  	[sflag:s5] =	ssyncadd.s32 $0xFFFFE000  }
0x316: {  	_ =	swait.ge [sflag:s5], $0x2000  }
0x317: {  	[sflag:s5] =	ssyncset.done $0x0  }
0x318: {  	[sflag:s5] =	ssyncadd.s32 $0xFFFFE000  }
0x319: {  	_ =	swait.ge [sflag:s5], $0x2000  }
0x31a: {  	[sflag:s5] =	ssyncset.done $0x0  }
0x31b: {  	[sflag:s5] =	ssyncadd.s32 $0xFFFFE000  }
0x31c: {  	_ =	swait.ge [sflag:s5], $0x2000  }
0x31d: {  	[sflag:s5] =	ssyncset.done $0x0  }
0x31e: {  	[sflag:s5] =	ssyncadd.s32 $0xFFFFE000  }
0x31f: {  	_ =	swait.ge [sflag:s5], $0x2000  }
0x320: {  	p0 =	seq.s32 s8, $0x5;
	[sflag:s5] =	ssyncset.done $0x0  }
0x321: {  	s1 =	simm.s32 @!p0 $0x3;
	[sflag:s5] =	ssyncadd.s32 $0xFFFFE000  }
0x322: {  	_ =	swait.ge @!p0 [sflag:s1], $0x2000  }
0x323: {  	s2 =	sadd.s32 @!p0 s26, s9;
	[sflag:s1] =	ssyncset.done @!p0 $0x0  }
0x324: {  	s6 =	smulhi.u32 @!p0 $0x2AAAAAAB, s2;
	[sflag:s1] =	ssyncadd.s32 @!p0 $0xFFFFE000  }
0x325: {  	_ =	swait.ge @!p0 [sflag:s1], $0x2000  }
0x326: {  	s9 =	smul.u32 @!p0 $0x7FFFA, s6;
	[sflag:s1] =	ssyncset.done @!p0 $0x0  }
0x327: {  	[sflag:s1] =	ssyncadd.s32 @!p0 $0xFFFFE000  }
0x328: {  	s2 =	sadd.s32 @!p0 s2, s9;
	s9 =	smul.u32 @!p0 $0xC380, s6;
	_ =	swait.ge @!p0 [sflag:s1], $0x2000  }
0x329: {  	s2 =	sshll.u32 @!p0 s2, $0xD;
	[sflag:s1] =	ssyncset.done @!p0 $0x0  }
0x32a: {  	s9 =	sadd.s32 @!p0 s9, s2;
	[sflag:s1] =	ssyncadd.s32 @!p0 $0xFFFFE000  }
0x32b: {  	s11 =	sadd.s32 @!p0 s23, s9;
	_ =	swait.ge @!p0 [sflag:s1], $0x2000  }
0x32c: {  	s11 =	sshrl.u32 @!p0 s11, $0x3;
	[sflag:s1] =	ssyncset.done @!p0 $0x0  }
0x32d: {  	[sflag:s1] =	ssyncadd.s32 @!p0 $0xFFFFE000;
	s1 =	sadd.s32 @!p0 s0, s11;
	s11 =	simm.s32 @!p0 $0x0  }
0x32e: {  	[tilespmem:s11], [sflag:$0x1] =	stream.linear.gather @!p0 [hbm4b:s1+s11], $0x2000, $0x38;
	[tilespmem:$0x1D780] =	vst v63  }
0x32f: {  	s1 =	sld [smem:$0x7E5];
	_ =	sdelay $0x2  }
0x330: {  	s1 =	sadd.s32 @!p0 s1, s9  }
0x331: {  	s1 =	sshrl.u32 @!p0 s1, $0x3  }
0x332: {  	s14 =	simm.s32 @!p0 $0x2000;
	s6 =	sadd.s32 @!p0 s31, s6;
	s1 =	sadd.s32 @!p0 s0, s1  }
0x333: {  	[tilespmem:s14], [sflag:$0x1] =	stream.linear.gather @!p0 [hbm4b:s1+s11], $0x2000, $0x38;
	[tilespmem:$0x1D780] =	vst v63  }
0x334: {  	s1 =	smul.u32 @!p0 $0xC380, s6;
	s6 =	sadd.s32 @!p0 s29, s9  }
0x335: {  	s6 =	sshrl.u32 @!p0 s6, $0x3  }
0x336: {  	s1 =	sadd.s32 @!p0 s1, s2;
	s2 =	sadd.s32 @!p0 s0, s6;
	s6 =	simm.s32 @!p0 $0x4000  }
0x337: {  	[tilespmem:s6], [sflag:$0x1] =	stream.linear.gather @!p0 [hbm4b:s2+s11], $0x2000, $0x38;
	[tilespmem:$0x1D780] =	vst v63  }
0x338: {  	s1 =	sshrl.u32 @!p0 s1, $0x3  }
0x339: {  	s6 =	simm.s32 @!p0 $0x6000;
	s2 =	sadd.s32 @!p0 s12, s1  }
0x33a: {  	[tilespmem:s6], [sflag:$0x1] =	stream.linear.gather @!p0 [hbm4b:s2+s11], $0x2000, $0x38;
	[tilespmem:$0x1D780] =	vst v63  }
0x33b: {  	s14 =	simm.s32 $0x10020;
	s1 =	sadd.s32 @!p0 s25, s1;
	s2 =	simm.s32 @!p0 $0x8000  }
0x33c: {  	[tilespmem:s2], [sflag:$0x1] =	stream.linear.gather @!p0 [hbm4b:s1+s11], $0x2000, $0x38;
	[tilespmem:$0x1D780] =	vst v63  }
0x33d: {  	s15 =	simm.s32 $0xA020;
	v6 =	vld [tilespmem:s14+$0x10]  }
0x33e: {  	v1 =	vld [tilespmem:s15+$0x10]  }
0x33f: {  	v8 =	vld [tilespmem:s14+$0xFFFFFFF0]  }
0x340: {  	v9 =	vld [tilespmem:s14+$0x0]  }
0x341: {  	v3 =	vld [tilespmem:s15+$0x0]  }
0x342: {  	v2 =	vld [tilespmem:s15+$0xFFFFFFF0];
	_ =	sdelay $0x1  }
0x343: {  	s18 =	simm.s32 $0x10060;
	v5 =	vld [tilespmem:s15+$0xFFFFFFE0]  }
0x344: {  	s11 =	simm.s32 $0xA060;
	v11 =	vld [tilespmem:s18+$0x10];
	v1 =	vmul.f32 v1, v6  }
0x345: {  	v13 =	vld [tilespmem:s11+$0xFFFFFFF0];
	v3 =	vmul.f32 v3, v9  }
0x346: {  	v2 =	vmul.f32 v2, v8;
	[tilespmem:s15+$0x10] =	vst v1;
	v1 =	vld [tilespmem:s14+$0xFFFFFFE0]  }
0x347: {  	s6 =	simm.s32 $0xC020;
	[tilespmem:s15+$0x0] =	vst v3;
	v3 =	vld [tilespmem:s11+$0x10]  }
0x348: {  	[tilespmem:s15+$0xFFFFFFF0] =	vst v2;
	v4 =	vld [tilespmem:s6+$0x10]  }
0x349: {  	v7 =	vld [tilespmem:s6+$0xFFFFFFF0]  }
0x34a: {  	v15 =	vld [tilespmem:s11+$0x0]  }
0x34b: {  	v10 =	vld [tilespmem:s6+$0x0]  }
0x34c: {  	v16 =	vld [tilespmem:s11+$0xFFFFFFE0];
	v5 =	vmul.f32 v5, v1  }
0x34d: {  	v14 =	vmul.f32 v3, v11;
	v3 =	vld [tilespmem:s18+$0xFFFFFFE0];
	v2 =	vmul.f32 v4, v6  }
0x34e: {  	v4 =	vld [tilespmem:s18+$0xFFFFFFF0];
	v7 =	vmul.f32 v7, v8;
	[tilespmem:s15+$0xFFFFFFE0] =	vst v5  }
0x34f: {  	[tilespmem:s6+$0x10] =	vst v2;
	v2 =	vld [tilespmem:s18+$0x0]  }
0x350: {  	s15 =	simm.s32 $0xA0A0;
	[tilespmem:s6+$0xFFFFFFF0] =	vst v7;
	v7 =	vmul.f32 v10, v9;
	v10 =	vld [tilespmem:s6+$0xFFFFFFE0]  }
0x351: {  	s9 =	simm.s32 $0xE020;
	v19 =	vld [tilespmem:s15+$0xFFFFFFE0]  }
0x352: {  	v12 =	vld [tilespmem:s9+$0x10]  }
0x353: {  	[tilespmem:s11+$0x10] =	vst v14;
	s18 =	simm.s32 $0xC060;
	v14 =	vld [tilespmem:s9+$0xFFFFFFF0];
	v5 =	vmul.f32 v13, v4  }
0x354: {  	[tilespmem:s6+$0x0] =	vst v7;
	v13 =	vld [tilespmem:s18+$0x10]  }
0x355: {  	v17 =	vld [tilespmem:s9+$0x0];
	[tilespmem:s11+$0xFFFFFFF0] =	vst v5;
	v5 =	vmul.f32 v15, v2  }
0x356: {  	s19 =	simm.s32 $0x100A0;
	v15 =	vld [tilespmem:s18+$0xFFFFFFF0]  }
0x357: {  	[tilespmem:s11+$0x0] =	vst v5;
	v5 =	vld [tilespmem:s19+$0x10]  }
0x358: {  	v6 =	vmul.f32 v12, v6;
	v18 =	vld [tilespmem:s18+$0x0]  }
0x359: {  	v7 =	vmul.f32 v13, v11;
	v13 =	vld [tilespmem:s15+$0x10]  }
0x35a: {  	[tilespmem:s9+$0x10] =	vst v6;
	v6 =	vmul.f32 v10, v1;
	v10 =	vld [tilespmem:s15+$0xFFFFFFF0]  }
0x35b: {  	v16 =	vmul.f32 v16, v3;
	[tilespmem:s18+$0x10] =	vst v7;
	v7 =	vld [tilespmem:s19+$0xFFFFFFF0]  }
0x35c: {  	s14 =	simm.s32 $0xE060;
	v8 =	vmul.f32 v14, v8;
	[tilespmem:s6+$0xFFFFFFE0] =	vst v6;
	v6 =	vld [tilespmem:s19+$0x0]  }
0x35d: {  	[tilespmem:s11+$0xFFFFFFE0] =	vst v16;
	v12 =	vld [tilespmem:s14+$0x10];
	v14 =	vmul.f32 v15, v4  }
0x35e: {  	[tilespmem:s9+$0xFFFFFFF0] =	vst v8;
	v15 =	vld [tilespmem:s15+$0x0];
	v13 =	vmul.f32 v13, v5  }
0x35f: {  	v9 =	vmul.f32 v17, v9;
	v8 =	vld [tilespmem:s19+$0xFFFFFFE0];
	[tilespmem:s18+$0xFFFFFFF0] =	vst v14  }
0x360: {  	v16 =	vld [tilespmem:s18+$0xFFFFFFE0];
	s6 =	simm.s32 $0xC0A0;
	v14 =	vmul.f32 v18, v2;
	[tilespmem:s15+$0x10] =	vst v13  }
0x361: {  	[tilespmem:s9+$0x0] =	vst v9;
	v9 =	vmul.f32 v10, v7;
	v17 =	vld [tilespmem:s6+$0x10]  }
0x362: {  	[tilespmem:s18+$0x0] =	vst v14;
	v12 =	vmul.f32 v12, v11;
	v11 =	vld [tilespmem:s9+$0xFFFFFFE0]  }
0x363: {  	v10 =	vld [tilespmem:s14+$0xFFFFFFF0];
	[tilespmem:s15+$0xFFFFFFF0] =	vst v9;
	v9 =	vmul.f32 v15, v6  }
0x364: {  	[tilespmem:s14+$0x10] =	vst v12;
	v12 =	vmul.f32 v19, v8;
	v13 =	vld [tilespmem:s6+$0xFFFFFFF0]  }
0x365: {  	v14 =	vmul.f32 v16, v3;
	[tilespmem:s15+$0x0] =	vst v9;
	v9 =	vld [tilespmem:s14+$0x0]  }
0x366: {  	s2 =	simm.s32 $0x8;
	s1 =	simm.s32 $0xE060;
	s11 =	simm.s32 $0x100E0;
	[tilespmem:s15+$0xFFFFFFE0] =	vst v12;
	v12 =	vld [tilespmem:s6+$0x0];
	v15 =	vmul.f32 v17, v5  }
.LBB2_17:
0x367: {  	v16 =	vld [tilespmem:s11+$0x10];
	s15 =	sadd.s32 $0x40, s15;
	[tilespmem:s18+$0xFFFFFFE0] =	vst v14;
	v11 =	vmul.f32 v11, v1;
	v1 =	vmov v3;
	v3 =	vmov v8;
	s18 =	smov.u32 s6  }
0x368: {  	s14 =	sadd.s32 $0x40, s14;
	v8 =	vld [tilespmem:s15+$0x10];
	[tilespmem:s6+$0x10] =	vst v15;
	v10 =	vmul.f32 v10, v4;
	v4 =	vmov v7  }
0x369: {  	s2 =	sadd.s32 $0x4, s2;
	v13 =	vmul.f32 v13, v4;
	v14 =	vld [tilespmem:s14+$0x10];
	[tilespmem:s9+$0xFFFFFFE0] =	vst v11;
	s9 =	smov.u32 s1;
	s1 =	smov.u32 s14  }
0x36a: {  	p0 =	slt.u32 s2, $0x1FC;
	v15 =	vld [tilespmem:s15+$0xFFFFFFE0];
	[tilespmem:s9+$0xFFFFFFF0] =	vst v10;
	v9 =	vmul.f32 v9, v2;
	v2 =	vmov v6  }
0x36b: {  	v7 =	vld [tilespmem:s11+$0xFFFFFFF0];
	[tilespmem:s6+$0xFFFFFFF0] =	vst v13;
	v10 =	vmul.f32 v12, v2  }
0x36c: {  	v11 =	vld [tilespmem:s15+$0xFFFFFFF0];
	[tilespmem:s9+$0x0] =	vst v9  }
0x36d: {  	v6 =	vld [tilespmem:s11+$0x0];
	v9 =	vmul.f32 v8, v16;
	[tilespmem:s6+$0x0] =	vst v10  }
0x36e: {  	v10 =	vld [tilespmem:s15+$0x0];
	v12 =	vmul.f32 v14, v5;
	v5 =	vmov v16  }
0x36f: {  	v8 =	vld [tilespmem:s11+$0xFFFFFFE0];
	[tilespmem:s15+$0x10] =	vst v9  }
0x370: {  	s6 =	sadd.s32 $0x40, s6;
	v9 =	vld [tilespmem:s18+$0xFFFFFFE0];
	[tilespmem:s14+$0x10] =	vst v12  }
0x371: {  	v12 =	vmul.f32 v11, v7;
	v16 =	vld [tilespmem:s6+$0x10]  }
.Ltmp7:
0x372: {  	v11 =	vld [tilespmem:s9+$0xFFFFFFE0];
	(pc) =	sbr.rel @p0 .LBB2_17-.Ltmp7, $4  }
0x373: {  	[tilespmem:s15+$0xFFFFFFF0] =	vst v12;
	v12 =	vmul.f32 v10, v6;
	v10 =	vld [tilespmem:s14+$0xFFFFFFF0]  }
0x374: {  	v15 =	vmul.f32 v15, v8;
	v13 =	vld [tilespmem:s6+$0xFFFFFFF0]  }
0x375: {  	[tilespmem:s15+$0x0] =	vst v12;
	v14 =	vmul.f32 v9, v3;
	v9 =	vld [tilespmem:s14+$0x0]  }
0x376: {  	s11 =	sadd.s32 $0x40, s11;
	[tilespmem:s15+$0xFFFFFFE0] =	vst v15;
	v12 =	vld [tilespmem:s6+$0x0];
	v15 =	vmul.f32 v16, v5  }
0x377: {  	v16 =	vld [tilespmem:s6+$0xFFFFFFE0];
	_ =	sdelay $0x1  }
0x378: {  	[tilespmem:s18+$0xFFFFFFE0] =	vst v14;
	v1 =	vmul.f32 v11, v1  }
0x379: {  	[tilespmem:s6+$0x10] =	vst v15;
	v13 =	vmul.f32 v13, v7  }
0x37a: {  	s2 =	sadd.s32 $0x40, s14;
	v59 =	vld [tilespmem:s1+$0xFFFFFFE0];
	[tilespmem:s9+$0xFFFFFFE0] =	vst v1;
	v12 =	vmul.f32 v12, v6  }
0x37b: {  	v58 =	vld [tilespmem:s2+$0x10];
	[tilespmem:s6+$0xFFFFFFF0] =	vst v13;
	v60 =	vmul.f32 v16, v8  }
0x37c: {  	v61 =	vld [tilespmem:s2+$0xFFFFFFF0];
	[tilespmem:s6+$0x0] =	vst v12  }
0x37d: {  	v1 =	vmul.f32 v9, v2;
	v62 =	vld [tilespmem:s2+$0x0];
	[tilespmem:s6+$0xFFFFFFE0] =	vst v60  }
0x37e: {  	v4 =	vmul.f32 v10, v4;
	v2 =	vld [tilespmem:s2+$0xFFFFFFE0]  }
0x37f: {  	[tilespmem:s1+$0x0] =	vst v1;
	v1 =	vmul.f32 v59, v3  }
0x380: {  	[tilespmem:s1+$0xFFFFFFF0] =	vst v4;
	v63 =	vmul.f32 v58, v5  }
0x381: {  	[tilespmem:s1+$0xFFFFFFE0] =	vst v1;
	v3 =	vmul.f32 v61, v7  }
0x382: {  	[tilespmem:s2+$0x10] =	vst v63;
	v1 =	vmul.f32 v62, v6  }
0x383: {  	[tilespmem:s2+$0xFFFFFFF0] =	vst v3;
	v2 =	vmul.f32 v2, v8  }
0x384: {  	[tilespmem:s2+$0x0] =	vst v1  }
0x385: {  	s14 =	rddreg [dreg:$0x8];
	s8 =	sadd.s32 $0x1, s8;
	[tilespmem:s2+$0xFFFFFFE0] =	vst v2  }
0x386: {  	[spmem:s14] =	stream.indirect.scatter.add.f32 [tilespmem:s21], [sflag:$0x4], $0x1, s4, s13, $0xb8;
	[tilespmem:$0x1D780] =	vst v63  }
0x387: {  	s15 =	rddreg [dreg:$0x9];
	p0 =	sne.s32 s8, $0x6  }
0x388: {  	[spmem:s15] =	stream.indirect.scatter.add.f32 [tilespmem:s22], [sflag:$0x4], $0x1, s4, s13, $0xb8;
	[tilespmem:$0x1D780] =	vst v63  }
.Ltmp8:
0x389: {  	_ = 	snop;
	(pc) =	sbr.rel @p0 .LBB2_14-.Ltmp8, $4  }
0x38a: {  	s18 =	rddreg [dreg:$0xa]  }
0x38b: {  	[spmem:s18] =	stream.indirect.scatter.add.f32 [tilespmem:s3], [sflag:$0x4], $0x1, s4, s13, $0xb8;
	[tilespmem:$0x1D780] =	vst v63  }
0x38c: {  	s19 =	rddreg [dreg:$0xb]  }
0x38d: {  	[spmem:s19] =	stream.indirect.scatter.add.f32 [tilespmem:s24], [sflag:$0x4], $0x1, s4, s13, $0xb8;
	[tilespmem:$0x1D780] =	vst v63  }
0x38e: {  	s1 =	simm.s32 $0x3  }
0x38f: {  	_ =	swait.ge [sflag:s1], $0x2000  }
0x390: {  	[sflag:s1] =	ssyncset.done $0x0  }
0x391: {  	[sflag:s1] =	ssyncadd.s32 $0xFFFFE000  }
0x392: {  	_ =	swait.ge [sflag:s1], $0x2000  }
0x393: {  	[sflag:s1] =	ssyncset.done $0x0  }
0x394: {  	[sflag:s1] =	ssyncadd.s32 $0xFFFFE000  }
0x395: {  	_ =	swait.ge [sflag:s1], $0x2000  }
0x396: {  	[sflag:s1] =	ssyncset.done $0x0  }
0x397: {  	[sflag:s1] =	ssyncadd.s32 $0xFFFFE000  }
0x398: {  	_ =	swait.ge [sflag:s1], $0x2000  }
0x399: {  	[sflag:s1] =	ssyncset.done $0x0  }
0x39a: {  	s2 =	simm.s32 $0x4;
	[sflag:s1] =	ssyncadd.s32 $0xFFFFE000  }
0x39b: {  	_ =	swait.ge [sflag:s2], $0x2000  }
0x39c: {  	[sflag:s2] =	ssyncset.done $0x0  }
0x39d: {  	[sflag:s2] =	ssyncadd.s32 $0xFFFFE000  }
0x39e: {  	_ =	swait.ge [sflag:s2], $0x2000  }
0x39f: {  	[sflag:s2] =	ssyncset.done $0x0  }
0x3a0: {  	[sflag:s2] =	ssyncadd.s32 $0xFFFFE000  }
0x3a1: {  	_ =	swait.ge [sflag:s2], $0x2000  }
0x3a2: {  	[sflag:s2] =	ssyncset.done $0x0  }
0x3a3: {  	[sflag:s2] =	ssyncadd.s32 $0xFFFFE000  }
0x3a4: {  	_ =	swait.ge [sflag:s2], $0x2000  }
0x3a5: {  	s6 =	sld [smem:$0x7EA]  }
0x3a6: {  	[sflag:s2] =	ssyncset.done $0x0  }
0x3a7: {  	s8 =	sld [smem:$0x7EB];
	[sflag:s2] =	ssyncadd.s32 $0xFFFFE000  }
0x3a8: {  	[tilespmem:s10], [sflag:$0x5] =	stream.linear.gather [hbm4b:s6+s10], $0x380, $0x38;
	[tilespmem:$0x1D780] =	vst v63  }
0x3a9: {  	s9 =	sld [smem:$0x7EC]  }
0x3aa: {  	[tilespmem:s13], [sflag:$0x5] =	stream.linear.gather [hbm4b:s8+s10], $0x380, $0x38;
	[tilespmem:$0x1D780] =	vst v63  }
0x3ab: {  	s11 =	sld [smem:$0x7ED]  }
0x3ac: {  	[tilespmem:s17], [sflag:$0x5] =	stream.linear.gather [hbm4b:s9+s10], $0x380, $0x38;
	[tilespmem:$0x1D780] =	vst v63  }
0x3ad: {  	s14 =	sld [smem:$0x7EE]  }
0x3ae: {  	[tilespmem:s28], [sflag:$0x5] =	stream.linear.gather [hbm4b:s11+s10], $0x380, $0x38;
	[tilespmem:$0x1D780] =	vst v63  }
0x3af: {  	s18 =	simm.s32 $0x5;
	s28 =	simm.s32 $0x14000  }
0x3b0: {  	[tilespmem:s28], [sflag:$0x5] =	stream.linear.gather [hbm4b:s14+s10], $0x380, $0x38;
	[tilespmem:$0x1D780] =	vst v63  }
0x3b1: {  	_ =	swait.ge [sflag:s18], $0x380  }
0x3b2: {  	[sflag:s18] =	ssyncset.done $0x0  }
0x3b3: {  	[sflag:s18] =	ssyncadd.s32 $0xFFFFFC80  }
0x3b4: {  	_ =	swait.ge [sflag:s18], $0x380  }
0x3b5: {  	[sflag:s18] =	ssyncset.done $0x0  }
0x3b6: {  	[sflag:s18] =	ssyncadd.s32 $0xFFFFFC80  }
0x3b7: {  	_ =	swait.ge [sflag:s18], $0x380  }
0x3b8: {  	[sflag:s18] =	ssyncset.done $0x0  }
0x3b9: {  	[sflag:s18] =	ssyncadd.s32 $0xFFFFFC80  }
0x3ba: {  	_ =	swait.ge [sflag:s18], $0x380  }
0x3bb: {  	[sflag:s18] =	ssyncset.done $0x0  }
0x3bc: {  	[sflag:s18] =	ssyncadd.s32 $0xFFFFFC80  }
0x3bd: {  	_ =	swait.ge [sflag:s18], $0x380  }
0x3be: {  	[sflag:s18] =	ssyncset.done $0x0  }
0x3bf: {  	s15 =	simm.s32 $0x6020;
	[sflag:s18] =	ssyncadd.s32 $0xFFFFFC80  }
0x3c0: {  	s2 =	simm.s32 $0x20;
	v6 =	vld [tilespmem:s15+$0x10]  }
0x3c1: {  	v1 =	vld [tilespmem:s2+$0x10]  }
0x3c2: {  	v8 =	vld [tilespmem:s15+$0xFFFFFFF0]  }
0x3c3: {  	v9 =	vld [tilespmem:s15+$0x0]  }
0x3c4: {  	v3 =	vld [tilespmem:s2+$0x0]  }
0x3c5: {  	v2 =	vld [tilespmem:s2+$0xFFFFFFF0]  }
0x3c6: {  	s17 =	simm.s32 $0x6060;
	v5 =	vld [tilespmem:s2+$0xFFFFFFE0]  }
0x3c7: {  	s11 =	simm.s32 $0x60;
	v11 =	vld [tilespmem:s17+$0x10]  }
0x3c8: {  	v13 =	vld [tilespmem:s11+$0xFFFFFFF0];
	v1 =	vmul.f32 v1, v6  }
0x3c9: {  	v15 =	vld [tilespmem:s11+$0x0];
	v3 =	vmul.f32 v3, v9  }
0x3ca: {  	v2 =	vmul.f32 v2, v8;
	[tilespmem:s2+$0x10] =	vst v1;
	v1 =	vld [tilespmem:s15+$0xFFFFFFE0]  }
0x3cb: {  	s6 =	simm.s32 $0x2020;
	[tilespmem:s2+$0x0] =	vst v3;
	v3 =	vld [tilespmem:s11+$0x10]  }
0x3cc: {  	[tilespmem:s2+$0xFFFFFFF0] =	vst v2;
	v4 =	vld [tilespmem:s6+$0x10]  }
0x3cd: {  	v7 =	vld [tilespmem:s6+$0xFFFFFFF0]  }
0x3ce: {  	v16 =	vld [tilespmem:s11+$0xFFFFFFE0]  }
0x3cf: {  	s15 =	simm.s32 $0xA0;
	v10 =	vld [tilespmem:s6+$0x0]  }
0x3d0: {  	v19 =	vld [tilespmem:s15+$0xFFFFFFE0];
	v5 =	vmul.f32 v5, v1  }
0x3d1: {  	v2 =	vmul.f32 v4, v6;
	v4 =	vld [tilespmem:s17+$0xFFFFFFF0]  }
0x3d2: {  	v14 =	vmul.f32 v3, v11;
	v3 =	vld [tilespmem:s17+$0xFFFFFFE0];
	v7 =	vmul.f32 v7, v8;
	[tilespmem:s2+$0xFFFFFFE0] =	vst v5  }
0x3d3: {  	[tilespmem:s6+$0x10] =	vst v2;
	v2 =	vld [tilespmem:s17+$0x0]  }
0x3d4: {  	s8 =	simm.s32 $0x4020;
	[tilespmem:s6+$0xFFFFFFF0] =	vst v7;
	v7 =	vmul.f32 v10, v9;
	v10 =	vld [tilespmem:s6+$0xFFFFFFE0]  }
0x3d5: {  	v12 =	vld [tilespmem:s8+$0x10]  }
0x3d6: {  	s9 =	simm.s32 $0x2060;
	[tilespmem:s11+$0x10] =	vst v14;
	v14 =	vld [tilespmem:s8+$0xFFFFFFF0];
	v5 =	vmul.f32 v13, v4  }
0x3d7: {  	[tilespmem:s6+$0x0] =	vst v7;
	v13 =	vld [tilespmem:s9+$0x10]  }
0x3d8: {  	v17 =	vld [tilespmem:s8+$0x0];
	[tilespmem:s11+$0xFFFFFFF0] =	vst v5;
	v5 =	vmul.f32 v15, v2  }
0x3d9: {  	s19 =	simm.s32 $0x60A0;
	v15 =	vld [tilespmem:s9+$0xFFFFFFF0]  }
0x3da: {  	[tilespmem:s11+$0x0] =	vst v5;
	v5 =	vld [tilespmem:s19+$0x10]  }
0x3db: {  	v6 =	vmul.f32 v12, v6;
	v18 =	vld [tilespmem:s9+$0x0]  }
0x3dc: {  	v7 =	vmul.f32 v13, v11;
	v13 =	vld [tilespmem:s15+$0x10]  }
0x3dd: {  	[tilespmem:s8+$0x10] =	vst v6;
	v6 =	vmul.f32 v10, v1;
	v10 =	vld [tilespmem:s15+$0xFFFFFFF0]  }
0x3de: {  	v16 =	vmul.f32 v16, v3;
	[tilespmem:s9+$0x10] =	vst v7;
	v7 =	vld [tilespmem:s19+$0xFFFFFFF0]  }
0x3df: {  	s14 =	simm.s32 $0x4060;
	v8 =	vmul.f32 v14, v8;
	[tilespmem:s6+$0xFFFFFFE0] =	vst v6;
	v6 =	vld [tilespmem:s19+$0x0]  }
0x3e0: {  	[tilespmem:s11+$0xFFFFFFE0] =	vst v16;
	v12 =	vld [tilespmem:s14+$0x10];
	v14 =	vmul.f32 v15, v4  }
0x3e1: {  	[tilespmem:s8+$0xFFFFFFF0] =	vst v8;
	v15 =	vld [tilespmem:s15+$0x0];
	v13 =	vmul.f32 v13, v5  }
0x3e2: {  	v9 =	vmul.f32 v17, v9;
	v8 =	vld [tilespmem:s19+$0xFFFFFFE0];
	[tilespmem:s9+$0xFFFFFFF0] =	vst v14  }
0x3e3: {  	v16 =	vld [tilespmem:s9+$0xFFFFFFE0];
	s6 =	simm.s32 $0x20A0;
	v14 =	vmul.f32 v18, v2;
	[tilespmem:s15+$0x10] =	vst v13  }
0x3e4: {  	[tilespmem:s8+$0x0] =	vst v9;
	v9 =	vmul.f32 v10, v7;
	v17 =	vld [tilespmem:s6+$0x10]  }
0x3e5: {  	[tilespmem:s9+$0x0] =	vst v14;
	v12 =	vmul.f32 v12, v11;
	v11 =	vld [tilespmem:s8+$0xFFFFFFE0]  }
0x3e6: {  	v10 =	vld [tilespmem:s14+$0xFFFFFFF0];
	[tilespmem:s15+$0xFFFFFFF0] =	vst v9;
	v9 =	vmul.f32 v15, v6  }
0x3e7: {  	[tilespmem:s14+$0x10] =	vst v12;
	v12 =	vmul.f32 v19, v8;
	v13 =	vld [tilespmem:s6+$0xFFFFFFF0]  }
0x3e8: {  	v14 =	vmul.f32 v16, v3;
	[tilespmem:s15+$0x0] =	vst v9;
	v9 =	vld [tilespmem:s14+$0x0]  }
0x3e9: {  	s1 =	simm.s32 $0x4060;
	s2 =	simm.s32 $0x8;
	s11 =	simm.s32 $0x60E0;
	[tilespmem:s15+$0xFFFFFFE0] =	vst v12;
	v12 =	vld [tilespmem:s6+$0x0];
	v15 =	vmul.f32 v17, v5  }
.LBB2_20:
0x3ea: {  	v16 =	vld [tilespmem:s11+$0x10];
	s15 =	sadd.s32 $0x40, s15;
	[tilespmem:s9+$0xFFFFFFE0] =	vst v14;
	v11 =	vmul.f32 v11, v1;
	v1 =	vmov v3;
	v3 =	vmov v8;
	s9 =	smov.u32 s6  }
0x3eb: {  	s14 =	sadd.s32 $0x40, s14;
	v8 =	vld [tilespmem:s15+$0x10];
	[tilespmem:s6+$0x10] =	vst v15;
	v10 =	vmul.f32 v10, v4;
	v4 =	vmov v7  }
0x3ec: {  	s2 =	sadd.s32 $0x4, s2;
	v13 =	vmul.f32 v13, v4;
	v14 =	vld [tilespmem:s14+$0x10];
	[tilespmem:s8+$0xFFFFFFE0] =	vst v11;
	s8 =	smov.u32 s1;
	s1 =	smov.u32 s14  }
0x3ed: {  	p0 =	slt.u32 s2, $0x34;
	v15 =	vld [tilespmem:s15+$0xFFFFFFE0];
	[tilespmem:s8+$0xFFFFFFF0] =	vst v10;
	v9 =	vmul.f32 v9, v2;
	v2 =	vmov v6  }
0x3ee: {  	v7 =	vld [tilespmem:s11+$0xFFFFFFF0];
	[tilespmem:s6+$0xFFFFFFF0] =	vst v13;
	v10 =	vmul.f32 v12, v2  }
0x3ef: {  	v11 =	vld [tilespmem:s15+$0xFFFFFFF0];
	[tilespmem:s8+$0x0] =	vst v9  }
0x3f0: {  	v6 =	vld [tilespmem:s11+$0x0];
	v9 =	vmul.f32 v8, v16;
	[tilespmem:s6+$0x0] =	vst v10  }
0x3f1: {  	v10 =	vld [tilespmem:s15+$0x0];
	v12 =	vmul.f32 v14, v5;
	v5 =	vmov v16  }
0x3f2: {  	v8 =	vld [tilespmem:s11+$0xFFFFFFE0];
	[tilespmem:s15+$0x10] =	vst v9  }
0x3f3: {  	s6 =	sadd.s32 $0x40, s6;
	v9 =	vld [tilespmem:s9+$0xFFFFFFE0];
	[tilespmem:s14+$0x10] =	vst v12  }
0x3f4: {  	v12 =	vmul.f32 v11, v7;
	v16 =	vld [tilespmem:s6+$0x10]  }
.Ltmp9:
0x3f5: {  	v11 =	vld [tilespmem:s8+$0xFFFFFFE0];
	(pc) =	sbr.rel @p0 .LBB2_20-.Ltmp9, $4  }
0x3f6: {  	[tilespmem:s15+$0xFFFFFFF0] =	vst v12;
	v12 =	vmul.f32 v10, v6;
	v10 =	vld [tilespmem:s14+$0xFFFFFFF0]  }
0x3f7: {  	v15 =	vmul.f32 v15, v8;
	v13 =	vld [tilespmem:s6+$0xFFFFFFF0]  }
0x3f8: {  	[tilespmem:s15+$0x0] =	vst v12;
	v14 =	vmul.f32 v9, v3;
	v9 =	vld [tilespmem:s14+$0x0]  }
0x3f9: {  	s11 =	sadd.s32 $0x40, s11;
	[tilespmem:s15+$0xFFFFFFE0] =	vst v15;
	v12 =	vld [tilespmem:s6+$0x0];
	v15 =	vmul.f32 v16, v5  }
0x3fa: {  	v16 =	vld [tilespmem:s6+$0xFFFFFFE0];
	_ =	sdelay $0x2  }
0x3fb: {  	s2 =	sadd.s32 $0x40, s14;
	[tilespmem:s6+$0x10] =	vst v15;
	v13 =	vmul.f32 v13, v7  }
0x3fc: {  	[tilespmem:s9+$0xFFFFFFE0] =	vst v14;
	v14 =	vld [tilespmem:s2+$0x10];
	v12 =	vmul.f32 v12, v6  }
0x3fd: {  	[tilespmem:s6+$0xFFFFFFF0] =	vst v13;
	v13 =	vld [tilespmem:s1+$0xFFFFFFE0];
	v15 =	vmul.f32 v16, v8  }
0x3fe: {  	v1 =	vmul.f32 v11, v1;
	v11 =	vld [tilespmem:s2+$0xFFFFFFF0];
	[tilespmem:s6+$0x0] =	vst v12  }
0x3ff: {  	v4 =	vmul.f32 v10, v4;
	v10 =	vld [tilespmem:s2+$0x0];
	[tilespmem:s6+$0xFFFFFFE0] =	vst v15  }
0x400: {  	[tilespmem:s8+$0xFFFFFFE0] =	vst v1;
	v1 =	vmul.f32 v9, v2;
	v2 =	vld [tilespmem:s2+$0xFFFFFFE0]  }
0x401: {  	[tilespmem:s1+$0xFFFFFFF0] =	vst v4;
	v4 =	vmul.f32 v14, v5  }
0x402: {  	[tilespmem:s1+$0x0] =	vst v1;
	v1 =	vmul.f32 v13, v3  }
0x403: {  	[tilespmem:s2+$0x10] =	vst v4;
	v3 =	vmul.f32 v11, v7  }
0x404: {  	[tilespmem:s1+$0xFFFFFFE0] =	vst v1;
	v1 =	vmul.f32 v10, v6  }
0x405: {  	[tilespmem:s2+$0xFFFFFFF0] =	vst v3;
	v2 =	vmul.f32 v2, v8  }
0x406: {  	[tilespmem:s2+$0x0] =	vst v1  }
0x407: {  	s17 =	rddreg [dreg:$0x8];
	s19 =	simm.s32 $0x380;
	[tilespmem:s2+$0xFFFFFFE0] =	vst v2  }
0x408: {  	[spmem:s17] =	stream.indirect.scatter.add.f32 [tilespmem:s10], [sflag:$0x5], $0x1, s28, s19, $0xb8;
	[tilespmem:$0x1D780] =	vst v63  }
0x409: {  	s2 =	rddreg [dreg:$0x9]  }
0x40a: {  	[spmem:s2] =	stream.indirect.scatter.add.f32 [tilespmem:s13], [sflag:$0x5], $0x1, s28, s19, $0xb8;
	[tilespmem:$0x1D780] =	vst v63  }
0x40b: {  	s9 =	simm.s32 $0x4000;
	s6 =	rddreg [dreg:$0xa]  }
0x40c: {  	[spmem:s6] =	stream.indirect.scatter.add.f32 [tilespmem:s9], [sflag:$0x5], $0x1, s28, s19, $0xb8;
	[tilespmem:$0x1D780] =	vst v63  }
0x40d: {  	s11 =	rddreg [dreg:$0xb];
	s14 =	simm.s32 $0x6000  }
0x40e: {  	[spmem:s11] =	stream.indirect.scatter.add.f32 [tilespmem:s14], [sflag:$0x5], $0x1, s28, s19, $0xb8;
	[tilespmem:$0x1D780] =	vst v63  }
0x40f: {  	_ =	swait.ge [sflag:s18], $0x380  }
0x410: {  	[sflag:s18] =	ssyncset.done $0x0  }
0x411: {  	[sflag:s18] =	ssyncadd.s32 $0xFFFFFC80  }
0x412: {  	_ =	swait.ge [sflag:s18], $0x380  }
0x413: {  	[sflag:s18] =	ssyncset.done $0x0  }
0x414: {  	[sflag:s18] =	ssyncadd.s32 $0xFFFFFC80  }
0x415: {  	_ =	swait.ge [sflag:s18], $0x380  }
0x416: {  	[sflag:s18] =	ssyncset.done $0x0  }
0x417: {  	[sflag:s18] =	ssyncadd.s32 $0xFFFFFC80  }
0x418: {  	_ =	swait.ge [sflag:s18], $0x380  }
0x419: {  	s15 =	sld [smem:$0x7EF]  }
0x41a: {  	[sflag:s18] =	ssyncset.done $0x0  }
0x41b: {  	s17 =	sld [smem:$0x7F0];
	[sflag:s18] =	ssyncadd.s32 $0xFFFFFC80  }
0x41c: {  	[tilespmem:s10], [sflag:$0x5] =	stream.linear.gather [hbm4b:s15+s10], $0x380, $0x38;
	[tilespmem:$0x1D780] =	vst v63  }
0x41d: {  	s19 =	sld [smem:$0x7F1]  }
0x41e: {  	[tilespmem:s13], [sflag:$0x5] =	stream.linear.gather [hbm4b:s17+s10], $0x380, $0x38;
	[tilespmem:$0x1D780] =	vst v63  }
0x41f: {  	s8 =	sld [smem:$0x7F2]  }
0x420: {  	[tilespmem:s9], [sflag:$0x5] =	stream.linear.gather [hbm4b:s19+s10], $0x380, $0x38;
	[tilespmem:$0x1D780] =	vst v63  }
0x421: {  	s9 =	sld [smem:$0x7F3]  }
0x422: {  	[tilespmem:s14], [sflag:$0x5] =	stream.linear.gather [hbm4b:s8+s10], $0x380, $0x38;
	[tilespmem:$0x1D780] =	vst v63  }
0x423: {  	_ = 	snop  }
0x424: {  	[tilespmem:s28], [sflag:$0x5] =	stream.linear.gather [hbm4b:s9+s10], $0x380, $0x38;
	[tilespmem:$0x1D780] =	vst v63  }
0x425: {  	_ =	swait.ge [sflag:s18], $0x380  }
0x426: {  	[sflag:s18] =	ssyncset.done $0x0  }
0x427: {  	[sflag:s18] =	ssyncadd.s32 $0xFFFFFC80  }
0x428: {  	_ =	swait.ge [sflag:s18], $0x380  }
0x429: {  	[sflag:s18] =	ssyncset.done $0x0  }
0x42a: {  	[sflag:s18] =	ssyncadd.s32 $0xFFFFFC80  }
0x42b: {  	_ =	swait.ge [sflag:s18], $0x380  }
0x42c: {  	[sflag:s18] =	ssyncset.done $0x0  }
0x42d: {  	[sflag:s18] =	ssyncadd.s32 $0xFFFFFC80  }
0x42e: {  	_ =	swait.ge [sflag:s18], $0x380  }
0x42f: {  	[sflag:s18] =	ssyncset.done $0x0  }
0x430: {  	[sflag:s18] =	ssyncadd.s32 $0xFFFFFC80  }
0x431: {  	_ =	swait.ge [sflag:s18], $0x380  }
0x432: {  	[sflag:s18] =	ssyncset.done $0x0  }
0x433: {  	s11 =	simm.s32 $0x6020;
	[sflag:s18] =	ssyncadd.s32 $0xFFFFFC80  }
0x434: {  	s14 =	simm.s32 $0x20;
	v6 =	vld [tilespmem:s11+$0x10]  }
0x435: {  	v1 =	vld [tilespmem:s14+$0x10]  }
0x436: {  	v8 =	vld [tilespmem:s11+$0xFFFFFFF0]  }
0x437: {  	v2 =	vld [tilespmem:s14+$0xFFFFFFF0]  }
0x438: {  	v9 =	vld [tilespmem:s11+$0x0]  }
0x439: {  	v3 =	vld [tilespmem:s14+$0x0];
	_ =	sdelay $0x2  }
0x43a: {  	s15 =	simm.s32 $0x6060;
	v5 =	vld [tilespmem:s14+$0xFFFFFFE0];
	v1 =	vmul.f32 v1, v6  }
0x43b: {  	v11 =	vld [tilespmem:s15+$0x10];
	v2 =	vmul.f32 v2, v8  }
0x43c: {  	s6 =	simm.s32 $0x2020;
	v3 =	vmul.f32 v3, v9;
	[tilespmem:s14+$0x10] =	vst v1;
	v1 =	vld [tilespmem:s11+$0xFFFFFFE0]  }
0x43d: {  	[tilespmem:s14+$0xFFFFFFF0] =	vst v2;
	v4 =	vld [tilespmem:s6+$0x10]  }
0x43e: {  	[tilespmem:s14+$0x0] =	vst v3;
	v7 =	vld [tilespmem:s6+$0xFFFFFFF0]  }
0x43f: {  	s11 =	simm.s32 $0x60;
	v10 =	vld [tilespmem:s6+$0x0]  }
0x440: {  	v3 =	vld [tilespmem:s11+$0x10]  }
0x441: {  	v13 =	vld [tilespmem:s11+$0xFFFFFFF0]  }
0x442: {  	v15 =	vld [tilespmem:s11+$0x0]  }
0x443: {  	v16 =	vld [tilespmem:s11+$0xFFFFFFE0];
	v5 =	vmul.f32 v5, v1  }
0x444: {  	v2 =	vmul.f32 v4, v6;
	v4 =	vld [tilespmem:s15+$0xFFFFFFF0]  }
0x445: {  	v14 =	vmul.f32 v3, v11;
	v7 =	vmul.f32 v7, v8;
	v3 =	vld [tilespmem:s15+$0xFFFFFFE0];
	[tilespmem:s14+$0xFFFFFFE0] =	vst v5  }
0x446: {  	[tilespmem:s6+$0x10] =	vst v2;
	v2 =	vld [tilespmem:s15+$0x0]  }
0x447: {  	s8 =	simm.s32 $0x4020;
	[tilespmem:s6+$0xFFFFFFF0] =	vst v7;
	v7 =	vmul.f32 v10, v9;
	v10 =	vld [tilespmem:s6+$0xFFFFFFE0]  }
0x448: {  	v12 =	vld [tilespmem:s8+$0x10]  }
0x449: {  	[tilespmem:s11+$0x10] =	vst v14;
	s15 =	simm.s32 $0xA0;
	v14 =	vld [tilespmem:s8+$0xFFFFFFF0]  }
0x44a: {  	s9 =	simm.s32 $0x2060;
	v19 =	vld [tilespmem:s15+$0xFFFFFFE0];
	v5 =	vmul.f32 v13, v4  }
0x44b: {  	[tilespmem:s6+$0x0] =	vst v7;
	v13 =	vld [tilespmem:s9+$0x10]  }
0x44c: {  	v17 =	vld [tilespmem:s8+$0x0];
	[tilespmem:s11+$0xFFFFFFF0] =	vst v5;
	v5 =	vmul.f32 v15, v2  }
0x44d: {  	s19 =	simm.s32 $0x60A0;
	v15 =	vld [tilespmem:s9+$0xFFFFFFF0]  }
0x44e: {  	[tilespmem:s11+$0x0] =	vst v5;
	v5 =	vld [tilespmem:s19+$0x10]  }
0x44f: {  	v6 =	vmul.f32 v12, v6;
	v18 =	vld [tilespmem:s9+$0x0]  }
0x450: {  	v7 =	vmul.f32 v13, v11;
	v13 =	vld [tilespmem:s15+$0x10]  }
0x451: {  	[tilespmem:s8+$0x10] =	vst v6;
	v6 =	vmul.f32 v10, v1;
	v10 =	vld [tilespmem:s15+$0xFFFFFFF0]  }
0x452: {  	v16 =	vmul.f32 v16, v3;
	[tilespmem:s9+$0x10] =	vst v7;
	v7 =	vld [tilespmem:s19+$0xFFFFFFF0]  }
0x453: {  	s14 =	simm.s32 $0x4060;
	v8 =	vmul.f32 v14, v8;
	[tilespmem:s6+$0xFFFFFFE0] =	vst v6;
	v6 =	vld [tilespmem:s19+$0x0]  }
0x454: {  	[tilespmem:s11+$0xFFFFFFE0] =	vst v16;
	v12 =	vld [tilespmem:s14+$0x10];
	v14 =	vmul.f32 v15, v4  }
0x455: {  	[tilespmem:s8+$0xFFFFFFF0] =	vst v8;
	v15 =	vld [tilespmem:s15+$0x0];
	v13 =	vmul.f32 v13, v5  }
0x456: {  	v9 =	vmul.f32 v17, v9;
	v8 =	vld [tilespmem:s19+$0xFFFFFFE0];
	[tilespmem:s9+$0xFFFFFFF0] =	vst v14  }
0x457: {  	v16 =	vld [tilespmem:s9+$0xFFFFFFE0];
	s6 =	simm.s32 $0x20A0;
	v14 =	vmul.f32 v18, v2;
	[tilespmem:s15+$0x10] =	vst v13  }
0x458: {  	[tilespmem:s8+$0x0] =	vst v9;
	v9 =	vmul.f32 v10, v7;
	v17 =	vld [tilespmem:s6+$0x10]  }
0x459: {  	[tilespmem:s9+$0x0] =	vst v14;
	v12 =	vmul.f32 v12, v11;
	v11 =	vld [tilespmem:s8+$0xFFFFFFE0]  }
0x45a: {  	v10 =	vld [tilespmem:s14+$0xFFFFFFF0];
	[tilespmem:s15+$0xFFFFFFF0] =	vst v9;
	v9 =	vmul.f32 v15, v6  }
0x45b: {  	[tilespmem:s14+$0x10] =	vst v12;
	v12 =	vmul.f32 v19, v8;
	v13 =	vld [tilespmem:s6+$0xFFFFFFF0]  }
0x45c: {  	s1 =	simm.s32 $0x4060;
	v14 =	vmul.f32 v16, v3;
	[tilespmem:s15+$0x0] =	vst v9;
	v9 =	vld [tilespmem:s14+$0x0]  }
0x45d: {  	s2 =	simm.s32 $0x8;
	s17 =	simm.s32 $0x6000;
	s11 =	simm.s32 $0x60E0;
	[tilespmem:s15+$0xFFFFFFE0] =	vst v12;
	v12 =	vld [tilespmem:s6+$0x0];
	v15 =	vmul.f32 v17, v5  }
.LBB2_22:
0x45e: {  	v16 =	vld [tilespmem:s11+$0x10];
	s15 =	sadd.s32 $0x40, s15;
	[tilespmem:s9+$0xFFFFFFE0] =	vst v14;
	v11 =	vmul.f32 v11, v1;
	v1 =	vmov v3;
	v3 =	vmov v8;
	s9 =	smov.u32 s6  }
0x45f: {  	s14 =	sadd.s32 $0x40, s14;
	v8 =	vld [tilespmem:s15+$0x10];
	[tilespmem:s6+$0x10] =	vst v15;
	v10 =	vmul.f32 v10, v4;
	v4 =	vmov v7  }
0x460: {  	s2 =	sadd.s32 $0x4, s2;
	v13 =	vmul.f32 v13, v4;
	v14 =	vld [tilespmem:s14+$0x10];
	[tilespmem:s8+$0xFFFFFFE0] =	vst v11;
	s8 =	smov.u32 s1;
	s1 =	smov.u32 s14  }
0x461: {  	p0 =	slt.u32 s2, $0x34;
	v15 =	vld [tilespmem:s15+$0xFFFFFFE0];
	[tilespmem:s8+$0xFFFFFFF0] =	vst v10;
	v9 =	vmul.f32 v9, v2;
	v2 =	vmov v6  }
0x462: {  	v7 =	vld [tilespmem:s11+$0xFFFFFFF0];
	[tilespmem:s6+$0xFFFFFFF0] =	vst v13;
	v10 =	vmul.f32 v12, v2  }
0x463: {  	v11 =	vld [tilespmem:s15+$0xFFFFFFF0];
	[tilespmem:s8+$0x0] =	vst v9  }
0x464: {  	v6 =	vld [tilespmem:s11+$0x0];
	v9 =	vmul.f32 v8, v16;
	[tilespmem:s6+$0x0] =	vst v10  }
0x465: {  	v10 =	vld [tilespmem:s15+$0x0];
	v12 =	vmul.f32 v14, v5;
	v5 =	vmov v16  }
0x466: {  	v8 =	vld [tilespmem:s11+$0xFFFFFFE0];
	[tilespmem:s15+$0x10] =	vst v9  }
0x467: {  	s6 =	sadd.s32 $0x40, s6;
	v9 =	vld [tilespmem:s9+$0xFFFFFFE0];
	[tilespmem:s14+$0x10] =	vst v12  }
0x468: {  	v12 =	vmul.f32 v11, v7;
	v16 =	vld [tilespmem:s6+$0x10]  }
.Ltmp10:
0x469: {  	v11 =	vld [tilespmem:s8+$0xFFFFFFE0];
	(pc) =	sbr.rel @p0 .LBB2_22-.Ltmp10, $4  }
0x46a: {  	[tilespmem:s15+$0xFFFFFFF0] =	vst v12;
	v12 =	vmul.f32 v10, v6;
	v10 =	vld [tilespmem:s14+$0xFFFFFFF0]  }
0x46b: {  	v15 =	vmul.f32 v15, v8;
	v13 =	vld [tilespmem:s6+$0xFFFFFFF0]  }
0x46c: {  	[tilespmem:s15+$0x0] =	vst v12;
	v14 =	vmul.f32 v9, v3;
	v9 =	vld [tilespmem:s14+$0x0]  }
0x46d: {  	s11 =	sadd.s32 $0x40, s11;
	[tilespmem:s15+$0xFFFFFFE0] =	vst v15;
	v12 =	vld [tilespmem:s6+$0x0];
	v15 =	vmul.f32 v16, v5  }
0x46e: {  	v16 =	vld [tilespmem:s6+$0xFFFFFFE0];
	_ =	sdelay $0x2  }
0x46f: {  	s2 =	sadd.s32 $0x40, s14;
	[tilespmem:s6+$0x10] =	vst v15;
	v13 =	vmul.f32 v13, v7  }
0x470: {  	[tilespmem:s9+$0xFFFFFFE0] =	vst v14;
	v14 =	vld [tilespmem:s2+$0x10];
	v12 =	vmul.f32 v12, v6  }
0x471: {  	[tilespmem:s6+$0xFFFFFFF0] =	vst v13;
	v13 =	vld [tilespmem:s1+$0xFFFFFFE0];
	v15 =	vmul.f32 v16, v8  }
0x472: {  	v1 =	vmul.f32 v11, v1;
	v11 =	vld [tilespmem:s2+$0xFFFFFFF0];
	[tilespmem:s6+$0x0] =	vst v12  }
0x473: {  	v4 =	vmul.f32 v10, v4;
	v10 =	vld [tilespmem:s2+$0x0];
	[tilespmem:s6+$0xFFFFFFE0] =	vst v15  }
0x474: {  	[tilespmem:s8+$0xFFFFFFE0] =	vst v1;
	v1 =	vmul.f32 v9, v2;
	v2 =	vld [tilespmem:s2+$0xFFFFFFE0]  }
0x475: {  	[tilespmem:s1+$0xFFFFFFF0] =	vst v4;
	v4 =	vmul.f32 v14, v5  }
0x476: {  	[tilespmem:s1+$0x0] =	vst v1;
	v1 =	vmul.f32 v13, v3  }
0x477: {  	[tilespmem:s2+$0x10] =	vst v4;
	v3 =	vmul.f32 v11, v7  }
0x478: {  	[tilespmem:s1+$0xFFFFFFE0] =	vst v1;
	v1 =	vmul.f32 v10, v6  }
0x479: {  	[tilespmem:s2+$0xFFFFFFF0] =	vst v3;
	v2 =	vmul.f32 v2, v8  }
0x47a: {  	[tilespmem:s2+$0x0] =	vst v1  }
0x47b: {  	s9 =	rddreg [dreg:$0x8];
	s11 =	simm.s32 $0x380;
	[tilespmem:s2+$0xFFFFFFE0] =	vst v2  }
0x47c: {  	[spmem:s9] =	stream.indirect.scatter.add.f32 [tilespmem:s10], [sflag:$0x5], $0x1, s28, s11, $0xb8;
	[tilespmem:$0x1D780] =	vst v63  }
0x47d: {  	s14 =	rddreg [dreg:$0x9]  }
0x47e: {  	[spmem:s14] =	stream.indirect.scatter.add.f32 [tilespmem:s13], [sflag:$0x5], $0x1, s28, s11, $0xb8;
	[tilespmem:$0x1D780] =	vst v63  }
0x47f: {  	s15 =	rddreg [dreg:$0xa];
	s19 =	simm.s32 $0x4000  }
0x480: {  	[spmem:s15] =	stream.indirect.scatter.add.f32 [tilespmem:s19], [sflag:$0x5], $0x1, s28, s11, $0xb8;
	[tilespmem:$0x1D780] =	vst v63  }
0x481: {  	s2 =	rddreg [dreg:$0xb]  }
0x482: {  	[spmem:s2] =	stream.indirect.scatter.add.f32 [tilespmem:s17], [sflag:$0x5], $0x1, s28, s11, $0xb8;
	[tilespmem:$0x1D780] =	vst v63  }
0x483: {  	_ =	swait.ge [sflag:s18], $0x380  }
0x484: {  	[sflag:s18] =	ssyncset.done $0x0  }
0x485: {  	[sflag:s18] =	ssyncadd.s32 $0xFFFFFC80  }
0x486: {  	_ =	swait.ge [sflag:s18], $0x380  }
0x487: {  	[sflag:s18] =	ssyncset.done $0x0  }
0x488: {  	[sflag:s18] =	ssyncadd.s32 $0xFFFFFC80  }
0x489: {  	_ =	swait.ge [sflag:s18], $0x380  }
0x48a: {  	[sflag:s18] =	ssyncset.done $0x0  }
0x48b: {  	[sflag:s18] =	ssyncadd.s32 $0xFFFFFC80  }
0x48c: {  	_ =	swait.ge [sflag:s18], $0x380  }
0x48d: {  	[sflag:s18] =	ssyncset.done $0x0  }
0x48e: {  	[sflag:s18] =	ssyncadd.s32 $0xFFFFFC80  }
0x48f: {  	[bflag:$0x0] =	sbarrier.arrive $0xFFFF  }
0x490: {  	s8 =	sld [smem:$0x7F5];
	_ =	sdelay $0x1  }
0x491: {  	s9 =	simm.s32 $0x14380;
	s11 =	simm.s32 $0x7  }
0x492: {  	[tilespmem:s9], [sflag:$0x7] =	stream.linear.gather [spmem:s8], $0xC80, $0x38;
	[tilespmem:$0x1D780] =	vst v63  }
0x493: {  	_ =	swait.ge [sflag:s11], $0xC80  }
0x494: {  	s14 =	sld [smem:$0x7F6]  }
0x495: {  	[sflag:s11] =	ssyncset.done $0x0  }
0x496: {  	s15 =	simm.s32 $0x15000;
	[sflag:s11] =	ssyncadd.s32 $0xFFFFF380  }
0x497: {  	[tilespmem:s15], [sflag:$0x7] =	stream.linear.gather [spmem:s14], $0xC80, $0x38;
	[tilespmem:$0x1D780] =	vst v63  }
0x498: {  	_ =	swait.ge [sflag:s11], $0xC80  }
0x499: {  	s18 =	sld [smem:$0x7F7]  }
0x49a: {  	[sflag:s11] =	ssyncset.done $0x0  }
0x49b: {  	s19 =	simm.s32 $0x15C80;
	[sflag:s11] =	ssyncadd.s32 $0xFFFFF380  }
0x49c: {  	[tilespmem:s19], [sflag:$0x7] =	stream.linear.gather [spmem:s18], $0xC80, $0x38;
	[tilespmem:$0x1D780] =	vst v63  }
0x49d: {  	_ =	swait.ge [sflag:s11], $0xC80  }
0x49e: {  	s6 =	sld [smem:$0x7F8]  }
0x49f: {  	[sflag:s11] =	ssyncset.done $0x0  }
0x4a0: {  	s8 =	simm.s32 $0x16900;
	[sflag:s11] =	ssyncadd.s32 $0xFFFFF380  }
0x4a1: {  	[tilespmem:s8], [sflag:$0x7] =	stream.linear.gather [spmem:s6], $0xC80, $0x38;
	[tilespmem:$0x1D780] =	vst v63  }
0x4a2: {  	_ =	swait.ge [sflag:s11], $0xC80  }
0x4a3: {  	[sflag:s11] =	ssyncset.done $0x0  }
0x4a4: {  	s9 =	simm.s32 $0x16920;
	[sflag:s11] =	ssyncadd.s32 $0xFFFFF380  }
0x4a5: {  	v1 =	vld [tilespmem:s9+$0x10]  }
0x4a6: {  	v2 =	vld [tilespmem:s9+$0xFFFFFFF0]  }
0x4a7: {  	v3 =	vld [tilespmem:s9+$0x0]  }
0x4a8: {  	v4 =	vld [tilespmem:s9+$0xFFFFFFE0];
	_ =	sdelay $0x1  }
0x4a9: {  	vm0 =	vlt.f32 v1, $1.000000010e-10  }
0x4aa: {  	vm1 =	vlt.f32 v2, $1.000000010e-10;
	v1 =	vsel vm0, $0x3F800000, v1  }
0x4ab: {  	vm14 =	vlt.f32 v3, $1.000000010e-10;
	v2 =	vsel vm1, $0x3F800000, v2;
	(erf) = vrcp.f32 v1  }
0x4ac: {  	s15 =	simm.s32 $0x16960;
	vm15 =	vlt.f32 v4, $1.000000010e-10;
	v1 =	vsel vm14, $0x3F800000, v3;
	(erf) = vrcp.f32 v2  }
0x4ad: {  	v5 =	vld [tilespmem:s15+$0x10];
	v2 =	vsel vm15, $0x3F800000, v4;
	(erf) = vrcp.f32 v1  }
0x4ae: {  	v7 =	vld [tilespmem:s15+$0xFFFFFFF0];
	(erf) = vrcp.f32 v2  }
0x4af: {  	v9 =	vld [tilespmem:s15+$0x0]  }
0x4b0: {  	s11 =	simm.s32 $0x143A0;
	v10 =	vld [tilespmem:s15+$0xFFFFFFE0]  }
0x4b1: {  	s14 =	simm.s32 $0x169A0;
	v2 =	vld [tilespmem:s11+$0x10]  }
0x4b2: {  	v12 =	vld [tilespmem:s14+$0x10]  }
0x4b3: {  	vm4 =	vlt.f32 v5, $1.000000010e-10;
	v3 =	vld [tilespmem:s11+$0xFFFFFFE0]  }
0x4b4: {  	v14 =	vld [tilespmem:s14+$0xFFFFFFF0];
	vm5 =	vlt.f32 v7, $1.000000010e-10;
	v5 =	vsel vm4, $0x3F800000, v5;
	v6 =	vpop (erf)  }
0x4b5: {  	s19 =	simm.s32 $0x169E0;
	v17 =	vld [tilespmem:s14+$0x0];
	v7 =	vsel vm5, $0x3F800000, v7;
	(erf) = vrcp.f32 v5;
	v8 =	vpop (erf)  }
0x4b6: {  	v20 =	vld [tilespmem:s19+$0x10];
	v2 =	vmul.f32 v6, v2;
	(erf) = vrcp.f32 v7;
	v1 =	vpop (erf)  }
0x4b7: {  	v4 =	vld [tilespmem:s11+$0xFFFFFFF0];
	v11 =	vpop (erf)  }
0x4b8: {  	s6 =	simm.s32 $0x15020;
	vm6 =	vlt.f32 v9, $1.000000010e-10;
	v5 =	vld [tilespmem:s11+$0x0];
	[tilespmem:s11+$0x10] =	vst v2;
	v3 =	vmul.f32 v11, v3  }
0x4b9: {  	s18 =	simm.s32 $0x143E0;
	vm7 =	vlt.f32 v10, $1.000000010e-10;
	v2 =	vsel vm6, $0x3F800000, v9;
	v7 =	vld [tilespmem:s6+$0x10]  }
0x4ba: {  	(erf) = vrcp.f32 v2;
	v2 =	vld [tilespmem:s18+$0x10];
	[tilespmem:s11+$0xFFFFFFE0] =	vst v3;
	v3 =	vsel vm7, $0x3F800000, v10  }
0x4bb: {  	v10 =	vld [tilespmem:s18+$0xFFFFFFF0];
	(erf) = vrcp.f32 v3  }
0x4bc: {  	v4 =	vmul.f32 v8, v4;
	v9 =	vld [tilespmem:s6+$0xFFFFFFE0]  }
0x4bd: {  	v22 =	vld [tilespmem:s19+$0x0];
	v5 =	vmul.f32 v1, v5  }
0x4be: {  	[tilespmem:s11+$0xFFFFFFF0] =	vst v4;
	v4 =	vld [tilespmem:s18+$0xFFFFFFE0];
	v7 =	vmul.f32 v6, v7;
	v13 =	vpop (erf)  }
0x4bf: {  	vm8 =	vlt.f32 v12, $1.000000010e-10;
	v3 =	vld [tilespmem:s6+$0xFFFFFFF0];
	[tilespmem:s11+$0x0] =	vst v5;
	v15 =	vmul.f32 v13, v2;
	v56 =	vpop (erf)  }
0x4c0: {  	v12 =	vsel vm8, $0x3F800000, v12;
	[tilespmem:s6+$0x10] =	vst v7;
	v7 =	vld [tilespmem:s14+$0xFFFFFFE0];
	v5 =	vmul.f32 v56, v10  }
0x4c1: {  	s15 =	simm.s32 $0x15060;
	(erf) = vrcp.f32 v12;
	v10 =	vld [tilespmem:s18+$0x0];
	v9 =	vmul.f32 v11, v9;
	[tilespmem:s18+$0x10] =	vst v15  }
0x4c2: {  	vm9 =	vlt.f32 v14, $1.000000010e-10;
	v19 =	vld [tilespmem:s15+$0x10];
	[tilespmem:s18+$0xFFFFFFF0] =	vst v5  }
0x4c3: {  	s8 =	simm.s32 $0x15CA0;
	v14 =	vsel vm9, $0x3F800000, v14;
	v2 =	vpop (erf);
	[tilespmem:s6+$0xFFFFFFE0] =	vst v9;
	v9 =	vld [tilespmem:s15+$0xFFFFFFF0]  }
0x4c4: {  	vm10 =	vlt.f32 v17, $1.000000010e-10;
	(erf) = vrcp.f32 v14;
	v18 =	vld [tilespmem:s8+$0x10];
	v3 =	vmul.f32 v8, v3;
	v15 =	vpop (erf)  }
0x4c5: {  	s11 =	simm.s32 $0x14420;
	v5 =	vsel vm10, $0x3F800000, v17;
	v14 =	vld [tilespmem:s8+$0xFFFFFFE0];
	v4 =	vmul.f32 v15, v4  }
0x4c6: {  	(erf) = vrcp.f32 v5;
	[tilespmem:s6+$0xFFFFFFF0] =	vst v3;
	v5 =	vld [tilespmem:s11+$0x10];
	vm11 =	vlt.f32 v7, $1.000000010e-10;
	v10 =	vmul.f32 v2, v10  }
0x4c7: {  	v7 =	vsel vm11, $0x3F800000, v7;
	v3 =	vmul.f32 v13, v19;
	[tilespmem:s18+$0xFFFFFFE0] =	vst v4;
	v4 =	vld [tilespmem:s6+$0x0]  }
0x4c8: {  	(erf) = vrcp.f32 v7;
	[tilespmem:s18+$0x0] =	vst v10;
	v9 =	vmul.f32 v56, v9;
	v12 =	vld [tilespmem:s15+$0xFFFFFFE0]  }
0x4c9: {  	v59 =	vld [tilespmem:s11+$0xFFFFFFF0];
	[tilespmem:s15+$0x10] =	vst v3;
	v3 =	vmul.f32 v18, v6  }
0x4ca: {  	s9 =	simm.s32 $0x15CE0;
	v7 =	vld [tilespmem:s8+$0xFFFFFFF0];
	v6 =	vpop (erf);
	v11 =	vmul.f32 v14, v11;
	[tilespmem:s15+$0xFFFFFFF0] =	vst v9  }
0x4cb: {  	v57 =	vld [tilespmem:s9+$0x10];
	v21 =	vmul.f32 v6, v5;
	[tilespmem:s8+$0x10] =	vst v3  }
0x4cc: {  	v60 =	vld [tilespmem:s11+$0x0];
	[tilespmem:s8+$0xFFFFFFE0] =	vst v11;
	v4 =	vmul.f32 v1, v4  }
0x4cd: {  	v58 =	vld [tilespmem:s11+$0xFFFFFFE0];
	[tilespmem:s11+$0x10] =	vst v21;
	v3 =	vpop (erf);
	v10 =	vmul.f32 v15, v12  }
0x4ce: {  	v12 =	vld [tilespmem:s19+$0xFFFFFFF0];
	v9 =	vmul.f32 v3, v59;
	[tilespmem:s6+$0x0] =	vst v4  }
0x4cf: {  	v14 =	vld [tilespmem:s15+$0x0];
	v7 =	vmul.f32 v7, v8;
	[tilespmem:s15+$0xFFFFFFE0] =	vst v10  }
0x4d0: {  	v10 =	vld [tilespmem:s19+$0xFFFFFFE0];
	[tilespmem:s11+$0xFFFFFFF0] =	vst v9;
	v9 =	vmul.f32 v57, v13;
	v4 =	vpop (erf)  }
0x4d1: {  	[tilespmem:s8+$0xFFFFFFF0] =	vst v7;
	s19 =	simm.s32 $0x150A0;
	v5 =	vpop (erf);
	v13 =	vmul.f32 v4, v60  }
0x4d2: {  	vm12 =	vlt.f32 v20, $1.000000010e-10;
	v61 =	vld [tilespmem:s19+$0x10];
	[tilespmem:s9+$0x10] =	vst v9;
	v18 =	vmul.f32 v5, v58  }
0x4d3: {  	vm14 =	vlt.f32 v22, $1.000000010e-10;
	v7 =	vsel vm12, $0x3F800000, v20;
	vm13 =	vlt.f32 v12, $1.000000010e-10;
	[tilespmem:s11+$0x0] =	vst v13  }
0x4d4: {  	(erf) = vrcp.f32 v7;
	v11 =	vld [tilespmem:s19+$0xFFFFFFF0];
	v9 =	vsel vm13, $0x3F800000, v12;
	v13 =	vmul.f32 v2, v14;
	[tilespmem:s11+$0xFFFFFFE0] =	vst v18  }
0x4d5: {  	v14 =	vsel vm14, $0x3F800000, v22;
	(erf) = vrcp.f32 v9;
	vm15 =	vlt.f32 v10, $1.000000010e-10;
	v8 =	vld [tilespmem:s19+$0xFFFFFFE0]  }
0x4d6: {  	v62 =	vld [tilespmem:s9+$0xFFFFFFE0];
	(erf) = vrcp.f32 v14;
	v10 =	vsel vm15, $0x3F800000, v10  }
0x4d7: {  	v63 =	vld [tilespmem:s9+$0xFFFFFFF0];
	v12 =	vmul.f32 v6, v61;
	(erf) = vrcp.f32 v10  }
0x4d8: {  	s14 =	simm.s32 $0x14460;
	v7 =	vld [tilespmem:s8+$0x0]  }
0x4d9: {  	s18 =	simm.s32 $0x15D20;
	v9 =	vld [tilespmem:s14+$0x10];
	v14 =	vmul.f32 v3, v11;
	[tilespmem:s19+$0x10] =	vst v12  }
0x4da: {  	[tilespmem:s15+$0x0] =	vst v13;
	v12 =	vmul.f32 v5, v8;
	v8 =	vld [tilespmem:s18+$0x10]  }
0x4db: {  	v13 =	vmul.f32 v62, v15;
	v11 =	vld [tilespmem:s14+$0xFFFFFFF0];
	[tilespmem:s19+$0xFFFFFFF0] =	vst v14  }
0x4dc: {  	s1 =	simm.s32 $0xC;
	s6 =	simm.s32 $0x16A20;
	s15 =	simm.s32 $0x150A0;
	v10 =	vld [tilespmem:s14+$0xFFFFFFE0];
	[tilespmem:s19+$0xFFFFFFE0] =	vst v12;
	v12 =	vmul.f32 v63, v56  }
.LBB2_24:
0x4dd: {  	v14 =	vld [tilespmem:s6+$0x10];
	v15 =	vpop (erf);
	[tilespmem:s9+$0xFFFFFFE0] =	vst v13;
	v7 =	vmul.f32 v7, v1;
	v1 =	vmov v2;
	v2 =	vmov v4  }
0x4de: {  	s1 =	sadd.s32 $0x4, s1;
	v13 =	vld [tilespmem:s6+$0xFFFFFFF0];
	v9 =	vmul.f32 v15, v9;
	v16 =	vpop (erf);
	[tilespmem:s9+$0xFFFFFFF0] =	vst v12  }
0x4df: {  	p0 =	slt.u32 s1, $0xC4;
	v12 =	vld [tilespmem:s6+$0x0];
	v4 =	vpop (erf);
	v8 =	vmul.f32 v8, v6;
	[tilespmem:s8+$0x0] =	vst v7;
	v6 =	vmov v15;
	s8 =	smov.u32 s9;
	s9 =	smov.u32 s18  }
0x4e0: {  	v7 =	vld [tilespmem:s6+$0xFFFFFFE0];
	[tilespmem:s14+$0x10] =	vst v9;
	v15 =	vpop (erf)  }
0x4e1: {  	s19 =	sadd.s32 $0x40, s19;
	v9 =	vmul.f32 v15, v10;
	v10 =	vmul.f32 v16, v11;
	v11 =	vld [tilespmem:s14+$0x0];
	[tilespmem:s18+$0x10] =	vst v8  }
0x4e2: {  	vm0 =	vlt.f32 v14, $1.000000010e-10;
	v8 =	vld [tilespmem:s19+$0x10]  }
0x4e3: {  	vm1 =	vlt.f32 v13, $1.000000010e-10;
	v14 =	vsel vm0, $0x3F800000, v14;
	[tilespmem:s14+$0xFFFFFFE0] =	vst v9;
	v9 =	vld [tilespmem:s15+$0x0]  }
0x4e4: {  	v13 =	vsel vm1, $0x3F800000, v13;
	vm0 =	vlt.f32 v12, $1.000000010e-10;
	(erf) = vrcp.f32 v14;
	v14 =	vld [tilespmem:s19+$0xFFFFFFE0];
	[tilespmem:s14+$0xFFFFFFF0] =	vst v10  }
0x4e5: {  	vm1 =	vlt.f32 v7, $1.000000010e-10;
	v10 =	vsel vm0, $0x3F800000, v12;
	(erf) = vrcp.f32 v13;
	v12 =	vld [tilespmem:s19+$0xFFFFFFF0]  }
0x4e6: {  	v7 =	vsel vm1, $0x3F800000, v7;
	(erf) = vrcp.f32 v10;
	v10 =	vmul.f32 v4, v11;
	v11 =	vld [tilespmem:s18+$0xFFFFFFE0]  }
0x4e7: {  	(erf) = vrcp.f32 v7;
	v8 =	vmul.f32 v6, v8;
	v17 =	vld [tilespmem:s18+$0xFFFFFFF0]  }
.Ltmp11:
0x4e8: {  	[tilespmem:s14+$0x0] =	vst v10;
	s14 =	sadd.s32 $0x40, s14;
	v10 =	vmul.f32 v2, v9;
	v7 =	vld [tilespmem:s8+$0x0];
	(pc) =	sbr.rel @p0 .LBB2_24-.Ltmp11, $4  }
0x4e9: {  	s18 =	sadd.s32 $0x40, s18;
	v9 =	vld [tilespmem:s14+$0x10];
	v13 =	vmul.f32 v15, v14;
	[tilespmem:s19+$0x10] =	vst v8  }
0x4ea: {  	v12 =	vmul.f32 v16, v12;
	v8 =	vld [tilespmem:s18+$0x10];
	[tilespmem:s15+$0x0] =	vst v10;
	s15 =	smov.u32 s19  }
0x4eb: {  	v10 =	vld [tilespmem:s14+$0xFFFFFFE0];
	[tilespmem:s19+$0xFFFFFFE0] =	vst v13;
	v13 =	vmul.f32 v11, v5;
	v5 =	vmov v15  }
0x4ec: {  	s6 =	sadd.s32 $0x40, s6;
	v11 =	vld [tilespmem:s14+$0xFFFFFFF0];
	[tilespmem:s19+$0xFFFFFFF0] =	vst v12;
	v12 =	vmul.f32 v17, v3;
	v3 =	vmov v16  }
0x4ed: {  	v14 =	vpop (erf)  }
0x4ee: {  	v17 =	vld [tilespmem:s14+$0x0];
	v15 =	vpop (erf)  }
0x4ef: {  	v16 =	vpop (erf)  }
0x4f0: {  	v9 =	vmul.f32 v14, v9;
	v18 =	vpop (erf)  }
0x4f1: {  	v10 =	vmul.f32 v18, v10  }
0x4f2: {  	s1 =	sadd.s32 $0x40, s19;
	v55 =	vld [tilespmem:s15+$0x0];
	[tilespmem:s14+$0x10] =	vst v9;
	v50 =	vmul.f32 v15, v11  }
0x4f3: {  	v51 =	vld [tilespmem:s1+$0x10];
	v53 =	vmul.f32 v16, v17;
	[tilespmem:s14+$0xFFFFFFE0] =	vst v10  }
0x4f4: {  	[tilespmem:s14+$0xFFFFFFF0] =	vst v50;
	v52 =	vld [tilespmem:s1+$0xFFFFFFE0]  }
0x4f5: {  	v1 =	vmul.f32 v7, v1;
	v54 =	vld [tilespmem:s1+$0xFFFFFFF0];
	[tilespmem:s14+$0x0] =	vst v53  }
0x4f6: {  	[tilespmem:s9+$0xFFFFFFE0] =	vst v13;
	v56 =	vld [tilespmem:s1+$0x0]  }
0x4f7: {  	[tilespmem:s8+$0x0] =	vst v1;
	v1 =	vld [tilespmem:s18+$0xFFFFFFE0];
	v7 =	vmul.f32 v4, v55  }
0x4f8: {  	v57 =	vld [tilespmem:s18+$0xFFFFFFF0];
	[tilespmem:s9+$0xFFFFFFF0] =	vst v12;
	v10 =	vmul.f32 v14, v51  }
0x4f9: {  	v58 =	vld [tilespmem:s9+$0x0];
	[tilespmem:s15+$0x0] =	vst v7;
	v9 =	vmul.f32 v18, v52  }
0x4fa: {  	s2 =	sadd.s32 $0x40, s18;
	[tilespmem:s1+$0x10] =	vst v10;
	v59 =	vmul.f32 v15, v54  }
0x4fb: {  	v6 =	vmul.f32 v8, v6;
	v60 =	vld [tilespmem:s2+$0x10];
	v8 =	vmul.f32 v16, v56;
	[tilespmem:s1+$0xFFFFFFE0] =	vst v9  }
0x4fc: {  	v1 =	vmul.f32 v1, v5;
	[tilespmem:s1+$0xFFFFFFF0] =	vst v59;
	v61 =	vld [tilespmem:s2+$0xFFFFFFE0]  }
0x4fd: {  	v62 =	vld [tilespmem:s2+$0xFFFFFFF0];
	[tilespmem:s1+$0x0] =	vst v8  }
0x4fe: {  	v3 =	vmul.f32 v57, v3;
	[tilespmem:s18+$0xFFFFFFE0] =	vst v1;
	v1 =	vmul.f32 v58, v2;
	v2 =	vld [tilespmem:s2+$0x0]  }
0x4ff: {  	[tilespmem:s18+$0x10] =	vst v6;
	v63 =	vld [tilespmem:s18+$0x0]  }
0x500: {  	[tilespmem:s18+$0xFFFFFFF0] =	vst v3;
	v3 =	vmul.f32 v60, v14  }
0x501: {  	[tilespmem:s9+$0x0] =	vst v1;
	v1 =	vmul.f32 v61, v18  }
0x502: {  	[tilespmem:s2+$0x10] =	vst v3;
	v3 =	vmul.f32 v62, v15  }
0x503: {  	v2 =	vmul.f32 v2, v16;
	[tilespmem:s2+$0xFFFFFFE0] =	vst v1  }
0x504: {  	v1 =	vmul.f32 v63, v4;
	[tilespmem:s2+$0xFFFFFFF0] =	vst v3  }
0x505: {  	[tilespmem:s2+$0x0] =	vst v2  }
0x506: {  	[tilespmem:s18+$0x0] =	vst v1  }
0x507: {  	s1 =	simm.s32 $0x14380;
	s9 =	rddreg [dreg:$0xf]  }
0x508: {  	[hbm4b:s9+s10] =	stream.linear.scatter [tilespmem:s1], [sflag:$0x6], $0x80, $0x38;
	[tilespmem:$0x1D780] =	vst v63  }
0x509: {  	s2 =	simm.s32 $0x15000;
	s14 =	rddreg [dreg:$0xd]  }
0x50a: {  	[hbm4b:s14+s10] =	stream.linear.scatter [tilespmem:s2], [sflag:$0x6], $0x80, $0x38;
	[tilespmem:$0x1D780] =	vst v63  }
0x50b: {  	s6 =	simm.s32 $0x15C80;
	s8 =	rddreg [dreg:$0xe]  }
0x50c: {  	[hbm4b:s8+s10] =	stream.linear.scatter [tilespmem:s6], [sflag:$0x6], $0x80, $0x38;
	[tilespmem:$0x1D780] =	vst v63  }
0x50d: {  	_ =	swait.ge [sflag:s7], $0x80  }
0x50e: {  	[sflag:s7] =	ssyncset.done $0x0  }
0x50f: {  	[sflag:s7] =	ssyncadd.s32 $0xFFFFFF80  }
0x510: {  	_ =	swait.ge [sflag:s7], $0x80  }
0x511: {  	s19 =	sld [smem:$0x7F4];
	_ =	sdelay $0x2  }
0x512: {  	p0 =	sne.s32 s19, $0x1  }
.Ltmp12:
0x513: {  	_ = 	snop;
	(pc) =	sbr.rel @!p0 .LBB2_27-.Ltmp12, $4  }
0x514: {  	[sflag:s7] =	ssyncset.done $0x0  }
0x515: {  	s11 =	simm.s32 $0x15D00;
	[sflag:s7] =	ssyncadd.s32 $0xFFFFFF80  }
0x516: {  	s9 =	sadd.s32 $0x40, s9;
	s14 =	sadd.s32 $0x40, s14;
	_ =	swait.ge [sflag:s7], $0x80  }
0x517: {  	s8 =	sadd.s32 $0x40, s8;
	s6 =	sadd.s32 $0xFFFFFFFF, s19;
	[sflag:s7] =	ssyncset.done $0x0  }
.LBB2_26:
0x518: {  	[sflag:s7] =	ssyncadd.s32 $0xFFFFFF80;
	s1 =	sadd.s32 $0x80, s1;
	s2 =	sadd.s32 $0x80, s2  }
0x519: {  	[hbm4b:s9+s10] =	stream.linear.scatter [tilespmem:s1], [sflag:$0x6], $0x80, $0x38;
	[tilespmem:$0x1D780] =	vst v63  }
0x51a: {  	p1 =	sne.s32 s6, $0x1;
	s6 =	sadd.s32 $0xFFFFFFFF, s6  }
0x51b: {  	[hbm4b:s14+s10] =	stream.linear.scatter [tilespmem:s2], [sflag:$0x6], $0x80, $0x38;
	[tilespmem:$0x1D780] =	vst v63  }
0x51c: {  	_ = 	snop  }
0x51d: {  	[hbm4b:s8+s10] =	stream.linear.scatter [tilespmem:s11], [sflag:$0x6], $0x80, $0x38;
	[tilespmem:$0x1D780] =	vst v63  }
0x51e: {  	_ =	swait.ge [sflag:s7], $0x80  }
0x51f: {  	[sflag:s7] =	ssyncset.done $0x0  }
0x520: {  	[sflag:s7] =	ssyncadd.s32 $0xFFFFFF80  }
.Ltmp13:
0x521: {  	_ =	swait.ge [sflag:s7], $0x80;
	(pc) =	sbr.rel @p1 .LBB2_26-.Ltmp13, $4  }
0x522: {  	[sflag:s7] =	ssyncset.done $0x0  }
0x523: {  	[sflag:s7] =	ssyncadd.s32 $0xFFFFFF80  }
0x524: {  	s9 =	sadd.s32 $0x40, s9;
	s8 =	sadd.s32 $0x40, s8;
	_ =	swait.ge [sflag:s7], $0x80  }
0x525: {  	s14 =	sadd.s32 $0x40, s14;
	s11 =	sadd.s32 $0x80, s11;
	[sflag:s7] =	ssyncset.done $0x0  }
.LBB2_27:
0x526: {  	s1 =	sld [smem:$0x7F9];
	_ =	sdelay $0x1  }
0x527: {  	[sflag:s7] =	ssyncadd.s32 $0xFFFFFF80;
	s2 =	simm.s32 $0x14380;
	s18 =	simm.s32 $0x7  }
0x528: {  	[tilespmem:s2], [sflag:$0x7] =	stream.linear.gather [spmem:s1], $0xC80, $0x38;
	[tilespmem:$0x1D780] =	vst v63  }
0x529: {  	_ =	swait.ge [sflag:s18], $0xC80  }
0x52a: {  	s19 =	sld [smem:$0x7FA]  }
0x52b: {  	[sflag:s18] =	ssyncset.done $0x0  }
0x52c: {  	s6 =	simm.s32 $0x15000;
	[sflag:s18] =	ssyncadd.s32 $0xFFFFF380  }
0x52d: {  	[tilespmem:s6], [sflag:$0x7] =	stream.linear.gather [spmem:s19], $0xC80, $0x38;
	[tilespmem:$0x1D780] =	vst v63  }
0x52e: {  	_ =	swait.ge [sflag:s18], $0xC80  }
0x52f: {  	s6 =	sld [smem:$0x7FB]  }
0x530: {  	[sflag:s18] =	ssyncset.done $0x0  }
0x531: {  	s8 =	simm.s32 $0x15C80;
	[sflag:s18] =	ssyncadd.s32 $0xFFFFF380  }
0x532: {  	[tilespmem:s8], [sflag:$0x7] =	stream.linear.gather [spmem:s6], $0xC80, $0x38;
	[tilespmem:$0x1D780] =	vst v63  }
0x533: {  	_ =	swait.ge [sflag:s18], $0xC80  }
0x534: {  	s9 =	sld [smem:$0x7FC]  }
0x535: {  	[sflag:s18] =	ssyncset.done $0x0  }
0x536: {  	s11 =	simm.s32 $0x16900;
	[sflag:s18] =	ssyncadd.s32 $0xFFFFF380  }
0x537: {  	[tilespmem:s11], [sflag:$0x7] =	stream.linear.gather [spmem:s9], $0xC80, $0x38;
	[tilespmem:$0x1D780] =	vst v63  }
0x538: {  	_ =	swait.ge [sflag:s18], $0xC80  }
0x539: {  	[sflag:s18] =	ssyncset.done $0x0  }
0x53a: {  	s14 =	simm.s32 $0x16920;
	[sflag:s18] =	ssyncadd.s32 $0xFFFFF380  }
0x53b: {  	v1 =	vld [tilespmem:s14+$0x10]  }
0x53c: {  	v2 =	vld [tilespmem:s14+$0xFFFFFFF0]  }
0x53d: {  	v3 =	vld [tilespmem:s14+$0x0]  }
0x53e: {  	v4 =	vld [tilespmem:s14+$0xFFFFFFE0];
	_ =	sdelay $0x1  }
0x53f: {  	vm0 =	vlt.f32 v1, $1.000000010e-10  }
0x540: {  	vm1 =	vlt.f32 v2, $1.000000010e-10;
	v1 =	vsel vm0, $0x3F800000, v1  }
0x541: {  	vm14 =	vlt.f32 v3, $1.000000010e-10;
	v2 =	vsel vm1, $0x3F800000, v2;
	(erf) = vrcp.f32 v1  }
0x542: {  	s15 =	simm.s32 $0x16960;
	vm15 =	vlt.f32 v4, $1.000000010e-10;
	v1 =	vsel vm14, $0x3F800000, v3;
	(erf) = vrcp.f32 v2  }
0x543: {  	v5 =	vld [tilespmem:s15+$0x10];
	v2 =	vsel vm15, $0x3F800000, v4;
	(erf) = vrcp.f32 v1  }
0x544: {  	v7 =	vld [tilespmem:s15+$0xFFFFFFF0];
	(erf) = vrcp.f32 v2  }
0x545: {  	v9 =	vld [tilespmem:s15+$0x0]  }
0x546: {  	s9 =	simm.s32 $0x143A0;
	v10 =	vld [tilespmem:s15+$0xFFFFFFE0]  }
0x547: {  	s11 =	simm.s32 $0x14420;
	v2 =	vld [tilespmem:s9+$0x10]  }
0x548: {  	v58 =	vld [tilespmem:s11+$0xFFFFFFE0]  }
0x549: {  	vm4 =	vlt.f32 v5, $1.000000010e-10;
	v3 =	vld [tilespmem:s9+$0xFFFFFFE0]  }
0x54a: {  	s14 =	simm.s32 $0x169A0;
	v59 =	vld [tilespmem:s11+$0xFFFFFFF0];
	vm5 =	vlt.f32 v7, $1.000000010e-10;
	v5 =	vsel vm4, $0x3F800000, v5;
	v6 =	vpop (erf)  }
0x54b: {  	v12 =	vld [tilespmem:s14+$0x10];
	v7 =	vsel vm5, $0x3F800000, v7;
	(erf) = vrcp.f32 v5;
	v8 =	vpop (erf)  }
0x54c: {  	v14 =	vld [tilespmem:s14+$0xFFFFFFF0];
	v2 =	vmul.f32 v6, v2;
	(erf) = vrcp.f32 v7;
	v1 =	vpop (erf)  }
0x54d: {  	v4 =	vld [tilespmem:s9+$0xFFFFFFF0];
	v11 =	vpop (erf)  }
0x54e: {  	s18 =	simm.s32 $0x15020;
	vm6 =	vlt.f32 v9, $1.000000010e-10;
	v5 =	vld [tilespmem:s9+$0x0];
	[tilespmem:s9+$0x10] =	vst v2;
	v3 =	vmul.f32 v11, v3  }
0x54f: {  	s19 =	simm.s32 $0x143E0;
	vm7 =	vlt.f32 v10, $1.000000010e-10;
	v2 =	vsel vm6, $0x3F800000, v9;
	v7 =	vld [tilespmem:s18+$0x10]  }
0x550: {  	(erf) = vrcp.f32 v2;
	v2 =	vld [tilespmem:s19+$0x10];
	[tilespmem:s9+$0xFFFFFFE0] =	vst v3;
	v3 =	vsel vm7, $0x3F800000, v10  }
0x551: {  	v10 =	vld [tilespmem:s19+$0xFFFFFFF0];
	(erf) = vrcp.f32 v3  }
0x552: {  	v4 =	vmul.f32 v8, v4;
	v9 =	vld [tilespmem:s18+$0xFFFFFFE0]  }
0x553: {  	v17 =	vld [tilespmem:s14+$0x0];
	v5 =	vmul.f32 v1, v5  }
0x554: {  	[tilespmem:s9+$0xFFFFFFF0] =	vst v4;
	v4 =	vld [tilespmem:s19+$0xFFFFFFE0];
	v7 =	vmul.f32 v6, v7;
	v13 =	vpop (erf)  }
0x555: {  	vm8 =	vlt.f32 v12, $1.000000010e-10;
	v3 =	vld [tilespmem:s18+$0xFFFFFFF0];
	[tilespmem:s9+$0x0] =	vst v5;
	v15 =	vmul.f32 v13, v2;
	v16 =	vpop (erf)  }
0x556: {  	v12 =	vsel vm8, $0x3F800000, v12;
	[tilespmem:s18+$0x10] =	vst v7;
	v7 =	vld [tilespmem:s14+$0xFFFFFFE0];
	v5 =	vmul.f32 v16, v10  }
0x557: {  	s15 =	simm.s32 $0x15060;
	(erf) = vrcp.f32 v12;
	v10 =	vld [tilespmem:s19+$0x0];
	v9 =	vmul.f32 v11, v9;
	[tilespmem:s19+$0x10] =	vst v15  }
0x558: {  	vm9 =	vlt.f32 v14, $1.000000010e-10;
	v19 =	vld [tilespmem:s15+$0x10];
	[tilespmem:s19+$0xFFFFFFF0] =	vst v5  }
0x559: {  	s8 =	simm.s32 $0x15CA0;
	v14 =	vsel vm9, $0x3F800000, v14;
	v2 =	vpop (erf);
	[tilespmem:s18+$0xFFFFFFE0] =	vst v9;
	v9 =	vld [tilespmem:s15+$0xFFFFFFF0]  }
0x55a: {  	vm10 =	vlt.f32 v17, $1.000000010e-10;
	(erf) = vrcp.f32 v14;
	v18 =	vld [tilespmem:s8+$0x10];
	v3 =	vmul.f32 v8, v3;
	v15 =	vpop (erf)  }
0x55b: {  	v5 =	vsel vm10, $0x3F800000, v17;
	v14 =	vld [tilespmem:s8+$0xFFFFFFE0];
	v4 =	vmul.f32 v15, v4  }
0x55c: {  	(erf) = vrcp.f32 v5;
	[tilespmem:s18+$0xFFFFFFF0] =	vst v3;
	v5 =	vld [tilespmem:s11+$0x10];
	vm11 =	vlt.f32 v7, $1.000000010e-10;
	v10 =	vmul.f32 v2, v10  }
0x55d: {  	v7 =	vsel vm11, $0x3F800000, v7;
	v3 =	vmul.f32 v13, v19;
	[tilespmem:s19+$0xFFFFFFE0] =	vst v4;
	v4 =	vld [tilespmem:s18+$0x0]  }
0x55e: {  	(erf) = vrcp.f32 v7;
	[tilespmem:s19+$0x0] =	vst v10;
	v9 =	vmul.f32 v16, v9;
	v12 =	vld [tilespmem:s15+$0xFFFFFFE0]  }
0x55f: {  	v60 =	vld [tilespmem:s11+$0x0];
	[tilespmem:s15+$0x10] =	vst v3;
	v3 =	vmul.f32 v18, v6  }
0x560: {  	s9 =	simm.s32 $0x15CE0;
	v7 =	vld [tilespmem:s8+$0xFFFFFFF0];
	v6 =	vpop (erf);
	v11 =	vmul.f32 v14, v11;
	[tilespmem:s15+$0xFFFFFFF0] =	vst v9  }
0x561: {  	s14 =	simm.s32 $0x169E0;
	v57 =	vld [tilespmem:s9+$0x10];
	v21 =	vmul.f32 v6, v5;
	[tilespmem:s8+$0x10] =	vst v3  }
0x562: {  	v20 =	vld [tilespmem:s14+$0x10];
	[tilespmem:s8+$0xFFFFFFE0] =	vst v11;
	v4 =	vmul.f32 v1, v4  }
0x563: {  	v22 =	vld [tilespmem:s14+$0x0];
	[tilespmem:s11+$0x10] =	vst v21;
	v3 =	vpop (erf);
	v10 =	vmul.f32 v15, v12  }
0x564: {  	v12 =	vld [tilespmem:s14+$0xFFFFFFF0];
	v9 =	vmul.f32 v3, v59;
	[tilespmem:s18+$0x0] =	vst v4  }
0x565: {  	v14 =	vld [tilespmem:s15+$0x0];
	v7 =	vmul.f32 v7, v8;
	[tilespmem:s15+$0xFFFFFFE0] =	vst v10  }
0x566: {  	v10 =	vld [tilespmem:s14+$0xFFFFFFE0];
	[tilespmem:s11+$0xFFFFFFF0] =	vst v9;
	v9 =	vmul.f32 v57, v13;
	v4 =	vpop (erf)  }
0x567: {  	s19 =	simm.s32 $0x150A0;
	[tilespmem:s8+$0xFFFFFFF0] =	vst v7;
	v5 =	vpop (erf);
	v13 =	vmul.f32 v4, v60  }
0x568: {  	vm12 =	vlt.f32 v20, $1.000000010e-10;
	v61 =	vld [tilespmem:s19+$0x10];
	[tilespmem:s9+$0x10] =	vst v9;
	v18 =	vmul.f32 v5, v58  }
0x569: {  	vm14 =	vlt.f32 v22, $1.000000010e-10;
	v7 =	vsel vm12, $0x3F800000, v20;
	vm13 =	vlt.f32 v12, $1.000000010e-10;
	[tilespmem:s11+$0x0] =	vst v13  }
0x56a: {  	(erf) = vrcp.f32 v7;
	v11 =	vld [tilespmem:s19+$0xFFFFFFF0];
	v9 =	vsel vm13, $0x3F800000, v12;
	v13 =	vmul.f32 v2, v14;
	[tilespmem:s11+$0xFFFFFFE0] =	vst v18  }
0x56b: {  	v14 =	vsel vm14, $0x3F800000, v22;
	(erf) = vrcp.f32 v9;
	vm15 =	vlt.f32 v10, $1.000000010e-10;
	v8 =	vld [tilespmem:s19+$0xFFFFFFE0]  }
0x56c: {  	v62 =	vld [tilespmem:s9+$0xFFFFFFE0];
	(erf) = vrcp.f32 v14;
	v10 =	vsel vm15, $0x3F800000, v10  }
0x56d: {  	v63 =	vld [tilespmem:s9+$0xFFFFFFF0];
	v12 =	vmul.f32 v6, v61;
	(erf) = vrcp.f32 v10  }
0x56e: {  	s14 =	simm.s32 $0x14460;
	v7 =	vld [tilespmem:s8+$0x0]  }
0x56f: {  	s18 =	simm.s32 $0x15D20;
	v9 =	vld [tilespmem:s14+$0x10];
	[tilespmem:s19+$0x10] =	vst v12;
	v14 =	vmul.f32 v3, v11  }
0x570: {  	[tilespmem:s15+$0x0] =	vst v13;
	v12 =	vmul.f32 v5, v8;
	v8 =	vld [tilespmem:s18+$0x10]  }
0x571: {  	v13 =	vmul.f32 v62, v15;
	v11 =	vld [tilespmem:s14+$0xFFFFFFF0];
	[tilespmem:s19+$0xFFFFFFF0] =	vst v14  }
0x572: {  	s1 =	simm.s32 $0xC;
	s6 =	simm.s32 $0x16A20;
	s15 =	simm.s32 $0x150A0;
	v10 =	vld [tilespmem:s14+$0xFFFFFFE0];
	[tilespmem:s19+$0xFFFFFFE0] =	vst v12;
	v12 =	vmul.f32 v63, v16  }
.LBB2_28:
0x573: {  	v14 =	vld [tilespmem:s6+$0x10];
	v15 =	vpop (erf);
	[tilespmem:s9+$0xFFFFFFE0] =	vst v13;
	v7 =	vmul.f32 v7, v1;
	v1 =	vmov v2;
	v2 =	vmov v4  }
0x574: {  	s1 =	sadd.s32 $0x4, s1;
	v13 =	vld [tilespmem:s6+$0xFFFFFFF0];
	v9 =	vmul.f32 v15, v9;
	v16 =	vpop (erf);
	[tilespmem:s9+$0xFFFFFFF0] =	vst v12  }
0x575: {  	p1 =	slt.u32 s1, $0xC4;
	v12 =	vld [tilespmem:s6+$0x0];
	v4 =	vpop (erf);
	v8 =	vmul.f32 v8, v6;
	[tilespmem:s8+$0x0] =	vst v7;
	v6 =	vmov v15;
	s8 =	smov.u32 s9;
	s9 =	smov.u32 s18  }
0x576: {  	v7 =	vld [tilespmem:s6+$0xFFFFFFE0];
	[tilespmem:s14+$0x10] =	vst v9;
	v15 =	vpop (erf)  }
0x577: {  	s19 =	sadd.s32 $0x40, s19;
	v9 =	vmul.f32 v15, v10;
	v10 =	vmul.f32 v16, v11;
	v11 =	vld [tilespmem:s14+$0x0];
	[tilespmem:s18+$0x10] =	vst v8  }
0x578: {  	vm0 =	vlt.f32 v14, $1.000000010e-10;
	v8 =	vld [tilespmem:s19+$0x10]  }
0x579: {  	vm1 =	vlt.f32 v13, $1.000000010e-10;
	v14 =	vsel vm0, $0x3F800000, v14;
	[tilespmem:s14+$0xFFFFFFE0] =	vst v9;
	v9 =	vld [tilespmem:s15+$0x0]  }
0x57a: {  	v13 =	vsel vm1, $0x3F800000, v13;
	vm0 =	vlt.f32 v12, $1.000000010e-10;
	(erf) = vrcp.f32 v14;
	v14 =	vld [tilespmem:s19+$0xFFFFFFE0];
	[tilespmem:s14+$0xFFFFFFF0] =	vst v10  }
0x57b: {  	vm1 =	vlt.f32 v7, $1.000000010e-10;
	v10 =	vsel vm0, $0x3F800000, v12;
	(erf) = vrcp.f32 v13;
	v12 =	vld [tilespmem:s19+$0xFFFFFFF0]  }
0x57c: {  	v7 =	vsel vm1, $0x3F800000, v7;
	(erf) = vrcp.f32 v10;
	v10 =	vmul.f32 v4, v11;
	v11 =	vld [tilespmem:s18+$0xFFFFFFE0]  }
0x57d: {  	(erf) = vrcp.f32 v7;
	v8 =	vmul.f32 v6, v8;
	v17 =	vld [tilespmem:s18+$0xFFFFFFF0]  }
.Ltmp14:
0x57e: {  	[tilespmem:s14+$0x0] =	vst v10;
	s14 =	sadd.s32 $0x40, s14;
	v10 =	vmul.f32 v2, v9;
	v7 =	vld [tilespmem:s8+$0x0];
	(pc) =	sbr.rel @p1 .LBB2_28-.Ltmp14, $4  }
0x57f: {  	s18 =	sadd.s32 $0x40, s18;
	v9 =	vld [tilespmem:s14+$0x10];
	v13 =	vmul.f32 v15, v14;
	[tilespmem:s19+$0x10] =	vst v8  }
0x580: {  	v12 =	vmul.f32 v16, v12;
	v8 =	vld [tilespmem:s18+$0x10];
	[tilespmem:s15+$0x0] =	vst v10;
	s15 =	smov.u32 s19  }
0x581: {  	v10 =	vld [tilespmem:s14+$0xFFFFFFE0];
	[tilespmem:s19+$0xFFFFFFE0] =	vst v13;
	v13 =	vmul.f32 v11, v5;
	v5 =	vmov v15  }
0x582: {  	s6 =	sadd.s32 $0x40, s6;
	v11 =	vld [tilespmem:s14+$0xFFFFFFF0];
	[tilespmem:s19+$0xFFFFFFF0] =	vst v12;
	v12 =	vmul.f32 v17, v3;
	v3 =	vmov v16  }
0x583: {  	v14 =	vpop (erf)  }
0x584: {  	v17 =	vld [tilespmem:s14+$0x0];
	v15 =	vpop (erf)  }
0x585: {  	v16 =	vpop (erf)  }
0x586: {  	v9 =	vmul.f32 v14, v9;
	v18 =	vpop (erf)  }
0x587: {  	v10 =	vmul.f32 v18, v10  }
0x588: {  	s1 =	sadd.s32 $0x40, s19;
	v55 =	vld [tilespmem:s15+$0x0];
	[tilespmem:s14+$0x10] =	vst v9;
	v50 =	vmul.f32 v15, v11  }
0x589: {  	v51 =	vld [tilespmem:s1+$0x10];
	v53 =	vmul.f32 v16, v17;
	[tilespmem:s14+$0xFFFFFFE0] =	vst v10  }
0x58a: {  	[tilespmem:s14+$0xFFFFFFF0] =	vst v50;
	v52 =	vld [tilespmem:s1+$0xFFFFFFE0]  }
0x58b: {  	v1 =	vmul.f32 v7, v1;
	v54 =	vld [tilespmem:s1+$0xFFFFFFF0];
	[tilespmem:s14+$0x0] =	vst v53  }
0x58c: {  	[tilespmem:s9+$0xFFFFFFE0] =	vst v13;
	v56 =	vld [tilespmem:s1+$0x0]  }
0x58d: {  	[tilespmem:s8+$0x0] =	vst v1;
	v1 =	vld [tilespmem:s18+$0xFFFFFFE0];
	v7 =	vmul.f32 v4, v55  }
0x58e: {  	v57 =	vld [tilespmem:s18+$0xFFFFFFF0];
	[tilespmem:s9+$0xFFFFFFF0] =	vst v12;
	v10 =	vmul.f32 v14, v51  }
0x58f: {  	v58 =	vld [tilespmem:s9+$0x0];
	[tilespmem:s15+$0x0] =	vst v7;
	v9 =	vmul.f32 v18, v52  }
0x590: {  	s2 =	sadd.s32 $0x40, s18;
	[tilespmem:s1+$0x10] =	vst v10;
	v59 =	vmul.f32 v15, v54  }
0x591: {  	v6 =	vmul.f32 v8, v6;
	v60 =	vld [tilespmem:s2+$0x10];
	v8 =	vmul.f32 v16, v56;
	[tilespmem:s1+$0xFFFFFFE0] =	vst v9  }
0x592: {  	v1 =	vmul.f32 v1, v5;
	[tilespmem:s1+$0xFFFFFFF0] =	vst v59;
	v61 =	vld [tilespmem:s2+$0xFFFFFFE0]  }
0x593: {  	v62 =	vld [tilespmem:s2+$0xFFFFFFF0];
	[tilespmem:s1+$0x0] =	vst v8  }
0x594: {  	v3 =	vmul.f32 v57, v3;
	[tilespmem:s18+$0xFFFFFFE0] =	vst v1;
	v1 =	vmul.f32 v58, v2;
	v2 =	vld [tilespmem:s2+$0x0]  }
0x595: {  	[tilespmem:s18+$0x10] =	vst v6;
	v63 =	vld [tilespmem:s18+$0x0]  }
0x596: {  	[tilespmem:s18+$0xFFFFFFF0] =	vst v3;
	v3 =	vmul.f32 v60, v14  }
0x597: {  	[tilespmem:s9+$0x0] =	vst v1;
	v1 =	vmul.f32 v61, v18  }
0x598: {  	[tilespmem:s2+$0x10] =	vst v3;
	v3 =	vmul.f32 v62, v15  }
0x599: {  	v2 =	vmul.f32 v2, v16;
	[tilespmem:s2+$0xFFFFFFE0] =	vst v1  }
0x59a: {  	v1 =	vmul.f32 v63, v4;
	[tilespmem:s2+$0xFFFFFFF0] =	vst v3  }
0x59b: {  	[tilespmem:s2+$0x0] =	vst v2  }
0x59c: {  	[tilespmem:s18+$0x0] =	vst v1  }
0x59d: {  	s1 =	simm.s32 $0x14380;
	s9 =	rddreg [dreg:$0x12]  }
0x59e: {  	[hbm4b:s9+s10] =	stream.linear.scatter [tilespmem:s1], [sflag:$0x6], $0x80, $0x38;
	[tilespmem:$0x1D780] =	vst v63  }
0x59f: {  	s2 =	simm.s32 $0x15000;
	s14 =	rddreg [dreg:$0x10]  }
0x5a0: {  	[hbm4b:s14+s10] =	stream.linear.scatter [tilespmem:s2], [sflag:$0x6], $0x80, $0x38;
	[tilespmem:$0x1D780] =	vst v63  }
0x5a1: {  	s6 =	simm.s32 $0x15C80;
	s8 =	rddreg [dreg:$0x11]  }
0x5a2: {  	[hbm4b:s8+s10] =	stream.linear.scatter [tilespmem:s6], [sflag:$0x6], $0x80, $0x38;
	[tilespmem:$0x1D780] =	vst v63  }
0x5a3: {  	_ =	swait.ge [sflag:s7], $0x80  }
0x5a4: {  	[sflag:s7] =	ssyncset.done $0x0  }
0x5a5: {  	[sflag:s7] =	ssyncadd.s32 $0xFFFFFF80  }
.Ltmp15:
0x5a6: {  	_ =	swait.ge [sflag:s7], $0x80;
	(pc) =	sbr.rel @!p0 .LBB2_31-.Ltmp15, $4  }
0x5a7: {  	[sflag:s7] =	ssyncset.done $0x0;
	s19 =	sld [smem:$0x7F4]  }
0x5a8: {  	s11 =	simm.s32 $0x15D00;
	[sflag:s7] =	ssyncadd.s32 $0xFFFFFF80  }
0x5a9: {  	s9 =	sadd.s32 $0x40, s9;
	s14 =	sadd.s32 $0x40, s14;
	_ =	swait.ge [sflag:s7], $0x80  }
0x5aa: {  	s8 =	sadd.s32 $0x40, s8;
	s6 =	sadd.s32 $0xFFFFFFFF, s19;
	[sflag:s7] =	ssyncset.done $0x0  }
.LBB2_30:
0x5ab: {  	[sflag:s7] =	ssyncadd.s32 $0xFFFFFF80;
	s1 =	sadd.s32 $0x80, s1;
	s2 =	sadd.s32 $0x80, s2  }
0x5ac: {  	[hbm4b:s9+s10] =	stream.linear.scatter [tilespmem:s1], [sflag:$0x6], $0x80, $0x38;
	[tilespmem:$0x1D780] =	vst v63  }
0x5ad: {  	p0 =	sne.s32 s6, $0x1;
	s6 =	sadd.s32 $0xFFFFFFFF, s6  }
0x5ae: {  	[hbm4b:s14+s10] =	stream.linear.scatter [tilespmem:s2], [sflag:$0x6], $0x80, $0x38;
	[tilespmem:$0x1D780] =	vst v63  }
0x5af: {  	_ = 	snop  }
0x5b0: {  	[hbm4b:s8+s10] =	stream.linear.scatter [tilespmem:s11], [sflag:$0x6], $0x80, $0x38;
	[tilespmem:$0x1D780] =	vst v63  }
0x5b1: {  	_ =	swait.ge [sflag:s7], $0x80  }
0x5b2: {  	[sflag:s7] =	ssyncset.done $0x0  }
0x5b3: {  	[sflag:s7] =	ssyncadd.s32 $0xFFFFFF80  }
.Ltmp16:
0x5b4: {  	_ =	swait.ge [sflag:s7], $0x80;
	(pc) =	sbr.rel @p0 .LBB2_30-.Ltmp16, $4  }
0x5b5: {  	[sflag:s7] =	ssyncset.done $0x0  }
0x5b6: {  	[sflag:s7] =	ssyncadd.s32 $0xFFFFFF80  }
0x5b7: {  	s9 =	sadd.s32 $0x40, s9;
	s8 =	sadd.s32 $0x40, s8;
	_ =	swait.ge [sflag:s7], $0x80  }
0x5b8: {  	s14 =	sadd.s32 $0x40, s14;
	s11 =	sadd.s32 $0x80, s11;
	[sflag:s7] =	ssyncset.done $0x0  }
.LBB2_31:
0x5b9: {  	s2 =	sld [smem:$0x7D5]  }
0x5ba: {  	s1 =	sld [smem:$0x7FD];
	_ =	sdelay $0x1  }
0x5bb: {  	s2 =	sadd.s32 $0x1, s2  }
0x5bc: {  	p0 =	sne.s32 s2, s1  }
.Ltmp17:
0x5bd: {  	_ = 	snop;
	(pc) =	sbr.rel @p0 .LBB2_1-.Ltmp17, $2  }
0x5be: {  	_ =	sdelay $0x2  }
0x5bf: {  	[sflag:s7] =	ssyncadd.s32 $0xFFFFFF80  }
0x5c0: {  	_ =	sfence.sel $0x180000  }
0x5c1: {  	[bflag:$0x0] =	sbarrier.arrive $0xFFFF  }
0x5c2: {  	_ =	strace $0x90000047  }
0x5c3: {  	s0 =	stileid.u32;
	[bflag:$0x2] =	sbarrier.arrive $0xFFFF  }
0x5c4: {  	p0 =	sne.s32 s0, $0x0;
	s0 =	rddreg [dreg:$0xc]  }
0x5c5: {  	s0 =	sadd.s32 @!p0 $0x100000, s0  }
0x5c6: {  	[sflag:s0] =	ssyncadd.tile.s32 @!p0 $0x1;
	_ =	shalt  }
.Lfunc_end2:
_tile_overlayer_lowered:
.L_overlay_start_2:
0x5c7: {  	(tag) =	ssettag $0x2  }
0x5c8: {  	s0 =	rddreg [dreg:$0x0];
	s2 =	stileid.u32  }
0x5c9: {  	s1 =	rddreg [dreg:$0x1];
	p0 =	sne.s32 s2, $0x0  }
0x5ca: {  	s3 =	rddreg [dreg:$0x2];
	[bflag:$0x3] =	sbarrier.arrive $0xFFFF;
	s2 =	simm.s32 @!p0 $0x1C07  }
0x5cb: {  	[timem:s3], [sflag:s2] =	dma.local @!p0 [hbm:s0], s1  }
0x5cc: {  	s0 =	simm.s32 @!p0 $0x7  }
0x5cd: {  	_ =	swait.ge @!p0 [sflag:s0], s1  }
0x5ce: {  	s1 =	ssub.s32 @!p0 $0x0, s1;
	[sflag:s0] =	ssyncset.done @!p0 $0x0  }
0x5cf: {  	[sflag:s0] =	ssyncadd.s32 @!p0 s1  }
0x5d0: {  	[bflag:$0x3] =	sbarrier.arrive $0xFFFF  }
0x5d1: {  	_ =	shalt  }

</sc_bundles>
